<compile_context>
chip_gen: v7x
topology: tpu7x:2x2x1
jax: 0.10.2.dev20260603
libtpu: 0.0.44.dev20260713+nightly
codegen_flags: <defaults>
</compile_context>

<pallas_src>
import functools

import jax
import jax.numpy as jnp
from jax import lax
from jax.experimental import pallas as pl
from jax.experimental.pallas import tpu as pltpu
from jax.experimental.pallas import tpu_sc as plsc


@functools.lru_cache(maxsize=None)
def _make_emb_lookup(S, BATCH, D, BB):
    info = plsc.get_sparse_core_info()
    nc, ns = info.num_cores, info.num_subcores
    nw = nc * ns
    nb_blocks = BATCH // BB
    n_tasks = S * nb_blocks
    tasks_pw = n_tasks // nw
    assert tasks_pw * nw == n_tasks and tasks_pw >= 3 and tasks_pw % 2 == 0
    nbt = BB // 128
    rpf = nbt * 8 + 1
    n_rows = (D // 8) * rpf
    FI_STR = 129
    mesh = plsc.VectorSubcoreMesh(core_axis_name="c", subcore_axis_name="s")

    @functools.partial(
        pl.kernel,
        mesh=mesh,
        compiler_params=pltpu.CompilerParams(
            use_tc_tiling_on_sc=False, needs_layout_passes=False
        ),
        out_type=jax.ShapeDtypeStruct(
            (S, (D // 8) * (BATCH // 128) * 8, 128), jnp.float32
        ),
        scratch_types=[
            pltpu.VMEM((2, BB), jnp.int32),
            pltpu.VMEM((2, BB, D), jnp.float32),
            pltpu.VMEM((2, n_rows, FI_STR), jnp.float32),
            pltpu.SemaphoreType.DMA,
            pltpu.SemaphoreType.DMA,
            pltpu.SemaphoreType.DMA,
            pltpu.SemaphoreType.DMA,
        ],
    )
    def emb(xt_hbm, tab_hbm, out_hbm, i2_v, g_v, o_v, sg0, sg1, so0, so1):
        wid = lax.axis_index("s") * nc + lax.axis_index("c")
        t0 = wid * tasks_pw
        sg = (sg0, sg1)
        so = (so0, so1)
        lane = lax.iota(jnp.int32, 16)
        rb_base = (lane >> 3) * rpf + (lane & 7)

        def task_pos(k):
            s = (t0 + k) // nb_blocks
            bb = (t0 + k) % nb_blocks
            return s, bb

        def prep(k, p):
            s, bb = task_pos(k)
            pltpu.sync_copy(xt_hbm.at[s, pl.ds(bb * BB, BB)], i2_v.at[p])

        def gather(p):
            return pltpu.make_async_copy(tab_hbm.at[i2_v.at[p]], g_v.at[p], sg[p])

        def transpose(p):
            o2 = o_v.at[p]

            def jbody(j4, _):
                for jj in range(4):
                    j = j4 * 4 + jj
                    col = jnp.broadcast_to(j & 127, (16,))
                    roff = (j >> 7) * 8
                    for fb in range(D // 16):
                        vals = g_v[p, j, pl.ds(fb * 16, 16)]
                        rows = rb_base + (roff + fb * 2 * rpf)
                        plsc.store_scatter(o2, [rows, col], vals)
                return 0

            lax.fori_loop(0, BB // 4, jbody, 0)

        def out_copies(k, p):
            s, bb = task_pos(k)
            return [
                pltpu.make_async_copy(
                    o_v.at[p, pl.ds(ft * rpf, nbt * 8), pl.ds(0, 128)],
                    out_hbm.at[
                        s,
                        pl.ds(ft * (BATCH // 128) * 8 + bb * nbt * 8, nbt * 8),
                        :,
                    ],
                    so[p],
                )
                for ft in range(D // 8)
            ]

        prep(0, 0)
        gather(0).start()

        def step(k, p, q):
            gather(p).wait()

            @pl.when(k + 1 < tasks_pw)
            def _():
                prep(k + 1, q)
                gather(q).start()

            @pl.when(k >= 2)
            def _():
                for c in out_copies(k - 2, p):
                    c.wait()

            transpose(p)
            for c in out_copies(k, p):
                c.start()

        def body(k2, carry):
            step(2 * k2, 0, 1)
            step(2 * k2 + 1, 1, 0)
            return carry

        lax.fori_loop(0, tasks_pw // 2, body, 0)

        for c in out_copies(tasks_pw - 2, (tasks_pw - 2) % 2):
            c.wait()
        for c in out_copies(tasks_pw - 1, (tasks_pw - 1) % 2):
            c.wait()

    return emb


def kernel(x, table):
    bsz, seq = x.shape
    V, D = table.shape
    xt = x.T
    out3 = _make_emb_lookup(seq, bsz, D, 256)(xt, table)
    out5 = out3.reshape(seq, D // 8, bsz // 128, 8, 128)
    return out5.transpose(2, 4, 0, 1, 3).reshape(bsz, seq, D)

# --- scband reference (transcript-rebuilt; emitter-appended) ---
"""Pipeline reference for scband-embeddings-1726576856744 (READ-ONLY COPY).

The authoritative reference and input builder live on the scoring server;
editing this copy changes nothing except your own understanding.
"""

import jax, jax.numpy as jnp
import numpy as np

VOCAB = 1000000
EMBED_DIM = 64
PADDING_IDX = 1

def setup_inputs(seed: int = 0) -> dict:
    key = jax.random.key(seed)
    k_idx, k_tab = jax.random.split(key)
    x = jax.random.randint(k_idx, (4096, 200), 0, VOCAB, dtype=jnp.int64 if jax.config.jax_enable_x64 else jnp.int32).astype(jnp.int32)
    table = jax.random.normal(k_tab, (VOCAB, EMBED_DIM), dtype=jnp.float32)
    # nn.Embedding with padding_idx zeroes that row at init
    table = table.at[PADDING_IDX].set(0.0)
    return {"x": x, "table": table}

def reference(x, table):
    # Embeddings.forward with norm_type=None, activation_type=None, scale=False:
    # pure embedding lookup
    return jnp.take(table, x, axis=0)

if __name__ == "__main__":
    import jax
    _d = setup_inputs()
    print(jax.jit(kernel)(*tuple(_d.values())))

</pallas_src>

<mosaic_0001>
#map = affine_map<(d0, d1) -> (0, 0)>
#map1 = affine_map<(d0, d1) -> (0, 0, 0)>
module attributes {stable_mosaic.version = 14 : i64} {
  func.func @emb(%arg0: i32, %arg1: i32, %arg2: memref<200x4096xi32, #tpu.memory_space<hbm>>, %arg3: memref<1000000x64xf32, #tpu.memory_space<hbm>>, %arg4: memref<200x2048x128xf32, #tpu.memory_space<hbm>>, %arg5: memref<2x256xi32, #tpu.memory_space<vmem>>, %arg6: memref<2x256x64xf32, #tpu.memory_space<vmem>>, %arg7: memref<2x136x129xf32, #tpu.memory_space<vmem>>, %arg8: memref<!tpu.dma_semaphore, #tpu.memory_space<semaphore_mem>>, %arg9: memref<!tpu.dma_semaphore, #tpu.memory_space<semaphore_mem>>, %arg10: memref<!tpu.dma_semaphore, #tpu.memory_space<semaphore_mem>>, %arg11: memref<!tpu.dma_semaphore, #tpu.memory_space<semaphore_mem>>) attributes {dimension_semantics = [#tpu.dimension_semantics<core_parallel>, #tpu.dimension_semantics<subcore_parallel>], iteration_bounds = array<i64: 2, 16>, scalar_prefetch = 0 : i64, scratch_operands = 7 : i64, tpu.core_type = #tpu.core_type<sc_vector_subcore>, window_params = [{transform_indices = #map}, {transform_indices = #map}, {transform_indices = #map1}]} {
    %mul3A = arith.constant 2 : i32
    %mul3A_0 = arith.muli %arg1, %mul3A : i32
    %add3A = arith.addi %mul3A_0, %arg0 : i32
    %mul3A_1 = arith.constant 100 : i32
    %mul3A_2 = arith.muli %add3A, %mul3A_1 : i32
    %iota3A = tpu.iota {dimensions = array<i32: 0>} : vector<16xi32>
    %shift_right_arithmetic3A = arith.constant 3 : i32
    %shift_right_arithmetic3A_3 = vector.broadcast %shift_right_arithmetic3A : i32 to vector<16xi32>
    %shift_right_arithmetic3A_4 = arith.shrsi %iota3A, %shift_right_arithmetic3A_3 : vector<16xi32>
    %mul3A_5 = arith.constant 17 : i32
    %mul3A_6 = vector.broadcast %mul3A_5 : i32 to vector<16xi32>
    %mul3A_7 = arith.muli %shift_right_arithmetic3A_4, %mul3A_6 : vector<16xi32>
    %and3A = arith.constant 7 : i32
    %and3A_8 = vector.broadcast %and3A : i32 to vector<16xi32>
    %and3A_9 = arith.andi %iota3A, %and3A_8 : vector<16xi32>
    %add3A_10 = arith.addi %mul3A_7, %and3A_9 : vector<16xi32>
    %add3A_11 = arith.constant 0 : i32
    %add3A_12 = arith.addi %mul3A_2, %add3A_11 : i32
    %jit3A = arith.constant 16 : i32
    %div3A = arith.divsi %add3A_12, %jit3A : i32
    %sign3A = arith.constant 0 : i32
    %sign3A_13 = arith.cmpi sgt, %add3A_12, %sign3A : i32
    %sign3A_14 = arith.extui %sign3A_13 : i1 to i32
    %sign3A_15 = arith.constant 0 : i32
    %sign3A_16 = arith.cmpi slt, %add3A_12, %sign3A_15 : i32
    %sign3A_17 = arith.extui %sign3A_16 : i1 to i32
    %sign3A_18 = arith.subi %sign3A_14, %sign3A_17 : i32
    %sign3A_19 = arith.constant 0 : i32
    %sign3A_20 = arith.cmpi sgt, %jit3A, %sign3A_19 : i32
    %sign3A_21 = arith.extui %sign3A_20 : i1 to i32
    %sign3A_22 = arith.constant 0 : i32
    %sign3A_23 = arith.cmpi slt, %jit3A, %sign3A_22 : i32
    %sign3A_24 = arith.extui %sign3A_23 : i1 to i32
    %sign3A_25 = arith.subi %sign3A_21, %sign3A_24 : i32
    %ne3A = arith.cmpi ne, %sign3A_18, %sign3A_25 : i32
    %rem3A = arith.remsi %add3A_12, %jit3A : i32
    %ne3A_26 = arith.constant 0 : i32
    %ne3A_27 = arith.cmpi ne, %rem3A, %ne3A_26 : i32
    %and3A_28 = arith.andi %ne3A, %ne3A_27 : i1
    %sub3A = arith.constant 1 : i32
    %sub3A_29 = arith.subi %div3A, %sub3A : i32
    %select_n3A = arith.select %and3A_28, %sub3A_29, %div3A : i32
    %add3A_30 = arith.constant 0 : i32
    %add3A_31 = arith.addi %mul3A_2, %add3A_30 : i32
    %jit3A_32 = arith.constant 16 : i32
    %eq3A = arith.constant 0 : i32
    %eq3A_33 = arith.cmpi eq, %jit3A_32, %eq3A : i32
    %jit3A_34 = arith.constant 1 : i32
    %select_n3A_35 = arith.select %eq3A_33, %jit3A_34, %jit3A_32 : i32
    %rem3A_36 = arith.remsi %add3A_31, %select_n3A_35 : i32
    %ne3A_37 = arith.constant 0 : i32
    %ne3A_38 = arith.cmpi ne, %rem3A_36, %ne3A_37 : i32
    %lt3A = arith.constant 0 : i32
    %lt3A_39 = arith.cmpi slt, %rem3A_36, %lt3A : i32
    %lt3A_40 = arith.constant 0 : i32
    %lt3A_41 = arith.cmpi slt, %select_n3A_35, %lt3A_40 : i32
    %ne3A_42 = arith.xori %lt3A_39, %lt3A_41 : i1
    %and3A_43 = arith.andi %ne3A_42, %ne3A_38 : i1
    %add3A_44 = arith.addi %rem3A_36, %select_n3A_35 : i32
    %select_n3A_45 = arith.select %and3A_43, %add3A_44, %rem3A_36 : i32
    %mul3A_46 = arith.constant 256 : i32
    %mul3A_47 = arith.muli %select_n3A_45, %mul3A_46 : i32
    %run_scoped3A = arith.constant 0 : i32
    "tpu.region"() ({
      %run_scoped3A_487 = tpu.sem_alloc : memref<!tpu.dma_semaphore, #tpu.memory_space<semaphore_mem>>
      %dma_start3A_488 = arith.constant 0 : i32
      %dma_start3A_489 = tpu.memref_slice %arg5[%run_scoped3A, %dma_start3A_488] : memref<2x256xi32, #tpu.memory_space<vmem>> -> memref<1x256xi32, #tpu.memory_space<vmem>>
      %dma_start3A_490 = tpu.memref_squeeze %dma_start3A_489 : memref<1x256xi32, #tpu.memory_space<vmem>> -> memref<256xi32, #tpu.memory_space<vmem>>
      %dma_start3A_491 = tpu.memref_slice %arg2[%select_n3A, %mul3A_47] : memref<200x4096xi32, #tpu.memory_space<hbm>> -> memref<1x256xi32, #tpu.memory_space<hbm>>
      %dma_start3A_492 = tpu.memref_squeeze %dma_start3A_491 : memref<1x256xi32, #tpu.memory_space<hbm>> -> memref<256xi32, #tpu.memory_space<hbm>>
      %dma_start3A_493 = arith.constant 0 : i32
      %dma_start3A_494 = tpu.memref_slice %arg5[%run_scoped3A, %dma_start3A_493] : memref<2x256xi32, #tpu.memory_space<vmem>> -> memref<1x256xi32, #tpu.memory_space<vmem>>
      %dma_start3A_495 = tpu.memref_squeeze %dma_start3A_494 : memref<1x256xi32, #tpu.memory_space<vmem>> -> memref<256xi32, #tpu.memory_space<vmem>>
      %dma_start3A_496 = tpu.memref_slice %arg2[%select_n3A, %mul3A_47] : memref<200x4096xi32, #tpu.memory_space<hbm>> -> memref<1x256xi32, #tpu.memory_space<hbm>>
      %dma_start3A_497 = tpu.memref_squeeze %dma_start3A_496 : memref<1x256xi32, #tpu.memory_space<hbm>> -> memref<256xi32, #tpu.memory_space<hbm>>
      tpu.enqueue_dma source(%dma_start3A_497 : memref<256xi32, #tpu.memory_space<hbm>>) target(%dma_start3A_495 : memref<256xi32, #tpu.memory_space<vmem>>) target_semaphore(%run_scoped3A_487 : memref<!tpu.dma_semaphore, #tpu.memory_space<semaphore_mem>>)
      %dma_wait3A_498 = arith.constant 0 : i32
      %dma_wait3A_499 = tpu.memref_slice %arg5[%run_scoped3A, %dma_wait3A_498] : memref<2x256xi32, #tpu.memory_space<vmem>> -> memref<1x256xi32, #tpu.memory_space<vmem>>
      %dma_wait3A_500 = tpu.memref_squeeze %dma_wait3A_499 : memref<1x256xi32, #tpu.memory_space<vmem>> -> memref<256xi32, #tpu.memory_space<vmem>>
      %dma_wait3A_501 = tpu.memref_slice %arg2[%select_n3A, %mul3A_47] : memref<200x4096xi32, #tpu.memory_space<hbm>> -> memref<1x256xi32, #tpu.memory_space<hbm>>
      %dma_wait3A_502 = tpu.memref_squeeze %dma_wait3A_501 : memref<1x256xi32, #tpu.memory_space<hbm>> -> memref<256xi32, #tpu.memory_space<hbm>>
      %dma_wait3A_503 = arith.constant 0 : i32
      %dma_wait3A_504 = tpu.memref_slice %arg5[%run_scoped3A, %dma_wait3A_503] : memref<2x256xi32, #tpu.memory_space<vmem>> -> memref<1x256xi32, #tpu.memory_space<vmem>>
      %dma_wait3A_505 = tpu.memref_squeeze %dma_wait3A_504 : memref<1x256xi32, #tpu.memory_space<vmem>> -> memref<256xi32, #tpu.memory_space<vmem>>
      %dma_wait3A_506 = tpu.memref_slice %arg2[%select_n3A, %mul3A_47] : memref<200x4096xi32, #tpu.memory_space<hbm>> -> memref<1x256xi32, #tpu.memory_space<hbm>>
      %dma_wait3A_507 = tpu.memref_squeeze %dma_wait3A_506 : memref<1x256xi32, #tpu.memory_space<hbm>> -> memref<256xi32, #tpu.memory_space<hbm>>
      tpu.wait_dma2 semaphore(%run_scoped3A_487 : memref<!tpu.dma_semaphore, #tpu.memory_space<semaphore_mem>>) src(%dma_wait3A_507 : memref<256xi32, #tpu.memory_space<hbm>>) dst(%dma_wait3A_505 : memref<256xi32, #tpu.memory_space<vmem>>)
      tpu.yield
    }) : () -> ()
    %dma_start3A = arith.constant 0 : i32
    %dma_start3A_48 = arith.constant 0 : i32
    %dma_start3A_49 = arith.constant 0 : i32
    %dma_start3A_50 = arith.constant 0 : i32
    %dma_start3A_51 = tpu.memref_slice %arg6[%dma_start3A_48, %dma_start3A_49, %dma_start3A_50] : memref<2x256x64xf32, #tpu.memory_space<vmem>> -> memref<1x256x64xf32, #tpu.memory_space<vmem>>
    %dma_start3A_52 = tpu.memref_squeeze %dma_start3A_51 : memref<1x256x64xf32, #tpu.memory_space<vmem>> -> memref<256x64xf32, #tpu.memory_space<vmem>>
    %dma_start3A_53 = arith.constant 0 : i32
    %dma_start3A_54 = tpu.memref_slice %arg5[%dma_start3A, %dma_start3A_53] : memref<2x256xi32, #tpu.memory_space<vmem>> -> memref<1x256xi32, #tpu.memory_space<vmem>>
    %dma_start3A_55 = tpu.memref_squeeze %dma_start3A_54 : memref<1x256xi32, #tpu.memory_space<vmem>> -> memref<256xi32, #tpu.memory_space<vmem>>
    %dma_start3A_56 = arith.constant 0 : i32
    %dma_start3A_57 = arith.constant 0 : i32
    %dma_start3A_58 = tpu.memref_slice %arg3[%dma_start3A_56, %dma_start3A_57] : memref<1000000x64xf32, #tpu.memory_space<hbm>> -> memref<1000000x64xf32, #tpu.memory_space<hbm>>
    tpu.enqueue_indirect_dma source(%dma_start3A_58 : memref<1000000x64xf32, #tpu.memory_space<hbm>>) target(%dma_start3A_52 : memref<256x64xf32, #tpu.memory_space<vmem>>) offsets(%dma_start3A_55 : memref<256xi32, #tpu.memory_space<vmem>>) semaphore(%arg8 : memref<!tpu.dma_semaphore, #tpu.memory_space<semaphore_mem>>)
    %scan3A = arith.constant 0 : i32
    %scan3A_59 = arith.constant 0 : i32
    %scan3A_60 = arith.constant 50 : i32
    %scan3A_61 = arith.addi %scan3A_59, %scan3A_60 : i32
    %scan3A_62 = arith.constant 1 : i32
    scf.for %scan3A_487 = %scan3A_59 to %scan3A_61 step %scan3A_62  : i32 {
      %mul3A_488 = arith.constant 2 : i32
      %mul3A_489 = arith.muli %mul3A_488, %scan3A_487 : i32
      %dma_wait3A_490 = arith.constant 0 : i32
      %dma_wait3A_491 = arith.constant 0 : i32
      %dma_wait3A_492 = arith.constant 0 : i32
      %dma_wait3A_493 = arith.constant 0 : i32
      %dma_wait3A_494 = tpu.memref_slice %arg6[%dma_wait3A_491, %dma_wait3A_492, %dma_wait3A_493] : memref<2x256x64xf32, #tpu.memory_space<vmem>> -> memref<1x256x64xf32, #tpu.memory_space<vmem>>
      %dma_wait3A_495 = tpu.memref_squeeze %dma_wait3A_494 : memref<1x256x64xf32, #tpu.memory_space<vmem>> -> memref<256x64xf32, #tpu.memory_space<vmem>>
      %dma_wait3A_496 = arith.constant 0 : i32
      %dma_wait3A_497 = tpu.memref_slice %arg5[%dma_wait3A_490, %dma_wait3A_496] : memref<2x256xi32, #tpu.memory_space<vmem>> -> memref<1x256xi32, #tpu.memory_space<vmem>>
      %dma_wait3A_498 = tpu.memref_squeeze %dma_wait3A_497 : memref<1x256xi32, #tpu.memory_space<vmem>> -> memref<256xi32, #tpu.memory_space<vmem>>
      %dma_wait3A_499 = arith.constant 0 : i32
      %dma_wait3A_500 = arith.constant 0 : i32
      %dma_wait3A_501 = tpu.memref_slice %arg3[%dma_wait3A_499, %dma_wait3A_500] : memref<1000000x64xf32, #tpu.memory_space<hbm>> -> memref<1000000x64xf32, #tpu.memory_space<hbm>>
      tpu.wait_indirect_dma semaphore(%arg8 : memref<!tpu.dma_semaphore, #tpu.memory_space<semaphore_mem>>) src(%dma_wait3A_501 : memref<1000000x64xf32, #tpu.memory_space<hbm>>) dst(%dma_wait3A_495 : memref<256x64xf32, #tpu.memory_space<vmem>>)
      %add3A_502 = arith.constant 1 : i32
      %add3A_503 = arith.addi %mul3A_489, %add3A_502 : i32
      %lt3A_504 = arith.constant 100 : i32
      %lt3A_505 = arith.cmpi slt, %add3A_503, %lt3A_504 : i32
      %convert_element_type3A = arith.extui %lt3A_505 : i1 to i32
      %cond3A = arith.constant 0 : i32
      %cond3A_506 = arith.cmpi ne, %convert_element_type3A, %cond3A : i32
      scf.if %cond3A_506 {
        %add3A_975 = arith.constant 1 : i32
        %add3A_976 = arith.addi %mul3A_489, %add3A_975 : i32
        %add3A_977 = arith.addi %mul3A_2, %add3A_976 : i32
        %jit3A_978 = arith.constant 16 : i32
        %div3A_979 = arith.divsi %add3A_977, %jit3A_978 : i32
        %sign3A_980 = arith.constant 0 : i32
        %sign3A_981 = arith.cmpi sgt, %add3A_977, %sign3A_980 : i32
        %sign3A_982 = arith.extui %sign3A_981 : i1 to i32
        %sign3A_983 = arith.constant 0 : i32
        %sign3A_984 = arith.cmpi slt, %add3A_977, %sign3A_983 : i32
        %sign3A_985 = arith.extui %sign3A_984 : i1 to i32
        %sign3A_986 = arith.subi %sign3A_982, %sign3A_985 : i32
        %sign3A_987 = arith.constant 0 : i32
        %sign3A_988 = arith.cmpi sgt, %jit3A_978, %sign3A_987 : i32
        %sign3A_989 = arith.extui %sign3A_988 : i1 to i32
        %sign3A_990 = arith.constant 0 : i32
        %sign3A_991 = arith.cmpi slt, %jit3A_978, %sign3A_990 : i32
        %sign3A_992 = arith.extui %sign3A_991 : i1 to i32
        %sign3A_993 = arith.subi %sign3A_989, %sign3A_992 : i32
        %ne3A_994 = arith.cmpi ne, %sign3A_986, %sign3A_993 : i32
        %rem3A_995 = arith.remsi %add3A_977, %jit3A_978 : i32
        %ne3A_996 = arith.constant 0 : i32
        %ne3A_997 = arith.cmpi ne, %rem3A_995, %ne3A_996 : i32
        %and3A_998 = arith.andi %ne3A_994, %ne3A_997 : i1
        %sub3A_999 = arith.constant 1 : i32
        %sub3A_1000 = arith.subi %div3A_979, %sub3A_999 : i32
        %select_n3A_1001 = arith.select %and3A_998, %sub3A_1000, %div3A_979 : i32
        %add3A_1002 = arith.addi %mul3A_2, %add3A_976 : i32
        %jit3A_1003 = arith.constant 16 : i32
        %eq3A_1004 = arith.constant 0 : i32
        %eq3A_1005 = arith.cmpi eq, %jit3A_1003, %eq3A_1004 : i32
        %jit3A_1006 = arith.constant 1 : i32
        %select_n3A_1007 = arith.select %eq3A_1005, %jit3A_1006, %jit3A_1003 : i32
        %rem3A_1008 = arith.remsi %add3A_1002, %select_n3A_1007 : i32
        %ne3A_1009 = arith.constant 0 : i32
        %ne3A_1010 = arith.cmpi ne, %rem3A_1008, %ne3A_1009 : i32
        %lt3A_1011 = arith.constant 0 : i32
        %lt3A_1012 = arith.cmpi slt, %rem3A_1008, %lt3A_1011 : i32
        %lt3A_1013 = arith.constant 0 : i32
        %lt3A_1014 = arith.cmpi slt, %select_n3A_1007, %lt3A_1013 : i32
        %ne3A_1015 = arith.xori %lt3A_1012, %lt3A_1014 : i1
        %and3A_1016 = arith.andi %ne3A_1015, %ne3A_1010 : i1
        %add3A_1017 = arith.addi %rem3A_1008, %select_n3A_1007 : i32
        %select_n3A_1018 = arith.select %and3A_1016, %add3A_1017, %rem3A_1008 : i32
        %mul3A_1019 = arith.constant 256 : i32
        %mul3A_1020 = arith.muli %select_n3A_1018, %mul3A_1019 : i32
        %run_scoped3A_1021 = arith.constant 1 : i32
        "tpu.region"() ({
          %run_scoped3A_1034 = tpu.sem_alloc : memref<!tpu.dma_semaphore, #tpu.memory_space<semaphore_mem>>
          %dma_start3A_1035 = arith.constant 0 : i32
          %dma_start3A_1036 = tpu.memref_slice %arg5[%run_scoped3A_1021, %dma_start3A_1035] : memref<2x256xi32, #tpu.memory_space<vmem>> -> memref<1x256xi32, #tpu.memory_space<vmem>>
          %dma_start3A_1037 = tpu.memref_squeeze %dma_start3A_1036 : memref<1x256xi32, #tpu.memory_space<vmem>> -> memref<256xi32, #tpu.memory_space<vmem>>
          %dma_start3A_1038 = tpu.memref_slice %arg2[%select_n3A_1001, %mul3A_1020] : memref<200x4096xi32, #tpu.memory_space<hbm>> -> memref<1x256xi32, #tpu.memory_space<hbm>>
          %dma_start3A_1039 = tpu.memref_squeeze %dma_start3A_1038 : memref<1x256xi32, #tpu.memory_space<hbm>> -> memref<256xi32, #tpu.memory_space<hbm>>
          %dma_start3A_1040 = arith.constant 0 : i32
          %dma_start3A_1041 = tpu.memref_slice %arg5[%run_scoped3A_1021, %dma_start3A_1040] : memref<2x256xi32, #tpu.memory_space<vmem>> -> memref<1x256xi32, #tpu.memory_space<vmem>>
          %dma_start3A_1042 = tpu.memref_squeeze %dma_start3A_1041 : memref<1x256xi32, #tpu.memory_space<vmem>> -> memref<256xi32, #tpu.memory_space<vmem>>
          %dma_start3A_1043 = tpu.memref_slice %arg2[%select_n3A_1001, %mul3A_1020] : memref<200x4096xi32, #tpu.memory_space<hbm>> -> memref<1x256xi32, #tpu.memory_space<hbm>>
          %dma_start3A_1044 = tpu.memref_squeeze %dma_start3A_1043 : memref<1x256xi32, #tpu.memory_space<hbm>> -> memref<256xi32, #tpu.memory_space<hbm>>
          tpu.enqueue_dma source(%dma_start3A_1044 : memref<256xi32, #tpu.memory_space<hbm>>) target(%dma_start3A_1042 : memref<256xi32, #tpu.memory_space<vmem>>) target_semaphore(%run_scoped3A_1034 : memref<!tpu.dma_semaphore, #tpu.memory_space<semaphore_mem>>)
          %dma_wait3A_1045 = arith.constant 0 : i32
          %dma_wait3A_1046 = tpu.memref_slice %arg5[%run_scoped3A_1021, %dma_wait3A_1045] : memref<2x256xi32, #tpu.memory_space<vmem>> -> memref<1x256xi32, #tpu.memory_space<vmem>>
          %dma_wait3A_1047 = tpu.memref_squeeze %dma_wait3A_1046 : memref<1x256xi32, #tpu.memory_space<vmem>> -> memref<256xi32, #tpu.memory_space<vmem>>
          %dma_wait3A_1048 = tpu.memref_slice %arg2[%select_n3A_1001, %mul3A_1020] : memref<200x4096xi32, #tpu.memory_space<hbm>> -> memref<1x256xi32, #tpu.memory_space<hbm>>
          %dma_wait3A_1049 = tpu.memref_squeeze %dma_wait3A_1048 : memref<1x256xi32, #tpu.memory_space<hbm>> -> memref<256xi32, #tpu.memory_space<hbm>>
          %dma_wait3A_1050 = arith.constant 0 : i32
          %dma_wait3A_1051 = tpu.memref_slice %arg5[%run_scoped3A_1021, %dma_wait3A_1050] : memref<2x256xi32, #tpu.memory_space<vmem>> -> memref<1x256xi32, #tpu.memory_space<vmem>>
          %dma_wait3A_1052 = tpu.memref_squeeze %dma_wait3A_1051 : memref<1x256xi32, #tpu.memory_space<vmem>> -> memref<256xi32, #tpu.memory_space<vmem>>
          %dma_wait3A_1053 = tpu.memref_slice %arg2[%select_n3A_1001, %mul3A_1020] : memref<200x4096xi32, #tpu.memory_space<hbm>> -> memref<1x256xi32, #tpu.memory_space<hbm>>
          %dma_wait3A_1054 = tpu.memref_squeeze %dma_wait3A_1053 : memref<1x256xi32, #tpu.memory_space<hbm>> -> memref<256xi32, #tpu.memory_space<hbm>>
          tpu.wait_dma2 semaphore(%run_scoped3A_1034 : memref<!tpu.dma_semaphore, #tpu.memory_space<semaphore_mem>>) src(%dma_wait3A_1054 : memref<256xi32, #tpu.memory_space<hbm>>) dst(%dma_wait3A_1052 : memref<256xi32, #tpu.memory_space<vmem>>)
          tpu.yield
        }) : () -> ()
        %dma_start3A_1022 = arith.constant 1 : i32
        %dma_start3A_1023 = arith.constant 1 : i32
        %dma_start3A_1024 = arith.constant 0 : i32
        %dma_start3A_1025 = arith.constant 0 : i32
        %dma_start3A_1026 = tpu.memref_slice %arg6[%dma_start3A_1023, %dma_start3A_1024, %dma_start3A_1025] : memref<2x256x64xf32, #tpu.memory_space<vmem>> -> memref<1x256x64xf32, #tpu.memory_space<vmem>>
        %dma_start3A_1027 = tpu.memref_squeeze %dma_start3A_1026 : memref<1x256x64xf32, #tpu.memory_space<vmem>> -> memref<256x64xf32, #tpu.memory_space<vmem>>
        %dma_start3A_1028 = arith.constant 0 : i32
        %dma_start3A_1029 = tpu.memref_slice %arg5[%dma_start3A_1022, %dma_start3A_1028] : memref<2x256xi32, #tpu.memory_space<vmem>> -> memref<1x256xi32, #tpu.memory_space<vmem>>
        %dma_start3A_1030 = tpu.memref_squeeze %dma_start3A_1029 : memref<1x256xi32, #tpu.memory_space<vmem>> -> memref<256xi32, #tpu.memory_space<vmem>>
        %dma_start3A_1031 = arith.constant 0 : i32
        %dma_start3A_1032 = arith.constant 0 : i32
        %dma_start3A_1033 = tpu.memref_slice %arg3[%dma_start3A_1031, %dma_start3A_1032] : memref<1000000x64xf32, #tpu.memory_space<hbm>> -> memref<1000000x64xf32, #tpu.memory_space<hbm>>
        tpu.enqueue_indirect_dma source(%dma_start3A_1033 : memref<1000000x64xf32, #tpu.memory_space<hbm>>) target(%dma_start3A_1027 : memref<256x64xf32, #tpu.memory_space<vmem>>) offsets(%dma_start3A_1030 : memref<256xi32, #tpu.memory_space<vmem>>) semaphore(%arg9 : memref<!tpu.dma_semaphore, #tpu.memory_space<semaphore_mem>>)
      } else {
      }
      %ge3A = arith.constant 2 : i32
      %ge3A_507 = arith.cmpi sge, %mul3A_489, %ge3A : i32
      %convert_element_type3A_508 = arith.extui %ge3A_507 : i1 to i32
      %cond3A_509 = arith.constant 0 : i32
      %cond3A_510 = arith.cmpi ne, %convert_element_type3A_508, %cond3A_509 : i32
      scf.if %cond3A_510 {
        %sub3A_975 = arith.constant 2 : i32
        %sub3A_976 = arith.subi %mul3A_489, %sub3A_975 : i32
        %add3A_977 = arith.addi %mul3A_2, %sub3A_976 : i32
        %jit3A_978 = arith.constant 16 : i32
        %div3A_979 = arith.divsi %add3A_977, %jit3A_978 : i32
        %sign3A_980 = arith.constant 0 : i32
        %sign3A_981 = arith.cmpi sgt, %add3A_977, %sign3A_980 : i32
        %sign3A_982 = arith.extui %sign3A_981 : i1 to i32
        %sign3A_983 = arith.constant 0 : i32
        %sign3A_984 = arith.cmpi slt, %add3A_977, %sign3A_983 : i32
        %sign3A_985 = arith.extui %sign3A_984 : i1 to i32
        %sign3A_986 = arith.subi %sign3A_982, %sign3A_985 : i32
        %sign3A_987 = arith.constant 0 : i32
        %sign3A_988 = arith.cmpi sgt, %jit3A_978, %sign3A_987 : i32
        %sign3A_989 = arith.extui %sign3A_988 : i1 to i32
        %sign3A_990 = arith.constant 0 : i32
        %sign3A_991 = arith.cmpi slt, %jit3A_978, %sign3A_990 : i32
        %sign3A_992 = arith.extui %sign3A_991 : i1 to i32
        %sign3A_993 = arith.subi %sign3A_989, %sign3A_992 : i32
        %ne3A_994 = arith.cmpi ne, %sign3A_986, %sign3A_993 : i32
        %rem3A_995 = arith.remsi %add3A_977, %jit3A_978 : i32
        %ne3A_996 = arith.constant 0 : i32
        %ne3A_997 = arith.cmpi ne, %rem3A_995, %ne3A_996 : i32
        %and3A_998 = arith.andi %ne3A_994, %ne3A_997 : i1
        %sub3A_999 = arith.constant 1 : i32
        %sub3A_1000 = arith.subi %div3A_979, %sub3A_999 : i32
        %select_n3A_1001 = arith.select %and3A_998, %sub3A_1000, %div3A_979 : i32
        %add3A_1002 = arith.addi %mul3A_2, %sub3A_976 : i32
        %jit3A_1003 = arith.constant 16 : i32
        %eq3A_1004 = arith.constant 0 : i32
        %eq3A_1005 = arith.cmpi eq, %jit3A_1003, %eq3A_1004 : i32
        %jit3A_1006 = arith.constant 1 : i32
        %select_n3A_1007 = arith.select %eq3A_1005, %jit3A_1006, %jit3A_1003 : i32
        %rem3A_1008 = arith.remsi %add3A_1002, %select_n3A_1007 : i32
        %ne3A_1009 = arith.constant 0 : i32
        %ne3A_1010 = arith.cmpi ne, %rem3A_1008, %ne3A_1009 : i32
        %lt3A_1011 = arith.constant 0 : i32
        %lt3A_1012 = arith.cmpi slt, %rem3A_1008, %lt3A_1011 : i32
        %lt3A_1013 = arith.constant 0 : i32
        %lt3A_1014 = arith.cmpi slt, %select_n3A_1007, %lt3A_1013 : i32
        %ne3A_1015 = arith.xori %lt3A_1012, %lt3A_1014 : i1
        %and3A_1016 = arith.andi %ne3A_1015, %ne3A_1010 : i1
        %add3A_1017 = arith.addi %rem3A_1008, %select_n3A_1007 : i32
        %select_n3A_1018 = arith.select %and3A_1016, %add3A_1017, %rem3A_1008 : i32
        %mul3A_1019 = arith.constant 2 : i32
        %mul3A_1020 = arith.muli %select_n3A_1018, %mul3A_1019 : i32
        %mul3A_1021 = arith.constant 8 : i32
        %mul3A_1022 = arith.muli %mul3A_1020, %mul3A_1021 : i32
        %add3A_1023 = arith.constant 0 : i32
        %add3A_1024 = arith.addi %add3A_1023, %mul3A_1022 : i32
        %mul3A_1025 = arith.constant 2 : i32
        %mul3A_1026 = arith.muli %select_n3A_1018, %mul3A_1025 : i32
        %mul3A_1027 = arith.constant 8 : i32
        %mul3A_1028 = arith.muli %mul3A_1026, %mul3A_1027 : i32
        %add3A_1029 = arith.constant 256 : i32
        %add3A_1030 = arith.addi %add3A_1029, %mul3A_1028 : i32
        %mul3A_1031 = arith.constant 2 : i32
        %mul3A_1032 = arith.muli %select_n3A_1018, %mul3A_1031 : i32
        %mul3A_1033 = arith.constant 8 : i32
        %mul3A_1034 = arith.muli %mul3A_1032, %mul3A_1033 : i32
        %add3A_1035 = arith.constant 512 : i32
        %add3A_1036 = arith.addi %add3A_1035, %mul3A_1034 : i32
        %mul3A_1037 = arith.constant 2 : i32
        %mul3A_1038 = arith.muli %select_n3A_1018, %mul3A_1037 : i32
        %mul3A_1039 = arith.constant 8 : i32
        %mul3A_1040 = arith.muli %mul3A_1038, %mul3A_1039 : i32
        %add3A_1041 = arith.constant 768 : i32
        %add3A_1042 = arith.addi %add3A_1041, %mul3A_1040 : i32
        %mul3A_1043 = arith.constant 2 : i32
        %mul3A_1044 = arith.muli %select_n3A_1018, %mul3A_1043 : i32
        %mul3A_1045 = arith.constant 8 : i32
        %mul3A_1046 = arith.muli %mul3A_1044, %mul3A_1045 : i32
        %add3A_1047 = arith.constant 1024 : i32
        %add3A_1048 = arith.addi %add3A_1047, %mul3A_1046 : i32
        %mul3A_1049 = arith.constant 2 : i32
        %mul3A_1050 = arith.muli %select_n3A_1018, %mul3A_1049 : i32
        %mul3A_1051 = arith.constant 8 : i32
        %mul3A_1052 = arith.muli %mul3A_1050, %mul3A_1051 : i32
        %add3A_1053 = arith.constant 1280 : i32
        %add3A_1054 = arith.addi %add3A_1053, %mul3A_1052 : i32
        %mul3A_1055 = arith.constant 2 : i32
        %mul3A_1056 = arith.muli %select_n3A_1018, %mul3A_1055 : i32
        %mul3A_1057 = arith.constant 8 : i32
        %mul3A_1058 = arith.muli %mul3A_1056, %mul3A_1057 : i32
        %add3A_1059 = arith.constant 1536 : i32
        %add3A_1060 = arith.addi %add3A_1059, %mul3A_1058 : i32
        %mul3A_1061 = arith.constant 2 : i32
        %mul3A_1062 = arith.muli %select_n3A_1018, %mul3A_1061 : i32
        %mul3A_1063 = arith.constant 8 : i32
        %mul3A_1064 = arith.muli %mul3A_1062, %mul3A_1063 : i32
        %add3A_1065 = arith.constant 1792 : i32
        %add3A_1066 = arith.addi %add3A_1065, %mul3A_1064 : i32
        %dma_wait3A_1067 = arith.constant 0 : i32
        %dma_wait3A_1068 = arith.constant 0 : i32
        %dma_wait3A_1069 = arith.constant 0 : i32
        %dma_wait3A_1070 = tpu.memref_slice %arg7[%dma_wait3A_1067, %dma_wait3A_1068, %dma_wait3A_1069] : memref<2x136x129xf32, #tpu.memory_space<vmem>> -> memref<1x16x128xf32, #tpu.memory_space<vmem>>
        %dma_wait3A_1071 = tpu.memref_squeeze %dma_wait3A_1070 : memref<1x16x128xf32, #tpu.memory_space<vmem>> -> memref<16x128xf32, #tpu.memory_space<vmem>>
        %dma_wait3A_1072 = arith.constant 0 : i32
        %dma_wait3A_1073 = tpu.memref_slice %arg4[%select_n3A_1001, %add3A_1024, %dma_wait3A_1072] : memref<200x2048x128xf32, #tpu.memory_space<hbm>> -> memref<1x16x128xf32, #tpu.memory_space<hbm>>
        %dma_wait3A_1074 = tpu.memref_squeeze %dma_wait3A_1073 : memref<1x16x128xf32, #tpu.memory_space<hbm>> -> memref<16x128xf32, #tpu.memory_space<hbm>>
        %dma_wait3A_1075 = arith.constant 0 : i32
        %dma_wait3A_1076 = tpu.memref_slice %arg4[%select_n3A_1001, %add3A_1024, %dma_wait3A_1075] : memref<200x2048x128xf32, #tpu.memory_space<hbm>> -> memref<1x16x128xf32, #tpu.memory_space<hbm>>
        %dma_wait3A_1077 = tpu.memref_squeeze %dma_wait3A_1076 : memref<1x16x128xf32, #tpu.memory_space<hbm>> -> memref<16x128xf32, #tpu.memory_space<hbm>>
        %dma_wait3A_1078 = arith.constant 0 : i32
        %dma_wait3A_1079 = arith.constant 0 : i32
        %dma_wait3A_1080 = tpu.memref_slice %arg7[%dma_wait3A_1067, %dma_wait3A_1078, %dma_wait3A_1079] : memref<2x136x129xf32, #tpu.memory_space<vmem>> -> memref<1x16x128xf32, #tpu.memory_space<vmem>>
        %dma_wait3A_1081 = tpu.memref_squeeze %dma_wait3A_1080 : memref<1x16x128xf32, #tpu.memory_space<vmem>> -> memref<16x128xf32, #tpu.memory_space<vmem>>
        tpu.wait_dma2 semaphore(%arg10 : memref<!tpu.dma_semaphore, #tpu.memory_space<semaphore_mem>>) src(%dma_wait3A_1081 : memref<16x128xf32, #tpu.memory_space<vmem>>) dst(%dma_wait3A_1077 : memref<16x128xf32, #tpu.memory_space<hbm>>)
        %dma_wait3A_1082 = arith.constant 0 : i32
        %dma_wait3A_1083 = arith.constant 17 : i32
        %dma_wait3A_1084 = arith.constant 0 : i32
        %dma_wait3A_1085 = tpu.memref_slice %arg7[%dma_wait3A_1082, %dma_wait3A_1083, %dma_wait3A_1084] : memref<2x136x129xf32, #tpu.memory_space<vmem>> -> memref<1x16x128xf32, #tpu.memory_space<vmem>>
        %dma_wait3A_1086 = tpu.memref_squeeze %dma_wait3A_1085 : memref<1x16x128xf32, #tpu.memory_space<vmem>> -> memref<16x128xf32, #tpu.memory_space<vmem>>
        %dma_wait3A_1087 = arith.constant 0 : i32
        %dma_wait3A_1088 = tpu.memref_slice %arg4[%select_n3A_1001, %add3A_1030, %dma_wait3A_1087] : memref<200x2048x128xf32, #tpu.memory_space<hbm>> -> memref<1x16x128xf32, #tpu.memory_space<hbm>>
        %dma_wait3A_1089 = tpu.memref_squeeze %dma_wait3A_1088 : memref<1x16x128xf32, #tpu.memory_space<hbm>> -> memref<16x128xf32, #tpu.memory_space<hbm>>
        %dma_wait3A_1090 = arith.constant 0 : i32
        %dma_wait3A_1091 = tpu.memref_slice %arg4[%select_n3A_1001, %add3A_1030, %dma_wait3A_1090] : memref<200x2048x128xf32, #tpu.memory_space<hbm>> -> memref<1x16x128xf32, #tpu.memory_space<hbm>>
        %dma_wait3A_1092 = tpu.memref_squeeze %dma_wait3A_1091 : memref<1x16x128xf32, #tpu.memory_space<hbm>> -> memref<16x128xf32, #tpu.memory_space<hbm>>
        %dma_wait3A_1093 = arith.constant 17 : i32
        %dma_wait3A_1094 = arith.constant 0 : i32
        %dma_wait3A_1095 = tpu.memref_slice %arg7[%dma_wait3A_1082, %dma_wait3A_1093, %dma_wait3A_1094] : memref<2x136x129xf32, #tpu.memory_space<vmem>> -> memref<1x16x128xf32, #tpu.memory_space<vmem>>
        %dma_wait3A_1096 = tpu.memref_squeeze %dma_wait3A_1095 : memref<1x16x128xf32, #tpu.memory_space<vmem>> -> memref<16x128xf32, #tpu.memory_space<vmem>>
        tpu.wait_dma2 semaphore(%arg10 : memref<!tpu.dma_semaphore, #tpu.memory_space<semaphore_mem>>) src(%dma_wait3A_1096 : memref<16x128xf32, #tpu.memory_space<vmem>>) dst(%dma_wait3A_1092 : memref<16x128xf32, #tpu.memory_space<hbm>>)
        %dma_wait3A_1097 = arith.constant 0 : i32
        %dma_wait3A_1098 = arith.constant 34 : i32
        %dma_wait3A_1099 = arith.constant 0 : i32
        %dma_wait3A_1100 = tpu.memref_slice %arg7[%dma_wait3A_1097, %dma_wait3A_1098, %dma_wait3A_1099] : memref<2x136x129xf32, #tpu.memory_space<vmem>> -> memref<1x16x128xf32, #tpu.memory_space<vmem>>
        %dma_wait3A_1101 = tpu.memref_squeeze %dma_wait3A_1100 : memref<1x16x128xf32, #tpu.memory_space<vmem>> -> memref<16x128xf32, #tpu.memory_space<vmem>>
        %dma_wait3A_1102 = arith.constant 0 : i32
        %dma_wait3A_1103 = tpu.memref_slice %arg4[%select_n3A_1001, %add3A_1036, %dma_wait3A_1102] : memref<200x2048x128xf32, #tpu.memory_space<hbm>> -> memref<1x16x128xf32, #tpu.memory_space<hbm>>
        %dma_wait3A_1104 = tpu.memref_squeeze %dma_wait3A_1103 : memref<1x16x128xf32, #tpu.memory_space<hbm>> -> memref<16x128xf32, #tpu.memory_space<hbm>>
        %dma_wait3A_1105 = arith.constant 0 : i32
        %dma_wait3A_1106 = tpu.memref_slice %arg4[%select_n3A_1001, %add3A_1036, %dma_wait3A_1105] : memref<200x2048x128xf32, #tpu.memory_space<hbm>> -> memref<1x16x128xf32, #tpu.memory_space<hbm>>
        %dma_wait3A_1107 = tpu.memref_squeeze %dma_wait3A_1106 : memref<1x16x128xf32, #tpu.memory_space<hbm>> -> memref<16x128xf32, #tpu.memory_space<hbm>>
        %dma_wait3A_1108 = arith.constant 34 : i32
        %dma_wait3A_1109 = arith.constant 0 : i32
        %dma_wait3A_1110 = tpu.memref_slice %arg7[%dma_wait3A_1097, %dma_wait3A_1108, %dma_wait3A_1109] : memref<2x136x129xf32, #tpu.memory_space<vmem>> -> memref<1x16x128xf32, #tpu.memory_space<vmem>>
        %dma_wait3A_1111 = tpu.memref_squeeze %dma_wait3A_1110 : memref<1x16x128xf32, #tpu.memory_space<vmem>> -> memref<16x128xf32, #tpu.memory_space<vmem>>
        tpu.wait_dma2 semaphore(%arg10 : memref<!tpu.dma_semaphore, #tpu.memory_space<semaphore_mem>>) src(%dma_wait3A_1111 : memref<16x128xf32, #tpu.memory_space<vmem>>) dst(%dma_wait3A_1107 : memref<16x128xf32, #tpu.memory_space<hbm>>)
        %dma_wait3A_1112 = arith.constant 0 : i32
        %dma_wait3A_1113 = arith.constant 51 : i32
        %dma_wait3A_1114 = arith.constant 0 : i32
        %dma_wait3A_1115 = tpu.memref_slice %arg7[%dma_wait3A_1112, %dma_wait3A_1113, %dma_wait3A_1114] : memref<2x136x129xf32, #tpu.memory_space<vmem>> -> memref<1x16x128xf32, #tpu.memory_space<vmem>>
        %dma_wait3A_1116 = tpu.memref_squeeze %dma_wait3A_1115 : memref<1x16x128xf32, #tpu.memory_space<vmem>> -> memref<16x128xf32, #tpu.memory_space<vmem>>
        %dma_wait3A_1117 = arith.constant 0 : i32
        %dma_wait3A_1118 = tpu.memref_slice %arg4[%select_n3A_1001, %add3A_1042, %dma_wait3A_1117] : memref<200x2048x128xf32, #tpu.memory_space<hbm>> -> memref<1x16x128xf32, #tpu.memory_space<hbm>>
        %dma_wait3A_1119 = tpu.memref_squeeze %dma_wait3A_1118 : memref<1x16x128xf32, #tpu.memory_space<hbm>> -> memref<16x128xf32, #tpu.memory_space<hbm>>
        %dma_wait3A_1120 = arith.constant 0 : i32
        %dma_wait3A_1121 = tpu.memref_slice %arg4[%select_n3A_1001, %add3A_1042, %dma_wait3A_1120] : memref<200x2048x128xf32, #tpu.memory_space<hbm>> -> memref<1x16x128xf32, #tpu.memory_space<hbm>>
        %dma_wait3A_1122 = tpu.memref_squeeze %dma_wait3A_1121 : memref<1x16x128xf32, #tpu.memory_space<hbm>> -> memref<16x128xf32, #tpu.memory_space<hbm>>
        %dma_wait3A_1123 = arith.constant 51 : i32
        %dma_wait3A_1124 = arith.constant 0 : i32
        %dma_wait3A_1125 = tpu.memref_slice %arg7[%dma_wait3A_1112, %dma_wait3A_1123, %dma_wait3A_1124] : memref<2x136x129xf32, #tpu.memory_space<vmem>> -> memref<1x16x128xf32, #tpu.memory_space<vmem>>
        %dma_wait3A_1126 = tpu.memref_squeeze %dma_wait3A_1125 : memref<1x16x128xf32, #tpu.memory_space<vmem>> -> memref<16x128xf32, #tpu.memory_space<vmem>>
        tpu.wait_dma2 semaphore(%arg10 : memref<!tpu.dma_semaphore, #tpu.memory_space<semaphore_mem>>) src(%dma_wait3A_1126 : memref<16x128xf32, #tpu.memory_space<vmem>>) dst(%dma_wait3A_1122 : memref<16x128xf32, #tpu.memory_space<hbm>>)
        %dma_wait3A_1127 = arith.constant 0 : i32
        %dma_wait3A_1128 = arith.constant 68 : i32
        %dma_wait3A_1129 = arith.constant 0 : i32
        %dma_wait3A_1130 = tpu.memref_slice %arg7[%dma_wait3A_1127, %dma_wait3A_1128, %dma_wait3A_1129] : memref<2x136x129xf32, #tpu.memory_space<vmem>> -> memref<1x16x128xf32, #tpu.memory_space<vmem>>
        %dma_wait3A_1131 = tpu.memref_squeeze %dma_wait3A_1130 : memref<1x16x128xf32, #tpu.memory_space<vmem>> -> memref<16x128xf32, #tpu.memory_space<vmem>>
        %dma_wait3A_1132 = arith.constant 0 : i32
        %dma_wait3A_1133 = tpu.memref_slice %arg4[%select_n3A_1001, %add3A_1048, %dma_wait3A_1132] : memref<200x2048x128xf32, #tpu.memory_space<hbm>> -> memref<1x16x128xf32, #tpu.memory_space<hbm>>
        %dma_wait3A_1134 = tpu.memref_squeeze %dma_wait3A_1133 : memref<1x16x128xf32, #tpu.memory_space<hbm>> -> memref<16x128xf32, #tpu.memory_space<hbm>>
        %dma_wait3A_1135 = arith.constant 0 : i32
        %dma_wait3A_1136 = tpu.memref_slice %arg4[%select_n3A_1001, %add3A_1048, %dma_wait3A_1135] : memref<200x2048x128xf32, #tpu.memory_space<hbm>> -> memref<1x16x128xf32, #tpu.memory_space<hbm>>
        %dma_wait3A_1137 = tpu.memref_squeeze %dma_wait3A_1136 : memref<1x16x128xf32, #tpu.memory_space<hbm>> -> memref<16x128xf32, #tpu.memory_space<hbm>>
        %dma_wait3A_1138 = arith.constant 68 : i32
        %dma_wait3A_1139 = arith.constant 0 : i32
        %dma_wait3A_1140 = tpu.memref_slice %arg7[%dma_wait3A_1127, %dma_wait3A_1138, %dma_wait3A_1139] : memref<2x136x129xf32, #tpu.memory_space<vmem>> -> memref<1x16x128xf32, #tpu.memory_space<vmem>>
        %dma_wait3A_1141 = tpu.memref_squeeze %dma_wait3A_1140 : memref<1x16x128xf32, #tpu.memory_space<vmem>> -> memref<16x128xf32, #tpu.memory_space<vmem>>
        tpu.wait_dma2 semaphore(%arg10 : memref<!tpu.dma_semaphore, #tpu.memory_space<semaphore_mem>>) src(%dma_wait3A_1141 : memref<16x128xf32, #tpu.memory_space<vmem>>) dst(%dma_wait3A_1137 : memref<16x128xf32, #tpu.memory_space<hbm>>)
        %dma_wait3A_1142 = arith.constant 0 : i32
        %dma_wait3A_1143 = arith.constant 85 : i32
        %dma_wait3A_1144 = arith.constant 0 : i32
        %dma_wait3A_1145 = tpu.memref_slice %arg7[%dma_wait3A_1142, %dma_wait3A_1143, %dma_wait3A_1144] : memref<2x136x129xf32, #tpu.memory_space<vmem>> -> memref<1x16x128xf32, #tpu.memory_space<vmem>>
        %dma_wait3A_1146 = tpu.memref_squeeze %dma_wait3A_1145 : memref<1x16x128xf32, #tpu.memory_space<vmem>> -> memref<16x128xf32, #tpu.memory_space<vmem>>
        %dma_wait3A_1147 = arith.constant 0 : i32
        %dma_wait3A_1148 = tpu.memref_slice %arg4[%select_n3A_1001, %add3A_1054, %dma_wait3A_1147] : memref<200x2048x128xf32, #tpu.memory_space<hbm>> -> memref<1x16x128xf32, #tpu.memory_space<hbm>>
        %dma_wait3A_1149 = tpu.memref_squeeze %dma_wait3A_1148 : memref<1x16x128xf32, #tpu.memory_space<hbm>> -> memref<16x128xf32, #tpu.memory_space<hbm>>
        %dma_wait3A_1150 = arith.constant 0 : i32
        %dma_wait3A_1151 = tpu.memref_slice %arg4[%select_n3A_1001, %add3A_1054, %dma_wait3A_1150] : memref<200x2048x128xf32, #tpu.memory_space<hbm>> -> memref<1x16x128xf32, #tpu.memory_space<hbm>>
        %dma_wait3A_1152 = tpu.memref_squeeze %dma_wait3A_1151 : memref<1x16x128xf32, #tpu.memory_space<hbm>> -> memref<16x128xf32, #tpu.memory_space<hbm>>
        %dma_wait3A_1153 = arith.constant 85 : i32
        %dma_wait3A_1154 = arith.constant 0 : i32
        %dma_wait3A_1155 = tpu.memref_slice %arg7[%dma_wait3A_1142, %dma_wait3A_1153, %dma_wait3A_1154] : memref<2x136x129xf32, #tpu.memory_space<vmem>> -> memref<1x16x128xf32, #tpu.memory_space<vmem>>
        %dma_wait3A_1156 = tpu.memref_squeeze %dma_wait3A_1155 : memref<1x16x128xf32, #tpu.memory_space<vmem>> -> memref<16x128xf32, #tpu.memory_space<vmem>>
        tpu.wait_dma2 semaphore(%arg10 : memref<!tpu.dma_semaphore, #tpu.memory_space<semaphore_mem>>) src(%dma_wait3A_1156 : memref<16x128xf32, #tpu.memory_space<vmem>>) dst(%dma_wait3A_1152 : memref<16x128xf32, #tpu.memory_space<hbm>>)
        %dma_wait3A_1157 = arith.constant 0 : i32
        %dma_wait3A_1158 = arith.constant 102 : i32
        %dma_wait3A_1159 = arith.constant 0 : i32
        %dma_wait3A_1160 = tpu.memref_slice %arg7[%dma_wait3A_1157, %dma_wait3A_1158, %dma_wait3A_1159] : memref<2x136x129xf32, #tpu.memory_space<vmem>> -> memref<1x16x128xf32, #tpu.memory_space<vmem>>
        %dma_wait3A_1161 = tpu.memref_squeeze %dma_wait3A_1160 : memref<1x16x128xf32, #tpu.memory_space<vmem>> -> memref<16x128xf32, #tpu.memory_space<vmem>>
        %dma_wait3A_1162 = arith.constant 0 : i32
        %dma_wait3A_1163 = tpu.memref_slice %arg4[%select_n3A_1001, %add3A_1060, %dma_wait3A_1162] : memref<200x2048x128xf32, #tpu.memory_space<hbm>> -> memref<1x16x128xf32, #tpu.memory_space<hbm>>
        %dma_wait3A_1164 = tpu.memref_squeeze %dma_wait3A_1163 : memref<1x16x128xf32, #tpu.memory_space<hbm>> -> memref<16x128xf32, #tpu.memory_space<hbm>>
        %dma_wait3A_1165 = arith.constant 0 : i32
        %dma_wait3A_1166 = tpu.memref_slice %arg4[%select_n3A_1001, %add3A_1060, %dma_wait3A_1165] : memref<200x2048x128xf32, #tpu.memory_space<hbm>> -> memref<1x16x128xf32, #tpu.memory_space<hbm>>
        %dma_wait3A_1167 = tpu.memref_squeeze %dma_wait3A_1166 : memref<1x16x128xf32, #tpu.memory_space<hbm>> -> memref<16x128xf32, #tpu.memory_space<hbm>>
        %dma_wait3A_1168 = arith.constant 102 : i32
        %dma_wait3A_1169 = arith.constant 0 : i32
        %dma_wait3A_1170 = tpu.memref_slice %arg7[%dma_wait3A_1157, %dma_wait3A_1168, %dma_wait3A_1169] : memref<2x136x129xf32, #tpu.memory_space<vmem>> -> memref<1x16x128xf32, #tpu.memory_space<vmem>>
        %dma_wait3A_1171 = tpu.memref_squeeze %dma_wait3A_1170 : memref<1x16x128xf32, #tpu.memory_space<vmem>> -> memref<16x128xf32, #tpu.memory_space<vmem>>
        tpu.wait_dma2 semaphore(%arg10 : memref<!tpu.dma_semaphore, #tpu.memory_space<semaphore_mem>>) src(%dma_wait3A_1171 : memref<16x128xf32, #tpu.memory_space<vmem>>) dst(%dma_wait3A_1167 : memref<16x128xf32, #tpu.memory_space<hbm>>)
        %dma_wait3A_1172 = arith.constant 0 : i32
        %dma_wait3A_1173 = arith.constant 119 : i32
        %dma_wait3A_1174 = arith.constant 0 : i32
        %dma_wait3A_1175 = tpu.memref_slice %arg7[%dma_wait3A_1172, %dma_wait3A_1173, %dma_wait3A_1174] : memref<2x136x129xf32, #tpu.memory_space<vmem>> -> memref<1x16x128xf32, #tpu.memory_space<vmem>>
        %dma_wait3A_1176 = tpu.memref_squeeze %dma_wait3A_1175 : memref<1x16x128xf32, #tpu.memory_space<vmem>> -> memref<16x128xf32, #tpu.memory_space<vmem>>
        %dma_wait3A_1177 = arith.constant 0 : i32
        %dma_wait3A_1178 = tpu.memref_slice %arg4[%select_n3A_1001, %add3A_1066, %dma_wait3A_1177] : memref<200x2048x128xf32, #tpu.memory_space<hbm>> -> memref<1x16x128xf32, #tpu.memory_space<hbm>>
        %dma_wait3A_1179 = tpu.memref_squeeze %dma_wait3A_1178 : memref<1x16x128xf32, #tpu.memory_space<hbm>> -> memref<16x128xf32, #tpu.memory_space<hbm>>
        %dma_wait3A_1180 = arith.constant 0 : i32
        %dma_wait3A_1181 = tpu.memref_slice %arg4[%select_n3A_1001, %add3A_1066, %dma_wait3A_1180] : memref<200x2048x128xf32, #tpu.memory_space<hbm>> -> memref<1x16x128xf32, #tpu.memory_space<hbm>>
        %dma_wait3A_1182 = tpu.memref_squeeze %dma_wait3A_1181 : memref<1x16x128xf32, #tpu.memory_space<hbm>> -> memref<16x128xf32, #tpu.memory_space<hbm>>
        %dma_wait3A_1183 = arith.constant 119 : i32
        %dma_wait3A_1184 = arith.constant 0 : i32
        %dma_wait3A_1185 = tpu.memref_slice %arg7[%dma_wait3A_1172, %dma_wait3A_1183, %dma_wait3A_1184] : memref<2x136x129xf32, #tpu.memory_space<vmem>> -> memref<1x16x128xf32, #tpu.memory_space<vmem>>
        %dma_wait3A_1186 = tpu.memref_squeeze %dma_wait3A_1185 : memref<1x16x128xf32, #tpu.memory_space<vmem>> -> memref<16x128xf32, #tpu.memory_space<vmem>>
        tpu.wait_dma2 semaphore(%arg10 : memref<!tpu.dma_semaphore, #tpu.memory_space<semaphore_mem>>) src(%dma_wait3A_1186 : memref<16x128xf32, #tpu.memory_space<vmem>>) dst(%dma_wait3A_1182 : memref<16x128xf32, #tpu.memory_space<hbm>>)
      } else {
      }
      %scan3A_511 = arith.constant 0 : i32
      %scan3A_512 = arith.constant 0 : i32
      %scan3A_513 = arith.constant 0 : i32
      %scan3A_514 = arith.constant 64 : i32
      %scan3A_515 = arith.addi %scan3A_513, %scan3A_514 : i32
      %scan3A_516 = arith.constant 1 : i32
      %scan3A_517 = scf.for %scan3A_975 = %scan3A_513 to %scan3A_515 step %scan3A_516 iter_args(%scan3A_976 = %scan3A_512) -> (i32)  : i32 {
        %mul3A_977 = arith.constant 4 : i32
        %mul3A_978 = arith.muli %scan3A_975, %mul3A_977 : i32
        %add3A_979 = arith.constant 0 : i32
        %add3A_980 = arith.addi %mul3A_978, %add3A_979 : i32
        %and3A_981 = arith.constant 127 : i32
        %and3A_982 = arith.andi %add3A_980, %and3A_981 : i32
        %broadcast_in_dim3A = vector.broadcast %and3A_982 : i32 to vector<16xi32>
        %shift_right_arithmetic3A_983 = arith.constant 7 : i32
        %shift_right_arithmetic3A_984 = arith.shrsi %add3A_980, %shift_right_arithmetic3A_983 : i32
        %mul3A_985 = arith.constant 8 : i32
        %mul3A_986 = arith.muli %shift_right_arithmetic3A_984, %mul3A_985 : i32
        %get3A = arith.constant 0 : i32
        %get3A_987 = arith.index_cast %get3A : i32 to index
        %get3A_988 = arith.index_cast %add3A_980 : i32 to index
        %get3A_989 = arith.constant 0 : index
        %get3A_990 = tpu.vector_load %arg6[%get3A_987, %get3A_988, %get3A_989] {strides = array<i32>} : memref<2x256x64xf32, #tpu.memory_space<vmem>>, vector<16xf32>,
        %add3A_991 = arith.constant 0 : i32
        %add3A_992 = arith.addi %mul3A_986, %add3A_991 : i32
        %add3A_993 = vector.broadcast %add3A_992 : i32 to vector<16xi32>
        %add3A_994 = arith.addi %add3A_10, %add3A_993 : vector<16xi32>
        %scatter3A = arith.constant 0 : i32
        %scatter3A_995 = arith.constant 0 : i32
        %scatter3A_996 = tpu.memref_slice %arg7[%scan3A_511, %scatter3A, %scatter3A_995] : memref<2x136x129xf32, #tpu.memory_space<vmem>> -> memref<1x136x129xf32, #tpu.memory_space<vmem>>
        %scatter3A_997 = tpu.memref_squeeze %scatter3A_996 : memref<1x136x129xf32, #tpu.memory_space<vmem>> -> memref<136x129xf32, #tpu.memory_space<vmem>>
        tpu.vector_store_idx %scatter3A_997[%add3A_994, %broadcast_in_dim3A], %get3A_990 : memref<136x129xf32, #tpu.memory_space<vmem>>[vector<16xi32>, vector<16xi32>], vector<16xf32>,
        %get3A_998 = arith.constant 0 : i32
        %get3A_999 = arith.index_cast %get3A_998 : i32 to index
        %get3A_1000 = arith.index_cast %add3A_980 : i32 to index
        %get3A_1001 = arith.constant 16 : index
        %get3A_1002 = tpu.vector_load %arg6[%get3A_999, %get3A_1000, %get3A_1001] {strides = array<i32>} : memref<2x256x64xf32, #tpu.memory_space<vmem>>, vector<16xf32>,
        %add3A_1003 = arith.constant 34 : i32
        %add3A_1004 = arith.addi %mul3A_986, %add3A_1003 : i32
        %add3A_1005 = vector.broadcast %add3A_1004 : i32 to vector<16xi32>
        %add3A_1006 = arith.addi %add3A_10, %add3A_1005 : vector<16xi32>
        %scatter3A_1007 = arith.constant 0 : i32
        %scatter3A_1008 = arith.constant 0 : i32
        %scatter3A_1009 = tpu.memref_slice %arg7[%scan3A_511, %scatter3A_1007, %scatter3A_1008] : memref<2x136x129xf32, #tpu.memory_space<vmem>> -> memref<1x136x129xf32, #tpu.memory_space<vmem>>
        %scatter3A_1010 = tpu.memref_squeeze %scatter3A_1009 : memref<1x136x129xf32, #tpu.memory_space<vmem>> -> memref<136x129xf32, #tpu.memory_space<vmem>>
        tpu.vector_store_idx %scatter3A_1010[%add3A_1006, %broadcast_in_dim3A], %get3A_1002 : memref<136x129xf32, #tpu.memory_space<vmem>>[vector<16xi32>, vector<16xi32>], vector<16xf32>,
        %get3A_1011 = arith.constant 0 : i32
        %get3A_1012 = arith.index_cast %get3A_1011 : i32 to index
        %get3A_1013 = arith.index_cast %add3A_980 : i32 to index
        %get3A_1014 = arith.constant 32 : index
        %get3A_1015 = tpu.vector_load %arg6[%get3A_1012, %get3A_1013, %get3A_1014] {strides = array<i32>} : memref<2x256x64xf32, #tpu.memory_space<vmem>>, vector<16xf32>,
        %add3A_1016 = arith.constant 68 : i32
        %add3A_1017 = arith.addi %mul3A_986, %add3A_1016 : i32
        %add3A_1018 = vector.broadcast %add3A_1017 : i32 to vector<16xi32>
        %add3A_1019 = arith.addi %add3A_10, %add3A_1018 : vector<16xi32>
        %scatter3A_1020 = arith.constant 0 : i32
        %scatter3A_1021 = arith.constant 0 : i32
        %scatter3A_1022 = tpu.memref_slice %arg7[%scan3A_511, %scatter3A_1020, %scatter3A_1021] : memref<2x136x129xf32, #tpu.memory_space<vmem>> -> memref<1x136x129xf32, #tpu.memory_space<vmem>>
        %scatter3A_1023 = tpu.memref_squeeze %scatter3A_1022 : memref<1x136x129xf32, #tpu.memory_space<vmem>> -> memref<136x129xf32, #tpu.memory_space<vmem>>
        tpu.vector_store_idx %scatter3A_1023[%add3A_1019, %broadcast_in_dim3A], %get3A_1015 : memref<136x129xf32, #tpu.memory_space<vmem>>[vector<16xi32>, vector<16xi32>], vector<16xf32>,
        %get3A_1024 = arith.constant 0 : i32
        %get3A_1025 = arith.index_cast %get3A_1024 : i32 to index
        %get3A_1026 = arith.index_cast %add3A_980 : i32 to index
        %get3A_1027 = arith.constant 48 : index
        %get3A_1028 = tpu.vector_load %arg6[%get3A_1025, %get3A_1026, %get3A_1027] {strides = array<i32>} : memref<2x256x64xf32, #tpu.memory_space<vmem>>, vector<16xf32>,
        %add3A_1029 = arith.constant 102 : i32
        %add3A_1030 = arith.addi %mul3A_986, %add3A_1029 : i32
        %add3A_1031 = vector.broadcast %add3A_1030 : i32 to vector<16xi32>
        %add3A_1032 = arith.addi %add3A_10, %add3A_1031 : vector<16xi32>
        %scatter3A_1033 = arith.constant 0 : i32
        %scatter3A_1034 = arith.constant 0 : i32
        %scatter3A_1035 = tpu.memref_slice %arg7[%scan3A_511, %scatter3A_1033, %scatter3A_1034] : memref<2x136x129xf32, #tpu.memory_space<vmem>> -> memref<1x136x129xf32, #tpu.memory_space<vmem>>
        %scatter3A_1036 = tpu.memref_squeeze %scatter3A_1035 : memref<1x136x129xf32, #tpu.memory_space<vmem>> -> memref<136x129xf32, #tpu.memory_space<vmem>>
        tpu.vector_store_idx %scatter3A_1036[%add3A_1032, %broadcast_in_dim3A], %get3A_1028 : memref<136x129xf32, #tpu.memory_space<vmem>>[vector<16xi32>, vector<16xi32>], vector<16xf32>,
        %mul3A_1037 = arith.constant 4 : i32
        %mul3A_1038 = arith.muli %scan3A_975, %mul3A_1037 : i32
        %add3A_1039 = arith.constant 1 : i32
        %add3A_1040 = arith.addi %mul3A_1038, %add3A_1039 : i32
        %and3A_1041 = arith.constant 127 : i32
        %and3A_1042 = arith.andi %add3A_1040, %and3A_1041 : i32
        %broadcast_in_dim3A_1043 = vector.broadcast %and3A_1042 : i32 to vector<16xi32>
        %shift_right_arithmetic3A_1044 = arith.constant 7 : i32
        %shift_right_arithmetic3A_1045 = arith.shrsi %add3A_1040, %shift_right_arithmetic3A_1044 : i32
        %mul3A_1046 = arith.constant 8 : i32
        %mul3A_1047 = arith.muli %shift_right_arithmetic3A_1045, %mul3A_1046 : i32
        %get3A_1048 = arith.constant 0 : i32
        %get3A_1049 = arith.index_cast %get3A_1048 : i32 to index
        %get3A_1050 = arith.index_cast %add3A_1040 : i32 to index
        %get3A_1051 = arith.constant 0 : index
        %get3A_1052 = tpu.vector_load %arg6[%get3A_1049, %get3A_1050, %get3A_1051] {strides = array<i32>} : memref<2x256x64xf32, #tpu.memory_space<vmem>>, vector<16xf32>,
        %add3A_1053 = arith.constant 0 : i32
        %add3A_1054 = arith.addi %mul3A_1047, %add3A_1053 : i32
        %add3A_1055 = vector.broadcast %add3A_1054 : i32 to vector<16xi32>
        %add3A_1056 = arith.addi %add3A_10, %add3A_1055 : vector<16xi32>
        %scatter3A_1057 = arith.constant 0 : i32
        %scatter3A_1058 = arith.constant 0 : i32
        %scatter3A_1059 = tpu.memref_slice %arg7[%scan3A_511, %scatter3A_1057, %scatter3A_1058] : memref<2x136x129xf32, #tpu.memory_space<vmem>> -> memref<1x136x129xf32, #tpu.memory_space<vmem>>
        %scatter3A_1060 = tpu.memref_squeeze %scatter3A_1059 : memref<1x136x129xf32, #tpu.memory_space<vmem>> -> memref<136x129xf32, #tpu.memory_space<vmem>>
        tpu.vector_store_idx %scatter3A_1060[%add3A_1056, %broadcast_in_dim3A_1043], %get3A_1052 : memref<136x129xf32, #tpu.memory_space<vmem>>[vector<16xi32>, vector<16xi32>], vector<16xf32>,
        %get3A_1061 = arith.constant 0 : i32
        %get3A_1062 = arith.index_cast %get3A_1061 : i32 to index
        %get3A_1063 = arith.index_cast %add3A_1040 : i32 to index
        %get3A_1064 = arith.constant 16 : index
        %get3A_1065 = tpu.vector_load %arg6[%get3A_1062, %get3A_1063, %get3A_1064] {strides = array<i32>} : memref<2x256x64xf32, #tpu.memory_space<vmem>>, vector<16xf32>,
        %add3A_1066 = arith.constant 34 : i32
        %add3A_1067 = arith.addi %mul3A_1047, %add3A_1066 : i32
        %add3A_1068 = vector.broadcast %add3A_1067 : i32 to vector<16xi32>
        %add3A_1069 = arith.addi %add3A_10, %add3A_1068 : vector<16xi32>
        %scatter3A_1070 = arith.constant 0 : i32
        %scatter3A_1071 = arith.constant 0 : i32
        %scatter3A_1072 = tpu.memref_slice %arg7[%scan3A_511, %scatter3A_1070, %scatter3A_1071] : memref<2x136x129xf32, #tpu.memory_space<vmem>> -> memref<1x136x129xf32, #tpu.memory_space<vmem>>
        %scatter3A_1073 = tpu.memref_squeeze %scatter3A_1072 : memref<1x136x129xf32, #tpu.memory_space<vmem>> -> memref<136x129xf32, #tpu.memory_space<vmem>>
        tpu.vector_store_idx %scatter3A_1073[%add3A_1069, %broadcast_in_dim3A_1043], %get3A_1065 : memref<136x129xf32, #tpu.memory_space<vmem>>[vector<16xi32>, vector<16xi32>], vector<16xf32>,
        %get3A_1074 = arith.constant 0 : i32
        %get3A_1075 = arith.index_cast %get3A_1074 : i32 to index
        %get3A_1076 = arith.index_cast %add3A_1040 : i32 to index
        %get3A_1077 = arith.constant 32 : index
        %get3A_1078 = tpu.vector_load %arg6[%get3A_1075, %get3A_1076, %get3A_1077] {strides = array<i32>} : memref<2x256x64xf32, #tpu.memory_space<vmem>>, vector<16xf32>,
        %add3A_1079 = arith.constant 68 : i32
        %add3A_1080 = arith.addi %mul3A_1047, %add3A_1079 : i32
        %add3A_1081 = vector.broadcast %add3A_1080 : i32 to vector<16xi32>
        %add3A_1082 = arith.addi %add3A_10, %add3A_1081 : vector<16xi32>
        %scatter3A_1083 = arith.constant 0 : i32
        %scatter3A_1084 = arith.constant 0 : i32
        %scatter3A_1085 = tpu.memref_slice %arg7[%scan3A_511, %scatter3A_1083, %scatter3A_1084] : memref<2x136x129xf32, #tpu.memory_space<vmem>> -> memref<1x136x129xf32, #tpu.memory_space<vmem>>
        %scatter3A_1086 = tpu.memref_squeeze %scatter3A_1085 : memref<1x136x129xf32, #tpu.memory_space<vmem>> -> memref<136x129xf32, #tpu.memory_space<vmem>>
        tpu.vector_store_idx %scatter3A_1086[%add3A_1082, %broadcast_in_dim3A_1043], %get3A_1078 : memref<136x129xf32, #tpu.memory_space<vmem>>[vector<16xi32>, vector<16xi32>], vector<16xf32>,
        %get3A_1087 = arith.constant 0 : i32
        %get3A_1088 = arith.index_cast %get3A_1087 : i32 to index
        %get3A_1089 = arith.index_cast %add3A_1040 : i32 to index
        %get3A_1090 = arith.constant 48 : index
        %get3A_1091 = tpu.vector_load %arg6[%get3A_1088, %get3A_1089, %get3A_1090] {strides = array<i32>} : memref<2x256x64xf32, #tpu.memory_space<vmem>>, vector<16xf32>,
        %add3A_1092 = arith.constant 102 : i32
        %add3A_1093 = arith.addi %mul3A_1047, %add3A_1092 : i32
        %add3A_1094 = vector.broadcast %add3A_1093 : i32 to vector<16xi32>
        %add3A_1095 = arith.addi %add3A_10, %add3A_1094 : vector<16xi32>
        %scatter3A_1096 = arith.constant 0 : i32
        %scatter3A_1097 = arith.constant 0 : i32
        %scatter3A_1098 = tpu.memref_slice %arg7[%scan3A_511, %scatter3A_1096, %scatter3A_1097] : memref<2x136x129xf32, #tpu.memory_space<vmem>> -> memref<1x136x129xf32, #tpu.memory_space<vmem>>
        %scatter3A_1099 = tpu.memref_squeeze %scatter3A_1098 : memref<1x136x129xf32, #tpu.memory_space<vmem>> -> memref<136x129xf32, #tpu.memory_space<vmem>>
        tpu.vector_store_idx %scatter3A_1099[%add3A_1095, %broadcast_in_dim3A_1043], %get3A_1091 : memref<136x129xf32, #tpu.memory_space<vmem>>[vector<16xi32>, vector<16xi32>], vector<16xf32>,
        %mul3A_1100 = arith.constant 4 : i32
        %mul3A_1101 = arith.muli %scan3A_975, %mul3A_1100 : i32
        %add3A_1102 = arith.constant 2 : i32
        %add3A_1103 = arith.addi %mul3A_1101, %add3A_1102 : i32
        %and3A_1104 = arith.constant 127 : i32
        %and3A_1105 = arith.andi %add3A_1103, %and3A_1104 : i32
        %broadcast_in_dim3A_1106 = vector.broadcast %and3A_1105 : i32 to vector<16xi32>
        %shift_right_arithmetic3A_1107 = arith.constant 7 : i32
        %shift_right_arithmetic3A_1108 = arith.shrsi %add3A_1103, %shift_right_arithmetic3A_1107 : i32
        %mul3A_1109 = arith.constant 8 : i32
        %mul3A_1110 = arith.muli %shift_right_arithmetic3A_1108, %mul3A_1109 : i32
        %get3A_1111 = arith.constant 0 : i32
        %get3A_1112 = arith.index_cast %get3A_1111 : i32 to index
        %get3A_1113 = arith.index_cast %add3A_1103 : i32 to index
        %get3A_1114 = arith.constant 0 : index
        %get3A_1115 = tpu.vector_load %arg6[%get3A_1112, %get3A_1113, %get3A_1114] {strides = array<i32>} : memref<2x256x64xf32, #tpu.memory_space<vmem>>, vector<16xf32>,
        %add3A_1116 = arith.constant 0 : i32
        %add3A_1117 = arith.addi %mul3A_1110, %add3A_1116 : i32
        %add3A_1118 = vector.broadcast %add3A_1117 : i32 to vector<16xi32>
        %add3A_1119 = arith.addi %add3A_10, %add3A_1118 : vector<16xi32>
        %scatter3A_1120 = arith.constant 0 : i32
        %scatter3A_1121 = arith.constant 0 : i32
        %scatter3A_1122 = tpu.memref_slice %arg7[%scan3A_511, %scatter3A_1120, %scatter3A_1121] : memref<2x136x129xf32, #tpu.memory_space<vmem>> -> memref<1x136x129xf32, #tpu.memory_space<vmem>>
        %scatter3A_1123 = tpu.memref_squeeze %scatter3A_1122 : memref<1x136x129xf32, #tpu.memory_space<vmem>> -> memref<136x129xf32, #tpu.memory_space<vmem>>
        tpu.vector_store_idx %scatter3A_1123[%add3A_1119, %broadcast_in_dim3A_1106], %get3A_1115 : memref<136x129xf32, #tpu.memory_space<vmem>>[vector<16xi32>, vector<16xi32>], vector<16xf32>,
        %get3A_1124 = arith.constant 0 : i32
        %get3A_1125 = arith.index_cast %get3A_1124 : i32 to index
        %get3A_1126 = arith.index_cast %add3A_1103 : i32 to index
        %get3A_1127 = arith.constant 16 : index
        %get3A_1128 = tpu.vector_load %arg6[%get3A_1125, %get3A_1126, %get3A_1127] {strides = array<i32>} : memref<2x256x64xf32, #tpu.memory_space<vmem>>, vector<16xf32>,
        %add3A_1129 = arith.constant 34 : i32
        %add3A_1130 = arith.addi %mul3A_1110, %add3A_1129 : i32
        %add3A_1131 = vector.broadcast %add3A_1130 : i32 to vector<16xi32>
        %add3A_1132 = arith.addi %add3A_10, %add3A_1131 : vector<16xi32>
        %scatter3A_1133 = arith.constant 0 : i32
        %scatter3A_1134 = arith.constant 0 : i32
        %scatter3A_1135 = tpu.memref_slice %arg7[%scan3A_511, %scatter3A_1133, %scatter3A_1134] : memref<2x136x129xf32, #tpu.memory_space<vmem>> -> memref<1x136x129xf32, #tpu.memory_space<vmem>>
        %scatter3A_1136 = tpu.memref_squeeze %scatter3A_1135 : memref<1x136x129xf32, #tpu.memory_space<vmem>> -> memref<136x129xf32, #tpu.memory_space<vmem>>
        tpu.vector_store_idx %scatter3A_1136[%add3A_1132, %broadcast_in_dim3A_1106], %get3A_1128 : memref<136x129xf32, #tpu.memory_space<vmem>>[vector<16xi32>, vector<16xi32>], vector<16xf32>,
        %get3A_1137 = arith.constant 0 : i32
        %get3A_1138 = arith.index_cast %get3A_1137 : i32 to index
        %get3A_1139 = arith.index_cast %add3A_1103 : i32 to index
        %get3A_1140 = arith.constant 32 : index
        %get3A_1141 = tpu.vector_load %arg6[%get3A_1138, %get3A_1139, %get3A_1140] {strides = array<i32>} : memref<2x256x64xf32, #tpu.memory_space<vmem>>, vector<16xf32>,
        %add3A_1142 = arith.constant 68 : i32
        %add3A_1143 = arith.addi %mul3A_1110, %add3A_1142 : i32
        %add3A_1144 = vector.broadcast %add3A_1143 : i32 to vector<16xi32>
        %add3A_1145 = arith.addi %add3A_10, %add3A_1144 : vector<16xi32>
        %scatter3A_1146 = arith.constant 0 : i32
        %scatter3A_1147 = arith.constant 0 : i32
        %scatter3A_1148 = tpu.memref_slice %arg7[%scan3A_511, %scatter3A_1146, %scatter3A_1147] : memref<2x136x129xf32, #tpu.memory_space<vmem>> -> memref<1x136x129xf32, #tpu.memory_space<vmem>>
        %scatter3A_1149 = tpu.memref_squeeze %scatter3A_1148 : memref<1x136x129xf32, #tpu.memory_space<vmem>> -> memref<136x129xf32, #tpu.memory_space<vmem>>
        tpu.vector_store_idx %scatter3A_1149[%add3A_1145, %broadcast_in_dim3A_1106], %get3A_1141 : memref<136x129xf32, #tpu.memory_space<vmem>>[vector<16xi32>, vector<16xi32>], vector<16xf32>,
        %get3A_1150 = arith.constant 0 : i32
        %get3A_1151 = arith.index_cast %get3A_1150 : i32 to index
        %get3A_1152 = arith.index_cast %add3A_1103 : i32 to index
        %get3A_1153 = arith.constant 48 : index
        %get3A_1154 = tpu.vector_load %arg6[%get3A_1151, %get3A_1152, %get3A_1153] {strides = array<i32>} : memref<2x256x64xf32, #tpu.memory_space<vmem>>, vector<16xf32>,
        %add3A_1155 = arith.constant 102 : i32
        %add3A_1156 = arith.addi %mul3A_1110, %add3A_1155 : i32
        %add3A_1157 = vector.broadcast %add3A_1156 : i32 to vector<16xi32>
        %add3A_1158 = arith.addi %add3A_10, %add3A_1157 : vector<16xi32>
        %scatter3A_1159 = arith.constant 0 : i32
        %scatter3A_1160 = arith.constant 0 : i32
        %scatter3A_1161 = tpu.memref_slice %arg7[%scan3A_511, %scatter3A_1159, %scatter3A_1160] : memref<2x136x129xf32, #tpu.memory_space<vmem>> -> memref<1x136x129xf32, #tpu.memory_space<vmem>>
        %scatter3A_1162 = tpu.memref_squeeze %scatter3A_1161 : memref<1x136x129xf32, #tpu.memory_space<vmem>> -> memref<136x129xf32, #tpu.memory_space<vmem>>
        tpu.vector_store_idx %scatter3A_1162[%add3A_1158, %broadcast_in_dim3A_1106], %get3A_1154 : memref<136x129xf32, #tpu.memory_space<vmem>>[vector<16xi32>, vector<16xi32>], vector<16xf32>,
        %mul3A_1163 = arith.constant 4 : i32
        %mul3A_1164 = arith.muli %scan3A_975, %mul3A_1163 : i32
        %add3A_1165 = arith.constant 3 : i32
        %add3A_1166 = arith.addi %mul3A_1164, %add3A_1165 : i32
        %and3A_1167 = arith.constant 127 : i32
        %and3A_1168 = arith.andi %add3A_1166, %and3A_1167 : i32
        %broadcast_in_dim3A_1169 = vector.broadcast %and3A_1168 : i32 to vector<16xi32>
        %shift_right_arithmetic3A_1170 = arith.constant 7 : i32
        %shift_right_arithmetic3A_1171 = arith.shrsi %add3A_1166, %shift_right_arithmetic3A_1170 : i32
        %mul3A_1172 = arith.constant 8 : i32
        %mul3A_1173 = arith.muli %shift_right_arithmetic3A_1171, %mul3A_1172 : i32
        %get3A_1174 = arith.constant 0 : i32
        %get3A_1175 = arith.index_cast %get3A_1174 : i32 to index
        %get3A_1176 = arith.index_cast %add3A_1166 : i32 to index
        %get3A_1177 = arith.constant 0 : index
        %get3A_1178 = tpu.vector_load %arg6[%get3A_1175, %get3A_1176, %get3A_1177] {strides = array<i32>} : memref<2x256x64xf32, #tpu.memory_space<vmem>>, vector<16xf32>,
        %add3A_1179 = arith.constant 0 : i32
        %add3A_1180 = arith.addi %mul3A_1173, %add3A_1179 : i32
        %add3A_1181 = vector.broadcast %add3A_1180 : i32 to vector<16xi32>
        %add3A_1182 = arith.addi %add3A_10, %add3A_1181 : vector<16xi32>
        %scatter3A_1183 = arith.constant 0 : i32
        %scatter3A_1184 = arith.constant 0 : i32
        %scatter3A_1185 = tpu.memref_slice %arg7[%scan3A_511, %scatter3A_1183, %scatter3A_1184] : memref<2x136x129xf32, #tpu.memory_space<vmem>> -> memref<1x136x129xf32, #tpu.memory_space<vmem>>
        %scatter3A_1186 = tpu.memref_squeeze %scatter3A_1185 : memref<1x136x129xf32, #tpu.memory_space<vmem>> -> memref<136x129xf32, #tpu.memory_space<vmem>>
        tpu.vector_store_idx %scatter3A_1186[%add3A_1182, %broadcast_in_dim3A_1169], %get3A_1178 : memref<136x129xf32, #tpu.memory_space<vmem>>[vector<16xi32>, vector<16xi32>], vector<16xf32>,
        %get3A_1187 = arith.constant 0 : i32
        %get3A_1188 = arith.index_cast %get3A_1187 : i32 to index
        %get3A_1189 = arith.index_cast %add3A_1166 : i32 to index
        %get3A_1190 = arith.constant 16 : index
        %get3A_1191 = tpu.vector_load %arg6[%get3A_1188, %get3A_1189, %get3A_1190] {strides = array<i32>} : memref<2x256x64xf32, #tpu.memory_space<vmem>>, vector<16xf32>,
        %add3A_1192 = arith.constant 34 : i32
        %add3A_1193 = arith.addi %mul3A_1173, %add3A_1192 : i32
        %add3A_1194 = vector.broadcast %add3A_1193 : i32 to vector<16xi32>
        %add3A_1195 = arith.addi %add3A_10, %add3A_1194 : vector<16xi32>
        %scatter3A_1196 = arith.constant 0 : i32
        %scatter3A_1197 = arith.constant 0 : i32
        %scatter3A_1198 = tpu.memref_slice %arg7[%scan3A_511, %scatter3A_1196, %scatter3A_1197] : memref<2x136x129xf32, #tpu.memory_space<vmem>> -> memref<1x136x129xf32, #tpu.memory_space<vmem>>
        %scatter3A_1199 = tpu.memref_squeeze %scatter3A_1198 : memref<1x136x129xf32, #tpu.memory_space<vmem>> -> memref<136x129xf32, #tpu.memory_space<vmem>>
        tpu.vector_store_idx %scatter3A_1199[%add3A_1195, %broadcast_in_dim3A_1169], %get3A_1191 : memref<136x129xf32, #tpu.memory_space<vmem>>[vector<16xi32>, vector<16xi32>], vector<16xf32>,
        %get3A_1200 = arith.constant 0 : i32
        %get3A_1201 = arith.index_cast %get3A_1200 : i32 to index
        %get3A_1202 = arith.index_cast %add3A_1166 : i32 to index
        %get3A_1203 = arith.constant 32 : index
        %get3A_1204 = tpu.vector_load %arg6[%get3A_1201, %get3A_1202, %get3A_1203] {strides = array<i32>} : memref<2x256x64xf32, #tpu.memory_space<vmem>>, vector<16xf32>,
        %add3A_1205 = arith.constant 68 : i32
        %add3A_1206 = arith.addi %mul3A_1173, %add3A_1205 : i32
        %add3A_1207 = vector.broadcast %add3A_1206 : i32 to vector<16xi32>
        %add3A_1208 = arith.addi %add3A_10, %add3A_1207 : vector<16xi32>
        %scatter3A_1209 = arith.constant 0 : i32
        %scatter3A_1210 = arith.constant 0 : i32
        %scatter3A_1211 = tpu.memref_slice %arg7[%scan3A_511, %scatter3A_1209, %scatter3A_1210] : memref<2x136x129xf32, #tpu.memory_space<vmem>> -> memref<1x136x129xf32, #tpu.memory_space<vmem>>
        %scatter3A_1212 = tpu.memref_squeeze %scatter3A_1211 : memref<1x136x129xf32, #tpu.memory_space<vmem>> -> memref<136x129xf32, #tpu.memory_space<vmem>>
        tpu.vector_store_idx %scatter3A_1212[%add3A_1208, %broadcast_in_dim3A_1169], %get3A_1204 : memref<136x129xf32, #tpu.memory_space<vmem>>[vector<16xi32>, vector<16xi32>], vector<16xf32>,
        %get3A_1213 = arith.constant 0 : i32
        %get3A_1214 = arith.index_cast %get3A_1213 : i32 to index
        %get3A_1215 = arith.index_cast %add3A_1166 : i32 to index
        %get3A_1216 = arith.constant 48 : index
        %get3A_1217 = tpu.vector_load %arg6[%get3A_1214, %get3A_1215, %get3A_1216] {strides = array<i32>} : memref<2x256x64xf32, #tpu.memory_space<vmem>>, vector<16xf32>,
        %add3A_1218 = arith.constant 102 : i32
        %add3A_1219 = arith.addi %mul3A_1173, %add3A_1218 : i32
        %add3A_1220 = vector.broadcast %add3A_1219 : i32 to vector<16xi32>
        %add3A_1221 = arith.addi %add3A_10, %add3A_1220 : vector<16xi32>
        %scatter3A_1222 = arith.constant 0 : i32
        %scatter3A_1223 = arith.constant 0 : i32
        %scatter3A_1224 = tpu.memref_slice %arg7[%scan3A_511, %scatter3A_1222, %scatter3A_1223] : memref<2x136x129xf32, #tpu.memory_space<vmem>> -> memref<1x136x129xf32, #tpu.memory_space<vmem>>
        %scatter3A_1225 = tpu.memref_squeeze %scatter3A_1224 : memref<1x136x129xf32, #tpu.memory_space<vmem>> -> memref<136x129xf32, #tpu.memory_space<vmem>>
        tpu.vector_store_idx %scatter3A_1225[%add3A_1221, %broadcast_in_dim3A_1169], %get3A_1217 : memref<136x129xf32, #tpu.memory_space<vmem>>[vector<16xi32>, vector<16xi32>], vector<16xf32>,
        %scan3A_1226 = arith.constant 0 : i32
        scf.yield %scan3A_1226 : i32
      }
      %scan3A_518 = arith.constant 64 : i32
      %add3A_519 = arith.addi %mul3A_2, %mul3A_489 : i32
      %jit3A_520 = arith.constant 16 : i32
      %div3A_521 = arith.divsi %add3A_519, %jit3A_520 : i32
      %sign3A_522 = arith.constant 0 : i32
      %sign3A_523 = arith.cmpi sgt, %add3A_519, %sign3A_522 : i32
      %sign3A_524 = arith.extui %sign3A_523 : i1 to i32
      %sign3A_525 = arith.constant 0 : i32
      %sign3A_526 = arith.cmpi slt, %add3A_519, %sign3A_525 : i32
      %sign3A_527 = arith.extui %sign3A_526 : i1 to i32
      %sign3A_528 = arith.subi %sign3A_524, %sign3A_527 : i32
      %sign3A_529 = arith.constant 0 : i32
      %sign3A_530 = arith.cmpi sgt, %jit3A_520, %sign3A_529 : i32
      %sign3A_531 = arith.extui %sign3A_530 : i1 to i32
      %sign3A_532 = arith.constant 0 : i32
      %sign3A_533 = arith.cmpi slt, %jit3A_520, %sign3A_532 : i32
      %sign3A_534 = arith.extui %sign3A_533 : i1 to i32
      %sign3A_535 = arith.subi %sign3A_531, %sign3A_534 : i32
      %ne3A_536 = arith.cmpi ne, %sign3A_528, %sign3A_535 : i32
      %rem3A_537 = arith.remsi %add3A_519, %jit3A_520 : i32
      %ne3A_538 = arith.constant 0 : i32
      %ne3A_539 = arith.cmpi ne, %rem3A_537, %ne3A_538 : i32
      %and3A_540 = arith.andi %ne3A_536, %ne3A_539 : i1
      %sub3A_541 = arith.constant 1 : i32
      %sub3A_542 = arith.subi %div3A_521, %sub3A_541 : i32
      %select_n3A_543 = arith.select %and3A_540, %sub3A_542, %div3A_521 : i32
      %add3A_544 = arith.addi %mul3A_2, %mul3A_489 : i32
      %jit3A_545 = arith.constant 16 : i32
      %eq3A_546 = arith.constant 0 : i32
      %eq3A_547 = arith.cmpi eq, %jit3A_545, %eq3A_546 : i32
      %jit3A_548 = arith.constant 1 : i32
      %select_n3A_549 = arith.select %eq3A_547, %jit3A_548, %jit3A_545 : i32
      %rem3A_550 = arith.remsi %add3A_544, %select_n3A_549 : i32
      %ne3A_551 = arith.constant 0 : i32
      %ne3A_552 = arith.cmpi ne, %rem3A_550, %ne3A_551 : i32
      %lt3A_553 = arith.constant 0 : i32
      %lt3A_554 = arith.cmpi slt, %rem3A_550, %lt3A_553 : i32
      %lt3A_555 = arith.constant 0 : i32
      %lt3A_556 = arith.cmpi slt, %select_n3A_549, %lt3A_555 : i32
      %ne3A_557 = arith.xori %lt3A_554, %lt3A_556 : i1
      %and3A_558 = arith.andi %ne3A_557, %ne3A_552 : i1
      %add3A_559 = arith.addi %rem3A_550, %select_n3A_549 : i32
      %select_n3A_560 = arith.select %and3A_558, %add3A_559, %rem3A_550 : i32
      %mul3A_561 = arith.constant 2 : i32
      %mul3A_562 = arith.muli %select_n3A_560, %mul3A_561 : i32
      %mul3A_563 = arith.constant 8 : i32
      %mul3A_564 = arith.muli %mul3A_562, %mul3A_563 : i32
      %add3A_565 = arith.constant 0 : i32
      %add3A_566 = arith.addi %add3A_565, %mul3A_564 : i32
      %mul3A_567 = arith.constant 2 : i32
      %mul3A_568 = arith.muli %select_n3A_560, %mul3A_567 : i32
      %mul3A_569 = arith.constant 8 : i32
      %mul3A_570 = arith.muli %mul3A_568, %mul3A_569 : i32
      %add3A_571 = arith.constant 256 : i32
      %add3A_572 = arith.addi %add3A_571, %mul3A_570 : i32
      %mul3A_573 = arith.constant 2 : i32
      %mul3A_574 = arith.muli %select_n3A_560, %mul3A_573 : i32
      %mul3A_575 = arith.constant 8 : i32
      %mul3A_576 = arith.muli %mul3A_574, %mul3A_575 : i32
      %add3A_577 = arith.constant 512 : i32
      %add3A_578 = arith.addi %add3A_577, %mul3A_576 : i32
      %mul3A_579 = arith.constant 2 : i32
      %mul3A_580 = arith.muli %select_n3A_560, %mul3A_579 : i32
      %mul3A_581 = arith.constant 8 : i32
      %mul3A_582 = arith.muli %mul3A_580, %mul3A_581 : i32
      %add3A_583 = arith.constant 768 : i32
      %add3A_584 = arith.addi %add3A_583, %mul3A_582 : i32
      %mul3A_585 = arith.constant 2 : i32
      %mul3A_586 = arith.muli %select_n3A_560, %mul3A_585 : i32
      %mul3A_587 = arith.constant 8 : i32
      %mul3A_588 = arith.muli %mul3A_586, %mul3A_587 : i32
      %add3A_589 = arith.constant 1024 : i32
      %add3A_590 = arith.addi %add3A_589, %mul3A_588 : i32
      %mul3A_591 = arith.constant 2 : i32
      %mul3A_592 = arith.muli %select_n3A_560, %mul3A_591 : i32
      %mul3A_593 = arith.constant 8 : i32
      %mul3A_594 = arith.muli %mul3A_592, %mul3A_593 : i32
      %add3A_595 = arith.constant 1280 : i32
      %add3A_596 = arith.addi %add3A_595, %mul3A_594 : i32
      %mul3A_597 = arith.constant 2 : i32
      %mul3A_598 = arith.muli %select_n3A_560, %mul3A_597 : i32
      %mul3A_599 = arith.constant 8 : i32
      %mul3A_600 = arith.muli %mul3A_598, %mul3A_599 : i32
      %add3A_601 = arith.constant 1536 : i32
      %add3A_602 = arith.addi %add3A_601, %mul3A_600 : i32
      %mul3A_603 = arith.constant 2 : i32
      %mul3A_604 = arith.muli %select_n3A_560, %mul3A_603 : i32
      %mul3A_605 = arith.constant 8 : i32
      %mul3A_606 = arith.muli %mul3A_604, %mul3A_605 : i32
      %add3A_607 = arith.constant 1792 : i32
      %add3A_608 = arith.addi %add3A_607, %mul3A_606 : i32
      %dma_start3A_609 = arith.constant 0 : i32
      %dma_start3A_610 = arith.constant 0 : i32
      %dma_start3A_611 = arith.constant 0 : i32
      %dma_start3A_612 = tpu.memref_slice %arg7[%dma_start3A_609, %dma_start3A_610, %dma_start3A_611] : memref<2x136x129xf32, #tpu.memory_space<vmem>> -> memref<1x16x128xf32, #tpu.memory_space<vmem>>
      %dma_start3A_613 = tpu.memref_squeeze %dma_start3A_612 : memref<1x16x128xf32, #tpu.memory_space<vmem>> -> memref<16x128xf32, #tpu.memory_space<vmem>>
      %dma_start3A_614 = arith.constant 0 : i32
      %dma_start3A_615 = tpu.memref_slice %arg4[%select_n3A_543, %add3A_566, %dma_start3A_614] : memref<200x2048x128xf32, #tpu.memory_space<hbm>> -> memref<1x16x128xf32, #tpu.memory_space<hbm>>
      %dma_start3A_616 = tpu.memref_squeeze %dma_start3A_615 : memref<1x16x128xf32, #tpu.memory_space<hbm>> -> memref<16x128xf32, #tpu.memory_space<hbm>>
      %dma_start3A_617 = arith.constant 0 : i32
      %dma_start3A_618 = tpu.memref_slice %arg4[%select_n3A_543, %add3A_566, %dma_start3A_617] : memref<200x2048x128xf32, #tpu.memory_space<hbm>> -> memref<1x16x128xf32, #tpu.memory_space<hbm>>
      %dma_start3A_619 = tpu.memref_squeeze %dma_start3A_618 : memref<1x16x128xf32, #tpu.memory_space<hbm>> -> memref<16x128xf32, #tpu.memory_space<hbm>>
      %dma_start3A_620 = arith.constant 0 : i32
      %dma_start3A_621 = arith.constant 0 : i32
      %dma_start3A_622 = tpu.memref_slice %arg7[%dma_start3A_609, %dma_start3A_620, %dma_start3A_621] : memref<2x136x129xf32, #tpu.memory_space<vmem>> -> memref<1x16x128xf32, #tpu.memory_space<vmem>>
      %dma_start3A_623 = tpu.memref_squeeze %dma_start3A_622 : memref<1x16x128xf32, #tpu.memory_space<vmem>> -> memref<16x128xf32, #tpu.memory_space<vmem>>
      tpu.enqueue_dma source(%dma_start3A_623 : memref<16x128xf32, #tpu.memory_space<vmem>>) target(%dma_start3A_619 : memref<16x128xf32, #tpu.memory_space<hbm>>) target_semaphore(%arg10 : memref<!tpu.dma_semaphore, #tpu.memory_space<semaphore_mem>>)
      %dma_start3A_624 = arith.constant 0 : i32
      %dma_start3A_625 = arith.constant 17 : i32
      %dma_start3A_626 = arith.constant 0 : i32
      %dma_start3A_627 = tpu.memref_slice %arg7[%dma_start3A_624, %dma_start3A_625, %dma_start3A_626] : memref<2x136x129xf32, #tpu.memory_space<vmem>> -> memref<1x16x128xf32, #tpu.memory_space<vmem>>
      %dma_start3A_628 = tpu.memref_squeeze %dma_start3A_627 : memref<1x16x128xf32, #tpu.memory_space<vmem>> -> memref<16x128xf32, #tpu.memory_space<vmem>>
      %dma_start3A_629 = arith.constant 0 : i32
      %dma_start3A_630 = tpu.memref_slice %arg4[%select_n3A_543, %add3A_572, %dma_start3A_629] : memref<200x2048x128xf32, #tpu.memory_space<hbm>> -> memref<1x16x128xf32, #tpu.memory_space<hbm>>
      %dma_start3A_631 = tpu.memref_squeeze %dma_start3A_630 : memref<1x16x128xf32, #tpu.memory_space<hbm>> -> memref<16x128xf32, #tpu.memory_space<hbm>>
      %dma_start3A_632 = arith.constant 0 : i32
      %dma_start3A_633 = tpu.memref_slice %arg4[%select_n3A_543, %add3A_572, %dma_start3A_632] : memref<200x2048x128xf32, #tpu.memory_space<hbm>> -> memref<1x16x128xf32, #tpu.memory_space<hbm>>
      %dma_start3A_634 = tpu.memref_squeeze %dma_start3A_633 : memref<1x16x128xf32, #tpu.memory_space<hbm>> -> memref<16x128xf32, #tpu.memory_space<hbm>>
      %dma_start3A_635 = arith.constant 17 : i32
      %dma_start3A_636 = arith.constant 0 : i32
      %dma_start3A_637 = tpu.memref_slice %arg7[%dma_start3A_624, %dma_start3A_635, %dma_start3A_636] : memref<2x136x129xf32, #tpu.memory_space<vmem>> -> memref<1x16x128xf32, #tpu.memory_space<vmem>>
      %dma_start3A_638 = tpu.memref_squeeze %dma_start3A_637 : memref<1x16x128xf32, #tpu.memory_space<vmem>> -> memref<16x128xf32, #tpu.memory_space<vmem>>
      tpu.enqueue_dma source(%dma_start3A_638 : memref<16x128xf32, #tpu.memory_space<vmem>>) target(%dma_start3A_634 : memref<16x128xf32, #tpu.memory_space<hbm>>) target_semaphore(%arg10 : memref<!tpu.dma_semaphore, #tpu.memory_space<semaphore_mem>>)
      %dma_start3A_639 = arith.constant 0 : i32
      %dma_start3A_640 = arith.constant 34 : i32
      %dma_start3A_641 = arith.constant 0 : i32
      %dma_start3A_642 = tpu.memref_slice %arg7[%dma_start3A_639, %dma_start3A_640, %dma_start3A_641] : memref<2x136x129xf32, #tpu.memory_space<vmem>> -> memref<1x16x128xf32, #tpu.memory_space<vmem>>
      %dma_start3A_643 = tpu.memref_squeeze %dma_start3A_642 : memref<1x16x128xf32, #tpu.memory_space<vmem>> -> memref<16x128xf32, #tpu.memory_space<vmem>>
      %dma_start3A_644 = arith.constant 0 : i32
      %dma_start3A_645 = tpu.memref_slice %arg4[%select_n3A_543, %add3A_578, %dma_start3A_644] : memref<200x2048x128xf32, #tpu.memory_space<hbm>> -> memref<1x16x128xf32, #tpu.memory_space<hbm>>
      %dma_start3A_646 = tpu.memref_squeeze %dma_start3A_645 : memref<1x16x128xf32, #tpu.memory_space<hbm>> -> memref<16x128xf32, #tpu.memory_space<hbm>>
      %dma_start3A_647 = arith.constant 0 : i32
      %dma_start3A_648 = tpu.memref_slice %arg4[%select_n3A_543, %add3A_578, %dma_start3A_647] : memref<200x2048x128xf32, #tpu.memory_space<hbm>> -> memref<1x16x128xf32, #tpu.memory_space<hbm>>
      %dma_start3A_649 = tpu.memref_squeeze %dma_start3A_648 : memref<1x16x128xf32, #tpu.memory_space<hbm>> -> memref<16x128xf32, #tpu.memory_space<hbm>>
      %dma_start3A_650 = arith.constant 34 : i32
      %dma_start3A_651 = arith.constant 0 : i32
      %dma_start3A_652 = tpu.memref_slice %arg7[%dma_start3A_639, %dma_start3A_650, %dma_start3A_651] : memref<2x136x129xf32, #tpu.memory_space<vmem>> -> memref<1x16x128xf32, #tpu.memory_space<vmem>>
      %dma_start3A_653 = tpu.memref_squeeze %dma_start3A_652 : memref<1x16x128xf32, #tpu.memory_space<vmem>> -> memref<16x128xf32, #tpu.memory_space<vmem>>
      tpu.enqueue_dma source(%dma_start3A_653 : memref<16x128xf32, #tpu.memory_space<vmem>>) target(%dma_start3A_649 : memref<16x128xf32, #tpu.memory_space<hbm>>) target_semaphore(%arg10 : memref<!tpu.dma_semaphore, #tpu.memory_space<semaphore_mem>>)
      %dma_start3A_654 = arith.constant 0 : i32
      %dma_start3A_655 = arith.constant 51 : i32
      %dma_start3A_656 = arith.constant 0 : i32
      %dma_start3A_657 = tpu.memref_slice %arg7[%dma_start3A_654, %dma_start3A_655, %dma_start3A_656] : memref<2x136x129xf32, #tpu.memory_space<vmem>> -> memref<1x16x128xf32, #tpu.memory_space<vmem>>
      %dma_start3A_658 = tpu.memref_squeeze %dma_start3A_657 : memref<1x16x128xf32, #tpu.memory_space<vmem>> -> memref<16x128xf32, #tpu.memory_space<vmem>>
      %dma_start3A_659 = arith.constant 0 : i32
      %dma_start3A_660 = tpu.memref_slice %arg4[%select_n3A_543, %add3A_584, %dma_start3A_659] : memref<200x2048x128xf32, #tpu.memory_space<hbm>> -> memref<1x16x128xf32, #tpu.memory_space<hbm>>
      %dma_start3A_661 = tpu.memref_squeeze %dma_start3A_660 : memref<1x16x128xf32, #tpu.memory_space<hbm>> -> memref<16x128xf32, #tpu.memory_space<hbm>>
      %dma_start3A_662 = arith.constant 0 : i32
      %dma_start3A_663 = tpu.memref_slice %arg4[%select_n3A_543, %add3A_584, %dma_start3A_662] : memref<200x2048x128xf32, #tpu.memory_space<hbm>> -> memref<1x16x128xf32, #tpu.memory_space<hbm>>
      %dma_start3A_664 = tpu.memref_squeeze %dma_start3A_663 : memref<1x16x128xf32, #tpu.memory_space<hbm>> -> memref<16x128xf32, #tpu.memory_space<hbm>>
      %dma_start3A_665 = arith.constant 51 : i32
      %dma_start3A_666 = arith.constant 0 : i32
      %dma_start3A_667 = tpu.memref_slice %arg7[%dma_start3A_654, %dma_start3A_665, %dma_start3A_666] : memref<2x136x129xf32, #tpu.memory_space<vmem>> -> memref<1x16x128xf32, #tpu.memory_space<vmem>>
      %dma_start3A_668 = tpu.memref_squeeze %dma_start3A_667 : memref<1x16x128xf32, #tpu.memory_space<vmem>> -> memref<16x128xf32, #tpu.memory_space<vmem>>
      tpu.enqueue_dma source(%dma_start3A_668 : memref<16x128xf32, #tpu.memory_space<vmem>>) target(%dma_start3A_664 : memref<16x128xf32, #tpu.memory_space<hbm>>) target_semaphore(%arg10 : memref<!tpu.dma_semaphore, #tpu.memory_space<semaphore_mem>>)
      %dma_start3A_669 = arith.constant 0 : i32
      %dma_start3A_670 = arith.constant 68 : i32
      %dma_start3A_671 = arith.constant 0 : i32
      %dma_start3A_672 = tpu.memref_slice %arg7[%dma_start3A_669, %dma_start3A_670, %dma_start3A_671] : memref<2x136x129xf32, #tpu.memory_space<vmem>> -> memref<1x16x128xf32, #tpu.memory_space<vmem>>
      %dma_start3A_673 = tpu.memref_squeeze %dma_start3A_672 : memref<1x16x128xf32, #tpu.memory_space<vmem>> -> memref<16x128xf32, #tpu.memory_space<vmem>>
      %dma_start3A_674 = arith.constant 0 : i32
      %dma_start3A_675 = tpu.memref_slice %arg4[%select_n3A_543, %add3A_590, %dma_start3A_674] : memref<200x2048x128xf32, #tpu.memory_space<hbm>> -> memref<1x16x128xf32, #tpu.memory_space<hbm>>
      %dma_start3A_676 = tpu.memref_squeeze %dma_start3A_675 : memref<1x16x128xf32, #tpu.memory_space<hbm>> -> memref<16x128xf32, #tpu.memory_space<hbm>>
      %dma_start3A_677 = arith.constant 0 : i32
      %dma_start3A_678 = tpu.memref_slice %arg4[%select_n3A_543, %add3A_590, %dma_start3A_677] : memref<200x2048x128xf32, #tpu.memory_space<hbm>> -> memref<1x16x128xf32, #tpu.memory_space<hbm>>
      %dma_start3A_679 = tpu.memref_squeeze %dma_start3A_678 : memref<1x16x128xf32, #tpu.memory_space<hbm>> -> memref<16x128xf32, #tpu.memory_space<hbm>>
      %dma_start3A_680 = arith.constant 68 : i32
      %dma_start3A_681 = arith.constant 0 : i32
      %dma_start3A_682 = tpu.memref_slice %arg7[%dma_start3A_669, %dma_start3A_680, %dma_start3A_681] : memref<2x136x129xf32, #tpu.memory_space<vmem>> -> memref<1x16x128xf32, #tpu.memory_space<vmem>>
      %dma_start3A_683 = tpu.memref_squeeze %dma_start3A_682 : memref<1x16x128xf32, #tpu.memory_space<vmem>> -> memref<16x128xf32, #tpu.memory_space<vmem>>
      tpu.enqueue_dma source(%dma_start3A_683 : memref<16x128xf32, #tpu.memory_space<vmem>>) target(%dma_start3A_679 : memref<16x128xf32, #tpu.memory_space<hbm>>) target_semaphore(%arg10 : memref<!tpu.dma_semaphore, #tpu.memory_space<semaphore_mem>>)
      %dma_start3A_684 = arith.constant 0 : i32
      %dma_start3A_685 = arith.constant 85 : i32
      %dma_start3A_686 = arith.constant 0 : i32
      %dma_start3A_687 = tpu.memref_slice %arg7[%dma_start3A_684, %dma_start3A_685, %dma_start3A_686] : memref<2x136x129xf32, #tpu.memory_space<vmem>> -> memref<1x16x128xf32, #tpu.memory_space<vmem>>
      %dma_start3A_688 = tpu.memref_squeeze %dma_start3A_687 : memref<1x16x128xf32, #tpu.memory_space<vmem>> -> memref<16x128xf32, #tpu.memory_space<vmem>>
      %dma_start3A_689 = arith.constant 0 : i32
      %dma_start3A_690 = tpu.memref_slice %arg4[%select_n3A_543, %add3A_596, %dma_start3A_689] : memref<200x2048x128xf32, #tpu.memory_space<hbm>> -> memref<1x16x128xf32, #tpu.memory_space<hbm>>
      %dma_start3A_691 = tpu.memref_squeeze %dma_start3A_690 : memref<1x16x128xf32, #tpu.memory_space<hbm>> -> memref<16x128xf32, #tpu.memory_space<hbm>>
      %dma_start3A_692 = arith.constant 0 : i32
      %dma_start3A_693 = tpu.memref_slice %arg4[%select_n3A_543, %add3A_596, %dma_start3A_692] : memref<200x2048x128xf32, #tpu.memory_space<hbm>> -> memref<1x16x128xf32, #tpu.memory_space<hbm>>
      %dma_start3A_694 = tpu.memref_squeeze %dma_start3A_693 : memref<1x16x128xf32, #tpu.memory_space<hbm>> -> memref<16x128xf32, #tpu.memory_space<hbm>>
      %dma_start3A_695 = arith.constant 85 : i32
      %dma_start3A_696 = arith.constant 0 : i32
      %dma_start3A_697 = tpu.memref_slice %arg7[%dma_start3A_684, %dma_start3A_695, %dma_start3A_696] : memref<2x136x129xf32, #tpu.memory_space<vmem>> -> memref<1x16x128xf32, #tpu.memory_space<vmem>>
      %dma_start3A_698 = tpu.memref_squeeze %dma_start3A_697 : memref<1x16x128xf32, #tpu.memory_space<vmem>> -> memref<16x128xf32, #tpu.memory_space<vmem>>
      tpu.enqueue_dma source(%dma_start3A_698 : memref<16x128xf32, #tpu.memory_space<vmem>>) target(%dma_start3A_694 : memref<16x128xf32, #tpu.memory_space<hbm>>) target_semaphore(%arg10 : memref<!tpu.dma_semaphore, #tpu.memory_space<semaphore_mem>>)
      %dma_start3A_699 = arith.constant 0 : i32
      %dma_start3A_700 = arith.constant 102 : i32
      %dma_start3A_701 = arith.constant 0 : i32
      %dma_start3A_702 = tpu.memref_slice %arg7[%dma_start3A_699, %dma_start3A_700, %dma_start3A_701] : memref<2x136x129xf32, #tpu.memory_space<vmem>> -> memref<1x16x128xf32, #tpu.memory_space<vmem>>
      %dma_start3A_703 = tpu.memref_squeeze %dma_start3A_702 : memref<1x16x128xf32, #tpu.memory_space<vmem>> -> memref<16x128xf32, #tpu.memory_space<vmem>>
      %dma_start3A_704 = arith.constant 0 : i32
      %dma_start3A_705 = tpu.memref_slice %arg4[%select_n3A_543, %add3A_602, %dma_start3A_704] : memref<200x2048x128xf32, #tpu.memory_space<hbm>> -> memref<1x16x128xf32, #tpu.memory_space<hbm>>
      %dma_start3A_706 = tpu.memref_squeeze %dma_start3A_705 : memref<1x16x128xf32, #tpu.memory_space<hbm>> -> memref<16x128xf32, #tpu.memory_space<hbm>>
      %dma_start3A_707 = arith.constant 0 : i32
      %dma_start3A_708 = tpu.memref_slice %arg4[%select_n3A_543, %add3A_602, %dma_start3A_707] : memref<200x2048x128xf32, #tpu.memory_space<hbm>> -> memref<1x16x128xf32, #tpu.memory_space<hbm>>
      %dma_start3A_709 = tpu.memref_squeeze %dma_start3A_708 : memref<1x16x128xf32, #tpu.memory_space<hbm>> -> memref<16x128xf32, #tpu.memory_space<hbm>>
      %dma_start3A_710 = arith.constant 102 : i32
      %dma_start3A_711 = arith.constant 0 : i32
      %dma_start3A_712 = tpu.memref_slice %arg7[%dma_start3A_699, %dma_start3A_710, %dma_start3A_711] : memref<2x136x129xf32, #tpu.memory_space<vmem>> -> memref<1x16x128xf32, #tpu.memory_space<vmem>>
      %dma_start3A_713 = tpu.memref_squeeze %dma_start3A_712 : memref<1x16x128xf32, #tpu.memory_space<vmem>> -> memref<16x128xf32, #tpu.memory_space<vmem>>
      tpu.enqueue_dma source(%dma_start3A_713 : memref<16x128xf32, #tpu.memory_space<vmem>>) target(%dma_start3A_709 : memref<16x128xf32, #tpu.memory_space<hbm>>) target_semaphore(%arg10 : memref<!tpu.dma_semaphore, #tpu.memory_space<semaphore_mem>>)
      %dma_start3A_714 = arith.constant 0 : i32
      %dma_start3A_715 = arith.constant 119 : i32
      %dma_start3A_716 = arith.constant 0 : i32
      %dma_start3A_717 = tpu.memref_slice %arg7[%dma_start3A_714, %dma_start3A_715, %dma_start3A_716] : memref<2x136x129xf32, #tpu.memory_space<vmem>> -> memref<1x16x128xf32, #tpu.memory_space<vmem>>
      %dma_start3A_718 = tpu.memref_squeeze %dma_start3A_717 : memref<1x16x128xf32, #tpu.memory_space<vmem>> -> memref<16x128xf32, #tpu.memory_space<vmem>>
      %dma_start3A_719 = arith.constant 0 : i32
      %dma_start3A_720 = tpu.memref_slice %arg4[%select_n3A_543, %add3A_608, %dma_start3A_719] : memref<200x2048x128xf32, #tpu.memory_space<hbm>> -> memref<1x16x128xf32, #tpu.memory_space<hbm>>
      %dma_start3A_721 = tpu.memref_squeeze %dma_start3A_720 : memref<1x16x128xf32, #tpu.memory_space<hbm>> -> memref<16x128xf32, #tpu.memory_space<hbm>>
      %dma_start3A_722 = arith.constant 0 : i32
      %dma_start3A_723 = tpu.memref_slice %arg4[%select_n3A_543, %add3A_608, %dma_start3A_722] : memref<200x2048x128xf32, #tpu.memory_space<hbm>> -> memref<1x16x128xf32, #tpu.memory_space<hbm>>
      %dma_start3A_724 = tpu.memref_squeeze %dma_start3A_723 : memref<1x16x128xf32, #tpu.memory_space<hbm>> -> memref<16x128xf32, #tpu.memory_space<hbm>>
      %dma_start3A_725 = arith.constant 119 : i32
      %dma_start3A_726 = arith.constant 0 : i32
      %dma_start3A_727 = tpu.memref_slice %arg7[%dma_start3A_714, %dma_start3A_725, %dma_start3A_726] : memref<2x136x129xf32, #tpu.memory_space<vmem>> -> memref<1x16x128xf32, #tpu.memory_space<vmem>>
      %dma_start3A_728 = tpu.memref_squeeze %dma_start3A_727 : memref<1x16x128xf32, #tpu.memory_space<vmem>> -> memref<16x128xf32, #tpu.memory_space<vmem>>
      tpu.enqueue_dma source(%dma_start3A_728 : memref<16x128xf32, #tpu.memory_space<vmem>>) target(%dma_start3A_724 : memref<16x128xf32, #tpu.memory_space<hbm>>) target_semaphore(%arg10 : memref<!tpu.dma_semaphore, #tpu.memory_space<semaphore_mem>>)
      %mul3A_729 = arith.constant 2 : i32
      %mul3A_730 = arith.muli %mul3A_729, %scan3A_487 : i32
      %add3A_731 = arith.constant 1 : i32
      %add3A_732 = arith.addi %mul3A_730, %add3A_731 : i32
      %dma_wait3A_733 = arith.constant 1 : i32
      %dma_wait3A_734 = arith.constant 1 : i32
      %dma_wait3A_735 = arith.constant 0 : i32
      %dma_wait3A_736 = arith.constant 0 : i32
      %dma_wait3A_737 = tpu.memref_slice %arg6[%dma_wait3A_734, %dma_wait3A_735, %dma_wait3A_736] : memref<2x256x64xf32, #tpu.memory_space<vmem>> -> memref<1x256x64xf32, #tpu.memory_space<vmem>>
      %dma_wait3A_738 = tpu.memref_squeeze %dma_wait3A_737 : memref<1x256x64xf32, #tpu.memory_space<vmem>> -> memref<256x64xf32, #tpu.memory_space<vmem>>
      %dma_wait3A_739 = arith.constant 0 : i32
      %dma_wait3A_740 = tpu.memref_slice %arg5[%dma_wait3A_733, %dma_wait3A_739] : memref<2x256xi32, #tpu.memory_space<vmem>> -> memref<1x256xi32, #tpu.memory_space<vmem>>
      %dma_wait3A_741 = tpu.memref_squeeze %dma_wait3A_740 : memref<1x256xi32, #tpu.memory_space<vmem>> -> memref<256xi32, #tpu.memory_space<vmem>>
      %dma_wait3A_742 = arith.constant 0 : i32
      %dma_wait3A_743 = arith.constant 0 : i32
      %dma_wait3A_744 = tpu.memref_slice %arg3[%dma_wait3A_742, %dma_wait3A_743] : memref<1000000x64xf32, #tpu.memory_space<hbm>> -> memref<1000000x64xf32, #tpu.memory_space<hbm>>
      tpu.wait_indirect_dma semaphore(%arg9 : memref<!tpu.dma_semaphore, #tpu.memory_space<semaphore_mem>>) src(%dma_wait3A_744 : memref<1000000x64xf32, #tpu.memory_space<hbm>>) dst(%dma_wait3A_738 : memref<256x64xf32, #tpu.memory_space<vmem>>)
      %add3A_745 = arith.constant 1 : i32
      %add3A_746 = arith.addi %add3A_732, %add3A_745 : i32
      %lt3A_747 = arith.constant 100 : i32
      %lt3A_748 = arith.cmpi slt, %add3A_746, %lt3A_747 : i32
      %convert_element_type3A_749 = arith.extui %lt3A_748 : i1 to i32
      %cond3A_750 = arith.constant 0 : i32
      %cond3A_751 = arith.cmpi ne, %convert_element_type3A_749, %cond3A_750 : i32
      scf.if %cond3A_751 {
        %add3A_975 = arith.constant 1 : i32
        %add3A_976 = arith.addi %add3A_732, %add3A_975 : i32
        %add3A_977 = arith.addi %mul3A_2, %add3A_976 : i32
        %jit3A_978 = arith.constant 16 : i32
        %div3A_979 = arith.divsi %add3A_977, %jit3A_978 : i32
        %sign3A_980 = arith.constant 0 : i32
        %sign3A_981 = arith.cmpi sgt, %add3A_977, %sign3A_980 : i32
        %sign3A_982 = arith.extui %sign3A_981 : i1 to i32
        %sign3A_983 = arith.constant 0 : i32
        %sign3A_984 = arith.cmpi slt, %add3A_977, %sign3A_983 : i32
        %sign3A_985 = arith.extui %sign3A_984 : i1 to i32
        %sign3A_986 = arith.subi %sign3A_982, %sign3A_985 : i32
        %sign3A_987 = arith.constant 0 : i32
        %sign3A_988 = arith.cmpi sgt, %jit3A_978, %sign3A_987 : i32
        %sign3A_989 = arith.extui %sign3A_988 : i1 to i32
        %sign3A_990 = arith.constant 0 : i32
        %sign3A_991 = arith.cmpi slt, %jit3A_978, %sign3A_990 : i32
        %sign3A_992 = arith.extui %sign3A_991 : i1 to i32
        %sign3A_993 = arith.subi %sign3A_989, %sign3A_992 : i32
        %ne3A_994 = arith.cmpi ne, %sign3A_986, %sign3A_993 : i32
        %rem3A_995 = arith.remsi %add3A_977, %jit3A_978 : i32
        %ne3A_996 = arith.constant 0 : i32
        %ne3A_997 = arith.cmpi ne, %rem3A_995, %ne3A_996 : i32
        %and3A_998 = arith.andi %ne3A_994, %ne3A_997 : i1
        %sub3A_999 = arith.constant 1 : i32
        %sub3A_1000 = arith.subi %div3A_979, %sub3A_999 : i32
        %select_n3A_1001 = arith.select %and3A_998, %sub3A_1000, %div3A_979 : i32
        %add3A_1002 = arith.addi %mul3A_2, %add3A_976 : i32
        %jit3A_1003 = arith.constant 16 : i32
        %eq3A_1004 = arith.constant 0 : i32
        %eq3A_1005 = arith.cmpi eq, %jit3A_1003, %eq3A_1004 : i32
        %jit3A_1006 = arith.constant 1 : i32
        %select_n3A_1007 = arith.select %eq3A_1005, %jit3A_1006, %jit3A_1003 : i32
        %rem3A_1008 = arith.remsi %add3A_1002, %select_n3A_1007 : i32
        %ne3A_1009 = arith.constant 0 : i32
        %ne3A_1010 = arith.cmpi ne, %rem3A_1008, %ne3A_1009 : i32
        %lt3A_1011 = arith.constant 0 : i32
        %lt3A_1012 = arith.cmpi slt, %rem3A_1008, %lt3A_1011 : i32
        %lt3A_1013 = arith.constant 0 : i32
        %lt3A_1014 = arith.cmpi slt, %select_n3A_1007, %lt3A_1013 : i32
        %ne3A_1015 = arith.xori %lt3A_1012, %lt3A_1014 : i1
        %and3A_1016 = arith.andi %ne3A_1015, %ne3A_1010 : i1
        %add3A_1017 = arith.addi %rem3A_1008, %select_n3A_1007 : i32
        %select_n3A_1018 = arith.select %and3A_1016, %add3A_1017, %rem3A_1008 : i32
        %mul3A_1019 = arith.constant 256 : i32
        %mul3A_1020 = arith.muli %select_n3A_1018, %mul3A_1019 : i32
        %run_scoped3A_1021 = arith.constant 0 : i32
        "tpu.region"() ({
          %run_scoped3A_1034 = tpu.sem_alloc : memref<!tpu.dma_semaphore, #tpu.memory_space<semaphore_mem>>
          %dma_start3A_1035 = arith.constant 0 : i32
          %dma_start3A_1036 = tpu.memref_slice %arg5[%run_scoped3A_1021, %dma_start3A_1035] : memref<2x256xi32, #tpu.memory_space<vmem>> -> memref<1x256xi32, #tpu.memory_space<vmem>>
          %dma_start3A_1037 = tpu.memref_squeeze %dma_start3A_1036 : memref<1x256xi32, #tpu.memory_space<vmem>> -> memref<256xi32, #tpu.memory_space<vmem>>
          %dma_start3A_1038 = tpu.memref_slice %arg2[%select_n3A_1001, %mul3A_1020] : memref<200x4096xi32, #tpu.memory_space<hbm>> -> memref<1x256xi32, #tpu.memory_space<hbm>>
          %dma_start3A_1039 = tpu.memref_squeeze %dma_start3A_1038 : memref<1x256xi32, #tpu.memory_space<hbm>> -> memref<256xi32, #tpu.memory_space<hbm>>
          %dma_start3A_1040 = arith.constant 0 : i32
          %dma_start3A_1041 = tpu.memref_slice %arg5[%run_scoped3A_1021, %dma_start3A_1040] : memref<2x256xi32, #tpu.memory_space<vmem>> -> memref<1x256xi32, #tpu.memory_space<vmem>>
          %dma_start3A_1042 = tpu.memref_squeeze %dma_start3A_1041 : memref<1x256xi32, #tpu.memory_space<vmem>> -> memref<256xi32, #tpu.memory_space<vmem>>
          %dma_start3A_1043 = tpu.memref_slice %arg2[%select_n3A_1001, %mul3A_1020] : memref<200x4096xi32, #tpu.memory_space<hbm>> -> memref<1x256xi32, #tpu.memory_space<hbm>>
          %dma_start3A_1044 = tpu.memref_squeeze %dma_start3A_1043 : memref<1x256xi32, #tpu.memory_space<hbm>> -> memref<256xi32, #tpu.memory_space<hbm>>
          tpu.enqueue_dma source(%dma_start3A_1044 : memref<256xi32, #tpu.memory_space<hbm>>) target(%dma_start3A_1042 : memref<256xi32, #tpu.memory_space<vmem>>) target_semaphore(%run_scoped3A_1034 : memref<!tpu.dma_semaphore, #tpu.memory_space<semaphore_mem>>)
          %dma_wait3A_1045 = arith.constant 0 : i32
          %dma_wait3A_1046 = tpu.memref_slice %arg5[%run_scoped3A_1021, %dma_wait3A_1045] : memref<2x256xi32, #tpu.memory_space<vmem>> -> memref<1x256xi32, #tpu.memory_space<vmem>>
          %dma_wait3A_1047 = tpu.memref_squeeze %dma_wait3A_1046 : memref<1x256xi32, #tpu.memory_space<vmem>> -> memref<256xi32, #tpu.memory_space<vmem>>
          %dma_wait3A_1048 = tpu.memref_slice %arg2[%select_n3A_1001, %mul3A_1020] : memref<200x4096xi32, #tpu.memory_space<hbm>> -> memref<1x256xi32, #tpu.memory_space<hbm>>
          %dma_wait3A_1049 = tpu.memref_squeeze %dma_wait3A_1048 : memref<1x256xi32, #tpu.memory_space<hbm>> -> memref<256xi32, #tpu.memory_space<hbm>>
          %dma_wait3A_1050 = arith.constant 0 : i32
          %dma_wait3A_1051 = tpu.memref_slice %arg5[%run_scoped3A_1021, %dma_wait3A_1050] : memref<2x256xi32, #tpu.memory_space<vmem>> -> memref<1x256xi32, #tpu.memory_space<vmem>>
          %dma_wait3A_1052 = tpu.memref_squeeze %dma_wait3A_1051 : memref<1x256xi32, #tpu.memory_space<vmem>> -> memref<256xi32, #tpu.memory_space<vmem>>
          %dma_wait3A_1053 = tpu.memref_slice %arg2[%select_n3A_1001, %mul3A_1020] : memref<200x4096xi32, #tpu.memory_space<hbm>> -> memref<1x256xi32, #tpu.memory_space<hbm>>
          %dma_wait3A_1054 = tpu.memref_squeeze %dma_wait3A_1053 : memref<1x256xi32, #tpu.memory_space<hbm>> -> memref<256xi32, #tpu.memory_space<hbm>>
          tpu.wait_dma2 semaphore(%run_scoped3A_1034 : memref<!tpu.dma_semaphore, #tpu.memory_space<semaphore_mem>>) src(%dma_wait3A_1054 : memref<256xi32, #tpu.memory_space<hbm>>) dst(%dma_wait3A_1052 : memref<256xi32, #tpu.memory_space<vmem>>)
          tpu.yield
        }) : () -> ()
        %dma_start3A_1022 = arith.constant 0 : i32
        %dma_start3A_1023 = arith.constant 0 : i32
        %dma_start3A_1024 = arith.constant 0 : i32
        %dma_start3A_1025 = arith.constant 0 : i32
        %dma_start3A_1026 = tpu.memref_slice %arg6[%dma_start3A_1023, %dma_start3A_1024, %dma_start3A_1025] : memref<2x256x64xf32, #tpu.memory_space<vmem>> -> memref<1x256x64xf32, #tpu.memory_space<vmem>>
        %dma_start3A_1027 = tpu.memref_squeeze %dma_start3A_1026 : memref<1x256x64xf32, #tpu.memory_space<vmem>> -> memref<256x64xf32, #tpu.memory_space<vmem>>
        %dma_start3A_1028 = arith.constant 0 : i32
        %dma_start3A_1029 = tpu.memref_slice %arg5[%dma_start3A_1022, %dma_start3A_1028] : memref<2x256xi32, #tpu.memory_space<vmem>> -> memref<1x256xi32, #tpu.memory_space<vmem>>
        %dma_start3A_1030 = tpu.memref_squeeze %dma_start3A_1029 : memref<1x256xi32, #tpu.memory_space<vmem>> -> memref<256xi32, #tpu.memory_space<vmem>>
        %dma_start3A_1031 = arith.constant 0 : i32
        %dma_start3A_1032 = arith.constant 0 : i32
        %dma_start3A_1033 = tpu.memref_slice %arg3[%dma_start3A_1031, %dma_start3A_1032] : memref<1000000x64xf32, #tpu.memory_space<hbm>> -> memref<1000000x64xf32, #tpu.memory_space<hbm>>
        tpu.enqueue_indirect_dma source(%dma_start3A_1033 : memref<1000000x64xf32, #tpu.memory_space<hbm>>) target(%dma_start3A_1027 : memref<256x64xf32, #tpu.memory_space<vmem>>) offsets(%dma_start3A_1030 : memref<256xi32, #tpu.memory_space<vmem>>) semaphore(%arg8 : memref<!tpu.dma_semaphore, #tpu.memory_space<semaphore_mem>>)
      } else {
      }
      %ge3A_752 = arith.constant 2 : i32
      %ge3A_753 = arith.cmpi sge, %add3A_732, %ge3A_752 : i32
      %convert_element_type3A_754 = arith.extui %ge3A_753 : i1 to i32
      %cond3A_755 = arith.constant 0 : i32
      %cond3A_756 = arith.cmpi ne, %convert_element_type3A_754, %cond3A_755 : i32
      scf.if %cond3A_756 {
        %sub3A_975 = arith.constant 2 : i32
        %sub3A_976 = arith.subi %add3A_732, %sub3A_975 : i32
        %add3A_977 = arith.addi %mul3A_2, %sub3A_976 : i32
        %jit3A_978 = arith.constant 16 : i32
        %div3A_979 = arith.divsi %add3A_977, %jit3A_978 : i32
        %sign3A_980 = arith.constant 0 : i32
        %sign3A_981 = arith.cmpi sgt, %add3A_977, %sign3A_980 : i32
        %sign3A_982 = arith.extui %sign3A_981 : i1 to i32
        %sign3A_983 = arith.constant 0 : i32
        %sign3A_984 = arith.cmpi slt, %add3A_977, %sign3A_983 : i32
        %sign3A_985 = arith.extui %sign3A_984 : i1 to i32
        %sign3A_986 = arith.subi %sign3A_982, %sign3A_985 : i32
        %sign3A_987 = arith.constant 0 : i32
        %sign3A_988 = arith.cmpi sgt, %jit3A_978, %sign3A_987 : i32
        %sign3A_989 = arith.extui %sign3A_988 : i1 to i32
        %sign3A_990 = arith.constant 0 : i32
        %sign3A_991 = arith.cmpi slt, %jit3A_978, %sign3A_990 : i32
        %sign3A_992 = arith.extui %sign3A_991 : i1 to i32
        %sign3A_993 = arith.subi %sign3A_989, %sign3A_992 : i32
        %ne3A_994 = arith.cmpi ne, %sign3A_986, %sign3A_993 : i32
        %rem3A_995 = arith.remsi %add3A_977, %jit3A_978 : i32
        %ne3A_996 = arith.constant 0 : i32
        %ne3A_997 = arith.cmpi ne, %rem3A_995, %ne3A_996 : i32
        %and3A_998 = arith.andi %ne3A_994, %ne3A_997 : i1
        %sub3A_999 = arith.constant 1 : i32
        %sub3A_1000 = arith.subi %div3A_979, %sub3A_999 : i32
        %select_n3A_1001 = arith.select %and3A_998, %sub3A_1000, %div3A_979 : i32
        %add3A_1002 = arith.addi %mul3A_2, %sub3A_976 : i32
        %jit3A_1003 = arith.constant 16 : i32
        %eq3A_1004 = arith.constant 0 : i32
        %eq3A_1005 = arith.cmpi eq, %jit3A_1003, %eq3A_1004 : i32
        %jit3A_1006 = arith.constant 1 : i32
        %select_n3A_1007 = arith.select %eq3A_1005, %jit3A_1006, %jit3A_1003 : i32
        %rem3A_1008 = arith.remsi %add3A_1002, %select_n3A_1007 : i32
        %ne3A_1009 = arith.constant 0 : i32
        %ne3A_1010 = arith.cmpi ne, %rem3A_1008, %ne3A_1009 : i32
        %lt3A_1011 = arith.constant 0 : i32
        %lt3A_1012 = arith.cmpi slt, %rem3A_1008, %lt3A_1011 : i32
        %lt3A_1013 = arith.constant 0 : i32
        %lt3A_1014 = arith.cmpi slt, %select_n3A_1007, %lt3A_1013 : i32
        %ne3A_1015 = arith.xori %lt3A_1012, %lt3A_1014 : i1
        %and3A_1016 = arith.andi %ne3A_1015, %ne3A_1010 : i1
        %add3A_1017 = arith.addi %rem3A_1008, %select_n3A_1007 : i32
        %select_n3A_1018 = arith.select %and3A_1016, %add3A_1017, %rem3A_1008 : i32
        %mul3A_1019 = arith.constant 2 : i32
        %mul3A_1020 = arith.muli %select_n3A_1018, %mul3A_1019 : i32
        %mul3A_1021 = arith.constant 8 : i32
        %mul3A_1022 = arith.muli %mul3A_1020, %mul3A_1021 : i32
        %add3A_1023 = arith.constant 0 : i32
        %add3A_1024 = arith.addi %add3A_1023, %mul3A_1022 : i32
        %mul3A_1025 = arith.constant 2 : i32
        %mul3A_1026 = arith.muli %select_n3A_1018, %mul3A_1025 : i32
        %mul3A_1027 = arith.constant 8 : i32
        %mul3A_1028 = arith.muli %mul3A_1026, %mul3A_1027 : i32
        %add3A_1029 = arith.constant 256 : i32
        %add3A_1030 = arith.addi %add3A_1029, %mul3A_1028 : i32
        %mul3A_1031 = arith.constant 2 : i32
        %mul3A_1032 = arith.muli %select_n3A_1018, %mul3A_1031 : i32
        %mul3A_1033 = arith.constant 8 : i32
        %mul3A_1034 = arith.muli %mul3A_1032, %mul3A_1033 : i32
        %add3A_1035 = arith.constant 512 : i32
        %add3A_1036 = arith.addi %add3A_1035, %mul3A_1034 : i32
        %mul3A_1037 = arith.constant 2 : i32
        %mul3A_1038 = arith.muli %select_n3A_1018, %mul3A_1037 : i32
        %mul3A_1039 = arith.constant 8 : i32
        %mul3A_1040 = arith.muli %mul3A_1038, %mul3A_1039 : i32
        %add3A_1041 = arith.constant 768 : i32
        %add3A_1042 = arith.addi %add3A_1041, %mul3A_1040 : i32
        %mul3A_1043 = arith.constant 2 : i32
        %mul3A_1044 = arith.muli %select_n3A_1018, %mul3A_1043 : i32
        %mul3A_1045 = arith.constant 8 : i32
        %mul3A_1046 = arith.muli %mul3A_1044, %mul3A_1045 : i32
        %add3A_1047 = arith.constant 1024 : i32
        %add3A_1048 = arith.addi %add3A_1047, %mul3A_1046 : i32
        %mul3A_1049 = arith.constant 2 : i32
        %mul3A_1050 = arith.muli %select_n3A_1018, %mul3A_1049 : i32
        %mul3A_1051 = arith.constant 8 : i32
        %mul3A_1052 = arith.muli %mul3A_1050, %mul3A_1051 : i32
        %add3A_1053 = arith.constant 1280 : i32
        %add3A_1054 = arith.addi %add3A_1053, %mul3A_1052 : i32
        %mul3A_1055 = arith.constant 2 : i32
        %mul3A_1056 = arith.muli %select_n3A_1018, %mul3A_1055 : i32
        %mul3A_1057 = arith.constant 8 : i32
        %mul3A_1058 = arith.muli %mul3A_1056, %mul3A_1057 : i32
        %add3A_1059 = arith.constant 1536 : i32
        %add3A_1060 = arith.addi %add3A_1059, %mul3A_1058 : i32
        %mul3A_1061 = arith.constant 2 : i32
        %mul3A_1062 = arith.muli %select_n3A_1018, %mul3A_1061 : i32
        %mul3A_1063 = arith.constant 8 : i32
        %mul3A_1064 = arith.muli %mul3A_1062, %mul3A_1063 : i32
        %add3A_1065 = arith.constant 1792 : i32
        %add3A_1066 = arith.addi %add3A_1065, %mul3A_1064 : i32
        %dma_wait3A_1067 = arith.constant 1 : i32
        %dma_wait3A_1068 = arith.constant 0 : i32
        %dma_wait3A_1069 = arith.constant 0 : i32
        %dma_wait3A_1070 = tpu.memref_slice %arg7[%dma_wait3A_1067, %dma_wait3A_1068, %dma_wait3A_1069] : memref<2x136x129xf32, #tpu.memory_space<vmem>> -> memref<1x16x128xf32, #tpu.memory_space<vmem>>
        %dma_wait3A_1071 = tpu.memref_squeeze %dma_wait3A_1070 : memref<1x16x128xf32, #tpu.memory_space<vmem>> -> memref<16x128xf32, #tpu.memory_space<vmem>>
        %dma_wait3A_1072 = arith.constant 0 : i32
        %dma_wait3A_1073 = tpu.memref_slice %arg4[%select_n3A_1001, %add3A_1024, %dma_wait3A_1072] : memref<200x2048x128xf32, #tpu.memory_space<hbm>> -> memref<1x16x128xf32, #tpu.memory_space<hbm>>
        %dma_wait3A_1074 = tpu.memref_squeeze %dma_wait3A_1073 : memref<1x16x128xf32, #tpu.memory_space<hbm>> -> memref<16x128xf32, #tpu.memory_space<hbm>>
        %dma_wait3A_1075 = arith.constant 0 : i32
        %dma_wait3A_1076 = tpu.memref_slice %arg4[%select_n3A_1001, %add3A_1024, %dma_wait3A_1075] : memref<200x2048x128xf32, #tpu.memory_space<hbm>> -> memref<1x16x128xf32, #tpu.memory_space<hbm>>
        %dma_wait3A_1077 = tpu.memref_squeeze %dma_wait3A_1076 : memref<1x16x128xf32, #tpu.memory_space<hbm>> -> memref<16x128xf32, #tpu.memory_space<hbm>>
        %dma_wait3A_1078 = arith.constant 0 : i32
        %dma_wait3A_1079 = arith.constant 0 : i32
        %dma_wait3A_1080 = tpu.memref_slice %arg7[%dma_wait3A_1067, %dma_wait3A_1078, %dma_wait3A_1079] : memref<2x136x129xf32, #tpu.memory_space<vmem>> -> memref<1x16x128xf32, #tpu.memory_space<vmem>>
        %dma_wait3A_1081 = tpu.memref_squeeze %dma_wait3A_1080 : memref<1x16x128xf32, #tpu.memory_space<vmem>> -> memref<16x128xf32, #tpu.memory_space<vmem>>
        tpu.wait_dma2 semaphore(%arg11 : memref<!tpu.dma_semaphore, #tpu.memory_space<semaphore_mem>>) src(%dma_wait3A_1081 : memref<16x128xf32, #tpu.memory_space<vmem>>) dst(%dma_wait3A_1077 : memref<16x128xf32, #tpu.memory_space<hbm>>)
        %dma_wait3A_1082 = arith.constant 1 : i32
        %dma_wait3A_1083 = arith.constant 17 : i32
        %dma_wait3A_1084 = arith.constant 0 : i32
        %dma_wait3A_1085 = tpu.memref_slice %arg7[%dma_wait3A_1082, %dma_wait3A_1083, %dma_wait3A_1084] : memref<2x136x129xf32, #tpu.memory_space<vmem>> -> memref<1x16x128xf32, #tpu.memory_space<vmem>>
        %dma_wait3A_1086 = tpu.memref_squeeze %dma_wait3A_1085 : memref<1x16x128xf32, #tpu.memory_space<vmem>> -> memref<16x128xf32, #tpu.memory_space<vmem>>
        %dma_wait3A_1087 = arith.constant 0 : i32
        %dma_wait3A_1088 = tpu.memref_slice %arg4[%select_n3A_1001, %add3A_1030, %dma_wait3A_1087] : memref<200x2048x128xf32, #tpu.memory_space<hbm>> -> memref<1x16x128xf32, #tpu.memory_space<hbm>>
        %dma_wait3A_1089 = tpu.memref_squeeze %dma_wait3A_1088 : memref<1x16x128xf32, #tpu.memory_space<hbm>> -> memref<16x128xf32, #tpu.memory_space<hbm>>
        %dma_wait3A_1090 = arith.constant 0 : i32
        %dma_wait3A_1091 = tpu.memref_slice %arg4[%select_n3A_1001, %add3A_1030, %dma_wait3A_1090] : memref<200x2048x128xf32, #tpu.memory_space<hbm>> -> memref<1x16x128xf32, #tpu.memory_space<hbm>>
        %dma_wait3A_1092 = tpu.memref_squeeze %dma_wait3A_1091 : memref<1x16x128xf32, #tpu.memory_space<hbm>> -> memref<16x128xf32, #tpu.memory_space<hbm>>
        %dma_wait3A_1093 = arith.constant 17 : i32
        %dma_wait3A_1094 = arith.constant 0 : i32
        %dma_wait3A_1095 = tpu.memref_slice %arg7[%dma_wait3A_1082, %dma_wait3A_1093, %dma_wait3A_1094] : memref<2x136x129xf32, #tpu.memory_space<vmem>> -> memref<1x16x128xf32, #tpu.memory_space<vmem>>
        %dma_wait3A_1096 = tpu.memref_squeeze %dma_wait3A_1095 : memref<1x16x128xf32, #tpu.memory_space<vmem>> -> memref<16x128xf32, #tpu.memory_space<vmem>>
        tpu.wait_dma2 semaphore(%arg11 : memref<!tpu.dma_semaphore, #tpu.memory_space<semaphore_mem>>) src(%dma_wait3A_1096 : memref<16x128xf32, #tpu.memory_space<vmem>>) dst(%dma_wait3A_1092 : memref<16x128xf32, #tpu.memory_space<hbm>>)
        %dma_wait3A_1097 = arith.constant 1 : i32
        %dma_wait3A_1098 = arith.constant 34 : i32
        %dma_wait3A_1099 = arith.constant 0 : i32
        %dma_wait3A_1100 = tpu.memref_slice %arg7[%dma_wait3A_1097, %dma_wait3A_1098, %dma_wait3A_1099] : memref<2x136x129xf32, #tpu.memory_space<vmem>> -> memref<1x16x128xf32, #tpu.memory_space<vmem>>
        %dma_wait3A_1101 = tpu.memref_squeeze %dma_wait3A_1100 : memref<1x16x128xf32, #tpu.memory_space<vmem>> -> memref<16x128xf32, #tpu.memory_space<vmem>>
        %dma_wait3A_1102 = arith.constant 0 : i32
        %dma_wait3A_1103 = tpu.memref_slice %arg4[%select_n3A_1001, %add3A_1036, %dma_wait3A_1102] : memref<200x2048x128xf32, #tpu.memory_space<hbm>> -> memref<1x16x128xf32, #tpu.memory_space<hbm>>
        %dma_wait3A_1104 = tpu.memref_squeeze %dma_wait3A_1103 : memref<1x16x128xf32, #tpu.memory_space<hbm>> -> memref<16x128xf32, #tpu.memory_space<hbm>>
        %dma_wait3A_1105 = arith.constant 0 : i32
        %dma_wait3A_1106 = tpu.memref_slice %arg4[%select_n3A_1001, %add3A_1036, %dma_wait3A_1105] : memref<200x2048x128xf32, #tpu.memory_space<hbm>> -> memref<1x16x128xf32, #tpu.memory_space<hbm>>
        %dma_wait3A_1107 = tpu.memref_squeeze %dma_wait3A_1106 : memref<1x16x128xf32, #tpu.memory_space<hbm>> -> memref<16x128xf32, #tpu.memory_space<hbm>>
        %dma_wait3A_1108 = arith.constant 34 : i32
        %dma_wait3A_1109 = arith.constant 0 : i32
        %dma_wait3A_1110 = tpu.memref_slice %arg7[%dma_wait3A_1097, %dma_wait3A_1108, %dma_wait3A_1109] : memref<2x136x129xf32, #tpu.memory_space<vmem>> -> memref<1x16x128xf32, #tpu.memory_space<vmem>>
        %dma_wait3A_1111 = tpu.memref_squeeze %dma_wait3A_1110 : memref<1x16x128xf32, #tpu.memory_space<vmem>> -> memref<16x128xf32, #tpu.memory_space<vmem>>
        tpu.wait_dma2 semaphore(%arg11 : memref<!tpu.dma_semaphore, #tpu.memory_space<semaphore_mem>>) src(%dma_wait3A_1111 : memref<16x128xf32, #tpu.memory_space<vmem>>) dst(%dma_wait3A_1107 : memref<16x128xf32, #tpu.memory_space<hbm>>)
        %dma_wait3A_1112 = arith.constant 1 : i32
        %dma_wait3A_1113 = arith.constant 51 : i32
        %dma_wait3A_1114 = arith.constant 0 : i32
        %dma_wait3A_1115 = tpu.memref_slice %arg7[%dma_wait3A_1112, %dma_wait3A_1113, %dma_wait3A_1114] : memref<2x136x129xf32, #tpu.memory_space<vmem>> -> memref<1x16x128xf32, #tpu.memory_space<vmem>>
        %dma_wait3A_1116 = tpu.memref_squeeze %dma_wait3A_1115 : memref<1x16x128xf32, #tpu.memory_space<vmem>> -> memref<16x128xf32, #tpu.memory_space<vmem>>
        %dma_wait3A_1117 = arith.constant 0 : i32
        %dma_wait3A_1118 = tpu.memref_slice %arg4[%select_n3A_1001, %add3A_1042, %dma_wait3A_1117] : memref<200x2048x128xf32, #tpu.memory_space<hbm>> -> memref<1x16x128xf32, #tpu.memory_space<hbm>>
        %dma_wait3A_1119 = tpu.memref_squeeze %dma_wait3A_1118 : memref<1x16x128xf32, #tpu.memory_space<hbm>> -> memref<16x128xf32, #tpu.memory_space<hbm>>
        %dma_wait3A_1120 = arith.constant 0 : i32
        %dma_wait3A_1121 = tpu.memref_slice %arg4[%select_n3A_1001, %add3A_1042, %dma_wait3A_1120] : memref<200x2048x128xf32, #tpu.memory_space<hbm>> -> memref<1x16x128xf32, #tpu.memory_space<hbm>>
        %dma_wait3A_1122 = tpu.memref_squeeze %dma_wait3A_1121 : memref<1x16x128xf32, #tpu.memory_space<hbm>> -> memref<16x128xf32, #tpu.memory_space<hbm>>
        %dma_wait3A_1123 = arith.constant 51 : i32
        %dma_wait3A_1124 = arith.constant 0 : i32
        %dma_wait3A_1125 = tpu.memref_slice %arg7[%dma_wait3A_1112, %dma_wait3A_1123, %dma_wait3A_1124] : memref<2x136x129xf32, #tpu.memory_space<vmem>> -> memref<1x16x128xf32, #tpu.memory_space<vmem>>
        %dma_wait3A_1126 = tpu.memref_squeeze %dma_wait3A_1125 : memref<1x16x128xf32, #tpu.memory_space<vmem>> -> memref<16x128xf32, #tpu.memory_space<vmem>>
        tpu.wait_dma2 semaphore(%arg11 : memref<!tpu.dma_semaphore, #tpu.memory_space<semaphore_mem>>) src(%dma_wait3A_1126 : memref<16x128xf32, #tpu.memory_space<vmem>>) dst(%dma_wait3A_1122 : memref<16x128xf32, #tpu.memory_space<hbm>>)
        %dma_wait3A_1127 = arith.constant 1 : i32
        %dma_wait3A_1128 = arith.constant 68 : i32
        %dma_wait3A_1129 = arith.constant 0 : i32
        %dma_wait3A_1130 = tpu.memref_slice %arg7[%dma_wait3A_1127, %dma_wait3A_1128, %dma_wait3A_1129] : memref<2x136x129xf32, #tpu.memory_space<vmem>> -> memref<1x16x128xf32, #tpu.memory_space<vmem>>
        %dma_wait3A_1131 = tpu.memref_squeeze %dma_wait3A_1130 : memref<1x16x128xf32, #tpu.memory_space<vmem>> -> memref<16x128xf32, #tpu.memory_space<vmem>>
        %dma_wait3A_1132 = arith.constant 0 : i32
        %dma_wait3A_1133 = tpu.memref_slice %arg4[%select_n3A_1001, %add3A_1048, %dma_wait3A_1132] : memref<200x2048x128xf32, #tpu.memory_space<hbm>> -> memref<1x16x128xf32, #tpu.memory_space<hbm>>
        %dma_wait3A_1134 = tpu.memref_squeeze %dma_wait3A_1133 : memref<1x16x128xf32, #tpu.memory_space<hbm>> -> memref<16x128xf32, #tpu.memory_space<hbm>>
        %dma_wait3A_1135 = arith.constant 0 : i32
        %dma_wait3A_1136 = tpu.memref_slice %arg4[%select_n3A_1001, %add3A_1048, %dma_wait3A_1135] : memref<200x2048x128xf32, #tpu.memory_space<hbm>> -> memref<1x16x128xf32, #tpu.memory_space<hbm>>
        %dma_wait3A_1137 = tpu.memref_squeeze %dma_wait3A_1136 : memref<1x16x128xf32, #tpu.memory_space<hbm>> -> memref<16x128xf32, #tpu.memory_space<hbm>>
        %dma_wait3A_1138 = arith.constant 68 : i32
        %dma_wait3A_1139 = arith.constant 0 : i32
        %dma_wait3A_1140 = tpu.memref_slice %arg7[%dma_wait3A_1127, %dma_wait3A_1138, %dma_wait3A_1139] : memref<2x136x129xf32, #tpu.memory_space<vmem>> -> memref<1x16x128xf32, #tpu.memory_space<vmem>>
        %dma_wait3A_1141 = tpu.memref_squeeze %dma_wait3A_1140 : memref<1x16x128xf32, #tpu.memory_space<vmem>> -> memref<16x128xf32, #tpu.memory_space<vmem>>
        tpu.wait_dma2 semaphore(%arg11 : memref<!tpu.dma_semaphore, #tpu.memory_space<semaphore_mem>>) src(%dma_wait3A_1141 : memref<16x128xf32, #tpu.memory_space<vmem>>) dst(%dma_wait3A_1137 : memref<16x128xf32, #tpu.memory_space<hbm>>)
        %dma_wait3A_1142 = arith.constant 1 : i32
        %dma_wait3A_1143 = arith.constant 85 : i32
        %dma_wait3A_1144 = arith.constant 0 : i32
        %dma_wait3A_1145 = tpu.memref_slice %arg7[%dma_wait3A_1142, %dma_wait3A_1143, %dma_wait3A_1144] : memref<2x136x129xf32, #tpu.memory_space<vmem>> -> memref<1x16x128xf32, #tpu.memory_space<vmem>>
        %dma_wait3A_1146 = tpu.memref_squeeze %dma_wait3A_1145 : memref<1x16x128xf32, #tpu.memory_space<vmem>> -> memref<16x128xf32, #tpu.memory_space<vmem>>
        %dma_wait3A_1147 = arith.constant 0 : i32
        %dma_wait3A_1148 = tpu.memref_slice %arg4[%select_n3A_1001, %add3A_1054, %dma_wait3A_1147] : memref<200x2048x128xf32, #tpu.memory_space<hbm>> -> memref<1x16x128xf32, #tpu.memory_space<hbm>>
        %dma_wait3A_1149 = tpu.memref_squeeze %dma_wait3A_1148 : memref<1x16x128xf32, #tpu.memory_space<hbm>> -> memref<16x128xf32, #tpu.memory_space<hbm>>
        %dma_wait3A_1150 = arith.constant 0 : i32
        %dma_wait3A_1151 = tpu.memref_slice %arg4[%select_n3A_1001, %add3A_1054, %dma_wait3A_1150] : memref<200x2048x128xf32, #tpu.memory_space<hbm>> -> memref<1x16x128xf32, #tpu.memory_space<hbm>>
        %dma_wait3A_1152 = tpu.memref_squeeze %dma_wait3A_1151 : memref<1x16x128xf32, #tpu.memory_space<hbm>> -> memref<16x128xf32, #tpu.memory_space<hbm>>
        %dma_wait3A_1153 = arith.constant 85 : i32
        %dma_wait3A_1154 = arith.constant 0 : i32
        %dma_wait3A_1155 = tpu.memref_slice %arg7[%dma_wait3A_1142, %dma_wait3A_1153, %dma_wait3A_1154] : memref<2x136x129xf32, #tpu.memory_space<vmem>> -> memref<1x16x128xf32, #tpu.memory_space<vmem>>
        %dma_wait3A_1156 = tpu.memref_squeeze %dma_wait3A_1155 : memref<1x16x128xf32, #tpu.memory_space<vmem>> -> memref<16x128xf32, #tpu.memory_space<vmem>>
        tpu.wait_dma2 semaphore(%arg11 : memref<!tpu.dma_semaphore, #tpu.memory_space<semaphore_mem>>) src(%dma_wait3A_1156 : memref<16x128xf32, #tpu.memory_space<vmem>>) dst(%dma_wait3A_1152 : memref<16x128xf32, #tpu.memory_space<hbm>>)
        %dma_wait3A_1157 = arith.constant 1 : i32
        %dma_wait3A_1158 = arith.constant 102 : i32
        %dma_wait3A_1159 = arith.constant 0 : i32
        %dma_wait3A_1160 = tpu.memref_slice %arg7[%dma_wait3A_1157, %dma_wait3A_1158, %dma_wait3A_1159] : memref<2x136x129xf32, #tpu.memory_space<vmem>> -> memref<1x16x128xf32, #tpu.memory_space<vmem>>
        %dma_wait3A_1161 = tpu.memref_squeeze %dma_wait3A_1160 : memref<1x16x128xf32, #tpu.memory_space<vmem>> -> memref<16x128xf32, #tpu.memory_space<vmem>>
        %dma_wait3A_1162 = arith.constant 0 : i32
        %dma_wait3A_1163 = tpu.memref_slice %arg4[%select_n3A_1001, %add3A_1060, %dma_wait3A_1162] : memref<200x2048x128xf32, #tpu.memory_space<hbm>> -> memref<1x16x128xf32, #tpu.memory_space<hbm>>
        %dma_wait3A_1164 = tpu.memref_squeeze %dma_wait3A_1163 : memref<1x16x128xf32, #tpu.memory_space<hbm>> -> memref<16x128xf32, #tpu.memory_space<hbm>>
        %dma_wait3A_1165 = arith.constant 0 : i32
        %dma_wait3A_1166 = tpu.memref_slice %arg4[%select_n3A_1001, %add3A_1060, %dma_wait3A_1165] : memref<200x2048x128xf32, #tpu.memory_space<hbm>> -> memref<1x16x128xf32, #tpu.memory_space<hbm>>
        %dma_wait3A_1167 = tpu.memref_squeeze %dma_wait3A_1166 : memref<1x16x128xf32, #tpu.memory_space<hbm>> -> memref<16x128xf32, #tpu.memory_space<hbm>>
        %dma_wait3A_1168 = arith.constant 102 : i32
        %dma_wait3A_1169 = arith.constant 0 : i32
        %dma_wait3A_1170 = tpu.memref_slice %arg7[%dma_wait3A_1157, %dma_wait3A_1168, %dma_wait3A_1169] : memref<2x136x129xf32, #tpu.memory_space<vmem>> -> memref<1x16x128xf32, #tpu.memory_space<vmem>>
        %dma_wait3A_1171 = tpu.memref_squeeze %dma_wait3A_1170 : memref<1x16x128xf32, #tpu.memory_space<vmem>> -> memref<16x128xf32, #tpu.memory_space<vmem>>
        tpu.wait_dma2 semaphore(%arg11 : memref<!tpu.dma_semaphore, #tpu.memory_space<semaphore_mem>>) src(%dma_wait3A_1171 : memref<16x128xf32, #tpu.memory_space<vmem>>) dst(%dma_wait3A_1167 : memref<16x128xf32, #tpu.memory_space<hbm>>)
        %dma_wait3A_1172 = arith.constant 1 : i32
        %dma_wait3A_1173 = arith.constant 119 : i32
        %dma_wait3A_1174 = arith.constant 0 : i32
        %dma_wait3A_1175 = tpu.memref_slice %arg7[%dma_wait3A_1172, %dma_wait3A_1173, %dma_wait3A_1174] : memref<2x136x129xf32, #tpu.memory_space<vmem>> -> memref<1x16x128xf32, #tpu.memory_space<vmem>>
        %dma_wait3A_1176 = tpu.memref_squeeze %dma_wait3A_1175 : memref<1x16x128xf32, #tpu.memory_space<vmem>> -> memref<16x128xf32, #tpu.memory_space<vmem>>
        %dma_wait3A_1177 = arith.constant 0 : i32
        %dma_wait3A_1178 = tpu.memref_slice %arg4[%select_n3A_1001, %add3A_1066, %dma_wait3A_1177] : memref<200x2048x128xf32, #tpu.memory_space<hbm>> -> memref<1x16x128xf32, #tpu.memory_space<hbm>>
        %dma_wait3A_1179 = tpu.memref_squeeze %dma_wait3A_1178 : memref<1x16x128xf32, #tpu.memory_space<hbm>> -> memref<16x128xf32, #tpu.memory_space<hbm>>
        %dma_wait3A_1180 = arith.constant 0 : i32
        %dma_wait3A_1181 = tpu.memref_slice %arg4[%select_n3A_1001, %add3A_1066, %dma_wait3A_1180] : memref<200x2048x128xf32, #tpu.memory_space<hbm>> -> memref<1x16x128xf32, #tpu.memory_space<hbm>>
        %dma_wait3A_1182 = tpu.memref_squeeze %dma_wait3A_1181 : memref<1x16x128xf32, #tpu.memory_space<hbm>> -> memref<16x128xf32, #tpu.memory_space<hbm>>
        %dma_wait3A_1183 = arith.constant 119 : i32
        %dma_wait3A_1184 = arith.constant 0 : i32
        %dma_wait3A_1185 = tpu.memref_slice %arg7[%dma_wait3A_1172, %dma_wait3A_1183, %dma_wait3A_1184] : memref<2x136x129xf32, #tpu.memory_space<vmem>> -> memref<1x16x128xf32, #tpu.memory_space<vmem>>
        %dma_wait3A_1186 = tpu.memref_squeeze %dma_wait3A_1185 : memref<1x16x128xf32, #tpu.memory_space<vmem>> -> memref<16x128xf32, #tpu.memory_space<vmem>>
        tpu.wait_dma2 semaphore(%arg11 : memref<!tpu.dma_semaphore, #tpu.memory_space<semaphore_mem>>) src(%dma_wait3A_1186 : memref<16x128xf32, #tpu.memory_space<vmem>>) dst(%dma_wait3A_1182 : memref<16x128xf32, #tpu.memory_space<hbm>>)
      } else {
      }
      %scan3A_757 = arith.constant 1 : i32
      %scan3A_758 = arith.constant 0 : i32
      %scan3A_759 = arith.constant 0 : i32
      %scan3A_760 = arith.constant 64 : i32
      %scan3A_761 = arith.addi %scan3A_759, %scan3A_760 : i32
      %scan3A_762 = arith.constant 1 : i32
      %scan3A_763 = scf.for %scan3A_975 = %scan3A_759 to %scan3A_761 step %scan3A_762 iter_args(%scan3A_976 = %scan3A_758) -> (i32)  : i32 {
        %mul3A_977 = arith.constant 4 : i32
        %mul3A_978 = arith.muli %scan3A_975, %mul3A_977 : i32
        %add3A_979 = arith.constant 0 : i32
        %add3A_980 = arith.addi %mul3A_978, %add3A_979 : i32
        %and3A_981 = arith.constant 127 : i32
        %and3A_982 = arith.andi %add3A_980, %and3A_981 : i32
        %broadcast_in_dim3A = vector.broadcast %and3A_982 : i32 to vector<16xi32>
        %shift_right_arithmetic3A_983 = arith.constant 7 : i32
        %shift_right_arithmetic3A_984 = arith.shrsi %add3A_980, %shift_right_arithmetic3A_983 : i32
        %mul3A_985 = arith.constant 8 : i32
        %mul3A_986 = arith.muli %shift_right_arithmetic3A_984, %mul3A_985 : i32
        %get3A = arith.constant 1 : i32
        %get3A_987 = arith.index_cast %get3A : i32 to index
        %get3A_988 = arith.index_cast %add3A_980 : i32 to index
        %get3A_989 = arith.constant 0 : index
        %get3A_990 = tpu.vector_load %arg6[%get3A_987, %get3A_988, %get3A_989] {strides = array<i32>} : memref<2x256x64xf32, #tpu.memory_space<vmem>>, vector<16xf32>,
        %add3A_991 = arith.constant 0 : i32
        %add3A_992 = arith.addi %mul3A_986, %add3A_991 : i32
        %add3A_993 = vector.broadcast %add3A_992 : i32 to vector<16xi32>
        %add3A_994 = arith.addi %add3A_10, %add3A_993 : vector<16xi32>
        %scatter3A = arith.constant 0 : i32
        %scatter3A_995 = arith.constant 0 : i32
        %scatter3A_996 = tpu.memref_slice %arg7[%scan3A_757, %scatter3A, %scatter3A_995] : memref<2x136x129xf32, #tpu.memory_space<vmem>> -> memref<1x136x129xf32, #tpu.memory_space<vmem>>
        %scatter3A_997 = tpu.memref_squeeze %scatter3A_996 : memref<1x136x129xf32, #tpu.memory_space<vmem>> -> memref<136x129xf32, #tpu.memory_space<vmem>>
        tpu.vector_store_idx %scatter3A_997[%add3A_994, %broadcast_in_dim3A], %get3A_990 : memref<136x129xf32, #tpu.memory_space<vmem>>[vector<16xi32>, vector<16xi32>], vector<16xf32>,
        %get3A_998 = arith.constant 1 : i32
        %get3A_999 = arith.index_cast %get3A_998 : i32 to index
        %get3A_1000 = arith.index_cast %add3A_980 : i32 to index
        %get3A_1001 = arith.constant 16 : index
        %get3A_1002 = tpu.vector_load %arg6[%get3A_999, %get3A_1000, %get3A_1001] {strides = array<i32>} : memref<2x256x64xf32, #tpu.memory_space<vmem>>, vector<16xf32>,
        %add3A_1003 = arith.constant 34 : i32
        %add3A_1004 = arith.addi %mul3A_986, %add3A_1003 : i32
        %add3A_1005 = vector.broadcast %add3A_1004 : i32 to vector<16xi32>
        %add3A_1006 = arith.addi %add3A_10, %add3A_1005 : vector<16xi32>
        %scatter3A_1007 = arith.constant 0 : i32
        %scatter3A_1008 = arith.constant 0 : i32
        %scatter3A_1009 = tpu.memref_slice %arg7[%scan3A_757, %scatter3A_1007, %scatter3A_1008] : memref<2x136x129xf32, #tpu.memory_space<vmem>> -> memref<1x136x129xf32, #tpu.memory_space<vmem>>
        %scatter3A_1010 = tpu.memref_squeeze %scatter3A_1009 : memref<1x136x129xf32, #tpu.memory_space<vmem>> -> memref<136x129xf32, #tpu.memory_space<vmem>>
        tpu.vector_store_idx %scatter3A_1010[%add3A_1006, %broadcast_in_dim3A], %get3A_1002 : memref<136x129xf32, #tpu.memory_space<vmem>>[vector<16xi32>, vector<16xi32>], vector<16xf32>,
        %get3A_1011 = arith.constant 1 : i32
        %get3A_1012 = arith.index_cast %get3A_1011 : i32 to index
        %get3A_1013 = arith.index_cast %add3A_980 : i32 to index
        %get3A_1014 = arith.constant 32 : index
        %get3A_1015 = tpu.vector_load %arg6[%get3A_1012, %get3A_1013, %get3A_1014] {strides = array<i32>} : memref<2x256x64xf32, #tpu.memory_space<vmem>>, vector<16xf32>,
        %add3A_1016 = arith.constant 68 : i32
        %add3A_1017 = arith.addi %mul3A_986, %add3A_1016 : i32
        %add3A_1018 = vector.broadcast %add3A_1017 : i32 to vector<16xi32>
        %add3A_1019 = arith.addi %add3A_10, %add3A_1018 : vector<16xi32>
        %scatter3A_1020 = arith.constant 0 : i32
        %scatter3A_1021 = arith.constant 0 : i32
        %scatter3A_1022 = tpu.memref_slice %arg7[%scan3A_757, %scatter3A_1020, %scatter3A_1021] : memref<2x136x129xf32, #tpu.memory_space<vmem>> -> memref<1x136x129xf32, #tpu.memory_space<vmem>>
        %scatter3A_1023 = tpu.memref_squeeze %scatter3A_1022 : memref<1x136x129xf32, #tpu.memory_space<vmem>> -> memref<136x129xf32, #tpu.memory_space<vmem>>
        tpu.vector_store_idx %scatter3A_1023[%add3A_1019, %broadcast_in_dim3A], %get3A_1015 : memref<136x129xf32, #tpu.memory_space<vmem>>[vector<16xi32>, vector<16xi32>], vector<16xf32>,
        %get3A_1024 = arith.constant 1 : i32
        %get3A_1025 = arith.index_cast %get3A_1024 : i32 to index
        %get3A_1026 = arith.index_cast %add3A_980 : i32 to index
        %get3A_1027 = arith.constant 48 : index
        %get3A_1028 = tpu.vector_load %arg6[%get3A_1025, %get3A_1026, %get3A_1027] {strides = array<i32>} : memref<2x256x64xf32, #tpu.memory_space<vmem>>, vector<16xf32>,
        %add3A_1029 = arith.constant 102 : i32
        %add3A_1030 = arith.addi %mul3A_986, %add3A_1029 : i32
        %add3A_1031 = vector.broadcast %add3A_1030 : i32 to vector<16xi32>
        %add3A_1032 = arith.addi %add3A_10, %add3A_1031 : vector<16xi32>
        %scatter3A_1033 = arith.constant 0 : i32
        %scatter3A_1034 = arith.constant 0 : i32
        %scatter3A_1035 = tpu.memref_slice %arg7[%scan3A_757, %scatter3A_1033, %scatter3A_1034] : memref<2x136x129xf32, #tpu.memory_space<vmem>> -> memref<1x136x129xf32, #tpu.memory_space<vmem>>
        %scatter3A_1036 = tpu.memref_squeeze %scatter3A_1035 : memref<1x136x129xf32, #tpu.memory_space<vmem>> -> memref<136x129xf32, #tpu.memory_space<vmem>>
        tpu.vector_store_idx %scatter3A_1036[%add3A_1032, %broadcast_in_dim3A], %get3A_1028 : memref<136x129xf32, #tpu.memory_space<vmem>>[vector<16xi32>, vector<16xi32>], vector<16xf32>,
        %mul3A_1037 = arith.constant 4 : i32
        %mul3A_1038 = arith.muli %scan3A_975, %mul3A_1037 : i32
        %add3A_1039 = arith.constant 1 : i32
        %add3A_1040 = arith.addi %mul3A_1038, %add3A_1039 : i32
        %and3A_1041 = arith.constant 127 : i32
        %and3A_1042 = arith.andi %add3A_1040, %and3A_1041 : i32
        %broadcast_in_dim3A_1043 = vector.broadcast %and3A_1042 : i32 to vector<16xi32>
        %shift_right_arithmetic3A_1044 = arith.constant 7 : i32
        %shift_right_arithmetic3A_1045 = arith.shrsi %add3A_1040, %shift_right_arithmetic3A_1044 : i32
        %mul3A_1046 = arith.constant 8 : i32
        %mul3A_1047 = arith.muli %shift_right_arithmetic3A_1045, %mul3A_1046 : i32
        %get3A_1048 = arith.constant 1 : i32
        %get3A_1049 = arith.index_cast %get3A_1048 : i32 to index
        %get3A_1050 = arith.index_cast %add3A_1040 : i32 to index
        %get3A_1051 = arith.constant 0 : index
        %get3A_1052 = tpu.vector_load %arg6[%get3A_1049, %get3A_1050, %get3A_1051] {strides = array<i32>} : memref<2x256x64xf32, #tpu.memory_space<vmem>>, vector<16xf32>,
        %add3A_1053 = arith.constant 0 : i32
        %add3A_1054 = arith.addi %mul3A_1047, %add3A_1053 : i32
        %add3A_1055 = vector.broadcast %add3A_1054 : i32 to vector<16xi32>
        %add3A_1056 = arith.addi %add3A_10, %add3A_1055 : vector<16xi32>
        %scatter3A_1057 = arith.constant 0 : i32
        %scatter3A_1058 = arith.constant 0 : i32
        %scatter3A_1059 = tpu.memref_slice %arg7[%scan3A_757, %scatter3A_1057, %scatter3A_1058] : memref<2x136x129xf32, #tpu.memory_space<vmem>> -> memref<1x136x129xf32, #tpu.memory_space<vmem>>
        %scatter3A_1060 = tpu.memref_squeeze %scatter3A_1059 : memref<1x136x129xf32, #tpu.memory_space<vmem>> -> memref<136x129xf32, #tpu.memory_space<vmem>>
        tpu.vector_store_idx %scatter3A_1060[%add3A_1056, %broadcast_in_dim3A_1043], %get3A_1052 : memref<136x129xf32, #tpu.memory_space<vmem>>[vector<16xi32>, vector<16xi32>], vector<16xf32>,
        %get3A_1061 = arith.constant 1 : i32
        %get3A_1062 = arith.index_cast %get3A_1061 : i32 to index
        %get3A_1063 = arith.index_cast %add3A_1040 : i32 to index
        %get3A_1064 = arith.constant 16 : index
        %get3A_1065 = tpu.vector_load %arg6[%get3A_1062, %get3A_1063, %get3A_1064] {strides = array<i32>} : memref<2x256x64xf32, #tpu.memory_space<vmem>>, vector<16xf32>,
        %add3A_1066 = arith.constant 34 : i32
        %add3A_1067 = arith.addi %mul3A_1047, %add3A_1066 : i32
        %add3A_1068 = vector.broadcast %add3A_1067 : i32 to vector<16xi32>
        %add3A_1069 = arith.addi %add3A_10, %add3A_1068 : vector<16xi32>
        %scatter3A_1070 = arith.constant 0 : i32
        %scatter3A_1071 = arith.constant 0 : i32
        %scatter3A_1072 = tpu.memref_slice %arg7[%scan3A_757, %scatter3A_1070, %scatter3A_1071] : memref<2x136x129xf32, #tpu.memory_space<vmem>> -> memref<1x136x129xf32, #tpu.memory_space<vmem>>
        %scatter3A_1073 = tpu.memref_squeeze %scatter3A_1072 : memref<1x136x129xf32, #tpu.memory_space<vmem>> -> memref<136x129xf32, #tpu.memory_space<vmem>>
        tpu.vector_store_idx %scatter3A_1073[%add3A_1069, %broadcast_in_dim3A_1043], %get3A_1065 : memref<136x129xf32, #tpu.memory_space<vmem>>[vector<16xi32>, vector<16xi32>], vector<16xf32>,
        %get3A_1074 = arith.constant 1 : i32
        %get3A_1075 = arith.index_cast %get3A_1074 : i32 to index
        %get3A_1076 = arith.index_cast %add3A_1040 : i32 to index
        %get3A_1077 = arith.constant 32 : index
        %get3A_1078 = tpu.vector_load %arg6[%get3A_1075, %get3A_1076, %get3A_1077] {strides = array<i32>} : memref<2x256x64xf32, #tpu.memory_space<vmem>>, vector<16xf32>,
        %add3A_1079 = arith.constant 68 : i32
        %add3A_1080 = arith.addi %mul3A_1047, %add3A_1079 : i32
        %add3A_1081 = vector.broadcast %add3A_1080 : i32 to vector<16xi32>
        %add3A_1082 = arith.addi %add3A_10, %add3A_1081 : vector<16xi32>
        %scatter3A_1083 = arith.constant 0 : i32
        %scatter3A_1084 = arith.constant 0 : i32
        %scatter3A_1085 = tpu.memref_slice %arg7[%scan3A_757, %scatter3A_1083, %scatter3A_1084] : memref<2x136x129xf32, #tpu.memory_space<vmem>> -> memref<1x136x129xf32, #tpu.memory_space<vmem>>
        %scatter3A_1086 = tpu.memref_squeeze %scatter3A_1085 : memref<1x136x129xf32, #tpu.memory_space<vmem>> -> memref<136x129xf32, #tpu.memory_space<vmem>>
        tpu.vector_store_idx %scatter3A_1086[%add3A_1082, %broadcast_in_dim3A_1043], %get3A_1078 : memref<136x129xf32, #tpu.memory_space<vmem>>[vector<16xi32>, vector<16xi32>], vector<16xf32>,
        %get3A_1087 = arith.constant 1 : i32
        %get3A_1088 = arith.index_cast %get3A_1087 : i32 to index
        %get3A_1089 = arith.index_cast %add3A_1040 : i32 to index
        %get3A_1090 = arith.constant 48 : index
        %get3A_1091 = tpu.vector_load %arg6[%get3A_1088, %get3A_1089, %get3A_1090] {strides = array<i32>} : memref<2x256x64xf32, #tpu.memory_space<vmem>>, vector<16xf32>,
        %add3A_1092 = arith.constant 102 : i32
        %add3A_1093 = arith.addi %mul3A_1047, %add3A_1092 : i32
        %add3A_1094 = vector.broadcast %add3A_1093 : i32 to vector<16xi32>
        %add3A_1095 = arith.addi %add3A_10, %add3A_1094 : vector<16xi32>
        %scatter3A_1096 = arith.constant 0 : i32
        %scatter3A_1097 = arith.constant 0 : i32
        %scatter3A_1098 = tpu.memref_slice %arg7[%scan3A_757, %scatter3A_1096, %scatter3A_1097] : memref<2x136x129xf32, #tpu.memory_space<vmem>> -> memref<1x136x129xf32, #tpu.memory_space<vmem>>
        %scatter3A_1099 = tpu.memref_squeeze %scatter3A_1098 : memref<1x136x129xf32, #tpu.memory_space<vmem>> -> memref<136x129xf32, #tpu.memory_space<vmem>>
        tpu.vector_store_idx %scatter3A_1099[%add3A_1095, %broadcast_in_dim3A_1043], %get3A_1091 : memref<136x129xf32, #tpu.memory_space<vmem>>[vector<16xi32>, vector<16xi32>], vector<16xf32>,
        %mul3A_1100 = arith.constant 4 : i32
        %mul3A_1101 = arith.muli %scan3A_975, %mul3A_1100 : i32
        %add3A_1102 = arith.constant 2 : i32
        %add3A_1103 = arith.addi %mul3A_1101, %add3A_1102 : i32
        %and3A_1104 = arith.constant 127 : i32
        %and3A_1105 = arith.andi %add3A_1103, %and3A_1104 : i32
        %broadcast_in_dim3A_1106 = vector.broadcast %and3A_1105 : i32 to vector<16xi32>
        %shift_right_arithmetic3A_1107 = arith.constant 7 : i32
        %shift_right_arithmetic3A_1108 = arith.shrsi %add3A_1103, %shift_right_arithmetic3A_1107 : i32
        %mul3A_1109 = arith.constant 8 : i32
        %mul3A_1110 = arith.muli %shift_right_arithmetic3A_1108, %mul3A_1109 : i32
        %get3A_1111 = arith.constant 1 : i32
        %get3A_1112 = arith.index_cast %get3A_1111 : i32 to index
        %get3A_1113 = arith.index_cast %add3A_1103 : i32 to index
        %get3A_1114 = arith.constant 0 : index
        %get3A_1115 = tpu.vector_load %arg6[%get3A_1112, %get3A_1113, %get3A_1114] {strides = array<i32>} : memref<2x256x64xf32, #tpu.memory_space<vmem>>, vector<16xf32>,
        %add3A_1116 = arith.constant 0 : i32
        %add3A_1117 = arith.addi %mul3A_1110, %add3A_1116 : i32
        %add3A_1118 = vector.broadcast %add3A_1117 : i32 to vector<16xi32>
        %add3A_1119 = arith.addi %add3A_10, %add3A_1118 : vector<16xi32>
        %scatter3A_1120 = arith.constant 0 : i32
        %scatter3A_1121 = arith.constant 0 : i32
        %scatter3A_1122 = tpu.memref_slice %arg7[%scan3A_757, %scatter3A_1120, %scatter3A_1121] : memref<2x136x129xf32, #tpu.memory_space<vmem>> -> memref<1x136x129xf32, #tpu.memory_space<vmem>>
        %scatter3A_1123 = tpu.memref_squeeze %scatter3A_1122 : memref<1x136x129xf32, #tpu.memory_space<vmem>> -> memref<136x129xf32, #tpu.memory_space<vmem>>
        tpu.vector_store_idx %scatter3A_1123[%add3A_1119, %broadcast_in_dim3A_1106], %get3A_1115 : memref<136x129xf32, #tpu.memory_space<vmem>>[vector<16xi32>, vector<16xi32>], vector<16xf32>,
        %get3A_1124 = arith.constant 1 : i32
        %get3A_1125 = arith.index_cast %get3A_1124 : i32 to index
        %get3A_1126 = arith.index_cast %add3A_1103 : i32 to index
        %get3A_1127 = arith.constant 16 : index
        %get3A_1128 = tpu.vector_load %arg6[%get3A_1125, %get3A_1126, %get3A_1127] {strides = array<i32>} : memref<2x256x64xf32, #tpu.memory_space<vmem>>, vector<16xf32>,
        %add3A_1129 = arith.constant 34 : i32
        %add3A_1130 = arith.addi %mul3A_1110, %add3A_1129 : i32
        %add3A_1131 = vector.broadcast %add3A_1130 : i32 to vector<16xi32>
        %add3A_1132 = arith.addi %add3A_10, %add3A_1131 : vector<16xi32>
        %scatter3A_1133 = arith.constant 0 : i32
        %scatter3A_1134 = arith.constant 0 : i32
        %scatter3A_1135 = tpu.memref_slice %arg7[%scan3A_757, %scatter3A_1133, %scatter3A_1134] : memref<2x136x129xf32, #tpu.memory_space<vmem>> -> memref<1x136x129xf32, #tpu.memory_space<vmem>>
        %scatter3A_1136 = tpu.memref_squeeze %scatter3A_1135 : memref<1x136x129xf32, #tpu.memory_space<vmem>> -> memref<136x129xf32, #tpu.memory_space<vmem>>
        tpu.vector_store_idx %scatter3A_1136[%add3A_1132, %broadcast_in_dim3A_1106], %get3A_1128 : memref<136x129xf32, #tpu.memory_space<vmem>>[vector<16xi32>, vector<16xi32>], vector<16xf32>,
        %get3A_1137 = arith.constant 1 : i32
        %get3A_1138 = arith.index_cast %get3A_1137 : i32 to index
        %get3A_1139 = arith.index_cast %add3A_1103 : i32 to index
        %get3A_1140 = arith.constant 32 : index
        %get3A_1141 = tpu.vector_load %arg6[%get3A_1138, %get3A_1139, %get3A_1140] {strides = array<i32>} : memref<2x256x64xf32, #tpu.memory_space<vmem>>, vector<16xf32>,
        %add3A_1142 = arith.constant 68 : i32
        %add3A_1143 = arith.addi %mul3A_1110, %add3A_1142 : i32
        %add3A_1144 = vector.broadcast %add3A_1143 : i32 to vector<16xi32>
        %add3A_1145 = arith.addi %add3A_10, %add3A_1144 : vector<16xi32>
        %scatter3A_1146 = arith.constant 0 : i32
        %scatter3A_1147 = arith.constant 0 : i32
        %scatter3A_1148 = tpu.memref_slice %arg7[%scan3A_757, %scatter3A_1146, %scatter3A_1147] : memref<2x136x129xf32, #tpu.memory_space<vmem>> -> memref<1x136x129xf32, #tpu.memory_space<vmem>>
        %scatter3A_1149 = tpu.memref_squeeze %scatter3A_1148 : memref<1x136x129xf32, #tpu.memory_space<vmem>> -> memref<136x129xf32, #tpu.memory_space<vmem>>
        tpu.vector_store_idx %scatter3A_1149[%add3A_1145, %broadcast_in_dim3A_1106], %get3A_1141 : memref<136x129xf32, #tpu.memory_space<vmem>>[vector<16xi32>, vector<16xi32>], vector<16xf32>,
        %get3A_1150 = arith.constant 1 : i32
        %get3A_1151 = arith.index_cast %get3A_1150 : i32 to index
        %get3A_1152 = arith.index_cast %add3A_1103 : i32 to index
        %get3A_1153 = arith.constant 48 : index
        %get3A_1154 = tpu.vector_load %arg6[%get3A_1151, %get3A_1152, %get3A_1153] {strides = array<i32>} : memref<2x256x64xf32, #tpu.memory_space<vmem>>, vector<16xf32>,
        %add3A_1155 = arith.constant 102 : i32
        %add3A_1156 = arith.addi %mul3A_1110, %add3A_1155 : i32
        %add3A_1157 = vector.broadcast %add3A_1156 : i32 to vector<16xi32>
        %add3A_1158 = arith.addi %add3A_10, %add3A_1157 : vector<16xi32>
        %scatter3A_1159 = arith.constant 0 : i32
        %scatter3A_1160 = arith.constant 0 : i32
        %scatter3A_1161 = tpu.memref_slice %arg7[%scan3A_757, %scatter3A_1159, %scatter3A_1160] : memref<2x136x129xf32, #tpu.memory_space<vmem>> -> memref<1x136x129xf32, #tpu.memory_space<vmem>>
        %scatter3A_1162 = tpu.memref_squeeze %scatter3A_1161 : memref<1x136x129xf32, #tpu.memory_space<vmem>> -> memref<136x129xf32, #tpu.memory_space<vmem>>
        tpu.vector_store_idx %scatter3A_1162[%add3A_1158, %broadcast_in_dim3A_1106], %get3A_1154 : memref<136x129xf32, #tpu.memory_space<vmem>>[vector<16xi32>, vector<16xi32>], vector<16xf32>,
        %mul3A_1163 = arith.constant 4 : i32
        %mul3A_1164 = arith.muli %scan3A_975, %mul3A_1163 : i32
        %add3A_1165 = arith.constant 3 : i32
        %add3A_1166 = arith.addi %mul3A_1164, %add3A_1165 : i32
        %and3A_1167 = arith.constant 127 : i32
        %and3A_1168 = arith.andi %add3A_1166, %and3A_1167 : i32
        %broadcast_in_dim3A_1169 = vector.broadcast %and3A_1168 : i32 to vector<16xi32>
        %shift_right_arithmetic3A_1170 = arith.constant 7 : i32
        %shift_right_arithmetic3A_1171 = arith.shrsi %add3A_1166, %shift_right_arithmetic3A_1170 : i32
        %mul3A_1172 = arith.constant 8 : i32
        %mul3A_1173 = arith.muli %shift_right_arithmetic3A_1171, %mul3A_1172 : i32
        %get3A_1174 = arith.constant 1 : i32
        %get3A_1175 = arith.index_cast %get3A_1174 : i32 to index
        %get3A_1176 = arith.index_cast %add3A_1166 : i32 to index
        %get3A_1177 = arith.constant 0 : index
        %get3A_1178 = tpu.vector_load %arg6[%get3A_1175, %get3A_1176, %get3A_1177] {strides = array<i32>} : memref<2x256x64xf32, #tpu.memory_space<vmem>>, vector<16xf32>,
        %add3A_1179 = arith.constant 0 : i32
        %add3A_1180 = arith.addi %mul3A_1173, %add3A_1179 : i32
        %add3A_1181 = vector.broadcast %add3A_1180 : i32 to vector<16xi32>
        %add3A_1182 = arith.addi %add3A_10, %add3A_1181 : vector<16xi32>
        %scatter3A_1183 = arith.constant 0 : i32
        %scatter3A_1184 = arith.constant 0 : i32
        %scatter3A_1185 = tpu.memref_slice %arg7[%scan3A_757, %scatter3A_1183, %scatter3A_1184] : memref<2x136x129xf32, #tpu.memory_space<vmem>> -> memref<1x136x129xf32, #tpu.memory_space<vmem>>
        %scatter3A_1186 = tpu.memref_squeeze %scatter3A_1185 : memref<1x136x129xf32, #tpu.memory_space<vmem>> -> memref<136x129xf32, #tpu.memory_space<vmem>>
        tpu.vector_store_idx %scatter3A_1186[%add3A_1182, %broadcast_in_dim3A_1169], %get3A_1178 : memref<136x129xf32, #tpu.memory_space<vmem>>[vector<16xi32>, vector<16xi32>], vector<16xf32>,
        %get3A_1187 = arith.constant 1 : i32
        %get3A_1188 = arith.index_cast %get3A_1187 : i32 to index
        %get3A_1189 = arith.index_cast %add3A_1166 : i32 to index
        %get3A_1190 = arith.constant 16 : index
        %get3A_1191 = tpu.vector_load %arg6[%get3A_1188, %get3A_1189, %get3A_1190] {strides = array<i32>} : memref<2x256x64xf32, #tpu.memory_space<vmem>>, vector<16xf32>,
        %add3A_1192 = arith.constant 34 : i32
        %add3A_1193 = arith.addi %mul3A_1173, %add3A_1192 : i32
        %add3A_1194 = vector.broadcast %add3A_1193 : i32 to vector<16xi32>
        %add3A_1195 = arith.addi %add3A_10, %add3A_1194 : vector<16xi32>
        %scatter3A_1196 = arith.constant 0 : i32
        %scatter3A_1197 = arith.constant 0 : i32
        %scatter3A_1198 = tpu.memref_slice %arg7[%scan3A_757, %scatter3A_1196, %scatter3A_1197] : memref<2x136x129xf32, #tpu.memory_space<vmem>> -> memref<1x136x129xf32, #tpu.memory_space<vmem>>
        %scatter3A_1199 = tpu.memref_squeeze %scatter3A_1198 : memref<1x136x129xf32, #tpu.memory_space<vmem>> -> memref<136x129xf32, #tpu.memory_space<vmem>>
        tpu.vector_store_idx %scatter3A_1199[%add3A_1195, %broadcast_in_dim3A_1169], %get3A_1191 : memref<136x129xf32, #tpu.memory_space<vmem>>[vector<16xi32>, vector<16xi32>], vector<16xf32>,
        %get3A_1200 = arith.constant 1 : i32
        %get3A_1201 = arith.index_cast %get3A_1200 : i32 to index
        %get3A_1202 = arith.index_cast %add3A_1166 : i32 to index
        %get3A_1203 = arith.constant 32 : index
        %get3A_1204 = tpu.vector_load %arg6[%get3A_1201, %get3A_1202, %get3A_1203] {strides = array<i32>} : memref<2x256x64xf32, #tpu.memory_space<vmem>>, vector<16xf32>,
        %add3A_1205 = arith.constant 68 : i32
        %add3A_1206 = arith.addi %mul3A_1173, %add3A_1205 : i32
        %add3A_1207 = vector.broadcast %add3A_1206 : i32 to vector<16xi32>
        %add3A_1208 = arith.addi %add3A_10, %add3A_1207 : vector<16xi32>
        %scatter3A_1209 = arith.constant 0 : i32
        %scatter3A_1210 = arith.constant 0 : i32
        %scatter3A_1211 = tpu.memref_slice %arg7[%scan3A_757, %scatter3A_1209, %scatter3A_1210] : memref<2x136x129xf32, #tpu.memory_space<vmem>> -> memref<1x136x129xf32, #tpu.memory_space<vmem>>
        %scatter3A_1212 = tpu.memref_squeeze %scatter3A_1211 : memref<1x136x129xf32, #tpu.memory_space<vmem>> -> memref<136x129xf32, #tpu.memory_space<vmem>>
        tpu.vector_store_idx %scatter3A_1212[%add3A_1208, %broadcast_in_dim3A_1169], %get3A_1204 : memref<136x129xf32, #tpu.memory_space<vmem>>[vector<16xi32>, vector<16xi32>], vector<16xf32>,
        %get3A_1213 = arith.constant 1 : i32
        %get3A_1214 = arith.index_cast %get3A_1213 : i32 to index
        %get3A_1215 = arith.index_cast %add3A_1166 : i32 to index
        %get3A_1216 = arith.constant 48 : index
        %get3A_1217 = tpu.vector_load %arg6[%get3A_1214, %get3A_1215, %get3A_1216] {strides = array<i32>} : memref<2x256x64xf32, #tpu.memory_space<vmem>>, vector<16xf32>,
        %add3A_1218 = arith.constant 102 : i32
        %add3A_1219 = arith.addi %mul3A_1173, %add3A_1218 : i32
        %add3A_1220 = vector.broadcast %add3A_1219 : i32 to vector<16xi32>
        %add3A_1221 = arith.addi %add3A_10, %add3A_1220 : vector<16xi32>
        %scatter3A_1222 = arith.constant 0 : i32
        %scatter3A_1223 = arith.constant 0 : i32
        %scatter3A_1224 = tpu.memref_slice %arg7[%scan3A_757, %scatter3A_1222, %scatter3A_1223] : memref<2x136x129xf32, #tpu.memory_space<vmem>> -> memref<1x136x129xf32, #tpu.memory_space<vmem>>
        %scatter3A_1225 = tpu.memref_squeeze %scatter3A_1224 : memref<1x136x129xf32, #tpu.memory_space<vmem>> -> memref<136x129xf32, #tpu.memory_space<vmem>>
        tpu.vector_store_idx %scatter3A_1225[%add3A_1221, %broadcast_in_dim3A_1169], %get3A_1217 : memref<136x129xf32, #tpu.memory_space<vmem>>[vector<16xi32>, vector<16xi32>], vector<16xf32>,
        %scan3A_1226 = arith.constant 0 : i32
        scf.yield %scan3A_1226 : i32
      }
      %scan3A_764 = arith.constant 64 : i32
      %add3A_765 = arith.addi %mul3A_2, %add3A_732 : i32
      %jit3A_766 = arith.constant 16 : i32
      %div3A_767 = arith.divsi %add3A_765, %jit3A_766 : i32
      %sign3A_768 = arith.constant 0 : i32
      %sign3A_769 = arith.cmpi sgt, %add3A_765, %sign3A_768 : i32
      %sign3A_770 = arith.extui %sign3A_769 : i1 to i32
      %sign3A_771 = arith.constant 0 : i32
      %sign3A_772 = arith.cmpi slt, %add3A_765, %sign3A_771 : i32
      %sign3A_773 = arith.extui %sign3A_772 : i1 to i32
      %sign3A_774 = arith.subi %sign3A_770, %sign3A_773 : i32
      %sign3A_775 = arith.constant 0 : i32
      %sign3A_776 = arith.cmpi sgt, %jit3A_766, %sign3A_775 : i32
      %sign3A_777 = arith.extui %sign3A_776 : i1 to i32
      %sign3A_778 = arith.constant 0 : i32
      %sign3A_779 = arith.cmpi slt, %jit3A_766, %sign3A_778 : i32
      %sign3A_780 = arith.extui %sign3A_779 : i1 to i32
      %sign3A_781 = arith.subi %sign3A_777, %sign3A_780 : i32
      %ne3A_782 = arith.cmpi ne, %sign3A_774, %sign3A_781 : i32
      %rem3A_783 = arith.remsi %add3A_765, %jit3A_766 : i32
      %ne3A_784 = arith.constant 0 : i32
      %ne3A_785 = arith.cmpi ne, %rem3A_783, %ne3A_784 : i32
      %and3A_786 = arith.andi %ne3A_782, %ne3A_785 : i1
      %sub3A_787 = arith.constant 1 : i32
      %sub3A_788 = arith.subi %div3A_767, %sub3A_787 : i32
      %select_n3A_789 = arith.select %and3A_786, %sub3A_788, %div3A_767 : i32
      %add3A_790 = arith.addi %mul3A_2, %add3A_732 : i32
      %jit3A_791 = arith.constant 16 : i32
      %eq3A_792 = arith.constant 0 : i32
      %eq3A_793 = arith.cmpi eq, %jit3A_791, %eq3A_792 : i32
      %jit3A_794 = arith.constant 1 : i32
      %select_n3A_795 = arith.select %eq3A_793, %jit3A_794, %jit3A_791 : i32
      %rem3A_796 = arith.remsi %add3A_790, %select_n3A_795 : i32
      %ne3A_797 = arith.constant 0 : i32
      %ne3A_798 = arith.cmpi ne, %rem3A_796, %ne3A_797 : i32
      %lt3A_799 = arith.constant 0 : i32
      %lt3A_800 = arith.cmpi slt, %rem3A_796, %lt3A_799 : i32
      %lt3A_801 = arith.constant 0 : i32
      %lt3A_802 = arith.cmpi slt, %select_n3A_795, %lt3A_801 : i32
      %ne3A_803 = arith.xori %lt3A_800, %lt3A_802 : i1
      %and3A_804 = arith.andi %ne3A_803, %ne3A_798 : i1
      %add3A_805 = arith.addi %rem3A_796, %select_n3A_795 : i32
      %select_n3A_806 = arith.select %and3A_804, %add3A_805, %rem3A_796 : i32
      %mul3A_807 = arith.constant 2 : i32
      %mul3A_808 = arith.muli %select_n3A_806, %mul3A_807 : i32
      %mul3A_809 = arith.constant 8 : i32
      %mul3A_810 = arith.muli %mul3A_808, %mul3A_809 : i32
      %add3A_811 = arith.constant 0 : i32
      %add3A_812 = arith.addi %add3A_811, %mul3A_810 : i32
      %mul3A_813 = arith.constant 2 : i32
      %mul3A_814 = arith.muli %select_n3A_806, %mul3A_813 : i32
      %mul3A_815 = arith.constant 8 : i32
      %mul3A_816 = arith.muli %mul3A_814, %mul3A_815 : i32
      %add3A_817 = arith.constant 256 : i32
      %add3A_818 = arith.addi %add3A_817, %mul3A_816 : i32
      %mul3A_819 = arith.constant 2 : i32
      %mul3A_820 = arith.muli %select_n3A_806, %mul3A_819 : i32
      %mul3A_821 = arith.constant 8 : i32
      %mul3A_822 = arith.muli %mul3A_820, %mul3A_821 : i32
      %add3A_823 = arith.constant 512 : i32
      %add3A_824 = arith.addi %add3A_823, %mul3A_822 : i32
      %mul3A_825 = arith.constant 2 : i32
      %mul3A_826 = arith.muli %select_n3A_806, %mul3A_825 : i32
      %mul3A_827 = arith.constant 8 : i32
      %mul3A_828 = arith.muli %mul3A_826, %mul3A_827 : i32
      %add3A_829 = arith.constant 768 : i32
      %add3A_830 = arith.addi %add3A_829, %mul3A_828 : i32
      %mul3A_831 = arith.constant 2 : i32
      %mul3A_832 = arith.muli %select_n3A_806, %mul3A_831 : i32
      %mul3A_833 = arith.constant 8 : i32
      %mul3A_834 = arith.muli %mul3A_832, %mul3A_833 : i32
      %add3A_835 = arith.constant 1024 : i32
      %add3A_836 = arith.addi %add3A_835, %mul3A_834 : i32
      %mul3A_837 = arith.constant 2 : i32
      %mul3A_838 = arith.muli %select_n3A_806, %mul3A_837 : i32
      %mul3A_839 = arith.constant 8 : i32
      %mul3A_840 = arith.muli %mul3A_838, %mul3A_839 : i32
      %add3A_841 = arith.constant 1280 : i32
      %add3A_842 = arith.addi %add3A_841, %mul3A_840 : i32
      %mul3A_843 = arith.constant 2 : i32
      %mul3A_844 = arith.muli %select_n3A_806, %mul3A_843 : i32
      %mul3A_845 = arith.constant 8 : i32
      %mul3A_846 = arith.muli %mul3A_844, %mul3A_845 : i32
      %add3A_847 = arith.constant 1536 : i32
      %add3A_848 = arith.addi %add3A_847, %mul3A_846 : i32
      %mul3A_849 = arith.constant 2 : i32
      %mul3A_850 = arith.muli %select_n3A_806, %mul3A_849 : i32
      %mul3A_851 = arith.constant 8 : i32
      %mul3A_852 = arith.muli %mul3A_850, %mul3A_851 : i32
      %add3A_853 = arith.constant 1792 : i32
      %add3A_854 = arith.addi %add3A_853, %mul3A_852 : i32
      %dma_start3A_855 = arith.constant 1 : i32
      %dma_start3A_856 = arith.constant 0 : i32
      %dma_start3A_857 = arith.constant 0 : i32
      %dma_start3A_858 = tpu.memref_slice %arg7[%dma_start3A_855, %dma_start3A_856, %dma_start3A_857] : memref<2x136x129xf32, #tpu.memory_space<vmem>> -> memref<1x16x128xf32, #tpu.memory_space<vmem>>
      %dma_start3A_859 = tpu.memref_squeeze %dma_start3A_858 : memref<1x16x128xf32, #tpu.memory_space<vmem>> -> memref<16x128xf32, #tpu.memory_space<vmem>>
      %dma_start3A_860 = arith.constant 0 : i32
      %dma_start3A_861 = tpu.memref_slice %arg4[%select_n3A_789, %add3A_812, %dma_start3A_860] : memref<200x2048x128xf32, #tpu.memory_space<hbm>> -> memref<1x16x128xf32, #tpu.memory_space<hbm>>
      %dma_start3A_862 = tpu.memref_squeeze %dma_start3A_861 : memref<1x16x128xf32, #tpu.memory_space<hbm>> -> memref<16x128xf32, #tpu.memory_space<hbm>>
      %dma_start3A_863 = arith.constant 0 : i32
      %dma_start3A_864 = tpu.memref_slice %arg4[%select_n3A_789, %add3A_812, %dma_start3A_863] : memref<200x2048x128xf32, #tpu.memory_space<hbm>> -> memref<1x16x128xf32, #tpu.memory_space<hbm>>
      %dma_start3A_865 = tpu.memref_squeeze %dma_start3A_864 : memref<1x16x128xf32, #tpu.memory_space<hbm>> -> memref<16x128xf32, #tpu.memory_space<hbm>>
      %dma_start3A_866 = arith.constant 0 : i32
      %dma_start3A_867 = arith.constant 0 : i32
      %dma_start3A_868 = tpu.memref_slice %arg7[%dma_start3A_855, %dma_start3A_866, %dma_start3A_867] : memref<2x136x129xf32, #tpu.memory_space<vmem>> -> memref<1x16x128xf32, #tpu.memory_space<vmem>>
      %dma_start3A_869 = tpu.memref_squeeze %dma_start3A_868 : memref<1x16x128xf32, #tpu.memory_space<vmem>> -> memref<16x128xf32, #tpu.memory_space<vmem>>
      tpu.enqueue_dma source(%dma_start3A_869 : memref<16x128xf32, #tpu.memory_space<vmem>>) target(%dma_start3A_865 : memref<16x128xf32, #tpu.memory_space<hbm>>) target_semaphore(%arg11 : memref<!tpu.dma_semaphore, #tpu.memory_space<semaphore_mem>>)
      %dma_start3A_870 = arith.constant 1 : i32
      %dma_start3A_871 = arith.constant 17 : i32
      %dma_start3A_872 = arith.constant 0 : i32
      %dma_start3A_873 = tpu.memref_slice %arg7[%dma_start3A_870, %dma_start3A_871, %dma_start3A_872] : memref<2x136x129xf32, #tpu.memory_space<vmem>> -> memref<1x16x128xf32, #tpu.memory_space<vmem>>
      %dma_start3A_874 = tpu.memref_squeeze %dma_start3A_873 : memref<1x16x128xf32, #tpu.memory_space<vmem>> -> memref<16x128xf32, #tpu.memory_space<vmem>>
      %dma_start3A_875 = arith.constant 0 : i32
      %dma_start3A_876 = tpu.memref_slice %arg4[%select_n3A_789, %add3A_818, %dma_start3A_875] : memref<200x2048x128xf32, #tpu.memory_space<hbm>> -> memref<1x16x128xf32, #tpu.memory_space<hbm>>
      %dma_start3A_877 = tpu.memref_squeeze %dma_start3A_876 : memref<1x16x128xf32, #tpu.memory_space<hbm>> -> memref<16x128xf32, #tpu.memory_space<hbm>>
      %dma_start3A_878 = arith.constant 0 : i32
      %dma_start3A_879 = tpu.memref_slice %arg4[%select_n3A_789, %add3A_818, %dma_start3A_878] : memref<200x2048x128xf32, #tpu.memory_space<hbm>> -> memref<1x16x128xf32, #tpu.memory_space<hbm>>
      %dma_start3A_880 = tpu.memref_squeeze %dma_start3A_879 : memref<1x16x128xf32, #tpu.memory_space<hbm>> -> memref<16x128xf32, #tpu.memory_space<hbm>>
      %dma_start3A_881 = arith.constant 17 : i32
      %dma_start3A_882 = arith.constant 0 : i32
      %dma_start3A_883 = tpu.memref_slice %arg7[%dma_start3A_870, %dma_start3A_881, %dma_start3A_882] : memref<2x136x129xf32, #tpu.memory_space<vmem>> -> memref<1x16x128xf32, #tpu.memory_space<vmem>>
      %dma_start3A_884 = tpu.memref_squeeze %dma_start3A_883 : memref<1x16x128xf32, #tpu.memory_space<vmem>> -> memref<16x128xf32, #tpu.memory_space<vmem>>
      tpu.enqueue_dma source(%dma_start3A_884 : memref<16x128xf32, #tpu.memory_space<vmem>>) target(%dma_start3A_880 : memref<16x128xf32, #tpu.memory_space<hbm>>) target_semaphore(%arg11 : memref<!tpu.dma_semaphore, #tpu.memory_space<semaphore_mem>>)
      %dma_start3A_885 = arith.constant 1 : i32
      %dma_start3A_886 = arith.constant 34 : i32
      %dma_start3A_887 = arith.constant 0 : i32
      %dma_start3A_888 = tpu.memref_slice %arg7[%dma_start3A_885, %dma_start3A_886, %dma_start3A_887] : memref<2x136x129xf32, #tpu.memory_space<vmem>> -> memref<1x16x128xf32, #tpu.memory_space<vmem>>
      %dma_start3A_889 = tpu.memref_squeeze %dma_start3A_888 : memref<1x16x128xf32, #tpu.memory_space<vmem>> -> memref<16x128xf32, #tpu.memory_space<vmem>>
      %dma_start3A_890 = arith.constant 0 : i32
      %dma_start3A_891 = tpu.memref_slice %arg4[%select_n3A_789, %add3A_824, %dma_start3A_890] : memref<200x2048x128xf32, #tpu.memory_space<hbm>> -> memref<1x16x128xf32, #tpu.memory_space<hbm>>
      %dma_start3A_892 = tpu.memref_squeeze %dma_start3A_891 : memref<1x16x128xf32, #tpu.memory_space<hbm>> -> memref<16x128xf32, #tpu.memory_space<hbm>>
      %dma_start3A_893 = arith.constant 0 : i32
      %dma_start3A_894 = tpu.memref_slice %arg4[%select_n3A_789, %add3A_824, %dma_start3A_893] : memref<200x2048x128xf32, #tpu.memory_space<hbm>> -> memref<1x16x128xf32, #tpu.memory_space<hbm>>
      %dma_start3A_895 = tpu.memref_squeeze %dma_start3A_894 : memref<1x16x128xf32, #tpu.memory_space<hbm>> -> memref<16x128xf32, #tpu.memory_space<hbm>>
      %dma_start3A_896 = arith.constant 34 : i32
      %dma_start3A_897 = arith.constant 0 : i32
      %dma_start3A_898 = tpu.memref_slice %arg7[%dma_start3A_885, %dma_start3A_896, %dma_start3A_897] : memref<2x136x129xf32, #tpu.memory_space<vmem>> -> memref<1x16x128xf32, #tpu.memory_space<vmem>>
      %dma_start3A_899 = tpu.memref_squeeze %dma_start3A_898 : memref<1x16x128xf32, #tpu.memory_space<vmem>> -> memref<16x128xf32, #tpu.memory_space<vmem>>
      tpu.enqueue_dma source(%dma_start3A_899 : memref<16x128xf32, #tpu.memory_space<vmem>>) target(%dma_start3A_895 : memref<16x128xf32, #tpu.memory_space<hbm>>) target_semaphore(%arg11 : memref<!tpu.dma_semaphore, #tpu.memory_space<semaphore_mem>>)
      %dma_start3A_900 = arith.constant 1 : i32
      %dma_start3A_901 = arith.constant 51 : i32
      %dma_start3A_902 = arith.constant 0 : i32
      %dma_start3A_903 = tpu.memref_slice %arg7[%dma_start3A_900, %dma_start3A_901, %dma_start3A_902] : memref<2x136x129xf32, #tpu.memory_space<vmem>> -> memref<1x16x128xf32, #tpu.memory_space<vmem>>
      %dma_start3A_904 = tpu.memref_squeeze %dma_start3A_903 : memref<1x16x128xf32, #tpu.memory_space<vmem>> -> memref<16x128xf32, #tpu.memory_space<vmem>>
      %dma_start3A_905 = arith.constant 0 : i32
      %dma_start3A_906 = tpu.memref_slice %arg4[%select_n3A_789, %add3A_830, %dma_start3A_905] : memref<200x2048x128xf32, #tpu.memory_space<hbm>> -> memref<1x16x128xf32, #tpu.memory_space<hbm>>
      %dma_start3A_907 = tpu.memref_squeeze %dma_start3A_906 : memref<1x16x128xf32, #tpu.memory_space<hbm>> -> memref<16x128xf32, #tpu.memory_space<hbm>>
      %dma_start3A_908 = arith.constant 0 : i32
      %dma_start3A_909 = tpu.memref_slice %arg4[%select_n3A_789, %add3A_830, %dma_start3A_908] : memref<200x2048x128xf32, #tpu.memory_space<hbm>> -> memref<1x16x128xf32, #tpu.memory_space<hbm>>
      %dma_start3A_910 = tpu.memref_squeeze %dma_start3A_909 : memref<1x16x128xf32, #tpu.memory_space<hbm>> -> memref<16x128xf32, #tpu.memory_space<hbm>>
      %dma_start3A_911 = arith.constant 51 : i32
      %dma_start3A_912 = arith.constant 0 : i32
      %dma_start3A_913 = tpu.memref_slice %arg7[%dma_start3A_900, %dma_start3A_911, %dma_start3A_912] : memref<2x136x129xf32, #tpu.memory_space<vmem>> -> memref<1x16x128xf32, #tpu.memory_space<vmem>>
      %dma_start3A_914 = tpu.memref_squeeze %dma_start3A_913 : memref<1x16x128xf32, #tpu.memory_space<vmem>> -> memref<16x128xf32, #tpu.memory_space<vmem>>
      tpu.enqueue_dma source(%dma_start3A_914 : memref<16x128xf32, #tpu.memory_space<vmem>>) target(%dma_start3A_910 : memref<16x128xf32, #tpu.memory_space<hbm>>) target_semaphore(%arg11 : memref<!tpu.dma_semaphore, #tpu.memory_space<semaphore_mem>>)
      %dma_start3A_915 = arith.constant 1 : i32
      %dma_start3A_916 = arith.constant 68 : i32
      %dma_start3A_917 = arith.constant 0 : i32
      %dma_start3A_918 = tpu.memref_slice %arg7[%dma_start3A_915, %dma_start3A_916, %dma_start3A_917] : memref<2x136x129xf32, #tpu.memory_space<vmem>> -> memref<1x16x128xf32, #tpu.memory_space<vmem>>
      %dma_start3A_919 = tpu.memref_squeeze %dma_start3A_918 : memref<1x16x128xf32, #tpu.memory_space<vmem>> -> memref<16x128xf32, #tpu.memory_space<vmem>>
      %dma_start3A_920 = arith.constant 0 : i32
      %dma_start3A_921 = tpu.memref_slice %arg4[%select_n3A_789, %add3A_836, %dma_start3A_920] : memref<200x2048x128xf32, #tpu.memory_space<hbm>> -> memref<1x16x128xf32, #tpu.memory_space<hbm>>
      %dma_start3A_922 = tpu.memref_squeeze %dma_start3A_921 : memref<1x16x128xf32, #tpu.memory_space<hbm>> -> memref<16x128xf32, #tpu.memory_space<hbm>>
      %dma_start3A_923 = arith.constant 0 : i32
      %dma_start3A_924 = tpu.memref_slice %arg4[%select_n3A_789, %add3A_836, %dma_start3A_923] : memref<200x2048x128xf32, #tpu.memory_space<hbm>> -> memref<1x16x128xf32, #tpu.memory_space<hbm>>
      %dma_start3A_925 = tpu.memref_squeeze %dma_start3A_924 : memref<1x16x128xf32, #tpu.memory_space<hbm>> -> memref<16x128xf32, #tpu.memory_space<hbm>>
      %dma_start3A_926 = arith.constant 68 : i32
      %dma_start3A_927 = arith.constant 0 : i32
      %dma_start3A_928 = tpu.memref_slice %arg7[%dma_start3A_915, %dma_start3A_926, %dma_start3A_927] : memref<2x136x129xf32, #tpu.memory_space<vmem>> -> memref<1x16x128xf32, #tpu.memory_space<vmem>>
      %dma_start3A_929 = tpu.memref_squeeze %dma_start3A_928 : memref<1x16x128xf32, #tpu.memory_space<vmem>> -> memref<16x128xf32, #tpu.memory_space<vmem>>
      tpu.enqueue_dma source(%dma_start3A_929 : memref<16x128xf32, #tpu.memory_space<vmem>>) target(%dma_start3A_925 : memref<16x128xf32, #tpu.memory_space<hbm>>) target_semaphore(%arg11 : memref<!tpu.dma_semaphore, #tpu.memory_space<semaphore_mem>>)
      %dma_start3A_930 = arith.constant 1 : i32
      %dma_start3A_931 = arith.constant 85 : i32
      %dma_start3A_932 = arith.constant 0 : i32
      %dma_start3A_933 = tpu.memref_slice %arg7[%dma_start3A_930, %dma_start3A_931, %dma_start3A_932] : memref<2x136x129xf32, #tpu.memory_space<vmem>> -> memref<1x16x128xf32, #tpu.memory_space<vmem>>
      %dma_start3A_934 = tpu.memref_squeeze %dma_start3A_933 : memref<1x16x128xf32, #tpu.memory_space<vmem>> -> memref<16x128xf32, #tpu.memory_space<vmem>>
      %dma_start3A_935 = arith.constant 0 : i32
      %dma_start3A_936 = tpu.memref_slice %arg4[%select_n3A_789, %add3A_842, %dma_start3A_935] : memref<200x2048x128xf32, #tpu.memory_space<hbm>> -> memref<1x16x128xf32, #tpu.memory_space<hbm>>
      %dma_start3A_937 = tpu.memref_squeeze %dma_start3A_936 : memref<1x16x128xf32, #tpu.memory_space<hbm>> -> memref<16x128xf32, #tpu.memory_space<hbm>>
      %dma_start3A_938 = arith.constant 0 : i32
      %dma_start3A_939 = tpu.memref_slice %arg4[%select_n3A_789, %add3A_842, %dma_start3A_938] : memref<200x2048x128xf32, #tpu.memory_space<hbm>> -> memref<1x16x128xf32, #tpu.memory_space<hbm>>
      %dma_start3A_940 = tpu.memref_squeeze %dma_start3A_939 : memref<1x16x128xf32, #tpu.memory_space<hbm>> -> memref<16x128xf32, #tpu.memory_space<hbm>>
      %dma_start3A_941 = arith.constant 85 : i32
      %dma_start3A_942 = arith.constant 0 : i32
      %dma_start3A_943 = tpu.memref_slice %arg7[%dma_start3A_930, %dma_start3A_941, %dma_start3A_942] : memref<2x136x129xf32, #tpu.memory_space<vmem>> -> memref<1x16x128xf32, #tpu.memory_space<vmem>>
      %dma_start3A_944 = tpu.memref_squeeze %dma_start3A_943 : memref<1x16x128xf32, #tpu.memory_space<vmem>> -> memref<16x128xf32, #tpu.memory_space<vmem>>
      tpu.enqueue_dma source(%dma_start3A_944 : memref<16x128xf32, #tpu.memory_space<vmem>>) target(%dma_start3A_940 : memref<16x128xf32, #tpu.memory_space<hbm>>) target_semaphore(%arg11 : memref<!tpu.dma_semaphore, #tpu.memory_space<semaphore_mem>>)
      %dma_start3A_945 = arith.constant 1 : i32
      %dma_start3A_946 = arith.constant 102 : i32
      %dma_start3A_947 = arith.constant 0 : i32
      %dma_start3A_948 = tpu.memref_slice %arg7[%dma_start3A_945, %dma_start3A_946, %dma_start3A_947] : memref<2x136x129xf32, #tpu.memory_space<vmem>> -> memref<1x16x128xf32, #tpu.memory_space<vmem>>
      %dma_start3A_949 = tpu.memref_squeeze %dma_start3A_948 : memref<1x16x128xf32, #tpu.memory_space<vmem>> -> memref<16x128xf32, #tpu.memory_space<vmem>>
      %dma_start3A_950 = arith.constant 0 : i32
      %dma_start3A_951 = tpu.memref_slice %arg4[%select_n3A_789, %add3A_848, %dma_start3A_950] : memref<200x2048x128xf32, #tpu.memory_space<hbm>> -> memref<1x16x128xf32, #tpu.memory_space<hbm>>
      %dma_start3A_952 = tpu.memref_squeeze %dma_start3A_951 : memref<1x16x128xf32, #tpu.memory_space<hbm>> -> memref<16x128xf32, #tpu.memory_space<hbm>>
      %dma_start3A_953 = arith.constant 0 : i32
      %dma_start3A_954 = tpu.memref_slice %arg4[%select_n3A_789, %add3A_848, %dma_start3A_953] : memref<200x2048x128xf32, #tpu.memory_space<hbm>> -> memref<1x16x128xf32, #tpu.memory_space<hbm>>
      %dma_start3A_955 = tpu.memref_squeeze %dma_start3A_954 : memref<1x16x128xf32, #tpu.memory_space<hbm>> -> memref<16x128xf32, #tpu.memory_space<hbm>>
      %dma_start3A_956 = arith.constant 102 : i32
      %dma_start3A_957 = arith.constant 0 : i32
      %dma_start3A_958 = tpu.memref_slice %arg7[%dma_start3A_945, %dma_start3A_956, %dma_start3A_957] : memref<2x136x129xf32, #tpu.memory_space<vmem>> -> memref<1x16x128xf32, #tpu.memory_space<vmem>>
      %dma_start3A_959 = tpu.memref_squeeze %dma_start3A_958 : memref<1x16x128xf32, #tpu.memory_space<vmem>> -> memref<16x128xf32, #tpu.memory_space<vmem>>
      tpu.enqueue_dma source(%dma_start3A_959 : memref<16x128xf32, #tpu.memory_space<vmem>>) target(%dma_start3A_955 : memref<16x128xf32, #tpu.memory_space<hbm>>) target_semaphore(%arg11 : memref<!tpu.dma_semaphore, #tpu.memory_space<semaphore_mem>>)
      %dma_start3A_960 = arith.constant 1 : i32
      %dma_start3A_961 = arith.constant 119 : i32
      %dma_start3A_962 = arith.constant 0 : i32
      %dma_start3A_963 = tpu.memref_slice %arg7[%dma_start3A_960, %dma_start3A_961, %dma_start3A_962] : memref<2x136x129xf32, #tpu.memory_space<vmem>> -> memref<1x16x128xf32, #tpu.memory_space<vmem>>
      %dma_start3A_964 = tpu.memref_squeeze %dma_start3A_963 : memref<1x16x128xf32, #tpu.memory_space<vmem>> -> memref<16x128xf32, #tpu.memory_space<vmem>>
      %dma_start3A_965 = arith.constant 0 : i32
      %dma_start3A_966 = tpu.memref_slice %arg4[%select_n3A_789, %add3A_854, %dma_start3A_965] : memref<200x2048x128xf32, #tpu.memory_space<hbm>> -> memref<1x16x128xf32, #tpu.memory_space<hbm>>
      %dma_start3A_967 = tpu.memref_squeeze %dma_start3A_966 : memref<1x16x128xf32, #tpu.memory_space<hbm>> -> memref<16x128xf32, #tpu.memory_space<hbm>>
      %dma_start3A_968 = arith.constant 0 : i32
      %dma_start3A_969 = tpu.memref_slice %arg4[%select_n3A_789, %add3A_854, %dma_start3A_968] : memref<200x2048x128xf32, #tpu.memory_space<hbm>> -> memref<1x16x128xf32, #tpu.memory_space<hbm>>
      %dma_start3A_970 = tpu.memref_squeeze %dma_start3A_969 : memref<1x16x128xf32, #tpu.memory_space<hbm>> -> memref<16x128xf32, #tpu.memory_space<hbm>>
      %dma_start3A_971 = arith.constant 119 : i32
      %dma_start3A_972 = arith.constant 0 : i32
      %dma_start3A_973 = tpu.memref_slice %arg7[%dma_start3A_960, %dma_start3A_971, %dma_start3A_972] : memref<2x136x129xf32, #tpu.memory_space<vmem>> -> memref<1x16x128xf32, #tpu.memory_space<vmem>>
      %dma_start3A_974 = tpu.memref_squeeze %dma_start3A_973 : memref<1x16x128xf32, #tpu.memory_space<vmem>> -> memref<16x128xf32, #tpu.memory_space<vmem>>
      tpu.enqueue_dma source(%dma_start3A_974 : memref<16x128xf32, #tpu.memory_space<vmem>>) target(%dma_start3A_970 : memref<16x128xf32, #tpu.memory_space<hbm>>) target_semaphore(%arg11 : memref<!tpu.dma_semaphore, #tpu.memory_space<semaphore_mem>>)
    }
    %scan3A_63 = arith.constant 50 : i32
    %add3A_64 = arith.constant 98 : i32
    %add3A_65 = arith.addi %mul3A_2, %add3A_64 : i32
    %jit3A_66 = arith.constant 16 : i32
    %div3A_67 = arith.divsi %add3A_65, %jit3A_66 : i32
    %sign3A_68 = arith.constant 0 : i32
    %sign3A_69 = arith.cmpi sgt, %add3A_65, %sign3A_68 : i32
    %sign3A_70 = arith.extui %sign3A_69 : i1 to i32
    %sign3A_71 = arith.constant 0 : i32
    %sign3A_72 = arith.cmpi slt, %add3A_65, %sign3A_71 : i32
    %sign3A_73 = arith.extui %sign3A_72 : i1 to i32
    %sign3A_74 = arith.subi %sign3A_70, %sign3A_73 : i32
    %sign3A_75 = arith.constant 0 : i32
    %sign3A_76 = arith.cmpi sgt, %jit3A_66, %sign3A_75 : i32
    %sign3A_77 = arith.extui %sign3A_76 : i1 to i32
    %sign3A_78 = arith.constant 0 : i32
    %sign3A_79 = arith.cmpi slt, %jit3A_66, %sign3A_78 : i32
    %sign3A_80 = arith.extui %sign3A_79 : i1 to i32
    %sign3A_81 = arith.subi %sign3A_77, %sign3A_80 : i32
    %ne3A_82 = arith.cmpi ne, %sign3A_74, %sign3A_81 : i32
    %rem3A_83 = arith.remsi %add3A_65, %jit3A_66 : i32
    %ne3A_84 = arith.constant 0 : i32
    %ne3A_85 = arith.cmpi ne, %rem3A_83, %ne3A_84 : i32
    %and3A_86 = arith.andi %ne3A_82, %ne3A_85 : i1
    %sub3A_87 = arith.constant 1 : i32
    %sub3A_88 = arith.subi %div3A_67, %sub3A_87 : i32
    %select_n3A_89 = arith.select %and3A_86, %sub3A_88, %div3A_67 : i32
    %add3A_90 = arith.constant 98 : i32
    %add3A_91 = arith.addi %mul3A_2, %add3A_90 : i32
    %jit3A_92 = arith.constant 16 : i32
    %eq3A_93 = arith.constant 0 : i32
    %eq3A_94 = arith.cmpi eq, %jit3A_92, %eq3A_93 : i32
    %jit3A_95 = arith.constant 1 : i32
    %select_n3A_96 = arith.select %eq3A_94, %jit3A_95, %jit3A_92 : i32
    %rem3A_97 = arith.remsi %add3A_91, %select_n3A_96 : i32
    %ne3A_98 = arith.constant 0 : i32
    %ne3A_99 = arith.cmpi ne, %rem3A_97, %ne3A_98 : i32
    %lt3A_100 = arith.constant 0 : i32
    %lt3A_101 = arith.cmpi slt, %rem3A_97, %lt3A_100 : i32
    %lt3A_102 = arith.constant 0 : i32
    %lt3A_103 = arith.cmpi slt, %select_n3A_96, %lt3A_102 : i32
    %ne3A_104 = arith.xori %lt3A_101, %lt3A_103 : i1
    %and3A_105 = arith.andi %ne3A_104, %ne3A_99 : i1
    %add3A_106 = arith.addi %rem3A_97, %select_n3A_96 : i32
    %select_n3A_107 = arith.select %and3A_105, %add3A_106, %rem3A_97 : i32
    %mul3A_108 = arith.constant 2 : i32
    %mul3A_109 = arith.muli %select_n3A_107, %mul3A_108 : i32
    %mul3A_110 = arith.constant 8 : i32
    %mul3A_111 = arith.muli %mul3A_109, %mul3A_110 : i32
    %add3A_112 = arith.constant 0 : i32
    %add3A_113 = arith.addi %add3A_112, %mul3A_111 : i32
    %mul3A_114 = arith.constant 2 : i32
    %mul3A_115 = arith.muli %select_n3A_107, %mul3A_114 : i32
    %mul3A_116 = arith.constant 8 : i32
    %mul3A_117 = arith.muli %mul3A_115, %mul3A_116 : i32
    %add3A_118 = arith.constant 256 : i32
    %add3A_119 = arith.addi %add3A_118, %mul3A_117 : i32
    %mul3A_120 = arith.constant 2 : i32
    %mul3A_121 = arith.muli %select_n3A_107, %mul3A_120 : i32
    %mul3A_122 = arith.constant 8 : i32
    %mul3A_123 = arith.muli %mul3A_121, %mul3A_122 : i32
    %add3A_124 = arith.constant 512 : i32
    %add3A_125 = arith.addi %add3A_124, %mul3A_123 : i32
    %mul3A_126 = arith.constant 2 : i32
    %mul3A_127 = arith.muli %select_n3A_107, %mul3A_126 : i32
    %mul3A_128 = arith.constant 8 : i32
    %mul3A_129 = arith.muli %mul3A_127, %mul3A_128 : i32
    %add3A_130 = arith.constant 768 : i32
    %add3A_131 = arith.addi %add3A_130, %mul3A_129 : i32
    %mul3A_132 = arith.constant 2 : i32
    %mul3A_133 = arith.muli %select_n3A_107, %mul3A_132 : i32
    %mul3A_134 = arith.constant 8 : i32
    %mul3A_135 = arith.muli %mul3A_133, %mul3A_134 : i32
    %add3A_136 = arith.constant 1024 : i32
    %add3A_137 = arith.addi %add3A_136, %mul3A_135 : i32
    %mul3A_138 = arith.constant 2 : i32
    %mul3A_139 = arith.muli %select_n3A_107, %mul3A_138 : i32
    %mul3A_140 = arith.constant 8 : i32
    %mul3A_141 = arith.muli %mul3A_139, %mul3A_140 : i32
    %add3A_142 = arith.constant 1280 : i32
    %add3A_143 = arith.addi %add3A_142, %mul3A_141 : i32
    %mul3A_144 = arith.constant 2 : i32
    %mul3A_145 = arith.muli %select_n3A_107, %mul3A_144 : i32
    %mul3A_146 = arith.constant 8 : i32
    %mul3A_147 = arith.muli %mul3A_145, %mul3A_146 : i32
    %add3A_148 = arith.constant 1536 : i32
    %add3A_149 = arith.addi %add3A_148, %mul3A_147 : i32
    %mul3A_150 = arith.constant 2 : i32
    %mul3A_151 = arith.muli %select_n3A_107, %mul3A_150 : i32
    %mul3A_152 = arith.constant 8 : i32
    %mul3A_153 = arith.muli %mul3A_151, %mul3A_152 : i32
    %add3A_154 = arith.constant 1792 : i32
    %add3A_155 = arith.addi %add3A_154, %mul3A_153 : i32
    %dma_wait3A = arith.constant 0 : i32
    %dma_wait3A_156 = arith.constant 0 : i32
    %dma_wait3A_157 = arith.constant 0 : i32
    %dma_wait3A_158 = tpu.memref_slice %arg7[%dma_wait3A, %dma_wait3A_156, %dma_wait3A_157] : memref<2x136x129xf32, #tpu.memory_space<vmem>> -> memref<1x16x128xf32, #tpu.memory_space<vmem>>
    %dma_wait3A_159 = tpu.memref_squeeze %dma_wait3A_158 : memref<1x16x128xf32, #tpu.memory_space<vmem>> -> memref<16x128xf32, #tpu.memory_space<vmem>>
    %dma_wait3A_160 = arith.constant 0 : i32
    %dma_wait3A_161 = tpu.memref_slice %arg4[%select_n3A_89, %add3A_113, %dma_wait3A_160] : memref<200x2048x128xf32, #tpu.memory_space<hbm>> -> memref<1x16x128xf32, #tpu.memory_space<hbm>>
    %dma_wait3A_162 = tpu.memref_squeeze %dma_wait3A_161 : memref<1x16x128xf32, #tpu.memory_space<hbm>> -> memref<16x128xf32, #tpu.memory_space<hbm>>
    %dma_wait3A_163 = arith.constant 0 : i32
    %dma_wait3A_164 = tpu.memref_slice %arg4[%select_n3A_89, %add3A_113, %dma_wait3A_163] : memref<200x2048x128xf32, #tpu.memory_space<hbm>> -> memref<1x16x128xf32, #tpu.memory_space<hbm>>
    %dma_wait3A_165 = tpu.memref_squeeze %dma_wait3A_164 : memref<1x16x128xf32, #tpu.memory_space<hbm>> -> memref<16x128xf32, #tpu.memory_space<hbm>>
    %dma_wait3A_166 = arith.constant 0 : i32
    %dma_wait3A_167 = arith.constant 0 : i32
    %dma_wait3A_168 = tpu.memref_slice %arg7[%dma_wait3A, %dma_wait3A_166, %dma_wait3A_167] : memref<2x136x129xf32, #tpu.memory_space<vmem>> -> memref<1x16x128xf32, #tpu.memory_space<vmem>>
    %dma_wait3A_169 = tpu.memref_squeeze %dma_wait3A_168 : memref<1x16x128xf32, #tpu.memory_space<vmem>> -> memref<16x128xf32, #tpu.memory_space<vmem>>
    tpu.wait_dma2 semaphore(%arg10 : memref<!tpu.dma_semaphore, #tpu.memory_space<semaphore_mem>>) src(%dma_wait3A_169 : memref<16x128xf32, #tpu.memory_space<vmem>>) dst(%dma_wait3A_165 : memref<16x128xf32, #tpu.memory_space<hbm>>)
    %dma_wait3A_170 = arith.constant 0 : i32
    %dma_wait3A_171 = arith.constant 17 : i32
    %dma_wait3A_172 = arith.constant 0 : i32
    %dma_wait3A_173 = tpu.memref_slice %arg7[%dma_wait3A_170, %dma_wait3A_171, %dma_wait3A_172] : memref<2x136x129xf32, #tpu.memory_space<vmem>> -> memref<1x16x128xf32, #tpu.memory_space<vmem>>
    %dma_wait3A_174 = tpu.memref_squeeze %dma_wait3A_173 : memref<1x16x128xf32, #tpu.memory_space<vmem>> -> memref<16x128xf32, #tpu.memory_space<vmem>>
    %dma_wait3A_175 = arith.constant 0 : i32
    %dma_wait3A_176 = tpu.memref_slice %arg4[%select_n3A_89, %add3A_119, %dma_wait3A_175] : memref<200x2048x128xf32, #tpu.memory_space<hbm>> -> memref<1x16x128xf32, #tpu.memory_space<hbm>>
    %dma_wait3A_177 = tpu.memref_squeeze %dma_wait3A_176 : memref<1x16x128xf32, #tpu.memory_space<hbm>> -> memref<16x128xf32, #tpu.memory_space<hbm>>
    %dma_wait3A_178 = arith.constant 0 : i32
    %dma_wait3A_179 = tpu.memref_slice %arg4[%select_n3A_89, %add3A_119, %dma_wait3A_178] : memref<200x2048x128xf32, #tpu.memory_space<hbm>> -> memref<1x16x128xf32, #tpu.memory_space<hbm>>
    %dma_wait3A_180 = tpu.memref_squeeze %dma_wait3A_179 : memref<1x16x128xf32, #tpu.memory_space<hbm>> -> memref<16x128xf32, #tpu.memory_space<hbm>>
    %dma_wait3A_181 = arith.constant 17 : i32
    %dma_wait3A_182 = arith.constant 0 : i32
    %dma_wait3A_183 = tpu.memref_slice %arg7[%dma_wait3A_170, %dma_wait3A_181, %dma_wait3A_182] : memref<2x136x129xf32, #tpu.memory_space<vmem>> -> memref<1x16x128xf32, #tpu.memory_space<vmem>>
    %dma_wait3A_184 = tpu.memref_squeeze %dma_wait3A_183 : memref<1x16x128xf32, #tpu.memory_space<vmem>> -> memref<16x128xf32, #tpu.memory_space<vmem>>
    tpu.wait_dma2 semaphore(%arg10 : memref<!tpu.dma_semaphore, #tpu.memory_space<semaphore_mem>>) src(%dma_wait3A_184 : memref<16x128xf32, #tpu.memory_space<vmem>>) dst(%dma_wait3A_180 : memref<16x128xf32, #tpu.memory_space<hbm>>)
    %dma_wait3A_185 = arith.constant 0 : i32
    %dma_wait3A_186 = arith.constant 34 : i32
    %dma_wait3A_187 = arith.constant 0 : i32
    %dma_wait3A_188 = tpu.memref_slice %arg7[%dma_wait3A_185, %dma_wait3A_186, %dma_wait3A_187] : memref<2x136x129xf32, #tpu.memory_space<vmem>> -> memref<1x16x128xf32, #tpu.memory_space<vmem>>
    %dma_wait3A_189 = tpu.memref_squeeze %dma_wait3A_188 : memref<1x16x128xf32, #tpu.memory_space<vmem>> -> memref<16x128xf32, #tpu.memory_space<vmem>>
    %dma_wait3A_190 = arith.constant 0 : i32
    %dma_wait3A_191 = tpu.memref_slice %arg4[%select_n3A_89, %add3A_125, %dma_wait3A_190] : memref<200x2048x128xf32, #tpu.memory_space<hbm>> -> memref<1x16x128xf32, #tpu.memory_space<hbm>>
    %dma_wait3A_192 = tpu.memref_squeeze %dma_wait3A_191 : memref<1x16x128xf32, #tpu.memory_space<hbm>> -> memref<16x128xf32, #tpu.memory_space<hbm>>
    %dma_wait3A_193 = arith.constant 0 : i32
    %dma_wait3A_194 = tpu.memref_slice %arg4[%select_n3A_89, %add3A_125, %dma_wait3A_193] : memref<200x2048x128xf32, #tpu.memory_space<hbm>> -> memref<1x16x128xf32, #tpu.memory_space<hbm>>
    %dma_wait3A_195 = tpu.memref_squeeze %dma_wait3A_194 : memref<1x16x128xf32, #tpu.memory_space<hbm>> -> memref<16x128xf32, #tpu.memory_space<hbm>>
    %dma_wait3A_196 = arith.constant 34 : i32
    %dma_wait3A_197 = arith.constant 0 : i32
    %dma_wait3A_198 = tpu.memref_slice %arg7[%dma_wait3A_185, %dma_wait3A_196, %dma_wait3A_197] : memref<2x136x129xf32, #tpu.memory_space<vmem>> -> memref<1x16x128xf32, #tpu.memory_space<vmem>>
    %dma_wait3A_199 = tpu.memref_squeeze %dma_wait3A_198 : memref<1x16x128xf32, #tpu.memory_space<vmem>> -> memref<16x128xf32, #tpu.memory_space<vmem>>
    tpu.wait_dma2 semaphore(%arg10 : memref<!tpu.dma_semaphore, #tpu.memory_space<semaphore_mem>>) src(%dma_wait3A_199 : memref<16x128xf32, #tpu.memory_space<vmem>>) dst(%dma_wait3A_195 : memref<16x128xf32, #tpu.memory_space<hbm>>)
    %dma_wait3A_200 = arith.constant 0 : i32
    %dma_wait3A_201 = arith.constant 51 : i32
    %dma_wait3A_202 = arith.constant 0 : i32
    %dma_wait3A_203 = tpu.memref_slice %arg7[%dma_wait3A_200, %dma_wait3A_201, %dma_wait3A_202] : memref<2x136x129xf32, #tpu.memory_space<vmem>> -> memref<1x16x128xf32, #tpu.memory_space<vmem>>
    %dma_wait3A_204 = tpu.memref_squeeze %dma_wait3A_203 : memref<1x16x128xf32, #tpu.memory_space<vmem>> -> memref<16x128xf32, #tpu.memory_space<vmem>>
    %dma_wait3A_205 = arith.constant 0 : i32
    %dma_wait3A_206 = tpu.memref_slice %arg4[%select_n3A_89, %add3A_131, %dma_wait3A_205] : memref<200x2048x128xf32, #tpu.memory_space<hbm>> -> memref<1x16x128xf32, #tpu.memory_space<hbm>>
    %dma_wait3A_207 = tpu.memref_squeeze %dma_wait3A_206 : memref<1x16x128xf32, #tpu.memory_space<hbm>> -> memref<16x128xf32, #tpu.memory_space<hbm>>
    %dma_wait3A_208 = arith.constant 0 : i32
    %dma_wait3A_209 = tpu.memref_slice %arg4[%select_n3A_89, %add3A_131, %dma_wait3A_208] : memref<200x2048x128xf32, #tpu.memory_space<hbm>> -> memref<1x16x128xf32, #tpu.memory_space<hbm>>
    %dma_wait3A_210 = tpu.memref_squeeze %dma_wait3A_209 : memref<1x16x128xf32, #tpu.memory_space<hbm>> -> memref<16x128xf32, #tpu.memory_space<hbm>>
    %dma_wait3A_211 = arith.constant 51 : i32
    %dma_wait3A_212 = arith.constant 0 : i32
    %dma_wait3A_213 = tpu.memref_slice %arg7[%dma_wait3A_200, %dma_wait3A_211, %dma_wait3A_212] : memref<2x136x129xf32, #tpu.memory_space<vmem>> -> memref<1x16x128xf32, #tpu.memory_space<vmem>>
    %dma_wait3A_214 = tpu.memref_squeeze %dma_wait3A_213 : memref<1x16x128xf32, #tpu.memory_space<vmem>> -> memref<16x128xf32, #tpu.memory_space<vmem>>
    tpu.wait_dma2 semaphore(%arg10 : memref<!tpu.dma_semaphore, #tpu.memory_space<semaphore_mem>>) src(%dma_wait3A_214 : memref<16x128xf32, #tpu.memory_space<vmem>>) dst(%dma_wait3A_210 : memref<16x128xf32, #tpu.memory_space<hbm>>)
    %dma_wait3A_215 = arith.constant 0 : i32
    %dma_wait3A_216 = arith.constant 68 : i32
    %dma_wait3A_217 = arith.constant 0 : i32
    %dma_wait3A_218 = tpu.memref_slice %arg7[%dma_wait3A_215, %dma_wait3A_216, %dma_wait3A_217] : memref<2x136x129xf32, #tpu.memory_space<vmem>> -> memref<1x16x128xf32, #tpu.memory_space<vmem>>
    %dma_wait3A_219 = tpu.memref_squeeze %dma_wait3A_218 : memref<1x16x128xf32, #tpu.memory_space<vmem>> -> memref<16x128xf32, #tpu.memory_space<vmem>>
    %dma_wait3A_220 = arith.constant 0 : i32
    %dma_wait3A_221 = tpu.memref_slice %arg4[%select_n3A_89, %add3A_137, %dma_wait3A_220] : memref<200x2048x128xf32, #tpu.memory_space<hbm>> -> memref<1x16x128xf32, #tpu.memory_space<hbm>>
    %dma_wait3A_222 = tpu.memref_squeeze %dma_wait3A_221 : memref<1x16x128xf32, #tpu.memory_space<hbm>> -> memref<16x128xf32, #tpu.memory_space<hbm>>
    %dma_wait3A_223 = arith.constant 0 : i32
    %dma_wait3A_224 = tpu.memref_slice %arg4[%select_n3A_89, %add3A_137, %dma_wait3A_223] : memref<200x2048x128xf32, #tpu.memory_space<hbm>> -> memref<1x16x128xf32, #tpu.memory_space<hbm>>
    %dma_wait3A_225 = tpu.memref_squeeze %dma_wait3A_224 : memref<1x16x128xf32, #tpu.memory_space<hbm>> -> memref<16x128xf32, #tpu.memory_space<hbm>>
    %dma_wait3A_226 = arith.constant 68 : i32
    %dma_wait3A_227 = arith.constant 0 : i32
    %dma_wait3A_228 = tpu.memref_slice %arg7[%dma_wait3A_215, %dma_wait3A_226, %dma_wait3A_227] : memref<2x136x129xf32, #tpu.memory_space<vmem>> -> memref<1x16x128xf32, #tpu.memory_space<vmem>>
    %dma_wait3A_229 = tpu.memref_squeeze %dma_wait3A_228 : memref<1x16x128xf32, #tpu.memory_space<vmem>> -> memref<16x128xf32, #tpu.memory_space<vmem>>
    tpu.wait_dma2 semaphore(%arg10 : memref<!tpu.dma_semaphore, #tpu.memory_space<semaphore_mem>>) src(%dma_wait3A_229 : memref<16x128xf32, #tpu.memory_space<vmem>>) dst(%dma_wait3A_225 : memref<16x128xf32, #tpu.memory_space<hbm>>)
    %dma_wait3A_230 = arith.constant 0 : i32
    %dma_wait3A_231 = arith.constant 85 : i32
    %dma_wait3A_232 = arith.constant 0 : i32
    %dma_wait3A_233 = tpu.memref_slice %arg7[%dma_wait3A_230, %dma_wait3A_231, %dma_wait3A_232] : memref<2x136x129xf32, #tpu.memory_space<vmem>> -> memref<1x16x128xf32, #tpu.memory_space<vmem>>
    %dma_wait3A_234 = tpu.memref_squeeze %dma_wait3A_233 : memref<1x16x128xf32, #tpu.memory_space<vmem>> -> memref<16x128xf32, #tpu.memory_space<vmem>>
    %dma_wait3A_235 = arith.constant 0 : i32
    %dma_wait3A_236 = tpu.memref_slice %arg4[%select_n3A_89, %add3A_143, %dma_wait3A_235] : memref<200x2048x128xf32, #tpu.memory_space<hbm>> -> memref<1x16x128xf32, #tpu.memory_space<hbm>>
    %dma_wait3A_237 = tpu.memref_squeeze %dma_wait3A_236 : memref<1x16x128xf32, #tpu.memory_space<hbm>> -> memref<16x128xf32, #tpu.memory_space<hbm>>
    %dma_wait3A_238 = arith.constant 0 : i32
    %dma_wait3A_239 = tpu.memref_slice %arg4[%select_n3A_89, %add3A_143, %dma_wait3A_238] : memref<200x2048x128xf32, #tpu.memory_space<hbm>> -> memref<1x16x128xf32, #tpu.memory_space<hbm>>
    %dma_wait3A_240 = tpu.memref_squeeze %dma_wait3A_239 : memref<1x16x128xf32, #tpu.memory_space<hbm>> -> memref<16x128xf32, #tpu.memory_space<hbm>>
    %dma_wait3A_241 = arith.constant 85 : i32
    %dma_wait3A_242 = arith.constant 0 : i32
    %dma_wait3A_243 = tpu.memref_slice %arg7[%dma_wait3A_230, %dma_wait3A_241, %dma_wait3A_242] : memref<2x136x129xf32, #tpu.memory_space<vmem>> -> memref<1x16x128xf32, #tpu.memory_space<vmem>>
    %dma_wait3A_244 = tpu.memref_squeeze %dma_wait3A_243 : memref<1x16x128xf32, #tpu.memory_space<vmem>> -> memref<16x128xf32, #tpu.memory_space<vmem>>
    tpu.wait_dma2 semaphore(%arg10 : memref<!tpu.dma_semaphore, #tpu.memory_space<semaphore_mem>>) src(%dma_wait3A_244 : memref<16x128xf32, #tpu.memory_space<vmem>>) dst(%dma_wait3A_240 : memref<16x128xf32, #tpu.memory_space<hbm>>)
    %dma_wait3A_245 = arith.constant 0 : i32
    %dma_wait3A_246 = arith.constant 102 : i32
    %dma_wait3A_247 = arith.constant 0 : i32
    %dma_wait3A_248 = tpu.memref_slice %arg7[%dma_wait3A_245, %dma_wait3A_246, %dma_wait3A_247] : memref<2x136x129xf32, #tpu.memory_space<vmem>> -> memref<1x16x128xf32, #tpu.memory_space<vmem>>
    %dma_wait3A_249 = tpu.memref_squeeze %dma_wait3A_248 : memref<1x16x128xf32, #tpu.memory_space<vmem>> -> memref<16x128xf32, #tpu.memory_space<vmem>>
    %dma_wait3A_250 = arith.constant 0 : i32
    %dma_wait3A_251 = tpu.memref_slice %arg4[%select_n3A_89, %add3A_149, %dma_wait3A_250] : memref<200x2048x128xf32, #tpu.memory_space<hbm>> -> memref<1x16x128xf32, #tpu.memory_space<hbm>>
    %dma_wait3A_252 = tpu.memref_squeeze %dma_wait3A_251 : memref<1x16x128xf32, #tpu.memory_space<hbm>> -> memref<16x128xf32, #tpu.memory_space<hbm>>
    %dma_wait3A_253 = arith.constant 0 : i32
    %dma_wait3A_254 = tpu.memref_slice %arg4[%select_n3A_89, %add3A_149, %dma_wait3A_253] : memref<200x2048x128xf32, #tpu.memory_space<hbm>> -> memref<1x16x128xf32, #tpu.memory_space<hbm>>
    %dma_wait3A_255 = tpu.memref_squeeze %dma_wait3A_254 : memref<1x16x128xf32, #tpu.memory_space<hbm>> -> memref<16x128xf32, #tpu.memory_space<hbm>>
    %dma_wait3A_256 = arith.constant 102 : i32
    %dma_wait3A_257 = arith.constant 0 : i32
    %dma_wait3A_258 = tpu.memref_slice %arg7[%dma_wait3A_245, %dma_wait3A_256, %dma_wait3A_257] : memref<2x136x129xf32, #tpu.memory_space<vmem>> -> memref<1x16x128xf32, #tpu.memory_space<vmem>>
    %dma_wait3A_259 = tpu.memref_squeeze %dma_wait3A_258 : memref<1x16x128xf32, #tpu.memory_space<vmem>> -> memref<16x128xf32, #tpu.memory_space<vmem>>
    tpu.wait_dma2 semaphore(%arg10 : memref<!tpu.dma_semaphore, #tpu.memory_space<semaphore_mem>>) src(%dma_wait3A_259 : memref<16x128xf32, #tpu.memory_space<vmem>>) dst(%dma_wait3A_255 : memref<16x128xf32, #tpu.memory_space<hbm>>)
    %dma_wait3A_260 = arith.constant 0 : i32
    %dma_wait3A_261 = arith.constant 119 : i32
    %dma_wait3A_262 = arith.constant 0 : i32
    %dma_wait3A_263 = tpu.memref_slice %arg7[%dma_wait3A_260, %dma_wait3A_261, %dma_wait3A_262] : memref<2x136x129xf32, #tpu.memory_space<vmem>> -> memref<1x16x128xf32, #tpu.memory_space<vmem>>
    %dma_wait3A_264 = tpu.memref_squeeze %dma_wait3A_263 : memref<1x16x128xf32, #tpu.memory_space<vmem>> -> memref<16x128xf32, #tpu.memory_space<vmem>>
    %dma_wait3A_265 = arith.constant 0 : i32
    %dma_wait3A_266 = tpu.memref_slice %arg4[%select_n3A_89, %add3A_155, %dma_wait3A_265] : memref<200x2048x128xf32, #tpu.memory_space<hbm>> -> memref<1x16x128xf32, #tpu.memory_space<hbm>>
    %dma_wait3A_267 = tpu.memref_squeeze %dma_wait3A_266 : memref<1x16x128xf32, #tpu.memory_space<hbm>> -> memref<16x128xf32, #tpu.memory_space<hbm>>
    %dma_wait3A_268 = arith.constant 0 : i32
    %dma_wait3A_269 = tpu.memref_slice %arg4[%select_n3A_89, %add3A_155, %dma_wait3A_268] : memref<200x2048x128xf32, #tpu.memory_space<hbm>> -> memref<1x16x128xf32, #tpu.memory_space<hbm>>
    %dma_wait3A_270 = tpu.memref_squeeze %dma_wait3A_269 : memref<1x16x128xf32, #tpu.memory_space<hbm>> -> memref<16x128xf32, #tpu.memory_space<hbm>>
    %dma_wait3A_271 = arith.constant 119 : i32
    %dma_wait3A_272 = arith.constant 0 : i32
    %dma_wait3A_273 = tpu.memref_slice %arg7[%dma_wait3A_260, %dma_wait3A_271, %dma_wait3A_272] : memref<2x136x129xf32, #tpu.memory_space<vmem>> -> memref<1x16x128xf32, #tpu.memory_space<vmem>>
    %dma_wait3A_274 = tpu.memref_squeeze %dma_wait3A_273 : memref<1x16x128xf32, #tpu.memory_space<vmem>> -> memref<16x128xf32, #tpu.memory_space<vmem>>
    tpu.wait_dma2 semaphore(%arg10 : memref<!tpu.dma_semaphore, #tpu.memory_space<semaphore_mem>>) src(%dma_wait3A_274 : memref<16x128xf32, #tpu.memory_space<vmem>>) dst(%dma_wait3A_270 : memref<16x128xf32, #tpu.memory_space<hbm>>)
    %add3A_275 = arith.constant 99 : i32
    %add3A_276 = arith.addi %mul3A_2, %add3A_275 : i32
    %jit3A_277 = arith.constant 16 : i32
    %div3A_278 = arith.divsi %add3A_276, %jit3A_277 : i32
    %sign3A_279 = arith.constant 0 : i32
    %sign3A_280 = arith.cmpi sgt, %add3A_276, %sign3A_279 : i32
    %sign3A_281 = arith.extui %sign3A_280 : i1 to i32
    %sign3A_282 = arith.constant 0 : i32
    %sign3A_283 = arith.cmpi slt, %add3A_276, %sign3A_282 : i32
    %sign3A_284 = arith.extui %sign3A_283 : i1 to i32
    %sign3A_285 = arith.subi %sign3A_281, %sign3A_284 : i32
    %sign3A_286 = arith.constant 0 : i32
    %sign3A_287 = arith.cmpi sgt, %jit3A_277, %sign3A_286 : i32
    %sign3A_288 = arith.extui %sign3A_287 : i1 to i32
    %sign3A_289 = arith.constant 0 : i32
    %sign3A_290 = arith.cmpi slt, %jit3A_277, %sign3A_289 : i32
    %sign3A_291 = arith.extui %sign3A_290 : i1 to i32
    %sign3A_292 = arith.subi %sign3A_288, %sign3A_291 : i32
    %ne3A_293 = arith.cmpi ne, %sign3A_285, %sign3A_292 : i32
    %rem3A_294 = arith.remsi %add3A_276, %jit3A_277 : i32
    %ne3A_295 = arith.constant 0 : i32
    %ne3A_296 = arith.cmpi ne, %rem3A_294, %ne3A_295 : i32
    %and3A_297 = arith.andi %ne3A_293, %ne3A_296 : i1
    %sub3A_298 = arith.constant 1 : i32
    %sub3A_299 = arith.subi %div3A_278, %sub3A_298 : i32
    %select_n3A_300 = arith.select %and3A_297, %sub3A_299, %div3A_278 : i32
    %add3A_301 = arith.constant 99 : i32
    %add3A_302 = arith.addi %mul3A_2, %add3A_301 : i32
    %jit3A_303 = arith.constant 16 : i32
    %eq3A_304 = arith.constant 0 : i32
    %eq3A_305 = arith.cmpi eq, %jit3A_303, %eq3A_304 : i32
    %jit3A_306 = arith.constant 1 : i32
    %select_n3A_307 = arith.select %eq3A_305, %jit3A_306, %jit3A_303 : i32
    %rem3A_308 = arith.remsi %add3A_302, %select_n3A_307 : i32
    %ne3A_309 = arith.constant 0 : i32
    %ne3A_310 = arith.cmpi ne, %rem3A_308, %ne3A_309 : i32
    %lt3A_311 = arith.constant 0 : i32
    %lt3A_312 = arith.cmpi slt, %rem3A_308, %lt3A_311 : i32
    %lt3A_313 = arith.constant 0 : i32
    %lt3A_314 = arith.cmpi slt, %select_n3A_307, %lt3A_313 : i32
    %ne3A_315 = arith.xori %lt3A_312, %lt3A_314 : i1
    %and3A_316 = arith.andi %ne3A_315, %ne3A_310 : i1
    %add3A_317 = arith.addi %rem3A_308, %select_n3A_307 : i32
    %select_n3A_318 = arith.select %and3A_316, %add3A_317, %rem3A_308 : i32
    %mul3A_319 = arith.constant 2 : i32
    %mul3A_320 = arith.muli %select_n3A_318, %mul3A_319 : i32
    %mul3A_321 = arith.constant 8 : i32
    %mul3A_322 = arith.muli %mul3A_320, %mul3A_321 : i32
    %add3A_323 = arith.constant 0 : i32
    %add3A_324 = arith.addi %add3A_323, %mul3A_322 : i32
    %mul3A_325 = arith.constant 2 : i32
    %mul3A_326 = arith.muli %select_n3A_318, %mul3A_325 : i32
    %mul3A_327 = arith.constant 8 : i32
    %mul3A_328 = arith.muli %mul3A_326, %mul3A_327 : i32
    %add3A_329 = arith.constant 256 : i32
    %add3A_330 = arith.addi %add3A_329, %mul3A_328 : i32
    %mul3A_331 = arith.constant 2 : i32
    %mul3A_332 = arith.muli %select_n3A_318, %mul3A_331 : i32
    %mul3A_333 = arith.constant 8 : i32
    %mul3A_334 = arith.muli %mul3A_332, %mul3A_333 : i32
    %add3A_335 = arith.constant 512 : i32
    %add3A_336 = arith.addi %add3A_335, %mul3A_334 : i32
    %mul3A_337 = arith.constant 2 : i32
    %mul3A_338 = arith.muli %select_n3A_318, %mul3A_337 : i32
    %mul3A_339 = arith.constant 8 : i32
    %mul3A_340 = arith.muli %mul3A_338, %mul3A_339 : i32
    %add3A_341 = arith.constant 768 : i32
    %add3A_342 = arith.addi %add3A_341, %mul3A_340 : i32
    %mul3A_343 = arith.constant 2 : i32
    %mul3A_344 = arith.muli %select_n3A_318, %mul3A_343 : i32
    %mul3A_345 = arith.constant 8 : i32
    %mul3A_346 = arith.muli %mul3A_344, %mul3A_345 : i32
    %add3A_347 = arith.constant 1024 : i32
    %add3A_348 = arith.addi %add3A_347, %mul3A_346 : i32
    %mul3A_349 = arith.constant 2 : i32
    %mul3A_350 = arith.muli %select_n3A_318, %mul3A_349 : i32
    %mul3A_351 = arith.constant 8 : i32
    %mul3A_352 = arith.muli %mul3A_350, %mul3A_351 : i32
    %add3A_353 = arith.constant 1280 : i32
    %add3A_354 = arith.addi %add3A_353, %mul3A_352 : i32
    %mul3A_355 = arith.constant 2 : i32
    %mul3A_356 = arith.muli %select_n3A_318, %mul3A_355 : i32
    %mul3A_357 = arith.constant 8 : i32
    %mul3A_358 = arith.muli %mul3A_356, %mul3A_357 : i32
    %add3A_359 = arith.constant 1536 : i32
    %add3A_360 = arith.addi %add3A_359, %mul3A_358 : i32
    %mul3A_361 = arith.constant 2 : i32
    %mul3A_362 = arith.muli %select_n3A_318, %mul3A_361 : i32
    %mul3A_363 = arith.constant 8 : i32
    %mul3A_364 = arith.muli %mul3A_362, %mul3A_363 : i32
    %add3A_365 = arith.constant 1792 : i32
    %add3A_366 = arith.addi %add3A_365, %mul3A_364 : i32
    %dma_wait3A_367 = arith.constant 1 : i32
    %dma_wait3A_368 = arith.constant 0 : i32
    %dma_wait3A_369 = arith.constant 0 : i32
    %dma_wait3A_370 = tpu.memref_slice %arg7[%dma_wait3A_367, %dma_wait3A_368, %dma_wait3A_369] : memref<2x136x129xf32, #tpu.memory_space<vmem>> -> memref<1x16x128xf32, #tpu.memory_space<vmem>>
    %dma_wait3A_371 = tpu.memref_squeeze %dma_wait3A_370 : memref<1x16x128xf32, #tpu.memory_space<vmem>> -> memref<16x128xf32, #tpu.memory_space<vmem>>
    %dma_wait3A_372 = arith.constant 0 : i32
    %dma_wait3A_373 = tpu.memref_slice %arg4[%select_n3A_300, %add3A_324, %dma_wait3A_372] : memref<200x2048x128xf32, #tpu.memory_space<hbm>> -> memref<1x16x128xf32, #tpu.memory_space<hbm>>
    %dma_wait3A_374 = tpu.memref_squeeze %dma_wait3A_373 : memref<1x16x128xf32, #tpu.memory_space<hbm>> -> memref<16x128xf32, #tpu.memory_space<hbm>>
    %dma_wait3A_375 = arith.constant 0 : i32
    %dma_wait3A_376 = tpu.memref_slice %arg4[%select_n3A_300, %add3A_324, %dma_wait3A_375] : memref<200x2048x128xf32, #tpu.memory_space<hbm>> -> memref<1x16x128xf32, #tpu.memory_space<hbm>>
    %dma_wait3A_377 = tpu.memref_squeeze %dma_wait3A_376 : memref<1x16x128xf32, #tpu.memory_space<hbm>> -> memref<16x128xf32, #tpu.memory_space<hbm>>
    %dma_wait3A_378 = arith.constant 0 : i32
    %dma_wait3A_379 = arith.constant 0 : i32
    %dma_wait3A_380 = tpu.memref_slice %arg7[%dma_wait3A_367, %dma_wait3A_378, %dma_wait3A_379] : memref<2x136x129xf32, #tpu.memory_space<vmem>> -> memref<1x16x128xf32, #tpu.memory_space<vmem>>
    %dma_wait3A_381 = tpu.memref_squeeze %dma_wait3A_380 : memref<1x16x128xf32, #tpu.memory_space<vmem>> -> memref<16x128xf32, #tpu.memory_space<vmem>>
    tpu.wait_dma2 semaphore(%arg11 : memref<!tpu.dma_semaphore, #tpu.memory_space<semaphore_mem>>) src(%dma_wait3A_381 : memref<16x128xf32, #tpu.memory_space<vmem>>) dst(%dma_wait3A_377 : memref<16x128xf32, #tpu.memory_space<hbm>>)
    %dma_wait3A_382 = arith.constant 1 : i32
    %dma_wait3A_383 = arith.constant 17 : i32
    %dma_wait3A_384 = arith.constant 0 : i32
    %dma_wait3A_385 = tpu.memref_slice %arg7[%dma_wait3A_382, %dma_wait3A_383, %dma_wait3A_384] : memref<2x136x129xf32, #tpu.memory_space<vmem>> -> memref<1x16x128xf32, #tpu.memory_space<vmem>>
    %dma_wait3A_386 = tpu.memref_squeeze %dma_wait3A_385 : memref<1x16x128xf32, #tpu.memory_space<vmem>> -> memref<16x128xf32, #tpu.memory_space<vmem>>
    %dma_wait3A_387 = arith.constant 0 : i32
    %dma_wait3A_388 = tpu.memref_slice %arg4[%select_n3A_300, %add3A_330, %dma_wait3A_387] : memref<200x2048x128xf32, #tpu.memory_space<hbm>> -> memref<1x16x128xf32, #tpu.memory_space<hbm>>
    %dma_wait3A_389 = tpu.memref_squeeze %dma_wait3A_388 : memref<1x16x128xf32, #tpu.memory_space<hbm>> -> memref<16x128xf32, #tpu.memory_space<hbm>>
    %dma_wait3A_390 = arith.constant 0 : i32
    %dma_wait3A_391 = tpu.memref_slice %arg4[%select_n3A_300, %add3A_330, %dma_wait3A_390] : memref<200x2048x128xf32, #tpu.memory_space<hbm>> -> memref<1x16x128xf32, #tpu.memory_space<hbm>>
    %dma_wait3A_392 = tpu.memref_squeeze %dma_wait3A_391 : memref<1x16x128xf32, #tpu.memory_space<hbm>> -> memref<16x128xf32, #tpu.memory_space<hbm>>
    %dma_wait3A_393 = arith.constant 17 : i32
    %dma_wait3A_394 = arith.constant 0 : i32
    %dma_wait3A_395 = tpu.memref_slice %arg7[%dma_wait3A_382, %dma_wait3A_393, %dma_wait3A_394] : memref<2x136x129xf32, #tpu.memory_space<vmem>> -> memref<1x16x128xf32, #tpu.memory_space<vmem>>
    %dma_wait3A_396 = tpu.memref_squeeze %dma_wait3A_395 : memref<1x16x128xf32, #tpu.memory_space<vmem>> -> memref<16x128xf32, #tpu.memory_space<vmem>>
    tpu.wait_dma2 semaphore(%arg11 : memref<!tpu.dma_semaphore, #tpu.memory_space<semaphore_mem>>) src(%dma_wait3A_396 : memref<16x128xf32, #tpu.memory_space<vmem>>) dst(%dma_wait3A_392 : memref<16x128xf32, #tpu.memory_space<hbm>>)
    %dma_wait3A_397 = arith.constant 1 : i32
    %dma_wait3A_398 = arith.constant 34 : i32
    %dma_wait3A_399 = arith.constant 0 : i32
    %dma_wait3A_400 = tpu.memref_slice %arg7[%dma_wait3A_397, %dma_wait3A_398, %dma_wait3A_399] : memref<2x136x129xf32, #tpu.memory_space<vmem>> -> memref<1x16x128xf32, #tpu.memory_space<vmem>>
    %dma_wait3A_401 = tpu.memref_squeeze %dma_wait3A_400 : memref<1x16x128xf32, #tpu.memory_space<vmem>> -> memref<16x128xf32, #tpu.memory_space<vmem>>
    %dma_wait3A_402 = arith.constant 0 : i32
    %dma_wait3A_403 = tpu.memref_slice %arg4[%select_n3A_300, %add3A_336, %dma_wait3A_402] : memref<200x2048x128xf32, #tpu.memory_space<hbm>> -> memref<1x16x128xf32, #tpu.memory_space<hbm>>
    %dma_wait3A_404 = tpu.memref_squeeze %dma_wait3A_403 : memref<1x16x128xf32, #tpu.memory_space<hbm>> -> memref<16x128xf32, #tpu.memory_space<hbm>>
    %dma_wait3A_405 = arith.constant 0 : i32
    %dma_wait3A_406 = tpu.memref_slice %arg4[%select_n3A_300, %add3A_336, %dma_wait3A_405] : memref<200x2048x128xf32, #tpu.memory_space<hbm>> -> memref<1x16x128xf32, #tpu.memory_space<hbm>>
    %dma_wait3A_407 = tpu.memref_squeeze %dma_wait3A_406 : memref<1x16x128xf32, #tpu.memory_space<hbm>> -> memref<16x128xf32, #tpu.memory_space<hbm>>
    %dma_wait3A_408 = arith.constant 34 : i32
    %dma_wait3A_409 = arith.constant 0 : i32
    %dma_wait3A_410 = tpu.memref_slice %arg7[%dma_wait3A_397, %dma_wait3A_408, %dma_wait3A_409] : memref<2x136x129xf32, #tpu.memory_space<vmem>> -> memref<1x16x128xf32, #tpu.memory_space<vmem>>
    %dma_wait3A_411 = tpu.memref_squeeze %dma_wait3A_410 : memref<1x16x128xf32, #tpu.memory_space<vmem>> -> memref<16x128xf32, #tpu.memory_space<vmem>>
    tpu.wait_dma2 semaphore(%arg11 : memref<!tpu.dma_semaphore, #tpu.memory_space<semaphore_mem>>) src(%dma_wait3A_411 : memref<16x128xf32, #tpu.memory_space<vmem>>) dst(%dma_wait3A_407 : memref<16x128xf32, #tpu.memory_space<hbm>>)
    %dma_wait3A_412 = arith.constant 1 : i32
    %dma_wait3A_413 = arith.constant 51 : i32
    %dma_wait3A_414 = arith.constant 0 : i32
    %dma_wait3A_415 = tpu.memref_slice %arg7[%dma_wait3A_412, %dma_wait3A_413, %dma_wait3A_414] : memref<2x136x129xf32, #tpu.memory_space<vmem>> -> memref<1x16x128xf32, #tpu.memory_space<vmem>>
    %dma_wait3A_416 = tpu.memref_squeeze %dma_wait3A_415 : memref<1x16x128xf32, #tpu.memory_space<vmem>> -> memref<16x128xf32, #tpu.memory_space<vmem>>
    %dma_wait3A_417 = arith.constant 0 : i32
    %dma_wait3A_418 = tpu.memref_slice %arg4[%select_n3A_300, %add3A_342, %dma_wait3A_417] : memref<200x2048x128xf32, #tpu.memory_space<hbm>> -> memref<1x16x128xf32, #tpu.memory_space<hbm>>
    %dma_wait3A_419 = tpu.memref_squeeze %dma_wait3A_418 : memref<1x16x128xf32, #tpu.memory_space<hbm>> -> memref<16x128xf32, #tpu.memory_space<hbm>>
    %dma_wait3A_420 = arith.constant 0 : i32
    %dma_wait3A_421 = tpu.memref_slice %arg4[%select_n3A_300, %add3A_342, %dma_wait3A_420] : memref<200x2048x128xf32, #tpu.memory_space<hbm>> -> memref<1x16x128xf32, #tpu.memory_space<hbm>>
    %dma_wait3A_422 = tpu.memref_squeeze %dma_wait3A_421 : memref<1x16x128xf32, #tpu.memory_space<hbm>> -> memref<16x128xf32, #tpu.memory_space<hbm>>
    %dma_wait3A_423 = arith.constant 51 : i32
    %dma_wait3A_424 = arith.constant 0 : i32
    %dma_wait3A_425 = tpu.memref_slice %arg7[%dma_wait3A_412, %dma_wait3A_423, %dma_wait3A_424] : memref<2x136x129xf32, #tpu.memory_space<vmem>> -> memref<1x16x128xf32, #tpu.memory_space<vmem>>
    %dma_wait3A_426 = tpu.memref_squeeze %dma_wait3A_425 : memref<1x16x128xf32, #tpu.memory_space<vmem>> -> memref<16x128xf32, #tpu.memory_space<vmem>>
    tpu.wait_dma2 semaphore(%arg11 : memref<!tpu.dma_semaphore, #tpu.memory_space<semaphore_mem>>) src(%dma_wait3A_426 : memref<16x128xf32, #tpu.memory_space<vmem>>) dst(%dma_wait3A_422 : memref<16x128xf32, #tpu.memory_space<hbm>>)
    %dma_wait3A_427 = arith.constant 1 : i32
    %dma_wait3A_428 = arith.constant 68 : i32
    %dma_wait3A_429 = arith.constant 0 : i32
    %dma_wait3A_430 = tpu.memref_slice %arg7[%dma_wait3A_427, %dma_wait3A_428, %dma_wait3A_429] : memref<2x136x129xf32, #tpu.memory_space<vmem>> -> memref<1x16x128xf32, #tpu.memory_space<vmem>>
    %dma_wait3A_431 = tpu.memref_squeeze %dma_wait3A_430 : memref<1x16x128xf32, #tpu.memory_space<vmem>> -> memref<16x128xf32, #tpu.memory_space<vmem>>
    %dma_wait3A_432 = arith.constant 0 : i32
    %dma_wait3A_433 = tpu.memref_slice %arg4[%select_n3A_300, %add3A_348, %dma_wait3A_432] : memref<200x2048x128xf32, #tpu.memory_space<hbm>> -> memref<1x16x128xf32, #tpu.memory_space<hbm>>
    %dma_wait3A_434 = tpu.memref_squeeze %dma_wait3A_433 : memref<1x16x128xf32, #tpu.memory_space<hbm>> -> memref<16x128xf32, #tpu.memory_space<hbm>>
    %dma_wait3A_435 = arith.constant 0 : i32
    %dma_wait3A_436 = tpu.memref_slice %arg4[%select_n3A_300, %add3A_348, %dma_wait3A_435] : memref<200x2048x128xf32, #tpu.memory_space<hbm>> -> memref<1x16x128xf32, #tpu.memory_space<hbm>>
    %dma_wait3A_437 = tpu.memref_squeeze %dma_wait3A_436 : memref<1x16x128xf32, #tpu.memory_space<hbm>> -> memref<16x128xf32, #tpu.memory_space<hbm>>
    %dma_wait3A_438 = arith.constant 68 : i32
    %dma_wait3A_439 = arith.constant 0 : i32
    %dma_wait3A_440 = tpu.memref_slice %arg7[%dma_wait3A_427, %dma_wait3A_438, %dma_wait3A_439] : memref<2x136x129xf32, #tpu.memory_space<vmem>> -> memref<1x16x128xf32, #tpu.memory_space<vmem>>
    %dma_wait3A_441 = tpu.memref_squeeze %dma_wait3A_440 : memref<1x16x128xf32, #tpu.memory_space<vmem>> -> memref<16x128xf32, #tpu.memory_space<vmem>>
    tpu.wait_dma2 semaphore(%arg11 : memref<!tpu.dma_semaphore, #tpu.memory_space<semaphore_mem>>) src(%dma_wait3A_441 : memref<16x128xf32, #tpu.memory_space<vmem>>) dst(%dma_wait3A_437 : memref<16x128xf32, #tpu.memory_space<hbm>>)
    %dma_wait3A_442 = arith.constant 1 : i32
    %dma_wait3A_443 = arith.constant 85 : i32
    %dma_wait3A_444 = arith.constant 0 : i32
    %dma_wait3A_445 = tpu.memref_slice %arg7[%dma_wait3A_442, %dma_wait3A_443, %dma_wait3A_444] : memref<2x136x129xf32, #tpu.memory_space<vmem>> -> memref<1x16x128xf32, #tpu.memory_space<vmem>>
    %dma_wait3A_446 = tpu.memref_squeeze %dma_wait3A_445 : memref<1x16x128xf32, #tpu.memory_space<vmem>> -> memref<16x128xf32, #tpu.memory_space<vmem>>
    %dma_wait3A_447 = arith.constant 0 : i32
    %dma_wait3A_448 = tpu.memref_slice %arg4[%select_n3A_300, %add3A_354, %dma_wait3A_447] : memref<200x2048x128xf32, #tpu.memory_space<hbm>> -> memref<1x16x128xf32, #tpu.memory_space<hbm>>
    %dma_wait3A_449 = tpu.memref_squeeze %dma_wait3A_448 : memref<1x16x128xf32, #tpu.memory_space<hbm>> -> memref<16x128xf32, #tpu.memory_space<hbm>>
    %dma_wait3A_450 = arith.constant 0 : i32
    %dma_wait3A_451 = tpu.memref_slice %arg4[%select_n3A_300, %add3A_354, %dma_wait3A_450] : memref<200x2048x128xf32, #tpu.memory_space<hbm>> -> memref<1x16x128xf32, #tpu.memory_space<hbm>>
    %dma_wait3A_452 = tpu.memref_squeeze %dma_wait3A_451 : memref<1x16x128xf32, #tpu.memory_space<hbm>> -> memref<16x128xf32, #tpu.memory_space<hbm>>
    %dma_wait3A_453 = arith.constant 85 : i32
    %dma_wait3A_454 = arith.constant 0 : i32
    %dma_wait3A_455 = tpu.memref_slice %arg7[%dma_wait3A_442, %dma_wait3A_453, %dma_wait3A_454] : memref<2x136x129xf32, #tpu.memory_space<vmem>> -> memref<1x16x128xf32, #tpu.memory_space<vmem>>
    %dma_wait3A_456 = tpu.memref_squeeze %dma_wait3A_455 : memref<1x16x128xf32, #tpu.memory_space<vmem>> -> memref<16x128xf32, #tpu.memory_space<vmem>>
    tpu.wait_dma2 semaphore(%arg11 : memref<!tpu.dma_semaphore, #tpu.memory_space<semaphore_mem>>) src(%dma_wait3A_456 : memref<16x128xf32, #tpu.memory_space<vmem>>) dst(%dma_wait3A_452 : memref<16x128xf32, #tpu.memory_space<hbm>>)
    %dma_wait3A_457 = arith.constant 1 : i32
    %dma_wait3A_458 = arith.constant 102 : i32
    %dma_wait3A_459 = arith.constant 0 : i32
    %dma_wait3A_460 = tpu.memref_slice %arg7[%dma_wait3A_457, %dma_wait3A_458, %dma_wait3A_459] : memref<2x136x129xf32, #tpu.memory_space<vmem>> -> memref<1x16x128xf32, #tpu.memory_space<vmem>>
    %dma_wait3A_461 = tpu.memref_squeeze %dma_wait3A_460 : memref<1x16x128xf32, #tpu.memory_space<vmem>> -> memref<16x128xf32, #tpu.memory_space<vmem>>
    %dma_wait3A_462 = arith.constant 0 : i32
    %dma_wait3A_463 = tpu.memref_slice %arg4[%select_n3A_300, %add3A_360, %dma_wait3A_462] : memref<200x2048x128xf32, #tpu.memory_space<hbm>> -> memref<1x16x128xf32, #tpu.memory_space<hbm>>
    %dma_wait3A_464 = tpu.memref_squeeze %dma_wait3A_463 : memref<1x16x128xf32, #tpu.memory_space<hbm>> -> memref<16x128xf32, #tpu.memory_space<hbm>>
    %dma_wait3A_465 = arith.constant 0 : i32
    %dma_wait3A_466 = tpu.memref_slice %arg4[%select_n3A_300, %add3A_360, %dma_wait3A_465] : memref<200x2048x128xf32, #tpu.memory_space<hbm>> -> memref<1x16x128xf32, #tpu.memory_space<hbm>>
    %dma_wait3A_467 = tpu.memref_squeeze %dma_wait3A_466 : memref<1x16x128xf32, #tpu.memory_space<hbm>> -> memref<16x128xf32, #tpu.memory_space<hbm>>
    %dma_wait3A_468 = arith.constant 102 : i32
    %dma_wait3A_469 = arith.constant 0 : i32
    %dma_wait3A_470 = tpu.memref_slice %arg7[%dma_wait3A_457, %dma_wait3A_468, %dma_wait3A_469] : memref<2x136x129xf32, #tpu.memory_space<vmem>> -> memref<1x16x128xf32, #tpu.memory_space<vmem>>
    %dma_wait3A_471 = tpu.memref_squeeze %dma_wait3A_470 : memref<1x16x128xf32, #tpu.memory_space<vmem>> -> memref<16x128xf32, #tpu.memory_space<vmem>>
    tpu.wait_dma2 semaphore(%arg11 : memref<!tpu.dma_semaphore, #tpu.memory_space<semaphore_mem>>) src(%dma_wait3A_471 : memref<16x128xf32, #tpu.memory_space<vmem>>) dst(%dma_wait3A_467 : memref<16x128xf32, #tpu.memory_space<hbm>>)
    %dma_wait3A_472 = arith.constant 1 : i32
    %dma_wait3A_473 = arith.constant 119 : i32
    %dma_wait3A_474 = arith.constant 0 : i32
    %dma_wait3A_475 = tpu.memref_slice %arg7[%dma_wait3A_472, %dma_wait3A_473, %dma_wait3A_474] : memref<2x136x129xf32, #tpu.memory_space<vmem>> -> memref<1x16x128xf32, #tpu.memory_space<vmem>>
    %dma_wait3A_476 = tpu.memref_squeeze %dma_wait3A_475 : memref<1x16x128xf32, #tpu.memory_space<vmem>> -> memref<16x128xf32, #tpu.memory_space<vmem>>
    %dma_wait3A_477 = arith.constant 0 : i32
    %dma_wait3A_478 = tpu.memref_slice %arg4[%select_n3A_300, %add3A_366, %dma_wait3A_477] : memref<200x2048x128xf32, #tpu.memory_space<hbm>> -> memref<1x16x128xf32, #tpu.memory_space<hbm>>
    %dma_wait3A_479 = tpu.memref_squeeze %dma_wait3A_478 : memref<1x16x128xf32, #tpu.memory_space<hbm>> -> memref<16x128xf32, #tpu.memory_space<hbm>>
    %dma_wait3A_480 = arith.constant 0 : i32
    %dma_wait3A_481 = tpu.memref_slice %arg4[%select_n3A_300, %add3A_366, %dma_wait3A_480] : memref<200x2048x128xf32, #tpu.memory_space<hbm>> -> memref<1x16x128xf32, #tpu.memory_space<hbm>>
    %dma_wait3A_482 = tpu.memref_squeeze %dma_wait3A_481 : memref<1x16x128xf32, #tpu.memory_space<hbm>> -> memref<16x128xf32, #tpu.memory_space<hbm>>
    %dma_wait3A_483 = arith.constant 119 : i32
    %dma_wait3A_484 = arith.constant 0 : i32
    %dma_wait3A_485 = tpu.memref_slice %arg7[%dma_wait3A_472, %dma_wait3A_483, %dma_wait3A_484] : memref<2x136x129xf32, #tpu.memory_space<vmem>> -> memref<1x16x128xf32, #tpu.memory_space<vmem>>
    %dma_wait3A_486 = tpu.memref_squeeze %dma_wait3A_485 : memref<1x16x128xf32, #tpu.memory_space<vmem>> -> memref<16x128xf32, #tpu.memory_space<vmem>>
    tpu.wait_dma2 semaphore(%arg11 : memref<!tpu.dma_semaphore, #tpu.memory_space<semaphore_mem>>) src(%dma_wait3A_486 : memref<16x128xf32, #tpu.memory_space<vmem>>) dst(%dma_wait3A_482 : memref<16x128xf32, #tpu.memory_space<hbm>>)
    return
  }
}

</mosaic_0001>

<sc_bundles>
// kernel: kernel.3.cloned.1.call-start
scs
__scs_entry_jumppad:
0x0: {  	(pc) =	sbr.rel $0x88, $3  }
0x1: {  	(tag) =	ssettag $0x0;
	lr =	simm.s32 $0x1  }
0x2: {  	[smem:$0x3F9F] =	sst lr;
	_ =	strace $0xD0000000  }
0x3: {  	_ = 	snop  }
0x4: {  	_ = 	snop  }
0x5: {  	_ = 	snop  }
0x6: {  	_ = 	snop  }
0x7: {  	_ = 	snop  }
__scs_overlays_trampoline_lowered:
0x8: {  	[smem:$0x3FAE] =	sst s0  }
0x9: {  	[smem:$0x3FAF] =	sst s1  }
0xa: {  	[smem:$0x3FB0] =	sst s2  }
0xb: {  	[smem:$0x3FB1] =	sst s3  }
0xc: {  	[smem:$0x3FB2] =	sst s4  }
0xd: {  	[smem:$0x3FB3] =	sst s5  }
0xe: {  	[smem:$0x3FB4] =	sst s6  }
0xf: {  	[smem:$0x3FB5] =	sst s7  }
0x10: {  	[smem:$0x3FB6] =	sst s8  }
0x11: {  	[smem:$0x3FB7] =	sst s9;
	s0 =	simm.s32 @!p0 $0x0  }
0x12: {  	s1 =	sld [smem:$0x3F9D];
	s0 =	simm.s32 @p0 $0x1  }
0x13: {  	[smem:$0x3FB8] =	sst s0;
	s0 =	simm.s32 @!p1 $0x0  }
0x14: {  	s2 =	sld [smem:$0x3F9C];
	s0 =	simm.s32 @p1 $0x1  }
0x15: {  	[smem:$0x3FB9] =	sst s0;
	s0 =	simm.s32 @!p2 $0x0  }
0x16: {  	s3 =	sld [smem:$0x3FDB];
	s0 =	simm.s32 @p2 $0x1  }
0x17: {  	s4 =	simm.s32 $0x1BF5;
	[smem:$0x3FBB] =	sst s0  }
0x18: {  	s0 =	sld [smem:$0x3F9E];
	_ =	swait.ge [sflag:s4], $0x0  }
0x19: {  	s7 =	sld [smem:$0x3F9F]  }
0x1a: {  	s8 =	sadd.s32 $0xFFFFE003, lr  }
0x1b: {  	s9 =	sadd.s32 $0xFFFFFEF7, lr;
	s5 =	simm.s32 $0xFFFFFFFF;
	p2 =	slt.u32 s8, $0xFFFFF086  }
0x1c: {  	p1 =	slt.u32 s9, $0xF7A;
	s5 =	simm.s32 @!p2 $0x0  }
0x1d: {  	s5 =	simm.s32 @p1 $0x1;
	p0 =	seq.s32 s7, s2  }
0x1e: {  	s7 =	smul.u32 @!p0 $0xF7A, s2;
	p2 =	seq.s32 @!p0 s5, $0x0  }
0x1f: {  	s9 =	smul.u32 $0xF7A, s1;
	s8 =	simm.s32 @!p0 $0x1BF5;
	p2 =	por !p2, p0  }
0x20: {  	[sflag:s8] =	ssyncset.s32 @!p0 $0xFFFFF086;
	s6 =	sadd.s32 @!p0 s3, s7;
	s7 =	simm.s32 @!p0 $0x108  }
0x21: {  	s3 =	sadd.s32 s3, s9;
	s6 =	sadd.s32 @!p0 $0x88, s6;
	s7 =	simm.s32 @p2 $0x1082  }
0x22: {  	[simem:s7], [sflag:s8] =	dma.local @!p0 [hbm:s6], $0xF7A  }
0x23: {  	s9 =	sor.u32 $0xD0000000, s2;
	s6 =	simm.s32 $0x108;
	_ =	swait.ge @!p0 [sflag:s8], $0x0  }
0x24: {  	s3 =	sadd.s32 $0x88, s3;
	s6 =	simm.s32 @!p1 $0x1082;
	[sflag:s4] =	ssyncset.s32 $0xFFFFF086  }
0x25: {  	[simem:s6], [sflag:s4] =	dma.local [hbm:s3], $0xF7A  }
0x26: {  	[smem:$0x3F9F] =	sst s1;
	(tag) =	ssettag s2;
	_ =	strace s9  }
0x27: {  	s1 =	sld [smem:$0x3FAF]  }
0x28: {  	s2 =	sld [smem:$0x3FB0]  }
0x29: {  	s4 =	sld [smem:$0x3FB2]  }
0x2a: {  	p0 =	seq.s32 s5, $0x0;
	s5 =	sld [smem:$0x3FB3]  }
0x2b: {  	s6 =	sld [smem:$0x3FB4]  }
0x2c: {  	s7 =	sld [smem:$0x3FB5]  }
0x2d: {  	s3 =	simm.s32 $0x108;
	s8 =	sld [smem:$0x3FB6]  }
0x2e: {  	s3 =	simm.s32 @!p0 $0x1082;
	s9 =	sld [smem:$0x3FB7]  }
0x2f: {  	lr =	sadd.s32 s0, s3;
	s0 =	sld [smem:$0x3FAE]  }
0x30: {  	s3 =	sld [smem:$0x3FB1]  }
0x31: {  	[smem:$0x3FBA] =	sst s10  }
0x32: {  	s10 =	sld [smem:$0x3FB8];
	_ =	sdelay $0x3  }
0x33: {  	p0 =	seq.s32 s10, $0x1;
	s10 =	sld [smem:$0x3FBA];
	_ =	sdelay $0x3  }
0x34: {  	[smem:$0x3FBA] =	sst s10  }
0x35: {  	s10 =	sld [smem:$0x3FB9];
	_ =	sdelay $0x3  }
0x36: {  	p1 =	seq.s32 s10, $0x1;
	s10 =	sld [smem:$0x3FBA];
	_ =	sdelay $0x3  }
0x37: {  	[smem:$0x3FBA] =	sst s10  }
0x38: {  	s10 =	sld [smem:$0x3FBB]  }
0x39: {  	_ = 	snop;
	(pc) =	sbr.ind lr, $3  }
0x3a: {  	_ = 	snop  }
0x3b: {  	_ = 	snop  }
0x3c: {  	p2 =	seq.s32 s10, $0x1;
	s10 =	sld [smem:$0x3FBA]  }
0x3d: {  	_ =	shalt  }
0x3e: {  	_ =	shalt  }
0x3f: {  	_ =	shalt  }
0x40: {  	_ =	shalt  }
0x41: {  	_ =	shalt  }
0x42: {  	_ =	shalt  }
0x43: {  	_ =	shalt  }
0x44: {  	_ =	shalt  }
0x45: {  	_ =	shalt  }
0x46: {  	_ =	shalt  }
0x47: {  	_ =	shalt  }
0x48: {  	_ =	shalt  }
0x49: {  	_ =	shalt  }
0x4a: {  	_ =	shalt  }
0x4b: {  	_ =	shalt  }
0x4c: {  	_ =	shalt  }
0x4d: {  	_ =	shalt  }
0x4e: {  	_ =	shalt  }
0x4f: {  	_ =	shalt  }
0x50: {  	_ =	shalt  }
0x51: {  	_ =	shalt  }
0x52: {  	_ =	shalt  }
0x53: {  	_ =	shalt  }
0x54: {  	_ =	shalt  }
0x55: {  	_ =	shalt  }
0x56: {  	_ =	shalt  }
0x57: {  	_ =	shalt  }
0x58: {  	_ =	shalt  }
0x59: {  	_ =	shalt  }
0x5a: {  	_ =	shalt  }
0x5b: {  	_ =	shalt  }
0x5c: {  	_ =	shalt  }
0x5d: {  	_ =	shalt  }
0x5e: {  	_ =	shalt  }
0x5f: {  	_ =	shalt  }
0x60: {  	_ =	shalt  }
0x61: {  	_ =	shalt  }
0x62: {  	_ =	shalt  }
0x63: {  	_ =	shalt  }
0x64: {  	_ =	shalt  }
0x65: {  	_ =	shalt  }
0x66: {  	_ =	shalt  }
0x67: {  	_ =	shalt  }
0x68: {  	_ =	shalt  }
0x69: {  	_ =	shalt  }
0x6a: {  	_ =	shalt  }
0x6b: {  	_ =	shalt  }
0x6c: {  	_ =	shalt  }
0x6d: {  	_ =	shalt  }
0x6e: {  	_ =	shalt  }
0x6f: {  	_ =	shalt  }
0x70: {  	_ =	shalt  }
0x71: {  	_ =	shalt  }
0x72: {  	_ =	shalt  }
0x73: {  	_ =	shalt  }
0x74: {  	_ =	shalt  }
0x75: {  	_ =	shalt  }
0x76: {  	_ =	shalt  }
0x77: {  	_ =	shalt  }
0x78: {  	_ =	shalt  }
0x79: {  	_ =	shalt  }
0x7a: {  	_ =	shalt  }
0x7b: {  	_ =	shalt  }
0x7c: {  	_ =	shalt  }
0x7d: {  	_ =	shalt  }
0x7e: {  	_ =	shalt  }
0x7f: {  	_ =	shalt  }
0x80: {  	_ =	shalt  }
0x81: {  	_ =	shalt  }
0x82: {  	_ =	shalt  }
0x83: {  	_ =	shalt  }
0x84: {  	_ =	shalt  }
0x85: {  	_ =	shalt  }
0x86: {  	_ =	shalt  }
0x87: {  	_ =	shalt  }
.Lfunc_end0:
.L_simem_size_0:
called_computation_lowered:
.L_overlay_start_0:
0x88: {  	s2 =	sld [smem:$0x3FD9]  }
0x89: {  	s3 =	sld [smem:$0x3FFE];
	_ =	sdelay $0x1  }
0x8a: {  	s1 =	srdreg.scid  }
0x8b: {  	s0 =	sand.u32 $0x1, s1  }
0x8c: {  	s17 =	sshll.u32 s0, $0xA;
	s2 =	sadd.s32 s3, s2  }
0x8d: {  	s2 =	sadd.s32 s2, s17  }
0x8e: {  	[smem:$0x3FC6] =	sst s2  }
0x8f: {  	_ = 	snop  }
0x90: {  	s2 =	sld [smem:$0x3FD0];
	(tm) =	ssettm $0x1  }
0x91: {  	s18 =	sld [smem:$0x3FFB];
	_ =	sdelay $0x3  }
0x92: {  	_ =	strace s18  }
0x93: {  	s3 =	sld [smem:$0x3FFC];
	_ =	sdelay $0x3  }
0x94: {  	_ =	strace s3  }
0x95: {  	s3 =	sld [smem:$0x3FFD];
	_ =	sdelay $0x3  }
0x96: {  	_ =	strace s3  }
0x97: {  	_ =	strace $0x8FFFFFFF  }
0x98: {  	s19 =	sld [smem:$0x3FDB];
	_ =	sdelay $0x1  }
0x99: {  	s4 =	simm.s32 $_scs_section_size  }
0x9a: {  	s5 =	simm.s32 $_size__tile_overlayer_lowered;
	s6 =	simm.s32 $_tile_overlayer_lowered  }
0x9b: {  	s22 =	simm.s32 $0x1BFF;
	s21 =	sshll.u32 s6, $0x1;
	s3 =	sadd.s32 s4, s19  }
0x9c: {  	s7 =	simm.s32 $0x0;
	s20 =	sshll.u32 s5, $0x1;
	s5 =	sadd.s32 s21, s3  }
0x9d: {  	[timem:s7], [sflag:s22] =	dma.local [hbm:s5], s20  }
0x9e: {  	_ =	swait.ge [sflag:s22], s20  }
0x9f: {  	s4 =	ssub.s32 $0x0, s20;
	[sflag:s22] =	ssyncset.done $0x0  }
0xa0: {  	[sflag:s22] =	ssyncadd.s32 s4;
	_ =	sdelay $0x1  }
0xa1: {  	s23 =	simm.s32 $0x1B8B  }
0xa2: {  	_ =	swait.ge [sflag:s23], $0x1  }
0xa3: {  	[sflag:s23] =	ssyncset.done $0x0  }
0xa4: {  	s25 =	simm.s32 $0x1B8E;
	s24 =	sld [smem:$0x3FFE];
	[sflag:s23] =	ssyncadd.s32 $0xFFFFFFFF  }
0xa5: {  	s26 =	simm.s32 $execute0_lowered;
	[smem:$0x3FD2] =	sst s25  }
0xa6: {  	s5 =	sshll.u32 s26, $0x1;
	_ =	strace $0x80000046;
	[dreg:$0x1] =	wrdreg $0xFFFFFFFF  }
0xa7: {  	s28 =	simm.s32 $_size_execute0_lowered;
	s3 =	sadd.s32 s3, s5;
	[dreg:$0x0] =	wrdreg $0x0  }
0xa8: {  	s5 =	sshll.u32 s28, $0x1;
	[dreg:$0x2] =	wrdreg s3  }
0xa9: {  	[dreg:$0x3] =	wrdreg s5  }
0xaa: {  	[dreg:$0x4] =	wrdreg $0xC0  }
0xab: {  	_ =	task [dreg:s7], $0x5FFFF  }
0xac: {  	[dreg:$0x1] =	wrdreg $0xFFFFFFFF  }
0xad: {  	[dreg:$0x0] =	wrdreg $0x60  }
0xae: {  	[dreg:$0x2] =	wrdreg s24  }
0xaf: {  	[dreg:$0x3] =	wrdreg s2  }
0xb0: {  	[dreg:$0x4] =	wrdreg $0x9  }
0xb1: {  	_ =	task.clear_ibuf [dreg:s7], $0x5FFFF;
	_ =	strace $0x90000046  }
0xb2: {  	s29 =	simm.s32 $0x9;
	_ =	strace $0x80000048  }
0xb3: {  	_ =	swait.ge [sflag:s29], $0x1  }
0xb4: {  	[sflag:s29] =	ssyncadd.s32 $0xFFFFFFFF  }
0xb5: {  	_ =	strace $0x90000048  }
0xb6: {  	_ =	sfence  }
0xb7: {  	s30 =	sld [smem:$0x0];
	_ =	sdelay $0x2  }
0xb8: {  	s31 =	sshll.u32 s1, $0xD;
	s1 =	sshrl.u32 s1, $0x2  }
0xb9: {  	s3 =	sand.u32 $0x4000, s31;
	s1 =	sadd.s32 s1, s30  }
0xba: {  	s0 =	sor.u32 s3, s0;
	s1 =	sshll.u32 s1, $0x11  }
0xbb: {  	s0 =	sor.u32 s1, s0  }
0xbc: {  	s0 =	sadd.s32 $0x8F2B, s0  }
0xbd: {  	[sflag:s0] =	ssyncadd.remote.s32 $0x1  }
0xbe: {  	_ =	sfence.sel $0xFFFF  }
0xbf: {  	[dreg:$0x0] =	wrdreg $0xFFFFFFFF;
	(pc) =	sbr.abs _section_cstart, $3  }
0xc0: {  	[dreg:$0x1] =	wrdreg $0xFFFFFFFF  }
0xc1: {  	_ =	task.clear_ibuf [dreg:s7], $0x2FFFF;
	_ =	strace $0x9FFFFFFF  }
0xc2: {  	(tm) =	ssettm $0x7FFFFFFF  }
0xc3: {  	_ =	shalt  }
tec
execute0_lowered:
.L_overlay_start_1:
0x0: {  	(tag) =	ssettag $0x1  }
0x1: {  	v0 =	vimm.s32 $0xCC0;
	vm0 =	vcmask $0x300  }
0x2: {  	s0 =	srdreg.scid;
	s2 =	stileid.u32;
	vm14 =	vcmask $0x704;
	v0 =	vsel vm0, $0x0, v0  }
0x3: {  	s1 =	rddreg [dreg:$0x0];
	s10 =	simm.s32 $0x5;
	s11 =	simm.s32 $0x100;
	vm15 =	vcmask $0xB08;
	v0 =	vsel vm14, $0x88, v0  }
0x4: {  	s13 =	simm.s32 $0x1;
	s15 =	simm.s32 $0x8200;
	s17 =	simm.s32 $0x2;
	vm4 =	vcmask $0xF0C;
	v0 =	vsel vm15, $0x110, v0  }
0x5: {  	s18 =	simm.s32 $0xCA40;
	vm5 =	vcmask $0x1310;
	s23 =	simm.s32 $0x10D30;
	s24 =	simm.s32 $0x10DB8;
	v0 =	vsel vm4, $0x198, v0  }
0x6: {  	vm6 =	vcmask $0x1714;
	s28 =	simm.s32 $0x10F50;
	s29 =	simm.s32 $0x10FD8;
	s30 =	simm.s32 $0x11060;
	v0 =	vsel vm5, $0x220, v0  }
0x7: {  	vm7 =	vcmask $0x1B18;
	s31 =	simm.s32 $0x110E8;
	s0 =	sand.u32 $0x1, s0;
	s3 =	sshll.u32 s2, $0x1;
	v0 =	vsel vm6, $0x2A8, v0  }
0x8: {  	vm8 =	vcmask $0x1F1C;
	s9 =	simm.s32 $0x0;
	s2 =	rddreg [dreg:$0x1];
	s5 =	sor.u32 s0, s3;
	v0 =	vsel vm7, $0x330, v0  }
0x9: {  	vm9 =	vcmask $0x2320;
	s3 =	simm.s32 $0x0;
	s0 =	ssub.s32 $0x2, s0;
	s4 =	smul.u32 $0x6400, s5;
	v0 =	vsel vm8, $0x3B8, v0  }
0xa: {  	vm10 =	vcmask $0x2724;
	[smem:$0x7FF] =	sst s3;
	s6 =	sshll.u32 s5, $0xA;
	s25 =	sshrl.u32 s0, $0x1;
	v0 =	vsel vm9, $0x908, v0  }
0xb: {  	vm11 =	vcmask $0x2B28;
	s5 =	smul.u32 $0x64, s5;
	_ =	strace $0x80000047;
	s6 =	sand.u32 $0xC00, s6;
	v0 =	vsel vm10, $0x990, v0  }
0xc: {  	vm12 =	vcmask $0x2F2C;
	s0 =	ssub.s32 s0, s25;
	s25 =	simm.s32 $0x10E40;
	s7 =	sand.u32 $0xFF000, s4;
	v0 =	vsel vm11, $0xA18, v0  }
0xd: {  	vm13 =	vcmask $0x3330;
	s4 =	sadd.s32 $0x600, s1;
	s0 =	smax.u32 s0, $0x1;
	s6 =	sor.u32 s6, s7;
	v0 =	vsel vm12, $0xAA0, v0  }
0xe: {  	vm14 =	vcmask $0x3734;
	[dreg:$0x4] =	wrdreg s0;
	s0 =	simm.s32 $0x4;
	s8 =	sshrl.u32 s6, $0x3;
	v0 =	vsel vm13, $0xB28, v0  }
0xf: {  	vm15 =	vcmask $0x3B38;
	s6 =	sadd.s32 $0xF42A00, s1;
	s1 =	simm.s32 $0x11170;
	s26 =	sadd.s32 s4, s8;
	v0 =	vsel vm14, $0xBB0, v0  }
0x10: {  	s8 =	sor.u32 $0x2, s5;
	[dreg:$0x3] =	wrdreg s26;
	s26 =	simm.s32 $0x10EC8;
	v0 =	vsel vm15, $0xC38, v0  }
.LBB2_1:
0x11: {  	[dreg:$0x5] =	wrdreg s9  }
0x12: {  	s7 =	rddreg [dreg:$0x3]  }
0x13: {  	[tilespmem:s3], [sflag:$0x5] =	stream.linear.gather [hbm4b:s7+s3], $0x100, $0x38;
	[tilespmem:$0x11280] =	vst v63  }
0x14: {  	_ =	swait.ge [sflag:s10], $0x100  }
0x15: {  	[sflag:s10] =	ssyncset.done $0x0  }
0x16: {  	s22 =	simm.s32 $0x200;
	s12 =	simm.s32 $0x0;
	[sflag:s10] =	ssyncadd.s32 $0xFFFFFF00  }
0x17: {  	[tilespmem:s22], [sflag:$0x1] =	stream.indirect.gather [hbm4b:s6+s11], $0x40, s3, s11, $0xb8;
	[tilespmem:$0x11280] =	vst v63  }
.LBB2_2:
0x18: {  	s9 =	sshll.u32 s12, $0x1  }
0x19: {  	s7 =	sadd.s32 s9, s5  }
0x1a: {  	s7 =	sadd.s32 $0x1, s7  }
0x1b: {  	_ =	swait.ge [sflag:s13], $0x4000;
	s14 =	sshll.u32 s7, $0x5  }
0x1c: {  	[sflag:s13] =	ssyncset.done $0x0;
	s14 =	sand.u32 $0xFFFFFE0, s14  }
0x1d: {  	[sflag:s13] =	ssyncadd.s32 $0xFFFFC000;
	s14 =	sadd.s32 s4, s14  }
0x1e: {  	[tilespmem:s11], [sflag:$0x5] =	stream.linear.gather [hbm4b:s14+s3], $0x100, $0x38;
	[tilespmem:$0x11280] =	vst v63  }
0x1f: {  	_ =	swait.ge [sflag:s10], $0x100  }
0x20: {  	p0 =	seq.s32 s12, $0x0;
	[sflag:s10] =	ssyncset.done $0x0  }
0x21: {  	s21 =	simm.s32 $0x4200;
	s14 =	simm.s32 @!p0 $0x3;
	[sflag:s10] =	ssyncadd.s32 $0xFFFFFF00  }
0x22: {  	[tilespmem:s21], [sflag:$0x2] =	stream.indirect.gather [hbm4b:s6+s11], $0x40, s11, s11, $0xb8;
	[tilespmem:$0x11280] =	vst v63  }
0x23: {  	_ =	swait.ge @!p0 [sflag:s14], $0x800  }
0x24: {  	[sflag:s14] =	ssyncset.done @!p0 $0x0  }
0x25: {  	[sflag:s14] =	ssyncadd.s32 @!p0 $0xFFFFF800  }
0x26: {  	_ =	swait.ge @!p0 [sflag:s14], $0x800  }
0x27: {  	[sflag:s14] =	ssyncset.done @!p0 $0x0  }
0x28: {  	[sflag:s14] =	ssyncadd.s32 @!p0 $0xFFFFF800  }
0x29: {  	_ =	swait.ge @!p0 [sflag:s14], $0x800  }
0x2a: {  	[sflag:s14] =	ssyncset.done @!p0 $0x0  }
0x2b: {  	[sflag:s14] =	ssyncadd.s32 @!p0 $0xFFFFF800  }
0x2c: {  	_ =	swait.ge @!p0 [sflag:s14], $0x800  }
0x2d: {  	[sflag:s14] =	ssyncset.done @!p0 $0x0  }
0x2e: {  	[sflag:s14] =	ssyncadd.s32 @!p0 $0xFFFFF800  }
0x2f: {  	_ =	swait.ge @!p0 [sflag:s14], $0x800  }
0x30: {  	[sflag:s14] =	ssyncset.done @!p0 $0x0  }
0x31: {  	[sflag:s14] =	ssyncadd.s32 @!p0 $0xFFFFF800  }
0x32: {  	s16 =	simm.s32 $0x0;
	_ =	swait.ge @!p0 [sflag:s14], $0x800  }
0x33: {  	s19 =	sand.u32 $0x8, s16;
	[sflag:s14] =	ssyncset.done @!p0 $0x0  }
0x34: {  	v1 =	vmov s19;
	[sflag:s14] =	ssyncadd.s32 @!p0 $0xFFFFF800  }
0x35: {  	v1 =	vmul.u32 $0x88, v1;
	_ =	swait.ge @!p0 [sflag:s14], $0x800  }
0x36: {  	[sflag:s14] =	ssyncset.done @!p0 $0x0  }
0x37: {  	s16 =	simm.s32 $0x0;
	v1 =	vbroadcast v1, $0x0;
	[sflag:s14] =	ssyncadd.s32 @!p0 $0xFFFFF800  }
0x38: {  	v2 =	vmov s16;
	_ =	swait.ge @!p0 [sflag:s14], $0x800  }
0x39: {  	s20 =	sor.u32 $0x22, s19;
	v3 =	vand.u32 $0x78, v2;
	v4 =	vadd.s32 v0, v1;
	[sflag:s14] =	ssyncset.done @!p0 $0x0  }
0x3a: {  	v2 =	vand.u32 $0x4, v2;
	v5 =	vmov s20;
	v1 =	vadd.s32 v3, v4;
	[sflag:s14] =	ssyncadd.s32 @!p0 $0xFFFFF800;
	s14 =	simm.s32 $0x280  }
0x3b: {  	v5 =	vmul.u32 $0x88, v5;
	v1 =	vor.u32 v2, v1;
	v6 =	vld [tilespmem:s14+$0xFFFFFF80];
	_ =	sdelay $0x1  }
0x3c: {  	v5 =	vbroadcast v5, $0x0;
	_ =	sdelay $0x1  }
0x3d: {  	s22 =	sor.u32 $0x44, s19;
	v7 =	vadd.s32 v0, v5  }
0x3e: {  	v5 =	vmov s22;
	[tilespmem:v1+s15+$0x0] =	vst.idx.msk $0xffff, v6;
	v1 =	vadd.s32 v3, v7  }
0x3f: {  	v5 =	vmul.u32 $0x88, v5;
	v6 =	vld [tilespmem:s14+$0xFFFFFF90];
	v1 =	vor.u32 v2, v1;
	_ =	sdelay $0x1  }
0x40: {  	v5 =	vbroadcast v5, $0x0;
	_ =	sdelay $0x1  }
0x41: {  	s19 =	sor.u32 $0x66, s19;
	v8 =	vadd.s32 v0, v5  }
0x42: {  	v5 =	vmov s19;
	[tilespmem:v1+s15+$0x0] =	vst.idx.msk $0xffff, v6;
	v1 =	vadd.s32 v3, v8  }
0x43: {  	v6 =	vld [tilespmem:s14+$0xFFFFFFA0];
	v9 =	vor.u32 v2, v1;
	v1 =	vmul.u32 $0x88, v5;
	_ =	sdelay $0x1  }
0x44: {  	v1 =	vbroadcast v1, $0x0;
	_ =	sdelay $0x1  }
0x45: {  	v1 =	vadd.s32 v0, v1  }
0x46: {  	[tilespmem:v9+s15+$0x0] =	vst.idx.msk $0xffff, v6;
	v3 =	vadd.s32 v3, v1  }
0x47: {  	v5 =	vld [tilespmem:s14+$0xFFFFFFB0];
	v2 =	vor.u32 v2, v3;
	_ =	sdelay $0x1  }
0x48: {  	s20 =	simm.s32 $0x1  }
0x49: {  	v3 =	vmov s20  }
0x4a: {  	v6 =	vand.u32 $0x78, v3  }
0x4b: {  	[tilespmem:v2+s15+$0x0] =	vst.idx.msk $0xffff, v5;
	v2 =	vand.u32 $0x5, v3;
	v3 =	vadd.s32 v6, v4  }
0x4c: {  	v5 =	vld [tilespmem:s14+$0xFFFFFFC0];
	v3 =	vor.u32 v2, v3;
	_ =	sdelay $0x4  }
0x4d: {  	[tilespmem:v3+s15+$0x0] =	vst.idx.msk $0xffff, v5;
	v3 =	vadd.s32 v6, v7  }
0x4e: {  	v5 =	vld [tilespmem:s14+$0xFFFFFFD0];
	v3 =	vor.u32 v2, v3;
	_ =	sdelay $0x4  }
0x4f: {  	[tilespmem:v3+s15+$0x0] =	vst.idx.msk $0xffff, v5;
	v3 =	vadd.s32 v6, v8  }
0x50: {  	v5 =	vld [tilespmem:s14+$0xFFFFFFE0];
	v3 =	vor.u32 v2, v3;
	_ =	sdelay $0x4  }
0x51: {  	[tilespmem:v3+s15+$0x0] =	vst.idx.msk $0xffff, v5;
	v3 =	vadd.s32 v6, v1  }
0x52: {  	v5 =	vld [tilespmem:s14+$0xFFFFFFF0];
	v2 =	vor.u32 v2, v3;
	_ =	sdelay $0x1  }
0x53: {  	s21 =	simm.s32 $0x2  }
0x54: {  	v3 =	vmov s21  }
0x55: {  	v6 =	vand.u32 $0x78, v3  }
0x56: {  	[tilespmem:v2+s15+$0x0] =	vst.idx.msk $0xffff, v5;
	v2 =	vand.u32 $0x6, v3;
	v3 =	vadd.s32 v6, v4  }
0x57: {  	v5 =	vld [tilespmem:s14+$0x0];
	v3 =	vor.u32 v2, v3;
	_ =	sdelay $0x4  }
0x58: {  	[tilespmem:v3+s15+$0x0] =	vst.idx.msk $0xffff, v5;
	v3 =	vadd.s32 v6, v7  }
0x59: {  	v5 =	vld [tilespmem:s14+$0x10];
	v3 =	vor.u32 v2, v3;
	_ =	sdelay $0x4  }
0x5a: {  	[tilespmem:v3+s15+$0x0] =	vst.idx.msk $0xffff, v5;
	v3 =	vadd.s32 v6, v8  }
0x5b: {  	v5 =	vld [tilespmem:s14+$0x20];
	v3 =	vor.u32 v2, v3;
	_ =	sdelay $0x4  }
0x5c: {  	[tilespmem:v3+s15+$0x0] =	vst.idx.msk $0xffff, v5;
	v3 =	vadd.s32 v6, v1  }
0x5d: {  	v5 =	vld [tilespmem:s14+$0x30];
	v2 =	vor.u32 v2, v3;
	_ =	sdelay $0x1  }
0x5e: {  	s22 =	simm.s32 $0x3  }
0x5f: {  	v3 =	vmov s22  }
0x60: {  	v6 =	vand.u32 $0x78, v3  }
0x61: {  	[tilespmem:v2+s15+$0x0] =	vst.idx.msk $0xffff, v5;
	v5 =	vand.u32 $0x7, v3;
	v2 =	vadd.s32 v6, v4  }
0x62: {  	v3 =	vld [tilespmem:s14+$0x40];
	v2 =	vor.u32 v5, v2;
	_ =	sdelay $0x4  }
0x63: {  	[tilespmem:v2+s15+$0x0] =	vst.idx.msk $0xffff, v3;
	v2 =	vadd.s32 v6, v7  }
0x64: {  	v3 =	vld [tilespmem:s14+$0x50];
	v2 =	vor.u32 v5, v2;
	_ =	sdelay $0x4  }
0x65: {  	[tilespmem:v2+s15+$0x0] =	vst.idx.msk $0xffff, v3;
	v3 =	vadd.s32 v6, v8  }
0x66: {  	v2 =	vld [tilespmem:s14+$0x60];
	v3 =	vor.u32 v5, v3;
	_ =	sdelay $0x2  }
0x67: {  	s19 =	simm.s32 $0x2;
	s20 =	simm.s32 $0x0  }
.LBB2_3:
0x68: {  	p0 =	sne.s32 s19, $0x3F;
	s20 =	sand.u32 $0x8, s20  }
0x69: {  	v1 =	vadd.s32 v6, v1;
	v4 =	vmov s20;
	[tilespmem:v3+s15+$0x0] =	vst.idx.msk $0xffff, v2  }
0x6a: {  	v1 =	vor.u32 v5, v1;
	v2 =	vmul.u32 $0x88, v4;
	v3 =	vld [tilespmem:s14+$0x70];
	_ =	sdelay $0x1  }
0x6b: {  	s16 =	sadd.s32 $0x4, s16;
	v2 =	vbroadcast v2, $0x0  }
0x6c: {  	v4 =	vmov s16  }
0x6d: {  	s21 =	sor.u32 $0x22, s20;
	v5 =	vand.u32 $0x78, v4;
	v2 =	vadd.s32 v0, v2  }
0x6e: {  	v7 =	vmov s21;
	s14 =	sadd.s32 $0x100, s14;
	v6 =	vand.u32 $0x4, v4;
	v4 =	vadd.s32 v5, v2;
	[tilespmem:v1+s15+$0x0] =	vst.idx.msk $0xffff, v3  }
0x6f: {  	v3 =	vmul.u32 $0x88, v7;
	v1 =	vld [tilespmem:s14+$0xFFFFFF80];
	v4 =	vor.u32 v6, v4;
	_ =	sdelay $0x1  }
0x70: {  	v3 =	vbroadcast v3, $0x0;
	_ =	sdelay $0x1  }
0x71: {  	s21 =	sor.u32 $0x44, s20;
	v3 =	vadd.s32 v0, v3  }
0x72: {  	[tilespmem:v4+s15+$0x0] =	vst.idx.msk $0xffff, v1;
	v1 =	vadd.s32 v5, v3;
	v4 =	vmov s21  }
0x73: {  	v7 =	vld [tilespmem:s14+$0xFFFFFF90];
	v1 =	vor.u32 v6, v1;
	v4 =	vmul.u32 $0x88, v4;
	_ =	sdelay $0x1  }
0x74: {  	v4 =	vbroadcast v4, $0x0;
	_ =	sdelay $0x1  }
0x75: {  	s20 =	sor.u32 $0x66, s20;
	v4 =	vadd.s32 v0, v4  }
0x76: {  	[tilespmem:v1+s15+$0x0] =	vst.idx.msk $0xffff, v7;
	v1 =	vadd.s32 v5, v4;
	v7 =	vmov s20  }
0x77: {  	v8 =	vld [tilespmem:s14+$0xFFFFFFA0];
	v9 =	vor.u32 v6, v1;
	v1 =	vmul.u32 $0x88, v7;
	_ =	sdelay $0x1  }
0x78: {  	v1 =	vbroadcast v1, $0x0;
	_ =	sdelay $0x1  }
0x79: {  	v1 =	vadd.s32 v0, v1  }
0x7a: {  	[tilespmem:v9+s15+$0x0] =	vst.idx.msk $0xffff, v8;
	v5 =	vadd.s32 v5, v1  }
0x7b: {  	v7 =	vld [tilespmem:s14+$0xFFFFFFB0];
	v5 =	vor.u32 v6, v5;
	_ =	sdelay $0x1  }
0x7c: {  	s20 =	sadd.s32 $0x1, s16  }
0x7d: {  	v6 =	vmov s20  }
0x7e: {  	v8 =	vand.u32 $0x78, v6  }
0x7f: {  	[tilespmem:v5+s15+$0x0] =	vst.idx.msk $0xffff, v7;
	v5 =	vand.u32 $0x5, v6;
	v6 =	vadd.s32 v8, v2  }
0x80: {  	v7 =	vld [tilespmem:s14+$0xFFFFFFC0];
	v6 =	vor.u32 v5, v6;
	_ =	sdelay $0x4  }
0x81: {  	[tilespmem:v6+s15+$0x0] =	vst.idx.msk $0xffff, v7;
	v6 =	vadd.s32 v8, v3  }
0x82: {  	v7 =	vld [tilespmem:s14+$0xFFFFFFD0];
	v6 =	vor.u32 v5, v6;
	_ =	sdelay $0x4  }
0x83: {  	[tilespmem:v6+s15+$0x0] =	vst.idx.msk $0xffff, v7;
	v6 =	vadd.s32 v8, v4  }
0x84: {  	v7 =	vld [tilespmem:s14+$0xFFFFFFE0];
	v6 =	vor.u32 v5, v6;
	_ =	sdelay $0x4  }
0x85: {  	[tilespmem:v6+s15+$0x0] =	vst.idx.msk $0xffff, v7;
	v6 =	vadd.s32 v8, v1  }
0x86: {  	v7 =	vld [tilespmem:s14+$0xFFFFFFF0];
	v5 =	vor.u32 v5, v6;
	_ =	sdelay $0x1  }
0x87: {  	s20 =	sadd.s32 $0x2, s16  }
0x88: {  	v6 =	vmov s20  }
0x89: {  	v8 =	vand.u32 $0x78, v6  }
0x8a: {  	[tilespmem:v5+s15+$0x0] =	vst.idx.msk $0xffff, v7;
	v5 =	vand.u32 $0x6, v6;
	v6 =	vadd.s32 v8, v2  }
0x8b: {  	v7 =	vld [tilespmem:s14+$0x0];
	v6 =	vor.u32 v5, v6;
	_ =	sdelay $0x4  }
0x8c: {  	[tilespmem:v6+s15+$0x0] =	vst.idx.msk $0xffff, v7;
	v6 =	vadd.s32 v8, v3  }
0x8d: {  	v7 =	vld [tilespmem:s14+$0x10];
	v6 =	vor.u32 v5, v6;
	_ =	sdelay $0x4  }
0x8e: {  	[tilespmem:v6+s15+$0x0] =	vst.idx.msk $0xffff, v7;
	v6 =	vadd.s32 v8, v4  }
0x8f: {  	v7 =	vld [tilespmem:s14+$0x20];
	v6 =	vor.u32 v5, v6;
	_ =	sdelay $0x4  }
0x90: {  	[tilespmem:v6+s15+$0x0] =	vst.idx.msk $0xffff, v7;
	v6 =	vadd.s32 v8, v1  }
0x91: {  	v7 =	vld [tilespmem:s14+$0x30];
	v5 =	vor.u32 v5, v6;
	_ =	sdelay $0x1  }
0x92: {  	s20 =	sadd.s32 $0x3, s16  }
0x93: {  	v8 =	vmov s20  }
0x94: {  	v6 =	vand.u32 $0x78, v8  }
0x95: {  	v2 =	vadd.s32 v6, v2;
	[tilespmem:v5+s15+$0x0] =	vst.idx.msk $0xffff, v7;
	v5 =	vand.u32 $0x7, v8  }
0x96: {  	v7 =	vld [tilespmem:s14+$0x40];
	v2 =	vor.u32 v5, v2;
	_ =	sdelay $0x4  }
0x97: {  	[tilespmem:v2+s15+$0x0] =	vst.idx.msk $0xffff, v7;
	v2 =	vadd.s32 v6, v3  }
0x98: {  	v3 =	vld [tilespmem:s14+$0x50];
	v2 =	vor.u32 v5, v2;
	_ =	sdelay $0x4  }
.Ltmp0:
0x99: {  	[tilespmem:v2+s15+$0x0] =	vst.idx.msk $0xffff, v3;
	v3 =	vadd.s32 v6, v4;
	(pc) =	sbr.rel @p0 .LBB2_3-.Ltmp0, $2  }
0x9a: {  	v2 =	vld [tilespmem:s14+$0x60];
	v3 =	vor.u32 v5, v3;
	_ =	sdelay $0x2  }
0x9b: {  	s20 =	sshrl.u32 s19, $0x2;
	s19 =	sadd.s32 $0x1, s19  }
0x9c: {  	_ =	sdelay $0x2  }
0x9d: {  	s19 =	sand.u32 $0x8, s20  }
0x9e: {  	v1 =	vadd.s32 v6, v1;
	v4 =	vmov s19;
	[tilespmem:v3+s15+$0x0] =	vst.idx.msk $0xffff, v2  }
0x9f: {  	v1 =	vor.u32 v5, v1;
	v2 =	vmul.u32 $0x88, v4;
	v3 =	vld [tilespmem:s14+$0x70];
	_ =	sdelay $0x1  }
0xa0: {  	s16 =	sadd.s32 $0x4, s16;
	v2 =	vbroadcast v2, $0x0  }
0xa1: {  	v4 =	vmov s16  }
0xa2: {  	s20 =	sor.u32 $0x22, s19;
	v5 =	vand.u32 $0x78, v4;
	v2 =	vadd.s32 v0, v2  }
0xa3: {  	v7 =	vmov s20;
	s14 =	sadd.s32 $0x100, s14;
	v4 =	vand.u32 $0x4, v4;
	v6 =	vadd.s32 v5, v2;
	[tilespmem:v1+s15+$0x0] =	vst.idx.msk $0xffff, v3  }
0xa4: {  	v1 =	vld [tilespmem:s14+$0xFFFFFF80];
	v3 =	vor.u32 v4, v6;
	v6 =	vmul.u32 $0x88, v7;
	_ =	sdelay $0x1  }
0xa5: {  	v6 =	vbroadcast v6, $0x0;
	_ =	sdelay $0x1  }
0xa6: {  	s22 =	sor.u32 $0x44, s19;
	v6 =	vadd.s32 v0, v6  }
0xa7: {  	[tilespmem:v3+s15+$0x0] =	vst.idx.msk $0xffff, v1;
	v1 =	vadd.s32 v5, v6;
	v3 =	vmov s22  }
0xa8: {  	v7 =	vld [tilespmem:s14+$0xFFFFFF90];
	v1 =	vor.u32 v4, v1;
	v3 =	vmul.u32 $0x88, v3;
	_ =	sdelay $0x1  }
0xa9: {  	v3 =	vbroadcast v3, $0x0;
	_ =	sdelay $0x1  }
0xaa: {  	s19 =	sor.u32 $0x66, s19;
	v3 =	vadd.s32 v0, v3  }
0xab: {  	[tilespmem:v1+s15+$0x0] =	vst.idx.msk $0xffff, v7;
	v1 =	vadd.s32 v5, v3;
	v7 =	vmov s19  }
0xac: {  	v8 =	vld [tilespmem:s14+$0xFFFFFFA0];
	v1 =	vor.u32 v4, v1;
	v7 =	vmul.u32 $0x88, v7;
	_ =	sdelay $0x1  }
0xad: {  	v7 =	vbroadcast v7, $0x0;
	_ =	sdelay $0x1  }
0xae: {  	v7 =	vadd.s32 v0, v7  }
0xaf: {  	[tilespmem:v1+s15+$0x0] =	vst.idx.msk $0xffff, v8;
	v1 =	vadd.s32 v5, v7  }
0xb0: {  	v5 =	vld [tilespmem:s14+$0xFFFFFFB0];
	v1 =	vor.u32 v4, v1;
	_ =	sdelay $0x1  }
0xb1: {  	s21 =	sadd.s32 $0x1, s16  }
0xb2: {  	v4 =	vmov s21  }
0xb3: {  	v8 =	vand.u32 $0x78, v4  }
0xb4: {  	[tilespmem:v1+s15+$0x0] =	vst.idx.msk $0xffff, v5;
	v1 =	vand.u32 $0x5, v4;
	v4 =	vadd.s32 v8, v2  }
0xb5: {  	v5 =	vld [tilespmem:s14+$0xFFFFFFC0];
	v4 =	vor.u32 v1, v4;
	_ =	sdelay $0x4  }
0xb6: {  	[tilespmem:v4+s15+$0x0] =	vst.idx.msk $0xffff, v5;
	v4 =	vadd.s32 v8, v6  }
0xb7: {  	v5 =	vld [tilespmem:s14+$0xFFFFFFD0];
	v4 =	vor.u32 v1, v4;
	_ =	sdelay $0x4  }
0xb8: {  	[tilespmem:v4+s15+$0x0] =	vst.idx.msk $0xffff, v5;
	v4 =	vadd.s32 v8, v3  }
0xb9: {  	v5 =	vld [tilespmem:s14+$0xFFFFFFE0];
	v4 =	vor.u32 v1, v4;
	_ =	sdelay $0x4  }
0xba: {  	[tilespmem:v4+s15+$0x0] =	vst.idx.msk $0xffff, v5;
	v4 =	vadd.s32 v8, v7  }
0xbb: {  	v5 =	vld [tilespmem:s14+$0xFFFFFFF0];
	v1 =	vor.u32 v1, v4;
	_ =	sdelay $0x1  }
0xbc: {  	s22 =	sadd.s32 $0x2, s16  }
0xbd: {  	v4 =	vmov s22  }
0xbe: {  	v8 =	vand.u32 $0x78, v4  }
0xbf: {  	[tilespmem:v1+s15+$0x0] =	vst.idx.msk $0xffff, v5;
	v1 =	vand.u32 $0x6, v4;
	v4 =	vadd.s32 v8, v2  }
0xc0: {  	v5 =	vld [tilespmem:s14+$0x0];
	v4 =	vor.u32 v1, v4;
	_ =	sdelay $0x4  }
0xc1: {  	[tilespmem:v4+s15+$0x0] =	vst.idx.msk $0xffff, v5;
	v4 =	vadd.s32 v8, v6  }
0xc2: {  	v5 =	vld [tilespmem:s14+$0x10];
	v4 =	vor.u32 v1, v4;
	_ =	sdelay $0x4  }
0xc3: {  	[tilespmem:v4+s15+$0x0] =	vst.idx.msk $0xffff, v5;
	v4 =	vadd.s32 v8, v3  }
0xc4: {  	v5 =	vld [tilespmem:s14+$0x20];
	v4 =	vor.u32 v1, v4;
	_ =	sdelay $0x4  }
0xc5: {  	[tilespmem:v4+s15+$0x0] =	vst.idx.msk $0xffff, v5;
	v4 =	vadd.s32 v8, v7  }
0xc6: {  	v5 =	vld [tilespmem:s14+$0x30];
	v1 =	vor.u32 v1, v4;
	_ =	sdelay $0x1  }
0xc7: {  	s16 =	sadd.s32 $0x3, s16  }
0xc8: {  	v4 =	vmov s16  }
0xc9: {  	v8 =	vand.u32 $0x78, v4  }
0xca: {  	v2 =	vadd.s32 v8, v2;
	[tilespmem:v1+s15+$0x0] =	vst.idx.msk $0xffff, v5;
	v1 =	vand.u32 $0x7, v4  }
0xcb: {  	v4 =	vld [tilespmem:s14+$0x40];
	v2 =	vor.u32 v1, v2;
	_ =	sdelay $0x4  }
0xcc: {  	[tilespmem:v2+s15+$0x0] =	vst.idx.msk $0xffff, v4;
	v2 =	vadd.s32 v8, v6  }
0xcd: {  	v4 =	vld [tilespmem:s14+$0x50];
	v2 =	vor.u32 v1, v2;
	_ =	sdelay $0x4  }
0xce: {  	[tilespmem:v2+s15+$0x0] =	vst.idx.msk $0xffff, v4;
	v2 =	vadd.s32 v8, v3  }
0xcf: {  	v3 =	vld [tilespmem:s14+$0x60];
	v2 =	vor.u32 v1, v2;
	_ =	sdelay $0x4  }
0xd0: {  	[tilespmem:v2+s15+$0x0] =	vst.idx.msk $0xffff, v3;
	v2 =	vadd.s32 v8, v7  }
0xd1: {  	s19 =	sadd.s32 s5, s9;
	v3 =	vld [tilespmem:s14+$0x70];
	v1 =	vor.u32 v1, v2  }
0xd2: {  	s20 =	sshll.u32 s19, $0xB;
	s14 =	sshll.u32 s19, $0xE  }
0xd3: {  	s16 =	sand.u32 $0x7000, s20;
	s21 =	sand.u32 $0x7FFC0000, s14  }
0xd4: {  	s19 =	sor.u32 s16, s21  }
0xd5: {  	s19 =	sshrl.u32 s19, $0x3  }
0xd6: {  	s19 =	sadd.s32 s2, s19;
	[tilespmem:v1+s15+$0x0] =	vst.idx.msk $0xffff, v3  }
0xd7: {  	[hbm4b:s19+s3] =	stream.linear.scatter [tilespmem:s15], [sflag:$0x3], $0x80, $0x38;
	[tilespmem:$0x11280] =	vst v63  }
0xd8: {  	s21 =	simm.s32 $0x8288;
	s22 =	sadd.s32 $0x10, s19  }
0xd9: {  	[hbm4b:s22+s3] =	stream.linear.scatter [tilespmem:s21], [sflag:$0x3], $0x80, $0x38;
	[tilespmem:$0x11280] =	vst v63  }
0xda: {  	s21 =	sadd.s32 $0x20, s19;
	s22 =	simm.s32 $0x8310  }
0xdb: {  	[hbm4b:s21+s3] =	stream.linear.scatter [tilespmem:s22], [sflag:$0x3], $0x80, $0x38;
	[tilespmem:$0x11280] =	vst v63  }
0xdc: {  	s21 =	sadd.s32 $0x30, s19;
	s22 =	simm.s32 $0x8398  }
0xdd: {  	[hbm4b:s21+s3] =	stream.linear.scatter [tilespmem:s22], [sflag:$0x3], $0x80, $0x38;
	[tilespmem:$0x11280] =	vst v63  }
0xde: {  	s21 =	sadd.s32 $0x40, s19;
	s22 =	simm.s32 $0x8420  }
0xdf: {  	[hbm4b:s21+s3] =	stream.linear.scatter [tilespmem:s22], [sflag:$0x3], $0x80, $0x38;
	[tilespmem:$0x11280] =	vst v63  }
0xe0: {  	s21 =	sadd.s32 $0x50, s19;
	s22 =	simm.s32 $0x84A8  }
0xe1: {  	[hbm4b:s21+s3] =	stream.linear.scatter [tilespmem:s22], [sflag:$0x3], $0x80, $0x38;
	[tilespmem:$0x11280] =	vst v63  }
0xe2: {  	s21 =	sadd.s32 $0x60, s19;
	s22 =	simm.s32 $0x8530  }
0xe3: {  	[hbm4b:s21+s3] =	stream.linear.scatter [tilespmem:s22], [sflag:$0x3], $0x80, $0x38;
	[tilespmem:$0x11280] =	vst v63  }
0xe4: {  	s21 =	sadd.s32 $0x70, s19;
	s22 =	simm.s32 $0x85B8  }
0xe5: {  	[hbm4b:s21+s3] =	stream.linear.scatter [tilespmem:s22], [sflag:$0x3], $0x80, $0x38;
	[tilespmem:$0x11280] =	vst v63  }
0xe6: {  	s21 =	sadd.s32 $0x80, s19;
	s22 =	simm.s32 $0x8640  }
0xe7: {  	[hbm4b:s21+s3] =	stream.linear.scatter [tilespmem:s22], [sflag:$0x3], $0x80, $0x38;
	[tilespmem:$0x11280] =	vst v63  }
0xe8: {  	s21 =	sadd.s32 $0x90, s19;
	s22 =	simm.s32 $0x86C8  }
0xe9: {  	[hbm4b:s21+s3] =	stream.linear.scatter [tilespmem:s22], [sflag:$0x3], $0x80, $0x38;
	[tilespmem:$0x11280] =	vst v63  }
0xea: {  	s21 =	sadd.s32 $0xA0, s19;
	s22 =	simm.s32 $0x8750  }
0xeb: {  	[hbm4b:s21+s3] =	stream.linear.scatter [tilespmem:s22], [sflag:$0x3], $0x80, $0x38;
	[tilespmem:$0x11280] =	vst v63  }
0xec: {  	s21 =	sadd.s32 $0xB0, s19;
	s22 =	simm.s32 $0x87D8  }
0xed: {  	[hbm4b:s21+s3] =	stream.linear.scatter [tilespmem:s22], [sflag:$0x3], $0x80, $0x38;
	[tilespmem:$0x11280] =	vst v63  }
0xee: {  	s21 =	sadd.s32 $0xC0, s19;
	s22 =	simm.s32 $0x8860  }
0xef: {  	[hbm4b:s21+s3] =	stream.linear.scatter [tilespmem:s22], [sflag:$0x3], $0x80, $0x38;
	[tilespmem:$0x11280] =	vst v63  }
0xf0: {  	s21 =	sadd.s32 $0xD0, s19;
	s22 =	simm.s32 $0x88E8  }
0xf1: {  	[hbm4b:s21+s3] =	stream.linear.scatter [tilespmem:s22], [sflag:$0x3], $0x80, $0x38;
	[tilespmem:$0x11280] =	vst v63  }
0xf2: {  	s21 =	sadd.s32 $0xE0, s19;
	s22 =	simm.s32 $0x8970  }
0xf3: {  	[hbm4b:s21+s3] =	stream.linear.scatter [tilespmem:s22], [sflag:$0x3], $0x80, $0x38;
	[tilespmem:$0x11280] =	vst v63  }
0xf4: {  	s21 =	sadd.s32 $0xF0, s19;
	s22 =	simm.s32 $0x89F8  }
0xf5: {  	[hbm4b:s21+s3] =	stream.linear.scatter [tilespmem:s22], [sflag:$0x3], $0x80, $0x38;
	[tilespmem:$0x11280] =	vst v63  }
0xf6: {  	s21 =	sadd.s32 $0x1000, s19;
	s22 =	simm.s32 $0x8B08  }
0xf7: {  	[hbm4b:s21+s3] =	stream.linear.scatter [tilespmem:s22], [sflag:$0x3], $0x80, $0x38;
	[tilespmem:$0x11280] =	vst v63  }
0xf8: {  	s21 =	sadd.s32 $0x1010, s19;
	s22 =	simm.s32 $0x8B90  }
0xf9: {  	[hbm4b:s21+s3] =	stream.linear.scatter [tilespmem:s22], [sflag:$0x3], $0x80, $0x38;
	[tilespmem:$0x11280] =	vst v63  }
0xfa: {  	s21 =	sadd.s32 $0x1020, s19;
	s22 =	simm.s32 $0x8C18  }
0xfb: {  	[hbm4b:s21+s3] =	stream.linear.scatter [tilespmem:s22], [sflag:$0x3], $0x80, $0x38;
	[tilespmem:$0x11280] =	vst v63  }
0xfc: {  	s21 =	sadd.s32 $0x1030, s19;
	s22 =	simm.s32 $0x8CA0  }
0xfd: {  	[hbm4b:s21+s3] =	stream.linear.scatter [tilespmem:s22], [sflag:$0x3], $0x80, $0x38;
	[tilespmem:$0x11280] =	vst v63  }
0xfe: {  	s21 =	sadd.s32 $0x1040, s19;
	s22 =	simm.s32 $0x8D28  }
0xff: {  	[hbm4b:s21+s3] =	stream.linear.scatter [tilespmem:s22], [sflag:$0x3], $0x80, $0x38;
	[tilespmem:$0x11280] =	vst v63  }
0x100: {  	s21 =	sadd.s32 $0x1050, s19;
	s22 =	simm.s32 $0x8DB0  }
0x101: {  	[hbm4b:s21+s3] =	stream.linear.scatter [tilespmem:s22], [sflag:$0x3], $0x80, $0x38;
	[tilespmem:$0x11280] =	vst v63  }
0x102: {  	s21 =	sadd.s32 $0x1060, s19;
	s22 =	simm.s32 $0x8E38  }
0x103: {  	[hbm4b:s21+s3] =	stream.linear.scatter [tilespmem:s22], [sflag:$0x3], $0x80, $0x38;
	[tilespmem:$0x11280] =	vst v63  }
0x104: {  	s21 =	sadd.s32 $0x1070, s19;
	s22 =	simm.s32 $0x8EC0  }
0x105: {  	[hbm4b:s21+s3] =	stream.linear.scatter [tilespmem:s22], [sflag:$0x3], $0x80, $0x38;
	[tilespmem:$0x11280] =	vst v63  }
0x106: {  	s21 =	sadd.s32 $0x1080, s19;
	s22 =	simm.s32 $0x8F48  }
0x107: {  	[hbm4b:s21+s3] =	stream.linear.scatter [tilespmem:s22], [sflag:$0x3], $0x80, $0x38;
	[tilespmem:$0x11280] =	vst v63  }
0x108: {  	s21 =	sadd.s32 $0x1090, s19;
	s22 =	simm.s32 $0x8FD0  }
0x109: {  	[hbm4b:s21+s3] =	stream.linear.scatter [tilespmem:s22], [sflag:$0x3], $0x80, $0x38;
	[tilespmem:$0x11280] =	vst v63  }
0x10a: {  	s21 =	sadd.s32 $0x10A0, s19;
	s22 =	simm.s32 $0x9058  }
0x10b: {  	[hbm4b:s21+s3] =	stream.linear.scatter [tilespmem:s22], [sflag:$0x3], $0x80, $0x38;
	[tilespmem:$0x11280] =	vst v63  }
0x10c: {  	s21 =	sadd.s32 $0x10B0, s19;
	s22 =	simm.s32 $0x90E0  }
0x10d: {  	[hbm4b:s21+s3] =	stream.linear.scatter [tilespmem:s22], [sflag:$0x3], $0x80, $0x38;
	[tilespmem:$0x11280] =	vst v63  }
0x10e: {  	s21 =	sadd.s32 $0x10C0, s19;
	s22 =	simm.s32 $0x9168  }
0x10f: {  	[hbm4b:s21+s3] =	stream.linear.scatter [tilespmem:s22], [sflag:$0x3], $0x80, $0x38;
	[tilespmem:$0x11280] =	vst v63  }
0x110: {  	s21 =	sadd.s32 $0x10D0, s19;
	s22 =	simm.s32 $0x91F0  }
0x111: {  	[hbm4b:s21+s3] =	stream.linear.scatter [tilespmem:s22], [sflag:$0x3], $0x80, $0x38;
	[tilespmem:$0x11280] =	vst v63  }
0x112: {  	s21 =	sadd.s32 $0x10E0, s19;
	s22 =	simm.s32 $0x9278  }
0x113: {  	[hbm4b:s21+s3] =	stream.linear.scatter [tilespmem:s22], [sflag:$0x3], $0x80, $0x38;
	[tilespmem:$0x11280] =	vst v63  }
0x114: {  	s21 =	sadd.s32 $0x10F0, s19;
	s22 =	simm.s32 $0x9300  }
0x115: {  	[hbm4b:s21+s3] =	stream.linear.scatter [tilespmem:s22], [sflag:$0x3], $0x80, $0x38;
	[tilespmem:$0x11280] =	vst v63  }
0x116: {  	s21 =	sadd.s32 $0x2000, s19;
	s22 =	simm.s32 $0x9410  }
0x117: {  	[hbm4b:s21+s3] =	stream.linear.scatter [tilespmem:s22], [sflag:$0x3], $0x80, $0x38;
	[tilespmem:$0x11280] =	vst v63  }
0x118: {  	s21 =	sadd.s32 $0x2010, s19;
	s22 =	simm.s32 $0x9498  }
0x119: {  	[hbm4b:s21+s3] =	stream.linear.scatter [tilespmem:s22], [sflag:$0x3], $0x80, $0x38;
	[tilespmem:$0x11280] =	vst v63  }
0x11a: {  	s21 =	sadd.s32 $0x2020, s19;
	s22 =	simm.s32 $0x9520  }
0x11b: {  	[hbm4b:s21+s3] =	stream.linear.scatter [tilespmem:s22], [sflag:$0x3], $0x80, $0x38;
	[tilespmem:$0x11280] =	vst v63  }
0x11c: {  	s21 =	sadd.s32 $0x2030, s19;
	s22 =	simm.s32 $0x95A8  }
0x11d: {  	[hbm4b:s21+s3] =	stream.linear.scatter [tilespmem:s22], [sflag:$0x3], $0x80, $0x38;
	[tilespmem:$0x11280] =	vst v63  }
0x11e: {  	s21 =	sadd.s32 $0x2040, s19;
	s22 =	simm.s32 $0x9630  }
0x11f: {  	[hbm4b:s21+s3] =	stream.linear.scatter [tilespmem:s22], [sflag:$0x3], $0x80, $0x38;
	[tilespmem:$0x11280] =	vst v63  }
0x120: {  	s21 =	sadd.s32 $0x2050, s19;
	s22 =	simm.s32 $0x96B8  }
0x121: {  	[hbm4b:s21+s3] =	stream.linear.scatter [tilespmem:s22], [sflag:$0x3], $0x80, $0x38;
	[tilespmem:$0x11280] =	vst v63  }
0x122: {  	s21 =	sadd.s32 $0x2060, s19;
	s22 =	simm.s32 $0x9740  }
0x123: {  	[hbm4b:s21+s3] =	stream.linear.scatter [tilespmem:s22], [sflag:$0x3], $0x80, $0x38;
	[tilespmem:$0x11280] =	vst v63  }
0x124: {  	s21 =	sadd.s32 $0x2070, s19;
	s22 =	simm.s32 $0x97C8  }
0x125: {  	[hbm4b:s21+s3] =	stream.linear.scatter [tilespmem:s22], [sflag:$0x3], $0x80, $0x38;
	[tilespmem:$0x11280] =	vst v63  }
0x126: {  	s21 =	sadd.s32 $0x2080, s19;
	s22 =	simm.s32 $0x9850  }
0x127: {  	[hbm4b:s21+s3] =	stream.linear.scatter [tilespmem:s22], [sflag:$0x3], $0x80, $0x38;
	[tilespmem:$0x11280] =	vst v63  }
0x128: {  	s21 =	sadd.s32 $0x2090, s19;
	s22 =	simm.s32 $0x98D8  }
0x129: {  	[hbm4b:s21+s3] =	stream.linear.scatter [tilespmem:s22], [sflag:$0x3], $0x80, $0x38;
	[tilespmem:$0x11280] =	vst v63  }
0x12a: {  	s21 =	sadd.s32 $0x20A0, s19;
	s22 =	simm.s32 $0x9960  }
0x12b: {  	[hbm4b:s21+s3] =	stream.linear.scatter [tilespmem:s22], [sflag:$0x3], $0x80, $0x38;
	[tilespmem:$0x11280] =	vst v63  }
0x12c: {  	s21 =	sadd.s32 $0x20B0, s19;
	s22 =	simm.s32 $0x99E8  }
0x12d: {  	[hbm4b:s21+s3] =	stream.linear.scatter [tilespmem:s22], [sflag:$0x3], $0x80, $0x38;
	[tilespmem:$0x11280] =	vst v63  }
0x12e: {  	s21 =	sadd.s32 $0x20C0, s19;
	s22 =	simm.s32 $0x9A70  }
0x12f: {  	[hbm4b:s21+s3] =	stream.linear.scatter [tilespmem:s22], [sflag:$0x3], $0x80, $0x38;
	[tilespmem:$0x11280] =	vst v63  }
0x130: {  	s21 =	sadd.s32 $0x20D0, s19;
	s22 =	simm.s32 $0x9AF8  }
0x131: {  	[hbm4b:s21+s3] =	stream.linear.scatter [tilespmem:s22], [sflag:$0x3], $0x80, $0x38;
	[tilespmem:$0x11280] =	vst v63  }
0x132: {  	s21 =	sadd.s32 $0x20E0, s19;
	s22 =	simm.s32 $0x9B80  }
0x133: {  	[hbm4b:s21+s3] =	stream.linear.scatter [tilespmem:s22], [sflag:$0x3], $0x80, $0x38;
	[tilespmem:$0x11280] =	vst v63  }
0x134: {  	s21 =	sadd.s32 $0x20F0, s19;
	s22 =	simm.s32 $0x9C08  }
0x135: {  	[hbm4b:s21+s3] =	stream.linear.scatter [tilespmem:s22], [sflag:$0x3], $0x80, $0x38;
	[tilespmem:$0x11280] =	vst v63  }
0x136: {  	s21 =	sadd.s32 $0x3000, s19;
	s22 =	simm.s32 $0x9D18  }
0x137: {  	[hbm4b:s21+s3] =	stream.linear.scatter [tilespmem:s22], [sflag:$0x3], $0x80, $0x38;
	[tilespmem:$0x11280] =	vst v63  }
0x138: {  	s21 =	sadd.s32 $0x3010, s19;
	s22 =	simm.s32 $0x9DA0  }
0x139: {  	[hbm4b:s21+s3] =	stream.linear.scatter [tilespmem:s22], [sflag:$0x3], $0x80, $0x38;
	[tilespmem:$0x11280] =	vst v63  }
0x13a: {  	s21 =	sadd.s32 $0x3020, s19;
	s22 =	simm.s32 $0x9E28  }
0x13b: {  	[hbm4b:s21+s3] =	stream.linear.scatter [tilespmem:s22], [sflag:$0x3], $0x80, $0x38;
	[tilespmem:$0x11280] =	vst v63  }
0x13c: {  	s21 =	sadd.s32 $0x3030, s19;
	s22 =	simm.s32 $0x9EB0  }
0x13d: {  	[hbm4b:s21+s3] =	stream.linear.scatter [tilespmem:s22], [sflag:$0x3], $0x80, $0x38;
	[tilespmem:$0x11280] =	vst v63  }
0x13e: {  	s21 =	sadd.s32 $0x3040, s19;
	s22 =	simm.s32 $0x9F38  }
0x13f: {  	[hbm4b:s21+s3] =	stream.linear.scatter [tilespmem:s22], [sflag:$0x3], $0x80, $0x38;
	[tilespmem:$0x11280] =	vst v63  }
0x140: {  	s21 =	sadd.s32 $0x3050, s19;
	s22 =	simm.s32 $0x9FC0  }
0x141: {  	[hbm4b:s21+s3] =	stream.linear.scatter [tilespmem:s22], [sflag:$0x3], $0x80, $0x38;
	[tilespmem:$0x11280] =	vst v63  }
0x142: {  	s21 =	sadd.s32 $0x3060, s19;
	s22 =	simm.s32 $0xA048  }
0x143: {  	[hbm4b:s21+s3] =	stream.linear.scatter [tilespmem:s22], [sflag:$0x3], $0x80, $0x38;
	[tilespmem:$0x11280] =	vst v63  }
0x144: {  	s21 =	sadd.s32 $0x3070, s19;
	s22 =	simm.s32 $0xA0D0  }
0x145: {  	[hbm4b:s21+s3] =	stream.linear.scatter [tilespmem:s22], [sflag:$0x3], $0x80, $0x38;
	[tilespmem:$0x11280] =	vst v63  }
0x146: {  	s21 =	sadd.s32 $0x3080, s19;
	s22 =	simm.s32 $0xA158  }
0x147: {  	[hbm4b:s21+s3] =	stream.linear.scatter [tilespmem:s22], [sflag:$0x3], $0x80, $0x38;
	[tilespmem:$0x11280] =	vst v63  }
0x148: {  	s21 =	sadd.s32 $0x3090, s19;
	s22 =	simm.s32 $0xA1E0  }
0x149: {  	[hbm4b:s21+s3] =	stream.linear.scatter [tilespmem:s22], [sflag:$0x3], $0x80, $0x38;
	[tilespmem:$0x11280] =	vst v63  }
0x14a: {  	s21 =	sadd.s32 $0x30A0, s19;
	s22 =	simm.s32 $0xA268  }
0x14b: {  	[hbm4b:s21+s3] =	stream.linear.scatter [tilespmem:s22], [sflag:$0x3], $0x80, $0x38;
	[tilespmem:$0x11280] =	vst v63  }
0x14c: {  	s21 =	sadd.s32 $0x30B0, s19;
	s22 =	simm.s32 $0xA2F0  }
0x14d: {  	[hbm4b:s21+s3] =	stream.linear.scatter [tilespmem:s22], [sflag:$0x3], $0x80, $0x38;
	[tilespmem:$0x11280] =	vst v63  }
0x14e: {  	s21 =	sadd.s32 $0x30C0, s19;
	s22 =	simm.s32 $0xA378  }
0x14f: {  	[hbm4b:s21+s3] =	stream.linear.scatter [tilespmem:s22], [sflag:$0x3], $0x80, $0x38;
	[tilespmem:$0x11280] =	vst v63  }
0x150: {  	s21 =	sadd.s32 $0x30D0, s19;
	s22 =	simm.s32 $0xA400  }
0x151: {  	[hbm4b:s21+s3] =	stream.linear.scatter [tilespmem:s22], [sflag:$0x3], $0x80, $0x38;
	[tilespmem:$0x11280] =	vst v63  }
0x152: {  	s21 =	sadd.s32 $0x30E0, s19;
	s22 =	simm.s32 $0xA488  }
0x153: {  	[hbm4b:s21+s3] =	stream.linear.scatter [tilespmem:s22], [sflag:$0x3], $0x80, $0x38;
	[tilespmem:$0x11280] =	vst v63  }
0x154: {  	s21 =	sadd.s32 $0x30F0, s19;
	s22 =	simm.s32 $0xA510  }
0x155: {  	[hbm4b:s21+s3] =	stream.linear.scatter [tilespmem:s22], [sflag:$0x3], $0x80, $0x38;
	[tilespmem:$0x11280] =	vst v63  }
0x156: {  	s21 =	sadd.s32 $0x4000, s19;
	s22 =	simm.s32 $0xA620  }
0x157: {  	[hbm4b:s21+s3] =	stream.linear.scatter [tilespmem:s22], [sflag:$0x3], $0x80, $0x38;
	[tilespmem:$0x11280] =	vst v63  }
0x158: {  	s21 =	sadd.s32 $0x4010, s19;
	s22 =	simm.s32 $0xA6A8  }
0x159: {  	[hbm4b:s21+s3] =	stream.linear.scatter [tilespmem:s22], [sflag:$0x3], $0x80, $0x38;
	[tilespmem:$0x11280] =	vst v63  }
0x15a: {  	s21 =	sadd.s32 $0x4020, s19;
	s22 =	simm.s32 $0xA730  }
0x15b: {  	[hbm4b:s21+s3] =	stream.linear.scatter [tilespmem:s22], [sflag:$0x3], $0x80, $0x38;
	[tilespmem:$0x11280] =	vst v63  }
0x15c: {  	s21 =	sadd.s32 $0x4030, s19;
	s22 =	simm.s32 $0xA7B8  }
0x15d: {  	[hbm4b:s21+s3] =	stream.linear.scatter [tilespmem:s22], [sflag:$0x3], $0x80, $0x38;
	[tilespmem:$0x11280] =	vst v63  }
0x15e: {  	s21 =	sadd.s32 $0x4040, s19;
	s22 =	simm.s32 $0xA840  }
0x15f: {  	[hbm4b:s21+s3] =	stream.linear.scatter [tilespmem:s22], [sflag:$0x3], $0x80, $0x38;
	[tilespmem:$0x11280] =	vst v63  }
0x160: {  	s21 =	sadd.s32 $0x4050, s19;
	s22 =	simm.s32 $0xA8C8  }
0x161: {  	[hbm4b:s21+s3] =	stream.linear.scatter [tilespmem:s22], [sflag:$0x3], $0x80, $0x38;
	[tilespmem:$0x11280] =	vst v63  }
0x162: {  	s21 =	sadd.s32 $0x4060, s19;
	s22 =	simm.s32 $0xA950  }
0x163: {  	[hbm4b:s21+s3] =	stream.linear.scatter [tilespmem:s22], [sflag:$0x3], $0x80, $0x38;
	[tilespmem:$0x11280] =	vst v63  }
0x164: {  	s21 =	sadd.s32 $0x4070, s19;
	s22 =	simm.s32 $0xA9D8  }
0x165: {  	[hbm4b:s21+s3] =	stream.linear.scatter [tilespmem:s22], [sflag:$0x3], $0x80, $0x38;
	[tilespmem:$0x11280] =	vst v63  }
0x166: {  	s21 =	sadd.s32 $0x4080, s19;
	s22 =	simm.s32 $0xAA60  }
0x167: {  	[hbm4b:s21+s3] =	stream.linear.scatter [tilespmem:s22], [sflag:$0x3], $0x80, $0x38;
	[tilespmem:$0x11280] =	vst v63  }
0x168: {  	s21 =	sadd.s32 $0x4090, s19;
	s22 =	simm.s32 $0xAAE8  }
0x169: {  	[hbm4b:s21+s3] =	stream.linear.scatter [tilespmem:s22], [sflag:$0x3], $0x80, $0x38;
	[tilespmem:$0x11280] =	vst v63  }
0x16a: {  	s21 =	sadd.s32 $0x40A0, s19;
	s22 =	simm.s32 $0xAB70  }
0x16b: {  	[hbm4b:s21+s3] =	stream.linear.scatter [tilespmem:s22], [sflag:$0x3], $0x80, $0x38;
	[tilespmem:$0x11280] =	vst v63  }
0x16c: {  	s21 =	sadd.s32 $0x40B0, s19;
	s22 =	simm.s32 $0xABF8  }
0x16d: {  	[hbm4b:s21+s3] =	stream.linear.scatter [tilespmem:s22], [sflag:$0x3], $0x80, $0x38;
	[tilespmem:$0x11280] =	vst v63  }
0x16e: {  	s21 =	sadd.s32 $0x40C0, s19;
	s22 =	simm.s32 $0xAC80  }
0x16f: {  	[hbm4b:s21+s3] =	stream.linear.scatter [tilespmem:s22], [sflag:$0x3], $0x80, $0x38;
	[tilespmem:$0x11280] =	vst v63  }
0x170: {  	s21 =	sadd.s32 $0x40D0, s19;
	s22 =	simm.s32 $0xAD08  }
0x171: {  	[hbm4b:s21+s3] =	stream.linear.scatter [tilespmem:s22], [sflag:$0x3], $0x80, $0x38;
	[tilespmem:$0x11280] =	vst v63  }
0x172: {  	s21 =	sadd.s32 $0x40E0, s19;
	s22 =	simm.s32 $0xAD90  }
0x173: {  	[hbm4b:s21+s3] =	stream.linear.scatter [tilespmem:s22], [sflag:$0x3], $0x80, $0x38;
	[tilespmem:$0x11280] =	vst v63  }
0x174: {  	s21 =	sadd.s32 $0x40F0, s19;
	s22 =	simm.s32 $0xAE18  }
0x175: {  	[hbm4b:s21+s3] =	stream.linear.scatter [tilespmem:s22], [sflag:$0x3], $0x80, $0x38;
	[tilespmem:$0x11280] =	vst v63  }
0x176: {  	s21 =	sadd.s32 $0x5000, s19;
	s22 =	simm.s32 $0xAF28  }
0x177: {  	[hbm4b:s21+s3] =	stream.linear.scatter [tilespmem:s22], [sflag:$0x3], $0x80, $0x38;
	[tilespmem:$0x11280] =	vst v63  }
0x178: {  	s21 =	sadd.s32 $0x5010, s19;
	s22 =	simm.s32 $0xAFB0  }
0x179: {  	[hbm4b:s21+s3] =	stream.linear.scatter [tilespmem:s22], [sflag:$0x3], $0x80, $0x38;
	[tilespmem:$0x11280] =	vst v63  }
0x17a: {  	s21 =	sadd.s32 $0x5020, s19;
	s22 =	simm.s32 $0xB038  }
0x17b: {  	[hbm4b:s21+s3] =	stream.linear.scatter [tilespmem:s22], [sflag:$0x3], $0x80, $0x38;
	[tilespmem:$0x11280] =	vst v63  }
0x17c: {  	s21 =	sadd.s32 $0x5030, s19;
	s22 =	simm.s32 $0xB0C0  }
0x17d: {  	[hbm4b:s21+s3] =	stream.linear.scatter [tilespmem:s22], [sflag:$0x3], $0x80, $0x38;
	[tilespmem:$0x11280] =	vst v63  }
0x17e: {  	s21 =	sadd.s32 $0x5040, s19;
	s22 =	simm.s32 $0xB148  }
0x17f: {  	[hbm4b:s21+s3] =	stream.linear.scatter [tilespmem:s22], [sflag:$0x3], $0x80, $0x38;
	[tilespmem:$0x11280] =	vst v63  }
0x180: {  	s21 =	sadd.s32 $0x5050, s19;
	s22 =	simm.s32 $0xB1D0  }
0x181: {  	[hbm4b:s21+s3] =	stream.linear.scatter [tilespmem:s22], [sflag:$0x3], $0x80, $0x38;
	[tilespmem:$0x11280] =	vst v63  }
0x182: {  	s21 =	sadd.s32 $0x5060, s19;
	s22 =	simm.s32 $0xB258  }
0x183: {  	[hbm4b:s21+s3] =	stream.linear.scatter [tilespmem:s22], [sflag:$0x3], $0x80, $0x38;
	[tilespmem:$0x11280] =	vst v63  }
0x184: {  	s21 =	sadd.s32 $0x5070, s19;
	s22 =	simm.s32 $0xB2E0  }
0x185: {  	[hbm4b:s21+s3] =	stream.linear.scatter [tilespmem:s22], [sflag:$0x3], $0x80, $0x38;
	[tilespmem:$0x11280] =	vst v63  }
0x186: {  	s21 =	sadd.s32 $0x5080, s19;
	s22 =	simm.s32 $0xB368  }
0x187: {  	[hbm4b:s21+s3] =	stream.linear.scatter [tilespmem:s22], [sflag:$0x3], $0x80, $0x38;
	[tilespmem:$0x11280] =	vst v63  }
0x188: {  	s21 =	sadd.s32 $0x5090, s19;
	s22 =	simm.s32 $0xB3F0  }
0x189: {  	[hbm4b:s21+s3] =	stream.linear.scatter [tilespmem:s22], [sflag:$0x3], $0x80, $0x38;
	[tilespmem:$0x11280] =	vst v63  }
0x18a: {  	s21 =	sadd.s32 $0x50A0, s19;
	s22 =	simm.s32 $0xB478  }
0x18b: {  	[hbm4b:s21+s3] =	stream.linear.scatter [tilespmem:s22], [sflag:$0x3], $0x80, $0x38;
	[tilespmem:$0x11280] =	vst v63  }
0x18c: {  	s21 =	sadd.s32 $0x50B0, s19;
	s22 =	simm.s32 $0xB500  }
0x18d: {  	[hbm4b:s21+s3] =	stream.linear.scatter [tilespmem:s22], [sflag:$0x3], $0x80, $0x38;
	[tilespmem:$0x11280] =	vst v63  }
0x18e: {  	s21 =	sadd.s32 $0x50C0, s19;
	s22 =	simm.s32 $0xB588  }
0x18f: {  	[hbm4b:s21+s3] =	stream.linear.scatter [tilespmem:s22], [sflag:$0x3], $0x80, $0x38;
	[tilespmem:$0x11280] =	vst v63  }
0x190: {  	s21 =	sadd.s32 $0x50D0, s19;
	s22 =	simm.s32 $0xB610  }
0x191: {  	[hbm4b:s21+s3] =	stream.linear.scatter [tilespmem:s22], [sflag:$0x3], $0x80, $0x38;
	[tilespmem:$0x11280] =	vst v63  }
0x192: {  	s21 =	sadd.s32 $0x50E0, s19;
	s22 =	simm.s32 $0xB698  }
0x193: {  	[hbm4b:s21+s3] =	stream.linear.scatter [tilespmem:s22], [sflag:$0x3], $0x80, $0x38;
	[tilespmem:$0x11280] =	vst v63  }
0x194: {  	s21 =	sadd.s32 $0x50F0, s19;
	s22 =	simm.s32 $0xB720  }
0x195: {  	[hbm4b:s21+s3] =	stream.linear.scatter [tilespmem:s22], [sflag:$0x3], $0x80, $0x38;
	[tilespmem:$0x11280] =	vst v63  }
0x196: {  	s21 =	sadd.s32 $0x6000, s19;
	s22 =	simm.s32 $0xB830  }
0x197: {  	[hbm4b:s21+s3] =	stream.linear.scatter [tilespmem:s22], [sflag:$0x3], $0x80, $0x38;
	[tilespmem:$0x11280] =	vst v63  }
0x198: {  	s21 =	sadd.s32 $0x6010, s19;
	s22 =	simm.s32 $0xB8B8  }
0x199: {  	[hbm4b:s21+s3] =	stream.linear.scatter [tilespmem:s22], [sflag:$0x3], $0x80, $0x38;
	[tilespmem:$0x11280] =	vst v63  }
0x19a: {  	s21 =	sadd.s32 $0x6020, s19;
	s22 =	simm.s32 $0xB940  }
0x19b: {  	[hbm4b:s21+s3] =	stream.linear.scatter [tilespmem:s22], [sflag:$0x3], $0x80, $0x38;
	[tilespmem:$0x11280] =	vst v63  }
0x19c: {  	s21 =	sadd.s32 $0x6030, s19;
	s22 =	simm.s32 $0xB9C8  }
0x19d: {  	[hbm4b:s21+s3] =	stream.linear.scatter [tilespmem:s22], [sflag:$0x3], $0x80, $0x38;
	[tilespmem:$0x11280] =	vst v63  }
0x19e: {  	s21 =	sadd.s32 $0x6040, s19;
	s22 =	simm.s32 $0xBA50  }
0x19f: {  	[hbm4b:s21+s3] =	stream.linear.scatter [tilespmem:s22], [sflag:$0x3], $0x80, $0x38;
	[tilespmem:$0x11280] =	vst v63  }
0x1a0: {  	s21 =	sadd.s32 $0x6050, s19;
	s22 =	simm.s32 $0xBAD8  }
0x1a1: {  	[hbm4b:s21+s3] =	stream.linear.scatter [tilespmem:s22], [sflag:$0x3], $0x80, $0x38;
	[tilespmem:$0x11280] =	vst v63  }
0x1a2: {  	s21 =	sadd.s32 $0x6060, s19;
	s22 =	simm.s32 $0xBB60  }
0x1a3: {  	[hbm4b:s21+s3] =	stream.linear.scatter [tilespmem:s22], [sflag:$0x3], $0x80, $0x38;
	[tilespmem:$0x11280] =	vst v63  }
0x1a4: {  	s21 =	sadd.s32 $0x6070, s19;
	s22 =	simm.s32 $0xBBE8  }
0x1a5: {  	[hbm4b:s21+s3] =	stream.linear.scatter [tilespmem:s22], [sflag:$0x3], $0x80, $0x38;
	[tilespmem:$0x11280] =	vst v63  }
0x1a6: {  	s21 =	sadd.s32 $0x6080, s19;
	s22 =	simm.s32 $0xBC70  }
0x1a7: {  	[hbm4b:s21+s3] =	stream.linear.scatter [tilespmem:s22], [sflag:$0x3], $0x80, $0x38;
	[tilespmem:$0x11280] =	vst v63  }
0x1a8: {  	s21 =	sadd.s32 $0x6090, s19;
	s22 =	simm.s32 $0xBCF8  }
0x1a9: {  	[hbm4b:s21+s3] =	stream.linear.scatter [tilespmem:s22], [sflag:$0x3], $0x80, $0x38;
	[tilespmem:$0x11280] =	vst v63  }
0x1aa: {  	s21 =	sadd.s32 $0x60A0, s19;
	s22 =	simm.s32 $0xBD80  }
0x1ab: {  	[hbm4b:s21+s3] =	stream.linear.scatter [tilespmem:s22], [sflag:$0x3], $0x80, $0x38;
	[tilespmem:$0x11280] =	vst v63  }
0x1ac: {  	s21 =	sadd.s32 $0x60B0, s19;
	s22 =	simm.s32 $0xBE08  }
0x1ad: {  	[hbm4b:s21+s3] =	stream.linear.scatter [tilespmem:s22], [sflag:$0x3], $0x80, $0x38;
	[tilespmem:$0x11280] =	vst v63  }
0x1ae: {  	s21 =	sadd.s32 $0x60C0, s19;
	s22 =	simm.s32 $0xBE90  }
0x1af: {  	[hbm4b:s21+s3] =	stream.linear.scatter [tilespmem:s22], [sflag:$0x3], $0x80, $0x38;
	[tilespmem:$0x11280] =	vst v63  }
0x1b0: {  	s14 =	sor.u32 s16, s14;
	s21 =	sadd.s32 $0x60D0, s19;
	s22 =	simm.s32 $0xBF18  }
0x1b1: {  	[hbm4b:s21+s3] =	stream.linear.scatter [tilespmem:s22], [sflag:$0x3], $0x80, $0x38;
	[tilespmem:$0x11280] =	vst v63  }
0x1b2: {  	s14 =	sshrl.u32 s14, $0x3;
	s21 =	sadd.s32 $0x60E0, s19;
	s22 =	simm.s32 $0xBFA0  }
0x1b3: {  	[hbm4b:s21+s3] =	stream.linear.scatter [tilespmem:s22], [sflag:$0x3], $0x80, $0x38;
	[tilespmem:$0x11280] =	vst v63  }
0x1b4: {  	s14 =	sor.u32 $0x7000, s14;
	s19 =	sadd.s32 $0x60F0, s19;
	s21 =	simm.s32 $0xC028  }
0x1b5: {  	[hbm4b:s19+s3] =	stream.linear.scatter [tilespmem:s21], [sflag:$0x3], $0x80, $0x38;
	[tilespmem:$0x11280] =	vst v63  }
0x1b6: {  	s14 =	sadd.s32 s2, s14;
	s22 =	simm.s32 $0xC138  }
0x1b7: {  	[hbm4b:s14+s3] =	stream.linear.scatter [tilespmem:s22], [sflag:$0x3], $0x80, $0x38;
	[tilespmem:$0x11280] =	vst v63  }
0x1b8: {  	s20 =	simm.s32 $0xC1C0;
	s19 =	sadd.s32 $0x10, s14  }
0x1b9: {  	[hbm4b:s19+s3] =	stream.linear.scatter [tilespmem:s20], [sflag:$0x3], $0x80, $0x38;
	[tilespmem:$0x11280] =	vst v63  }
0x1ba: {  	s21 =	sadd.s32 $0x20, s14;
	s22 =	simm.s32 $0xC248  }
0x1bb: {  	[hbm4b:s21+s3] =	stream.linear.scatter [tilespmem:s22], [sflag:$0x3], $0x80, $0x38;
	[tilespmem:$0x11280] =	vst v63  }
0x1bc: {  	s19 =	sadd.s32 $0x30, s14;
	s20 =	simm.s32 $0xC2D0  }
0x1bd: {  	[hbm4b:s19+s3] =	stream.linear.scatter [tilespmem:s20], [sflag:$0x3], $0x80, $0x38;
	[tilespmem:$0x11280] =	vst v63  }
0x1be: {  	s21 =	sadd.s32 $0x40, s14;
	s22 =	simm.s32 $0xC358  }
0x1bf: {  	[hbm4b:s21+s3] =	stream.linear.scatter [tilespmem:s22], [sflag:$0x3], $0x80, $0x38;
	[tilespmem:$0x11280] =	vst v63  }
0x1c0: {  	s19 =	sadd.s32 $0x50, s14;
	s20 =	simm.s32 $0xC3E0  }
0x1c1: {  	[hbm4b:s19+s3] =	stream.linear.scatter [tilespmem:s20], [sflag:$0x3], $0x80, $0x38;
	[tilespmem:$0x11280] =	vst v63  }
0x1c2: {  	s21 =	sadd.s32 $0x60, s14;
	s22 =	simm.s32 $0xC468  }
0x1c3: {  	[hbm4b:s21+s3] =	stream.linear.scatter [tilespmem:s22], [sflag:$0x3], $0x80, $0x38;
	[tilespmem:$0x11280] =	vst v63  }
0x1c4: {  	s19 =	sadd.s32 $0x70, s14;
	s20 =	simm.s32 $0xC4F0  }
0x1c5: {  	[hbm4b:s19+s3] =	stream.linear.scatter [tilespmem:s20], [sflag:$0x3], $0x80, $0x38;
	[tilespmem:$0x11280] =	vst v63  }
0x1c6: {  	s21 =	sadd.s32 $0x80, s14;
	s22 =	simm.s32 $0xC578  }
0x1c7: {  	[hbm4b:s21+s3] =	stream.linear.scatter [tilespmem:s22], [sflag:$0x3], $0x80, $0x38;
	[tilespmem:$0x11280] =	vst v63  }
0x1c8: {  	s19 =	sadd.s32 $0x90, s14;
	s20 =	simm.s32 $0xC600  }
0x1c9: {  	[hbm4b:s19+s3] =	stream.linear.scatter [tilespmem:s20], [sflag:$0x3], $0x80, $0x38;
	[tilespmem:$0x11280] =	vst v63  }
0x1ca: {  	s21 =	sadd.s32 $0xA0, s14;
	s22 =	simm.s32 $0xC688  }
0x1cb: {  	[hbm4b:s21+s3] =	stream.linear.scatter [tilespmem:s22], [sflag:$0x3], $0x80, $0x38;
	[tilespmem:$0x11280] =	vst v63  }
0x1cc: {  	s19 =	sadd.s32 $0xB0, s14;
	s20 =	simm.s32 $0xC710  }
0x1cd: {  	[hbm4b:s19+s3] =	stream.linear.scatter [tilespmem:s20], [sflag:$0x3], $0x80, $0x38;
	[tilespmem:$0x11280] =	vst v63  }
0x1ce: {  	s21 =	sadd.s32 $0xC0, s14;
	s22 =	simm.s32 $0xC798  }
0x1cf: {  	[hbm4b:s21+s3] =	stream.linear.scatter [tilespmem:s22], [sflag:$0x3], $0x80, $0x38;
	[tilespmem:$0x11280] =	vst v63  }
0x1d0: {  	s19 =	sadd.s32 $0xD0, s14;
	s20 =	simm.s32 $0xC820  }
0x1d1: {  	[hbm4b:s19+s3] =	stream.linear.scatter [tilespmem:s20], [sflag:$0x3], $0x80, $0x38;
	[tilespmem:$0x11280] =	vst v63  }
0x1d2: {  	p0 =	seq.s32 s12, $0x31;
	s21 =	sadd.s32 $0xE0, s14;
	s22 =	simm.s32 $0xC8A8  }
0x1d3: {  	[hbm4b:s21+s3] =	stream.linear.scatter [tilespmem:s22], [sflag:$0x3], $0x80, $0x38;
	[tilespmem:$0x11280] =	vst v63  }
0x1d4: {  	s9 =	sadd.s32 @!p0 s9, s8;
	s14 =	sadd.s32 $0xF0, s14;
	s19 =	simm.s32 $0xC930  }
0x1d5: {  	[hbm4b:s14+s3] =	stream.linear.scatter [tilespmem:s19], [sflag:$0x3], $0x80, $0x38;
	[tilespmem:$0x11280] =	vst v63  }
0x1d6: {  	s9 =	sshll.u32 @!p0 s9, $0x5;
	_ =	swait.ge [sflag:s17], $0x4000  }
0x1d7: {  	s9 =	sand.u32 @!p0 $0xFFFFFC0, s9;
	[sflag:s17] =	ssyncset.done $0x0  }
0x1d8: {  	s9 =	sadd.s32 @!p0 s4, s9;
	s14 =	simm.s32 @!p0 $0x0;
	[sflag:s17] =	ssyncadd.s32 $0xFFFFC000  }
0x1d9: {  	[tilespmem:s14], [sflag:$0x5] =	stream.linear.gather @!p0 [hbm4b:s9+s14], $0x100, $0x38;
	[tilespmem:$0x11280] =	vst v63  }
0x1da: {  	s9 =	simm.s32 @!p0 $0x5  }
0x1db: {  	_ =	swait.ge @!p0 [sflag:s9], $0x100  }
0x1dc: {  	p1 =	seq.s32 @!p0 s12, $0x0;
	[sflag:s9] =	ssyncset.done @!p0 $0x0  }
0x1dd: {  	s16 =	simm.s32 @!p0 $0x200;
	[sflag:s9] =	ssyncadd.s32 @!p0 $0xFFFFFF00;
	s9 =	simm.s32 @!p0 $0x100  }
0x1de: {  	[tilespmem:s16], [sflag:$0x1] =	stream.indirect.gather @!p0 [hbm4b:s6+s9], $0x40, s14, s9, $0xb8;
	[tilespmem:$0x11280] =	vst v63  }
0x1df: {  	p0 =	por p0, !p1  }
0x1e0: {  	_ =	swait.ge @p0 [sflag:s0], $0x800  }
0x1e1: {  	[sflag:s0] =	ssyncset.done @p0 $0x0  }
0x1e2: {  	[sflag:s0] =	ssyncadd.s32 @p0 $0xFFFFF800  }
0x1e3: {  	_ =	swait.ge @p0 [sflag:s0], $0x800  }
0x1e4: {  	[sflag:s0] =	ssyncset.done @p0 $0x0  }
0x1e5: {  	[sflag:s0] =	ssyncadd.s32 @p0 $0xFFFFF800  }
0x1e6: {  	_ =	swait.ge @p0 [sflag:s0], $0x800  }
0x1e7: {  	[sflag:s0] =	ssyncset.done @p0 $0x0  }
0x1e8: {  	[sflag:s0] =	ssyncadd.s32 @p0 $0xFFFFF800  }
0x1e9: {  	_ =	swait.ge @p0 [sflag:s0], $0x800  }
0x1ea: {  	[sflag:s0] =	ssyncset.done @p0 $0x0  }
0x1eb: {  	[sflag:s0] =	ssyncadd.s32 @p0 $0xFFFFF800  }
0x1ec: {  	_ =	swait.ge @p0 [sflag:s0], $0x800  }
0x1ed: {  	[sflag:s0] =	ssyncset.done @p0 $0x0  }
0x1ee: {  	[sflag:s0] =	ssyncadd.s32 @p0 $0xFFFFF800  }
0x1ef: {  	s20 =	simm.s32 $0x0;
	_ =	swait.ge @p0 [sflag:s0], $0x800  }
0x1f0: {  	s21 =	sand.u32 $0x8, s20;
	[sflag:s0] =	ssyncset.done @p0 $0x0  }
0x1f1: {  	v1 =	vmov s21;
	[sflag:s0] =	ssyncadd.s32 @p0 $0xFFFFF800  }
0x1f2: {  	v1 =	vmul.u32 $0x88, v1;
	_ =	swait.ge @p0 [sflag:s0], $0x800  }
0x1f3: {  	[sflag:s0] =	ssyncset.done @p0 $0x0  }
0x1f4: {  	v1 =	vbroadcast v1, $0x0;
	s9 =	simm.s32 $0x0;
	[sflag:s0] =	ssyncadd.s32 @p0 $0xFFFFF800  }
0x1f5: {  	v2 =	vmov s9;
	_ =	swait.ge @p0 [sflag:s0], $0x800  }
0x1f6: {  	s22 =	sor.u32 $0x22, s21;
	v4 =	vadd.s32 v0, v1;
	v3 =	vand.u32 $0x78, v2;
	[sflag:s0] =	ssyncset.done @p0 $0x0  }
0x1f7: {  	v5 =	vmov s22;
	s14 =	simm.s32 $0x0;
	v2 =	vand.u32 $0x4, v2;
	v1 =	vadd.s32 v3, v4;
	[sflag:s0] =	ssyncadd.s32 @p0 $0xFFFFF800  }
0x1f8: {  	v5 =	vmul.u32 $0x88, v5;
	v1 =	vor.u32 v2, v1;
	v6 =	vld [tilespmem:s14+$0x4200];
	_ =	sdelay $0x1  }
0x1f9: {  	v5 =	vbroadcast v5, $0x0;
	_ =	sdelay $0x1  }
0x1fa: {  	s20 =	sor.u32 $0x44, s21;
	v7 =	vadd.s32 v0, v5  }
0x1fb: {  	v5 =	vmov s20;
	[tilespmem:v1+s18+$0x0] =	vst.idx.msk $0xffff, v6;
	v1 =	vadd.s32 v3, v7  }
0x1fc: {  	v5 =	vmul.u32 $0x88, v5;
	v6 =	vld [tilespmem:s14+$0x4210];
	v1 =	vor.u32 v2, v1;
	_ =	sdelay $0x1  }
0x1fd: {  	v5 =	vbroadcast v5, $0x0;
	_ =	sdelay $0x1  }
0x1fe: {  	s16 =	sor.u32 $0x66, s21;
	v8 =	vadd.s32 v0, v5  }
0x1ff: {  	v5 =	vmov s16;
	[tilespmem:v1+s18+$0x0] =	vst.idx.msk $0xffff, v6;
	v1 =	vadd.s32 v3, v8  }
0x200: {  	v6 =	vld [tilespmem:s14+$0x4220];
	v9 =	vor.u32 v2, v1;
	v1 =	vmul.u32 $0x88, v5;
	_ =	sdelay $0x1  }
0x201: {  	v1 =	vbroadcast v1, $0x0;
	_ =	sdelay $0x1  }
0x202: {  	v1 =	vadd.s32 v0, v1  }
0x203: {  	[tilespmem:v9+s18+$0x0] =	vst.idx.msk $0xffff, v6;
	v3 =	vadd.s32 v3, v1  }
0x204: {  	v5 =	vld [tilespmem:s14+$0x4230];
	v2 =	vor.u32 v2, v3;
	_ =	sdelay $0x1  }
0x205: {  	s16 =	simm.s32 $0x1  }
0x206: {  	v3 =	vmov s16  }
0x207: {  	v6 =	vand.u32 $0x78, v3  }
0x208: {  	[tilespmem:v2+s18+$0x0] =	vst.idx.msk $0xffff, v5;
	v2 =	vand.u32 $0x5, v3;
	v3 =	vadd.s32 v6, v4  }
0x209: {  	v5 =	vld [tilespmem:s14+$0x4240];
	v3 =	vor.u32 v2, v3;
	_ =	sdelay $0x4  }
0x20a: {  	[tilespmem:v3+s18+$0x0] =	vst.idx.msk $0xffff, v5;
	v3 =	vadd.s32 v6, v7  }
0x20b: {  	v5 =	vld [tilespmem:s14+$0x4250];
	v3 =	vor.u32 v2, v3;
	_ =	sdelay $0x4  }
0x20c: {  	[tilespmem:v3+s18+$0x0] =	vst.idx.msk $0xffff, v5;
	v3 =	vadd.s32 v6, v8  }
0x20d: {  	v5 =	vld [tilespmem:s14+$0x4260];
	v3 =	vor.u32 v2, v3;
	_ =	sdelay $0x4  }
0x20e: {  	[tilespmem:v3+s18+$0x0] =	vst.idx.msk $0xffff, v5;
	v3 =	vadd.s32 v6, v1  }
0x20f: {  	v5 =	vld [tilespmem:s14+$0x4270];
	v2 =	vor.u32 v2, v3;
	_ =	sdelay $0x1  }
0x210: {  	s21 =	simm.s32 $0x2  }
0x211: {  	v3 =	vmov s21  }
0x212: {  	v6 =	vand.u32 $0x78, v3  }
0x213: {  	[tilespmem:v2+s18+$0x0] =	vst.idx.msk $0xffff, v5;
	v2 =	vand.u32 $0x6, v3;
	v3 =	vadd.s32 v6, v4  }
0x214: {  	v5 =	vld [tilespmem:s14+$0x4280];
	v3 =	vor.u32 v2, v3;
	_ =	sdelay $0x4  }
0x215: {  	[tilespmem:v3+s18+$0x0] =	vst.idx.msk $0xffff, v5;
	v3 =	vadd.s32 v6, v7  }
0x216: {  	v5 =	vld [tilespmem:s14+$0x4290];
	v3 =	vor.u32 v2, v3;
	_ =	sdelay $0x4  }
0x217: {  	[tilespmem:v3+s18+$0x0] =	vst.idx.msk $0xffff, v5;
	v3 =	vadd.s32 v6, v8  }
0x218: {  	v5 =	vld [tilespmem:s14+$0x42A0];
	v3 =	vor.u32 v2, v3;
	_ =	sdelay $0x4  }
0x219: {  	[tilespmem:v3+s18+$0x0] =	vst.idx.msk $0xffff, v5;
	v3 =	vadd.s32 v6, v1  }
0x21a: {  	v5 =	vld [tilespmem:s14+$0x42B0];
	v2 =	vor.u32 v2, v3;
	_ =	sdelay $0x1  }
0x21b: {  	s22 =	simm.s32 $0x3  }
0x21c: {  	v3 =	vmov s22  }
0x21d: {  	v6 =	vand.u32 $0x78, v3  }
0x21e: {  	[tilespmem:v2+s18+$0x0] =	vst.idx.msk $0xffff, v5;
	v5 =	vand.u32 $0x7, v3;
	v2 =	vadd.s32 v6, v4  }
0x21f: {  	v3 =	vld [tilespmem:s14+$0x42C0];
	v2 =	vor.u32 v5, v2;
	_ =	sdelay $0x4  }
0x220: {  	[tilespmem:v2+s18+$0x0] =	vst.idx.msk $0xffff, v3;
	v2 =	vadd.s32 v6, v7  }
0x221: {  	v3 =	vld [tilespmem:s14+$0x42D0];
	v2 =	vor.u32 v5, v2;
	_ =	sdelay $0x4  }
0x222: {  	[tilespmem:v2+s18+$0x0] =	vst.idx.msk $0xffff, v3;
	v3 =	vadd.s32 v6, v8  }
0x223: {  	v2 =	vld [tilespmem:s14+$0x42E0];
	v3 =	vor.u32 v5, v3;
	_ =	sdelay $0x2  }
0x224: {  	s19 =	simm.s32 $0x400;
	s20 =	simm.s32 $0x800;
	s21 =	simm.s32 $0x0  }
.LBB2_5:
0x225: {  	p0 =	sne.s32 s20, $0xFC00;
	s21 =	sand.u32 $0x8, s21  }
0x226: {  	v1 =	vadd.s32 v6, v1;
	v4 =	vmov s21;
	[tilespmem:v3+s18+$0x0] =	vst.idx.msk $0xffff, v2  }
0x227: {  	v1 =	vor.u32 v5, v1;
	v2 =	vmul.u32 $0x88, v4;
	v3 =	vld [tilespmem:s14+$0x42F0];
	_ =	sdelay $0x1  }
0x228: {  	s9 =	sadd.s32 $0x4, s9;
	v2 =	vbroadcast v2, $0x0  }
0x229: {  	v4 =	vmov s9  }
0x22a: {  	s22 =	sor.u32 $0x22, s21;
	v5 =	vand.u32 $0x78, v4;
	v2 =	vadd.s32 v0, v2  }
0x22b: {  	s14 =	sshra.s32 s19, $0x2;
	v7 =	vmov s22;
	s19 =	smov.u32 s20;
	v6 =	vand.u32 $0x4, v4;
	v4 =	vadd.s32 v5, v2;
	[tilespmem:v1+s18+$0x0] =	vst.idx.msk $0xffff, v3  }
0x22c: {  	v3 =	vmul.u32 $0x88, v7;
	v1 =	vld [tilespmem:s14+$0x4200];
	v4 =	vor.u32 v6, v4;
	_ =	sdelay $0x1  }
0x22d: {  	v3 =	vbroadcast v3, $0x0;
	_ =	sdelay $0x1  }
0x22e: {  	s22 =	sor.u32 $0x44, s21;
	v3 =	vadd.s32 v0, v3  }
0x22f: {  	[tilespmem:v4+s18+$0x0] =	vst.idx.msk $0xffff, v1;
	v1 =	vadd.s32 v5, v3;
	v4 =	vmov s22  }
0x230: {  	v7 =	vld [tilespmem:s14+$0x4210];
	v1 =	vor.u32 v6, v1;
	v4 =	vmul.u32 $0x88, v4;
	_ =	sdelay $0x1  }
0x231: {  	v4 =	vbroadcast v4, $0x0;
	_ =	sdelay $0x1  }
0x232: {  	s21 =	sor.u32 $0x66, s21;
	v4 =	vadd.s32 v0, v4  }
0x233: {  	[tilespmem:v1+s18+$0x0] =	vst.idx.msk $0xffff, v7;
	v1 =	vadd.s32 v5, v4;
	v7 =	vmov s21  }
0x234: {  	v8 =	vld [tilespmem:s14+$0x4220];
	v9 =	vor.u32 v6, v1;
	v1 =	vmul.u32 $0x88, v7;
	_ =	sdelay $0x1  }
0x235: {  	v1 =	vbroadcast v1, $0x0;
	_ =	sdelay $0x1  }
0x236: {  	v1 =	vadd.s32 v0, v1  }
0x237: {  	[tilespmem:v9+s18+$0x0] =	vst.idx.msk $0xffff, v8;
	v5 =	vadd.s32 v5, v1  }
0x238: {  	v7 =	vld [tilespmem:s14+$0x4230];
	v5 =	vor.u32 v6, v5;
	_ =	sdelay $0x1  }
0x239: {  	s21 =	sadd.s32 $0x1, s9  }
0x23a: {  	v6 =	vmov s21  }
0x23b: {  	v8 =	vand.u32 $0x78, v6  }
0x23c: {  	[tilespmem:v5+s18+$0x0] =	vst.idx.msk $0xffff, v7;
	v5 =	vand.u32 $0x5, v6;
	v6 =	vadd.s32 v8, v2  }
0x23d: {  	v7 =	vld [tilespmem:s14+$0x4240];
	v6 =	vor.u32 v5, v6;
	_ =	sdelay $0x4  }
0x23e: {  	[tilespmem:v6+s18+$0x0] =	vst.idx.msk $0xffff, v7;
	v6 =	vadd.s32 v8, v3  }
0x23f: {  	v7 =	vld [tilespmem:s14+$0x4250];
	v6 =	vor.u32 v5, v6;
	_ =	sdelay $0x4  }
0x240: {  	[tilespmem:v6+s18+$0x0] =	vst.idx.msk $0xffff, v7;
	v6 =	vadd.s32 v8, v4  }
0x241: {  	v7 =	vld [tilespmem:s14+$0x4260];
	v6 =	vor.u32 v5, v6;
	_ =	sdelay $0x4  }
0x242: {  	[tilespmem:v6+s18+$0x0] =	vst.idx.msk $0xffff, v7;
	v6 =	vadd.s32 v8, v1  }
0x243: {  	v7 =	vld [tilespmem:s14+$0x4270];
	v5 =	vor.u32 v5, v6;
	_ =	sdelay $0x1  }
0x244: {  	s21 =	sadd.s32 $0x2, s9  }
0x245: {  	v6 =	vmov s21  }
0x246: {  	v8 =	vand.u32 $0x78, v6  }
0x247: {  	[tilespmem:v5+s18+$0x0] =	vst.idx.msk $0xffff, v7;
	v5 =	vand.u32 $0x6, v6;
	v6 =	vadd.s32 v8, v2  }
0x248: {  	v7 =	vld [tilespmem:s14+$0x4280];
	v6 =	vor.u32 v5, v6;
	_ =	sdelay $0x4  }
0x249: {  	[tilespmem:v6+s18+$0x0] =	vst.idx.msk $0xffff, v7;
	v6 =	vadd.s32 v8, v3  }
0x24a: {  	v7 =	vld [tilespmem:s14+$0x4290];
	v6 =	vor.u32 v5, v6;
	_ =	sdelay $0x4  }
0x24b: {  	[tilespmem:v6+s18+$0x0] =	vst.idx.msk $0xffff, v7;
	v6 =	vadd.s32 v8, v4  }
0x24c: {  	v7 =	vld [tilespmem:s14+$0x42A0];
	v6 =	vor.u32 v5, v6;
	_ =	sdelay $0x4  }
0x24d: {  	[tilespmem:v6+s18+$0x0] =	vst.idx.msk $0xffff, v7;
	v6 =	vadd.s32 v8, v1  }
0x24e: {  	v7 =	vld [tilespmem:s14+$0x42B0];
	v5 =	vor.u32 v5, v6;
	_ =	sdelay $0x1  }
0x24f: {  	s21 =	sadd.s32 $0x3, s9  }
0x250: {  	v8 =	vmov s21  }
0x251: {  	v6 =	vand.u32 $0x78, v8  }
0x252: {  	v2 =	vadd.s32 v6, v2;
	[tilespmem:v5+s18+$0x0] =	vst.idx.msk $0xffff, v7;
	v5 =	vand.u32 $0x7, v8  }
0x253: {  	v7 =	vld [tilespmem:s14+$0x42C0];
	v2 =	vor.u32 v5, v2;
	_ =	sdelay $0x4  }
0x254: {  	[tilespmem:v2+s18+$0x0] =	vst.idx.msk $0xffff, v7;
	v2 =	vadd.s32 v6, v3  }
0x255: {  	v3 =	vld [tilespmem:s14+$0x42D0];
	v2 =	vor.u32 v5, v2;
	_ =	sdelay $0x4  }
.Ltmp1:
0x256: {  	[tilespmem:v2+s18+$0x0] =	vst.idx.msk $0xffff, v3;
	v3 =	vadd.s32 v6, v4;
	(pc) =	sbr.rel @p0 .LBB2_5-.Ltmp1, $3  }
0x257: {  	v2 =	vld [tilespmem:s14+$0x42E0];
	v3 =	vor.u32 v5, v3;
	_ =	sdelay $0x1  }
0x258: {  	s16 =	sadd.s32 $0x1, s16  }
0x259: {  	s20 =	sadd.s32 $0x400, s20;
	s21 =	sshrl.u32 s16, $0x2  }
0x25a: {  	_ =	sdelay $0x2  }
0x25b: {  	s16 =	sand.u32 $0x8, s21  }
0x25c: {  	v1 =	vadd.s32 v6, v1;
	v4 =	vmov s16;
	[tilespmem:v3+s18+$0x0] =	vst.idx.msk $0xffff, v2  }
0x25d: {  	v1 =	vor.u32 v5, v1;
	v2 =	vmul.u32 $0x88, v4;
	v3 =	vld [tilespmem:s14+$0x42F0];
	_ =	sdelay $0x1  }
0x25e: {  	s14 =	sadd.s32 $0x4, s9;
	v2 =	vbroadcast v2, $0x0  }
0x25f: {  	v43 =	vmov s14  }
0x260: {  	s20 =	sor.u32 $0x22, s16;
	v44 =	vand.u32 $0x78, v43;
	v2 =	vadd.s32 v0, v2  }
0x261: {  	s9 =	sshra.s32 s19, $0x2;
	v7 =	vmov s20;
	v4 =	vand.u32 $0x4, v43;
	v45 =	vadd.s32 v44, v2;
	[tilespmem:v1+s18+$0x0] =	vst.idx.msk $0xffff, v3  }
0x262: {  	v46 =	vmul.u32 $0x88, v7;
	v1 =	vld [tilespmem:s9+$0x4200];
	v3 =	vor.u32 v4, v45;
	_ =	sdelay $0x1  }
0x263: {  	v6 =	vbroadcast v46, $0x0;
	_ =	sdelay $0x1  }
0x264: {  	s20 =	sor.u32 $0x44, s16;
	v6 =	vadd.s32 v0, v6  }
0x265: {  	v47 =	vmov s20;
	[tilespmem:v3+s18+$0x0] =	vst.idx.msk $0xffff, v1;
	v1 =	vadd.s32 v44, v6  }
0x266: {  	v7 =	vmul.u32 $0x88, v47;
	v3 =	vld [tilespmem:s9+$0x4210];
	v1 =	vor.u32 v4, v1;
	_ =	sdelay $0x1  }
0x267: {  	v7 =	vbroadcast v7, $0x0;
	_ =	sdelay $0x1  }
0x268: {  	s16 =	sor.u32 $0x66, s16;
	v7 =	vadd.s32 v0, v7  }
0x269: {  	[tilespmem:v1+s18+$0x0] =	vst.idx.msk $0xffff, v3;
	v1 =	vadd.s32 v44, v7;
	v3 =	vmov s16  }
0x26a: {  	v8 =	vld [tilespmem:s9+$0x4220];
	v1 =	vor.u32 v4, v1;
	v3 =	vmul.u32 $0x88, v3;
	_ =	sdelay $0x1  }
0x26b: {  	v3 =	vbroadcast v3, $0x0;
	_ =	sdelay $0x1  }
0x26c: {  	v3 =	vadd.s32 v0, v3  }
0x26d: {  	[tilespmem:v1+s18+$0x0] =	vst.idx.msk $0xffff, v8;
	v1 =	vadd.s32 v44, v3  }
0x26e: {  	v48 =	vld [tilespmem:s9+$0x4230];
	v1 =	vor.u32 v4, v1;
	_ =	sdelay $0x1  }
0x26f: {  	s21 =	sadd.s32 $0x1, s14  }
0x270: {  	v49 =	vmov s21  }
0x271: {  	v50 =	vand.u32 $0x78, v49  }
0x272: {  	v51 =	vadd.s32 v50, v2;
	[tilespmem:v1+s18+$0x0] =	vst.idx.msk $0xffff, v48;
	v1 =	vand.u32 $0x5, v49  }
0x273: {  	v5 =	vld [tilespmem:s9+$0x4240];
	v4 =	vor.u32 v1, v51;
	_ =	sdelay $0x4  }
0x274: {  	v52 =	vadd.s32 v50, v6;
	[tilespmem:v4+s18+$0x0] =	vst.idx.msk $0xffff, v5  }
0x275: {  	v4 =	vor.u32 v1, v52;
	v5 =	vld [tilespmem:s9+$0x4250];
	_ =	sdelay $0x4  }
0x276: {  	v53 =	vadd.s32 v50, v7;
	[tilespmem:v4+s18+$0x0] =	vst.idx.msk $0xffff, v5  }
0x277: {  	v4 =	vor.u32 v1, v53;
	v5 =	vld [tilespmem:s9+$0x4260];
	_ =	sdelay $0x4  }
0x278: {  	v54 =	vadd.s32 v50, v3;
	[tilespmem:v4+s18+$0x0] =	vst.idx.msk $0xffff, v5  }
0x279: {  	v1 =	vor.u32 v1, v54;
	v5 =	vld [tilespmem:s9+$0x4270];
	_ =	sdelay $0x1  }
0x27a: {  	s22 =	sadd.s32 $0x2, s14  }
0x27b: {  	v55 =	vmov s22  }
0x27c: {  	v56 =	vand.u32 $0x78, v55  }
0x27d: {  	v57 =	vadd.s32 v56, v2;
	[tilespmem:v1+s18+$0x0] =	vst.idx.msk $0xffff, v5;
	v1 =	vand.u32 $0x6, v55  }
0x27e: {  	v5 =	vld [tilespmem:s9+$0x4280];
	v4 =	vor.u32 v1, v57;
	_ =	sdelay $0x4  }
0x27f: {  	v58 =	vadd.s32 v56, v6;
	[tilespmem:v4+s18+$0x0] =	vst.idx.msk $0xffff, v5  }
0x280: {  	v4 =	vor.u32 v1, v58;
	v5 =	vld [tilespmem:s9+$0x4290];
	_ =	sdelay $0x4  }
0x281: {  	v59 =	vadd.s32 v56, v7;
	[tilespmem:v4+s18+$0x0] =	vst.idx.msk $0xffff, v5  }
0x282: {  	v4 =	vor.u32 v1, v59;
	v5 =	vld [tilespmem:s9+$0x42A0];
	_ =	sdelay $0x4  }
0x283: {  	v60 =	vadd.s32 v56, v3;
	[tilespmem:v4+s18+$0x0] =	vst.idx.msk $0xffff, v5  }
0x284: {  	v1 =	vor.u32 v1, v60;
	v5 =	vld [tilespmem:s9+$0x42B0];
	_ =	sdelay $0x1  }
0x285: {  	s14 =	sadd.s32 $0x3, s14  }
0x286: {  	v61 =	vmov s14  }
0x287: {  	v62 =	vand.u32 $0x78, v61  }
0x288: {  	v2 =	vadd.s32 v62, v2;
	[tilespmem:v1+s18+$0x0] =	vst.idx.msk $0xffff, v5;
	v1 =	vand.u32 $0x7, v61  }
0x289: {  	v63 =	vld [tilespmem:s9+$0x42C0];
	v2 =	vor.u32 v1, v2;
	_ =	sdelay $0x4  }
0x28a: {  	[tilespmem:v2+s18+$0x0] =	vst.idx.msk $0xffff, v63;
	v2 =	vadd.s32 v62, v6  }
0x28b: {  	v4 =	vld [tilespmem:s9+$0x42D0];
	v2 =	vor.u32 v1, v2;
	_ =	sdelay $0x4  }
0x28c: {  	[tilespmem:v2+s18+$0x0] =	vst.idx.msk $0xffff, v4;
	v2 =	vadd.s32 v62, v7  }
0x28d: {  	v4 =	vld [tilespmem:s9+$0x42E0];
	v2 =	vor.u32 v1, v2;
	_ =	sdelay $0x4  }
0x28e: {  	[tilespmem:v2+s18+$0x0] =	vst.idx.msk $0xffff, v4;
	v2 =	vadd.s32 v62, v3  }
0x28f: {  	v3 =	vld [tilespmem:s9+$0x42F0];
	v1 =	vor.u32 v1, v2  }
0x290: {  	s14 =	sshll.u32 s7, $0xB;
	s16 =	sshll.u32 s7, $0xE  }
0x291: {  	s7 =	sand.u32 $0x7FFC0000, s16;
	s9 =	sand.u32 $0x7800, s14  }
0x292: {  	s7 =	sor.u32 s9, s7  }
0x293: {  	s7 =	sshrl.u32 s7, $0x3  }
0x294: {  	s7 =	sadd.s32 s2, s7;
	[tilespmem:v1+s18+$0x0] =	vst.idx.msk $0xffff, v3  }
0x295: {  	[hbm4b:s7+s3] =	stream.linear.scatter [tilespmem:s18], [sflag:$0x4], $0x80, $0x38;
	[tilespmem:$0x11280] =	vst v63  }
0x296: {  	s20 =	simm.s32 $0xCAC8;
	s19 =	sadd.s32 $0x10, s7  }
0x297: {  	[hbm4b:s19+s3] =	stream.linear.scatter [tilespmem:s20], [sflag:$0x4], $0x80, $0x38;
	[tilespmem:$0x11280] =	vst v63  }
0x298: {  	s22 =	simm.s32 $0xCB50;
	s21 =	sadd.s32 $0x20, s7  }
0x299: {  	[hbm4b:s21+s3] =	stream.linear.scatter [tilespmem:s22], [sflag:$0x4], $0x80, $0x38;
	[tilespmem:$0x11280] =	vst v63  }
0x29a: {  	s16 =	simm.s32 $0xCBD8;
	s14 =	sadd.s32 $0x30, s7  }
0x29b: {  	[hbm4b:s14+s3] =	stream.linear.scatter [tilespmem:s16], [sflag:$0x4], $0x80, $0x38;
	[tilespmem:$0x11280] =	vst v63  }
0x29c: {  	s19 =	sadd.s32 $0x40, s7;
	s20 =	simm.s32 $0xCC60  }
0x29d: {  	[hbm4b:s19+s3] =	stream.linear.scatter [tilespmem:s20], [sflag:$0x4], $0x80, $0x38;
	[tilespmem:$0x11280] =	vst v63  }
0x29e: {  	s21 =	sadd.s32 $0x50, s7;
	s22 =	simm.s32 $0xCCE8  }
0x29f: {  	[hbm4b:s21+s3] =	stream.linear.scatter [tilespmem:s22], [sflag:$0x4], $0x80, $0x38;
	[tilespmem:$0x11280] =	vst v63  }
0x2a0: {  	s14 =	sadd.s32 $0x60, s7;
	s16 =	simm.s32 $0xCD70  }
0x2a1: {  	[hbm4b:s14+s3] =	stream.linear.scatter [tilespmem:s16], [sflag:$0x4], $0x80, $0x38;
	[tilespmem:$0x11280] =	vst v63  }
0x2a2: {  	s19 =	sadd.s32 $0x70, s7;
	s20 =	simm.s32 $0xCDF8  }
0x2a3: {  	[hbm4b:s19+s3] =	stream.linear.scatter [tilespmem:s20], [sflag:$0x4], $0x80, $0x38;
	[tilespmem:$0x11280] =	vst v63  }
0x2a4: {  	s21 =	sadd.s32 $0x80, s7;
	s22 =	simm.s32 $0xCE80  }
0x2a5: {  	[hbm4b:s21+s3] =	stream.linear.scatter [tilespmem:s22], [sflag:$0x4], $0x80, $0x38;
	[tilespmem:$0x11280] =	vst v63  }
0x2a6: {  	s14 =	sadd.s32 $0x90, s7;
	s16 =	simm.s32 $0xCF08  }
0x2a7: {  	[hbm4b:s14+s3] =	stream.linear.scatter [tilespmem:s16], [sflag:$0x4], $0x80, $0x38;
	[tilespmem:$0x11280] =	vst v63  }
0x2a8: {  	s19 =	sadd.s32 $0xA0, s7;
	s20 =	simm.s32 $0xCF90  }
0x2a9: {  	[hbm4b:s19+s3] =	stream.linear.scatter [tilespmem:s20], [sflag:$0x4], $0x80, $0x38;
	[tilespmem:$0x11280] =	vst v63  }
0x2aa: {  	s21 =	sadd.s32 $0xB0, s7;
	s22 =	simm.s32 $0xD018  }
0x2ab: {  	[hbm4b:s21+s3] =	stream.linear.scatter [tilespmem:s22], [sflag:$0x4], $0x80, $0x38;
	[tilespmem:$0x11280] =	vst v63  }
0x2ac: {  	s14 =	sadd.s32 $0xC0, s7;
	s16 =	simm.s32 $0xD0A0  }
0x2ad: {  	[hbm4b:s14+s3] =	stream.linear.scatter [tilespmem:s16], [sflag:$0x4], $0x80, $0x38;
	[tilespmem:$0x11280] =	vst v63  }
0x2ae: {  	s19 =	sadd.s32 $0xD0, s7;
	s20 =	simm.s32 $0xD128  }
0x2af: {  	[hbm4b:s19+s3] =	stream.linear.scatter [tilespmem:s20], [sflag:$0x4], $0x80, $0x38;
	[tilespmem:$0x11280] =	vst v63  }
0x2b0: {  	s21 =	sadd.s32 $0xE0, s7;
	s22 =	simm.s32 $0xD1B0  }
0x2b1: {  	[hbm4b:s21+s3] =	stream.linear.scatter [tilespmem:s22], [sflag:$0x4], $0x80, $0x38;
	[tilespmem:$0x11280] =	vst v63  }
0x2b2: {  	s14 =	sadd.s32 $0xF0, s7;
	s16 =	simm.s32 $0xD238  }
0x2b3: {  	[hbm4b:s14+s3] =	stream.linear.scatter [tilespmem:s16], [sflag:$0x4], $0x80, $0x38;
	[tilespmem:$0x11280] =	vst v63  }
0x2b4: {  	s19 =	sadd.s32 $0x1000, s7;
	s20 =	simm.s32 $0xD348  }
0x2b5: {  	[hbm4b:s19+s3] =	stream.linear.scatter [tilespmem:s20], [sflag:$0x4], $0x80, $0x38;
	[tilespmem:$0x11280] =	vst v63  }
0x2b6: {  	s21 =	sadd.s32 $0x1010, s7;
	s22 =	simm.s32 $0xD3D0  }
0x2b7: {  	[hbm4b:s21+s3] =	stream.linear.scatter [tilespmem:s22], [sflag:$0x4], $0x80, $0x38;
	[tilespmem:$0x11280] =	vst v63  }
0x2b8: {  	s14 =	sadd.s32 $0x1020, s7;
	s16 =	simm.s32 $0xD458  }
0x2b9: {  	[hbm4b:s14+s3] =	stream.linear.scatter [tilespmem:s16], [sflag:$0x4], $0x80, $0x38;
	[tilespmem:$0x11280] =	vst v63  }
0x2ba: {  	s19 =	sadd.s32 $0x1030, s7;
	s20 =	simm.s32 $0xD4E0  }
0x2bb: {  	[hbm4b:s19+s3] =	stream.linear.scatter [tilespmem:s20], [sflag:$0x4], $0x80, $0x38;
	[tilespmem:$0x11280] =	vst v63  }
0x2bc: {  	s21 =	sadd.s32 $0x1040, s7;
	s22 =	simm.s32 $0xD568  }
0x2bd: {  	[hbm4b:s21+s3] =	stream.linear.scatter [tilespmem:s22], [sflag:$0x4], $0x80, $0x38;
	[tilespmem:$0x11280] =	vst v63  }
0x2be: {  	s14 =	sadd.s32 $0x1050, s7;
	s16 =	simm.s32 $0xD5F0  }
0x2bf: {  	[hbm4b:s14+s3] =	stream.linear.scatter [tilespmem:s16], [sflag:$0x4], $0x80, $0x38;
	[tilespmem:$0x11280] =	vst v63  }
0x2c0: {  	s19 =	sadd.s32 $0x1060, s7;
	s20 =	simm.s32 $0xD678  }
0x2c1: {  	[hbm4b:s19+s3] =	stream.linear.scatter [tilespmem:s20], [sflag:$0x4], $0x80, $0x38;
	[tilespmem:$0x11280] =	vst v63  }
0x2c2: {  	s21 =	sadd.s32 $0x1070, s7;
	s22 =	simm.s32 $0xD700  }
0x2c3: {  	[hbm4b:s21+s3] =	stream.linear.scatter [tilespmem:s22], [sflag:$0x4], $0x80, $0x38;
	[tilespmem:$0x11280] =	vst v63  }
0x2c4: {  	s14 =	sadd.s32 $0x1080, s7;
	s16 =	simm.s32 $0xD788  }
0x2c5: {  	[hbm4b:s14+s3] =	stream.linear.scatter [tilespmem:s16], [sflag:$0x4], $0x80, $0x38;
	[tilespmem:$0x11280] =	vst v63  }
0x2c6: {  	s19 =	sadd.s32 $0x1090, s7;
	s20 =	simm.s32 $0xD810  }
0x2c7: {  	[hbm4b:s19+s3] =	stream.linear.scatter [tilespmem:s20], [sflag:$0x4], $0x80, $0x38;
	[tilespmem:$0x11280] =	vst v63  }
0x2c8: {  	s21 =	sadd.s32 $0x10A0, s7;
	s22 =	simm.s32 $0xD898  }
0x2c9: {  	[hbm4b:s21+s3] =	stream.linear.scatter [tilespmem:s22], [sflag:$0x4], $0x80, $0x38;
	[tilespmem:$0x11280] =	vst v63  }
0x2ca: {  	s14 =	sadd.s32 $0x10B0, s7;
	s16 =	simm.s32 $0xD920  }
0x2cb: {  	[hbm4b:s14+s3] =	stream.linear.scatter [tilespmem:s16], [sflag:$0x4], $0x80, $0x38;
	[tilespmem:$0x11280] =	vst v63  }
0x2cc: {  	s19 =	sadd.s32 $0x10C0, s7;
	s20 =	simm.s32 $0xD9A8  }
0x2cd: {  	[hbm4b:s19+s3] =	stream.linear.scatter [tilespmem:s20], [sflag:$0x4], $0x80, $0x38;
	[tilespmem:$0x11280] =	vst v63  }
0x2ce: {  	s21 =	sadd.s32 $0x10D0, s7;
	s22 =	simm.s32 $0xDA30  }
0x2cf: {  	[hbm4b:s21+s3] =	stream.linear.scatter [tilespmem:s22], [sflag:$0x4], $0x80, $0x38;
	[tilespmem:$0x11280] =	vst v63  }
0x2d0: {  	s14 =	sadd.s32 $0x10E0, s7;
	s16 =	simm.s32 $0xDAB8  }
0x2d1: {  	[hbm4b:s14+s3] =	stream.linear.scatter [tilespmem:s16], [sflag:$0x4], $0x80, $0x38;
	[tilespmem:$0x11280] =	vst v63  }
0x2d2: {  	s19 =	sadd.s32 $0x10F0, s7;
	s20 =	simm.s32 $0xDB40  }
0x2d3: {  	[hbm4b:s19+s3] =	stream.linear.scatter [tilespmem:s20], [sflag:$0x4], $0x80, $0x38;
	[tilespmem:$0x11280] =	vst v63  }
0x2d4: {  	s21 =	sadd.s32 $0x2000, s7;
	s22 =	simm.s32 $0xDC50  }
0x2d5: {  	[hbm4b:s21+s3] =	stream.linear.scatter [tilespmem:s22], [sflag:$0x4], $0x80, $0x38;
	[tilespmem:$0x11280] =	vst v63  }
0x2d6: {  	s14 =	sadd.s32 $0x2010, s7;
	s16 =	simm.s32 $0xDCD8  }
0x2d7: {  	[hbm4b:s14+s3] =	stream.linear.scatter [tilespmem:s16], [sflag:$0x4], $0x80, $0x38;
	[tilespmem:$0x11280] =	vst v63  }
0x2d8: {  	s19 =	sadd.s32 $0x2020, s7;
	s20 =	simm.s32 $0xDD60  }
0x2d9: {  	[hbm4b:s19+s3] =	stream.linear.scatter [tilespmem:s20], [sflag:$0x4], $0x80, $0x38;
	[tilespmem:$0x11280] =	vst v63  }
0x2da: {  	s21 =	sadd.s32 $0x2030, s7;
	s22 =	simm.s32 $0xDDE8  }
0x2db: {  	[hbm4b:s21+s3] =	stream.linear.scatter [tilespmem:s22], [sflag:$0x4], $0x80, $0x38;
	[tilespmem:$0x11280] =	vst v63  }
0x2dc: {  	s14 =	sadd.s32 $0x2040, s7;
	s16 =	simm.s32 $0xDE70  }
0x2dd: {  	[hbm4b:s14+s3] =	stream.linear.scatter [tilespmem:s16], [sflag:$0x4], $0x80, $0x38;
	[tilespmem:$0x11280] =	vst v63  }
0x2de: {  	s19 =	sadd.s32 $0x2050, s7;
	s20 =	simm.s32 $0xDEF8  }
0x2df: {  	[hbm4b:s19+s3] =	stream.linear.scatter [tilespmem:s20], [sflag:$0x4], $0x80, $0x38;
	[tilespmem:$0x11280] =	vst v63  }
0x2e0: {  	s21 =	sadd.s32 $0x2060, s7;
	s22 =	simm.s32 $0xDF80  }
0x2e1: {  	[hbm4b:s21+s3] =	stream.linear.scatter [tilespmem:s22], [sflag:$0x4], $0x80, $0x38;
	[tilespmem:$0x11280] =	vst v63  }
0x2e2: {  	s14 =	sadd.s32 $0x2070, s7;
	s16 =	simm.s32 $0xE008  }
0x2e3: {  	[hbm4b:s14+s3] =	stream.linear.scatter [tilespmem:s16], [sflag:$0x4], $0x80, $0x38;
	[tilespmem:$0x11280] =	vst v63  }
0x2e4: {  	s19 =	sadd.s32 $0x2080, s7;
	s20 =	simm.s32 $0xE090  }
0x2e5: {  	[hbm4b:s19+s3] =	stream.linear.scatter [tilespmem:s20], [sflag:$0x4], $0x80, $0x38;
	[tilespmem:$0x11280] =	vst v63  }
0x2e6: {  	s21 =	sadd.s32 $0x2090, s7;
	s22 =	simm.s32 $0xE118  }
0x2e7: {  	[hbm4b:s21+s3] =	stream.linear.scatter [tilespmem:s22], [sflag:$0x4], $0x80, $0x38;
	[tilespmem:$0x11280] =	vst v63  }
0x2e8: {  	s14 =	sadd.s32 $0x20A0, s7;
	s16 =	simm.s32 $0xE1A0  }
0x2e9: {  	[hbm4b:s14+s3] =	stream.linear.scatter [tilespmem:s16], [sflag:$0x4], $0x80, $0x38;
	[tilespmem:$0x11280] =	vst v63  }
0x2ea: {  	s19 =	sadd.s32 $0x20B0, s7;
	s20 =	simm.s32 $0xE228  }
0x2eb: {  	[hbm4b:s19+s3] =	stream.linear.scatter [tilespmem:s20], [sflag:$0x4], $0x80, $0x38;
	[tilespmem:$0x11280] =	vst v63  }
0x2ec: {  	s21 =	sadd.s32 $0x20C0, s7;
	s22 =	simm.s32 $0xE2B0  }
0x2ed: {  	[hbm4b:s21+s3] =	stream.linear.scatter [tilespmem:s22], [sflag:$0x4], $0x80, $0x38;
	[tilespmem:$0x11280] =	vst v63  }
0x2ee: {  	s14 =	sadd.s32 $0x20D0, s7;
	s16 =	simm.s32 $0xE338  }
0x2ef: {  	[hbm4b:s14+s3] =	stream.linear.scatter [tilespmem:s16], [sflag:$0x4], $0x80, $0x38;
	[tilespmem:$0x11280] =	vst v63  }
0x2f0: {  	s19 =	sadd.s32 $0x20E0, s7;
	s20 =	simm.s32 $0xE3C0  }
0x2f1: {  	[hbm4b:s19+s3] =	stream.linear.scatter [tilespmem:s20], [sflag:$0x4], $0x80, $0x38;
	[tilespmem:$0x11280] =	vst v63  }
0x2f2: {  	s21 =	sadd.s32 $0x20F0, s7;
	s22 =	simm.s32 $0xE448  }
0x2f3: {  	[hbm4b:s21+s3] =	stream.linear.scatter [tilespmem:s22], [sflag:$0x4], $0x80, $0x38;
	[tilespmem:$0x11280] =	vst v63  }
0x2f4: {  	s14 =	sadd.s32 $0x3000, s7;
	s16 =	simm.s32 $0xE558  }
0x2f5: {  	[hbm4b:s14+s3] =	stream.linear.scatter [tilespmem:s16], [sflag:$0x4], $0x80, $0x38;
	[tilespmem:$0x11280] =	vst v63  }
0x2f6: {  	s19 =	sadd.s32 $0x3010, s7;
	s20 =	simm.s32 $0xE5E0  }
0x2f7: {  	[hbm4b:s19+s3] =	stream.linear.scatter [tilespmem:s20], [sflag:$0x4], $0x80, $0x38;
	[tilespmem:$0x11280] =	vst v63  }
0x2f8: {  	s21 =	sadd.s32 $0x3020, s7;
	s22 =	simm.s32 $0xE668  }
0x2f9: {  	[hbm4b:s21+s3] =	stream.linear.scatter [tilespmem:s22], [sflag:$0x4], $0x80, $0x38;
	[tilespmem:$0x11280] =	vst v63  }
0x2fa: {  	s14 =	sadd.s32 $0x3030, s7;
	s16 =	simm.s32 $0xE6F0  }
0x2fb: {  	[hbm4b:s14+s3] =	stream.linear.scatter [tilespmem:s16], [sflag:$0x4], $0x80, $0x38;
	[tilespmem:$0x11280] =	vst v63  }
0x2fc: {  	s19 =	sadd.s32 $0x3040, s7;
	s20 =	simm.s32 $0xE778  }
0x2fd: {  	[hbm4b:s19+s3] =	stream.linear.scatter [tilespmem:s20], [sflag:$0x4], $0x80, $0x38;
	[tilespmem:$0x11280] =	vst v63  }
0x2fe: {  	s21 =	sadd.s32 $0x3050, s7;
	s22 =	simm.s32 $0xE800  }
0x2ff: {  	[hbm4b:s21+s3] =	stream.linear.scatter [tilespmem:s22], [sflag:$0x4], $0x80, $0x38;
	[tilespmem:$0x11280] =	vst v63  }
0x300: {  	s14 =	sadd.s32 $0x3060, s7;
	s16 =	simm.s32 $0xE888  }
0x301: {  	[hbm4b:s14+s3] =	stream.linear.scatter [tilespmem:s16], [sflag:$0x4], $0x80, $0x38;
	[tilespmem:$0x11280] =	vst v63  }
0x302: {  	s19 =	sadd.s32 $0x3070, s7;
	s20 =	simm.s32 $0xE910  }
0x303: {  	[hbm4b:s19+s3] =	stream.linear.scatter [tilespmem:s20], [sflag:$0x4], $0x80, $0x38;
	[tilespmem:$0x11280] =	vst v63  }
0x304: {  	s21 =	sadd.s32 $0x3080, s7;
	s22 =	simm.s32 $0xE998  }
0x305: {  	[hbm4b:s21+s3] =	stream.linear.scatter [tilespmem:s22], [sflag:$0x4], $0x80, $0x38;
	[tilespmem:$0x11280] =	vst v63  }
0x306: {  	s14 =	sadd.s32 $0x3090, s7;
	s16 =	simm.s32 $0xEA20  }
0x307: {  	[hbm4b:s14+s3] =	stream.linear.scatter [tilespmem:s16], [sflag:$0x4], $0x80, $0x38;
	[tilespmem:$0x11280] =	vst v63  }
0x308: {  	s19 =	sadd.s32 $0x30A0, s7;
	s20 =	simm.s32 $0xEAA8  }
0x309: {  	[hbm4b:s19+s3] =	stream.linear.scatter [tilespmem:s20], [sflag:$0x4], $0x80, $0x38;
	[tilespmem:$0x11280] =	vst v63  }
0x30a: {  	s21 =	sadd.s32 $0x30B0, s7;
	s22 =	simm.s32 $0xEB30  }
0x30b: {  	[hbm4b:s21+s3] =	stream.linear.scatter [tilespmem:s22], [sflag:$0x4], $0x80, $0x38;
	[tilespmem:$0x11280] =	vst v63  }
0x30c: {  	s14 =	sadd.s32 $0x30C0, s7;
	s16 =	simm.s32 $0xEBB8  }
0x30d: {  	[hbm4b:s14+s3] =	stream.linear.scatter [tilespmem:s16], [sflag:$0x4], $0x80, $0x38;
	[tilespmem:$0x11280] =	vst v63  }
0x30e: {  	s19 =	sadd.s32 $0x30D0, s7;
	s20 =	simm.s32 $0xEC40  }
0x30f: {  	[hbm4b:s19+s3] =	stream.linear.scatter [tilespmem:s20], [sflag:$0x4], $0x80, $0x38;
	[tilespmem:$0x11280] =	vst v63  }
0x310: {  	s21 =	sadd.s32 $0x30E0, s7;
	s22 =	simm.s32 $0xECC8  }
0x311: {  	[hbm4b:s21+s3] =	stream.linear.scatter [tilespmem:s22], [sflag:$0x4], $0x80, $0x38;
	[tilespmem:$0x11280] =	vst v63  }
0x312: {  	s14 =	sadd.s32 $0x30F0, s7;
	s16 =	simm.s32 $0xED50  }
0x313: {  	[hbm4b:s14+s3] =	stream.linear.scatter [tilespmem:s16], [sflag:$0x4], $0x80, $0x38;
	[tilespmem:$0x11280] =	vst v63  }
0x314: {  	s19 =	sadd.s32 $0x4000, s7;
	s20 =	simm.s32 $0xEE60  }
0x315: {  	[hbm4b:s19+s3] =	stream.linear.scatter [tilespmem:s20], [sflag:$0x4], $0x80, $0x38;
	[tilespmem:$0x11280] =	vst v63  }
0x316: {  	s21 =	sadd.s32 $0x4010, s7;
	s22 =	simm.s32 $0xEEE8  }
0x317: {  	[hbm4b:s21+s3] =	stream.linear.scatter [tilespmem:s22], [sflag:$0x4], $0x80, $0x38;
	[tilespmem:$0x11280] =	vst v63  }
0x318: {  	s14 =	sadd.s32 $0x4020, s7;
	s16 =	simm.s32 $0xEF70  }
0x319: {  	[hbm4b:s14+s3] =	stream.linear.scatter [tilespmem:s16], [sflag:$0x4], $0x80, $0x38;
	[tilespmem:$0x11280] =	vst v63  }
0x31a: {  	s19 =	sadd.s32 $0x4030, s7;
	s20 =	simm.s32 $0xEFF8  }
0x31b: {  	[hbm4b:s19+s3] =	stream.linear.scatter [tilespmem:s20], [sflag:$0x4], $0x80, $0x38;
	[tilespmem:$0x11280] =	vst v63  }
0x31c: {  	s21 =	sadd.s32 $0x4040, s7;
	s22 =	simm.s32 $0xF080  }
0x31d: {  	[hbm4b:s21+s3] =	stream.linear.scatter [tilespmem:s22], [sflag:$0x4], $0x80, $0x38;
	[tilespmem:$0x11280] =	vst v63  }
0x31e: {  	s14 =	sadd.s32 $0x4050, s7;
	s16 =	simm.s32 $0xF108  }
0x31f: {  	[hbm4b:s14+s3] =	stream.linear.scatter [tilespmem:s16], [sflag:$0x4], $0x80, $0x38;
	[tilespmem:$0x11280] =	vst v63  }
0x320: {  	s19 =	sadd.s32 $0x4060, s7;
	s20 =	simm.s32 $0xF190  }
0x321: {  	[hbm4b:s19+s3] =	stream.linear.scatter [tilespmem:s20], [sflag:$0x4], $0x80, $0x38;
	[tilespmem:$0x11280] =	vst v63  }
0x322: {  	s21 =	sadd.s32 $0x4070, s7;
	s22 =	simm.s32 $0xF218  }
0x323: {  	[hbm4b:s21+s3] =	stream.linear.scatter [tilespmem:s22], [sflag:$0x4], $0x80, $0x38;
	[tilespmem:$0x11280] =	vst v63  }
0x324: {  	s14 =	sadd.s32 $0x4080, s7;
	s16 =	simm.s32 $0xF2A0  }
0x325: {  	[hbm4b:s14+s3] =	stream.linear.scatter [tilespmem:s16], [sflag:$0x4], $0x80, $0x38;
	[tilespmem:$0x11280] =	vst v63  }
0x326: {  	s19 =	sadd.s32 $0x4090, s7;
	s20 =	simm.s32 $0xF328  }
0x327: {  	[hbm4b:s19+s3] =	stream.linear.scatter [tilespmem:s20], [sflag:$0x4], $0x80, $0x38;
	[tilespmem:$0x11280] =	vst v63  }
0x328: {  	s21 =	sadd.s32 $0x40A0, s7;
	s22 =	simm.s32 $0xF3B0  }
0x329: {  	[hbm4b:s21+s3] =	stream.linear.scatter [tilespmem:s22], [sflag:$0x4], $0x80, $0x38;
	[tilespmem:$0x11280] =	vst v63  }
0x32a: {  	s14 =	sadd.s32 $0x40B0, s7;
	s16 =	simm.s32 $0xF438  }
0x32b: {  	[hbm4b:s14+s3] =	stream.linear.scatter [tilespmem:s16], [sflag:$0x4], $0x80, $0x38;
	[tilespmem:$0x11280] =	vst v63  }
0x32c: {  	s19 =	sadd.s32 $0x40C0, s7;
	s20 =	simm.s32 $0xF4C0  }
0x32d: {  	[hbm4b:s19+s3] =	stream.linear.scatter [tilespmem:s20], [sflag:$0x4], $0x80, $0x38;
	[tilespmem:$0x11280] =	vst v63  }
0x32e: {  	s21 =	sadd.s32 $0x40D0, s7;
	s22 =	simm.s32 $0xF548  }
0x32f: {  	[hbm4b:s21+s3] =	stream.linear.scatter [tilespmem:s22], [sflag:$0x4], $0x80, $0x38;
	[tilespmem:$0x11280] =	vst v63  }
0x330: {  	s14 =	sadd.s32 $0x40E0, s7;
	s16 =	simm.s32 $0xF5D0  }
0x331: {  	[hbm4b:s14+s3] =	stream.linear.scatter [tilespmem:s16], [sflag:$0x4], $0x80, $0x38;
	[tilespmem:$0x11280] =	vst v63  }
0x332: {  	s19 =	sadd.s32 $0x40F0, s7;
	s20 =	simm.s32 $0xF658  }
0x333: {  	[hbm4b:s19+s3] =	stream.linear.scatter [tilespmem:s20], [sflag:$0x4], $0x80, $0x38;
	[tilespmem:$0x11280] =	vst v63  }
0x334: {  	s21 =	sadd.s32 $0x5000, s7;
	s22 =	simm.s32 $0xF768  }
0x335: {  	[hbm4b:s21+s3] =	stream.linear.scatter [tilespmem:s22], [sflag:$0x4], $0x80, $0x38;
	[tilespmem:$0x11280] =	vst v63  }
0x336: {  	s14 =	sadd.s32 $0x5010, s7;
	s16 =	simm.s32 $0xF7F0  }
0x337: {  	[hbm4b:s14+s3] =	stream.linear.scatter [tilespmem:s16], [sflag:$0x4], $0x80, $0x38;
	[tilespmem:$0x11280] =	vst v63  }
0x338: {  	s19 =	sadd.s32 $0x5020, s7;
	s20 =	simm.s32 $0xF878  }
0x339: {  	[hbm4b:s19+s3] =	stream.linear.scatter [tilespmem:s20], [sflag:$0x4], $0x80, $0x38;
	[tilespmem:$0x11280] =	vst v63  }
0x33a: {  	s21 =	sadd.s32 $0x5030, s7;
	s22 =	simm.s32 $0xF900  }
0x33b: {  	[hbm4b:s21+s3] =	stream.linear.scatter [tilespmem:s22], [sflag:$0x4], $0x80, $0x38;
	[tilespmem:$0x11280] =	vst v63  }
0x33c: {  	s14 =	sadd.s32 $0x5040, s7;
	s16 =	simm.s32 $0xF988  }
0x33d: {  	[hbm4b:s14+s3] =	stream.linear.scatter [tilespmem:s16], [sflag:$0x4], $0x80, $0x38;
	[tilespmem:$0x11280] =	vst v63  }
0x33e: {  	s19 =	sadd.s32 $0x5050, s7;
	s20 =	simm.s32 $0xFA10  }
0x33f: {  	[hbm4b:s19+s3] =	stream.linear.scatter [tilespmem:s20], [sflag:$0x4], $0x80, $0x38;
	[tilespmem:$0x11280] =	vst v63  }
0x340: {  	s21 =	sadd.s32 $0x5060, s7;
	s22 =	simm.s32 $0xFA98  }
0x341: {  	[hbm4b:s21+s3] =	stream.linear.scatter [tilespmem:s22], [sflag:$0x4], $0x80, $0x38;
	[tilespmem:$0x11280] =	vst v63  }
0x342: {  	s14 =	sadd.s32 $0x5070, s7;
	s16 =	simm.s32 $0xFB20  }
0x343: {  	[hbm4b:s14+s3] =	stream.linear.scatter [tilespmem:s16], [sflag:$0x4], $0x80, $0x38;
	[tilespmem:$0x11280] =	vst v63  }
0x344: {  	s19 =	sadd.s32 $0x5080, s7;
	s20 =	simm.s32 $0xFBA8  }
0x345: {  	[hbm4b:s19+s3] =	stream.linear.scatter [tilespmem:s20], [sflag:$0x4], $0x80, $0x38;
	[tilespmem:$0x11280] =	vst v63  }
0x346: {  	s21 =	sadd.s32 $0x5090, s7;
	s22 =	simm.s32 $0xFC30  }
0x347: {  	[hbm4b:s21+s3] =	stream.linear.scatter [tilespmem:s22], [sflag:$0x4], $0x80, $0x38;
	[tilespmem:$0x11280] =	vst v63  }
0x348: {  	s14 =	sadd.s32 $0x50A0, s7;
	s16 =	simm.s32 $0xFCB8  }
0x349: {  	[hbm4b:s14+s3] =	stream.linear.scatter [tilespmem:s16], [sflag:$0x4], $0x80, $0x38;
	[tilespmem:$0x11280] =	vst v63  }
0x34a: {  	s19 =	sadd.s32 $0x50B0, s7;
	s20 =	simm.s32 $0xFD40  }
0x34b: {  	[hbm4b:s19+s3] =	stream.linear.scatter [tilespmem:s20], [sflag:$0x4], $0x80, $0x38;
	[tilespmem:$0x11280] =	vst v63  }
0x34c: {  	s21 =	sadd.s32 $0x50C0, s7;
	s22 =	simm.s32 $0xFDC8  }
0x34d: {  	[hbm4b:s21+s3] =	stream.linear.scatter [tilespmem:s22], [sflag:$0x4], $0x80, $0x38;
	[tilespmem:$0x11280] =	vst v63  }
0x34e: {  	s14 =	sadd.s32 $0x50D0, s7;
	s16 =	simm.s32 $0xFE50  }
0x34f: {  	[hbm4b:s14+s3] =	stream.linear.scatter [tilespmem:s16], [sflag:$0x4], $0x80, $0x38;
	[tilespmem:$0x11280] =	vst v63  }
0x350: {  	s19 =	sadd.s32 $0x50E0, s7;
	s20 =	simm.s32 $0xFED8  }
0x351: {  	[hbm4b:s19+s3] =	stream.linear.scatter [tilespmem:s20], [sflag:$0x4], $0x80, $0x38;
	[tilespmem:$0x11280] =	vst v63  }
0x352: {  	s21 =	sadd.s32 $0x50F0, s7;
	s22 =	simm.s32 $0xFF60  }
0x353: {  	[hbm4b:s21+s3] =	stream.linear.scatter [tilespmem:s22], [sflag:$0x4], $0x80, $0x38;
	[tilespmem:$0x11280] =	vst v63  }
0x354: {  	s14 =	sadd.s32 $0x6000, s7;
	s16 =	simm.s32 $0x10070  }
0x355: {  	[hbm4b:s14+s3] =	stream.linear.scatter [tilespmem:s16], [sflag:$0x4], $0x80, $0x38;
	[tilespmem:$0x11280] =	vst v63  }
0x356: {  	s19 =	sadd.s32 $0x6010, s7;
	s20 =	simm.s32 $0x100F8  }
0x357: {  	[hbm4b:s19+s3] =	stream.linear.scatter [tilespmem:s20], [sflag:$0x4], $0x80, $0x38;
	[tilespmem:$0x11280] =	vst v63  }
0x358: {  	s21 =	sadd.s32 $0x6020, s7;
	s22 =	simm.s32 $0x10180  }
0x359: {  	[hbm4b:s21+s3] =	stream.linear.scatter [tilespmem:s22], [sflag:$0x4], $0x80, $0x38;
	[tilespmem:$0x11280] =	vst v63  }
0x35a: {  	s14 =	sadd.s32 $0x6030, s7;
	s16 =	simm.s32 $0x10208  }
0x35b: {  	[hbm4b:s14+s3] =	stream.linear.scatter [tilespmem:s16], [sflag:$0x4], $0x80, $0x38;
	[tilespmem:$0x11280] =	vst v63  }
0x35c: {  	s19 =	sadd.s32 $0x6040, s7;
	s20 =	simm.s32 $0x10290  }
0x35d: {  	[hbm4b:s19+s3] =	stream.linear.scatter [tilespmem:s20], [sflag:$0x4], $0x80, $0x38;
	[tilespmem:$0x11280] =	vst v63  }
0x35e: {  	s21 =	sadd.s32 $0x6050, s7;
	s22 =	simm.s32 $0x10318  }
0x35f: {  	[hbm4b:s21+s3] =	stream.linear.scatter [tilespmem:s22], [sflag:$0x4], $0x80, $0x38;
	[tilespmem:$0x11280] =	vst v63  }
0x360: {  	s14 =	sadd.s32 $0x6060, s7;
	s16 =	simm.s32 $0x103A0  }
0x361: {  	[hbm4b:s14+s3] =	stream.linear.scatter [tilespmem:s16], [sflag:$0x4], $0x80, $0x38;
	[tilespmem:$0x11280] =	vst v63  }
0x362: {  	s19 =	sadd.s32 $0x6070, s7;
	s20 =	simm.s32 $0x10428  }
0x363: {  	[hbm4b:s19+s3] =	stream.linear.scatter [tilespmem:s20], [sflag:$0x4], $0x80, $0x38;
	[tilespmem:$0x11280] =	vst v63  }
0x364: {  	s21 =	sadd.s32 $0x6080, s7;
	s22 =	simm.s32 $0x104B0  }
0x365: {  	[hbm4b:s21+s3] =	stream.linear.scatter [tilespmem:s22], [sflag:$0x4], $0x80, $0x38;
	[tilespmem:$0x11280] =	vst v63  }
0x366: {  	s14 =	sadd.s32 $0x6090, s7;
	s16 =	simm.s32 $0x10538  }
0x367: {  	[hbm4b:s14+s3] =	stream.linear.scatter [tilespmem:s16], [sflag:$0x4], $0x80, $0x38;
	[tilespmem:$0x11280] =	vst v63  }
0x368: {  	s19 =	sadd.s32 $0x60A0, s7;
	s20 =	simm.s32 $0x105C0  }
0x369: {  	[hbm4b:s19+s3] =	stream.linear.scatter [tilespmem:s20], [sflag:$0x4], $0x80, $0x38;
	[tilespmem:$0x11280] =	vst v63  }
0x36a: {  	s21 =	sadd.s32 $0x60B0, s7;
	s22 =	simm.s32 $0x10648  }
0x36b: {  	[hbm4b:s21+s3] =	stream.linear.scatter [tilespmem:s22], [sflag:$0x4], $0x80, $0x38;
	[tilespmem:$0x11280] =	vst v63  }
0x36c: {  	s14 =	sadd.s32 $0x60C0, s7;
	s16 =	simm.s32 $0x106D0  }
0x36d: {  	[hbm4b:s14+s3] =	stream.linear.scatter [tilespmem:s16], [sflag:$0x4], $0x80, $0x38;
	[tilespmem:$0x11280] =	vst v63  }
0x36e: {  	s19 =	sadd.s32 $0x60D0, s7;
	s20 =	simm.s32 $0x10758  }
0x36f: {  	[hbm4b:s19+s3] =	stream.linear.scatter [tilespmem:s20], [sflag:$0x4], $0x80, $0x38;
	[tilespmem:$0x11280] =	vst v63  }
0x370: {  	s21 =	sadd.s32 $0x60E0, s7;
	s22 =	simm.s32 $0x107E0  }
0x371: {  	[hbm4b:s21+s3] =	stream.linear.scatter [tilespmem:s22], [sflag:$0x4], $0x80, $0x38;
	[tilespmem:$0x11280] =	vst v63  }
0x372: {  	s14 =	sadd.s32 $0x60F0, s7;
	s16 =	simm.s32 $0x10868  }
0x373: {  	[hbm4b:s14+s3] =	stream.linear.scatter [tilespmem:s16], [sflag:$0x4], $0x80, $0x38;
	[tilespmem:$0x11280] =	vst v63  }
0x374: {  	s19 =	sadd.s32 $0x7000, s7;
	s20 =	simm.s32 $0x10978  }
0x375: {  	[hbm4b:s19+s3] =	stream.linear.scatter [tilespmem:s20], [sflag:$0x4], $0x80, $0x38;
	[tilespmem:$0x11280] =	vst v63  }
0x376: {  	s21 =	sadd.s32 $0x7010, s7;
	s22 =	simm.s32 $0x10A00  }
0x377: {  	[hbm4b:s21+s3] =	stream.linear.scatter [tilespmem:s22], [sflag:$0x4], $0x80, $0x38;
	[tilespmem:$0x11280] =	vst v63  }
0x378: {  	s14 =	sadd.s32 $0x7020, s7;
	s16 =	simm.s32 $0x10A88  }
0x379: {  	[hbm4b:s14+s3] =	stream.linear.scatter [tilespmem:s16], [sflag:$0x4], $0x80, $0x38;
	[tilespmem:$0x11280] =	vst v63  }
0x37a: {  	s19 =	sadd.s32 $0x7030, s7;
	s20 =	simm.s32 $0x10B10  }
0x37b: {  	[hbm4b:s19+s3] =	stream.linear.scatter [tilespmem:s20], [sflag:$0x4], $0x80, $0x38;
	[tilespmem:$0x11280] =	vst v63  }
0x37c: {  	s21 =	sadd.s32 $0x7040, s7;
	s22 =	simm.s32 $0x10B98  }
0x37d: {  	[hbm4b:s21+s3] =	stream.linear.scatter [tilespmem:s22], [sflag:$0x4], $0x80, $0x38;
	[tilespmem:$0x11280] =	vst v63  }
0x37e: {  	s14 =	sadd.s32 $0x7050, s7;
	s16 =	simm.s32 $0x10C20  }
0x37f: {  	[hbm4b:s14+s3] =	stream.linear.scatter [tilespmem:s16], [sflag:$0x4], $0x80, $0x38;
	[tilespmem:$0x11280] =	vst v63  }
0x380: {  	s19 =	sadd.s32 $0x7060, s7;
	s20 =	simm.s32 $0x10CA8  }
0x381: {  	[hbm4b:s19+s3] =	stream.linear.scatter [tilespmem:s20], [sflag:$0x4], $0x80, $0x38;
	[tilespmem:$0x11280] =	vst v63  }
0x382: {  	s21 =	sadd.s32 $0x7070, s7  }
0x383: {  	[hbm4b:s21+s3] =	stream.linear.scatter [tilespmem:s23], [sflag:$0x4], $0x80, $0x38;
	[tilespmem:$0x11280] =	vst v63  }
0x384: {  	s22 =	sadd.s32 $0x7080, s7  }
0x385: {  	[hbm4b:s22+s3] =	stream.linear.scatter [tilespmem:s24], [sflag:$0x4], $0x80, $0x38;
	[tilespmem:$0x11280] =	vst v63  }
0x386: {  	s14 =	sadd.s32 $0x7090, s7  }
0x387: {  	[hbm4b:s14+s3] =	stream.linear.scatter [tilespmem:s25], [sflag:$0x4], $0x80, $0x38;
	[tilespmem:$0x11280] =	vst v63  }
0x388: {  	s16 =	sadd.s32 $0x70A0, s7  }
0x389: {  	[hbm4b:s16+s3] =	stream.linear.scatter [tilespmem:s26], [sflag:$0x4], $0x80, $0x38;
	[tilespmem:$0x11280] =	vst v63  }
0x38a: {  	s19 =	sadd.s32 $0x70B0, s7  }
0x38b: {  	[hbm4b:s19+s3] =	stream.linear.scatter [tilespmem:s28], [sflag:$0x4], $0x80, $0x38;
	[tilespmem:$0x11280] =	vst v63  }
0x38c: {  	s12 =	sadd.s32 $0x1, s12;
	s20 =	sadd.s32 $0x70C0, s7  }
0x38d: {  	[hbm4b:s20+s3] =	stream.linear.scatter [tilespmem:s29], [sflag:$0x4], $0x80, $0x38;
	[tilespmem:$0x11280] =	vst v63  }
0x38e: {  	p0 =	sne.s32 s12, $0x32;
	s21 =	sadd.s32 $0x70D0, s7  }
0x38f: {  	[hbm4b:s21+s3] =	stream.linear.scatter [tilespmem:s30], [sflag:$0x4], $0x80, $0x38;
	[tilespmem:$0x11280] =	vst v63  }
.Ltmp2:
0x390: {  	_ = 	snop;
	(pc) =	sbr.rel @p0 .LBB2_2-.Ltmp2, $4  }
0x391: {  	s22 =	sadd.s32 $0x70E0, s7  }
0x392: {  	[hbm4b:s22+s3] =	stream.linear.scatter [tilespmem:s31], [sflag:$0x4], $0x80, $0x38;
	[tilespmem:$0x11280] =	vst v63  }
0x393: {  	s7 =	sadd.s32 $0x70F0, s7  }
0x394: {  	[hbm4b:s7+s3] =	stream.linear.scatter [tilespmem:s1], [sflag:$0x4], $0x80, $0x38;
	[tilespmem:$0x11280] =	vst v63  }
0x395: {  	s7 =	simm.s32 $0x3  }
0x396: {  	_ =	swait.ge [sflag:s7], $0x800  }
0x397: {  	[sflag:s7] =	ssyncset.done $0x0  }
0x398: {  	[sflag:s7] =	ssyncadd.s32 $0xFFFFF800  }
0x399: {  	_ =	swait.ge [sflag:s7], $0x800  }
0x39a: {  	[sflag:s7] =	ssyncset.done $0x0  }
0x39b: {  	[sflag:s7] =	ssyncadd.s32 $0xFFFFF800  }
0x39c: {  	_ =	swait.ge [sflag:s7], $0x800  }
0x39d: {  	[sflag:s7] =	ssyncset.done $0x0  }
0x39e: {  	[sflag:s7] =	ssyncadd.s32 $0xFFFFF800  }
0x39f: {  	_ =	swait.ge [sflag:s7], $0x800  }
0x3a0: {  	[sflag:s7] =	ssyncset.done $0x0  }
0x3a1: {  	[sflag:s7] =	ssyncadd.s32 $0xFFFFF800  }
0x3a2: {  	_ =	swait.ge [sflag:s7], $0x800  }
0x3a3: {  	[sflag:s7] =	ssyncset.done $0x0  }
0x3a4: {  	[sflag:s7] =	ssyncadd.s32 $0xFFFFF800  }
0x3a5: {  	_ =	swait.ge [sflag:s7], $0x800  }
0x3a6: {  	[sflag:s7] =	ssyncset.done $0x0  }
0x3a7: {  	[sflag:s7] =	ssyncadd.s32 $0xFFFFF800  }
0x3a8: {  	_ =	swait.ge [sflag:s7], $0x800  }
0x3a9: {  	[sflag:s7] =	ssyncset.done $0x0  }
0x3aa: {  	[sflag:s7] =	ssyncadd.s32 $0xFFFFF800  }
0x3ab: {  	_ =	swait.ge [sflag:s7], $0x800  }
0x3ac: {  	[sflag:s7] =	ssyncset.done $0x0  }
0x3ad: {  	[sflag:s7] =	ssyncadd.s32 $0xFFFFF800  }
0x3ae: {  	_ =	swait.ge [sflag:s0], $0x800  }
0x3af: {  	[sflag:s0] =	ssyncset.done $0x0  }
0x3b0: {  	[sflag:s0] =	ssyncadd.s32 $0xFFFFF800  }
0x3b1: {  	_ =	swait.ge [sflag:s0], $0x800  }
0x3b2: {  	[sflag:s0] =	ssyncset.done $0x0  }
0x3b3: {  	[sflag:s0] =	ssyncadd.s32 $0xFFFFF800  }
0x3b4: {  	_ =	swait.ge [sflag:s0], $0x800  }
0x3b5: {  	[sflag:s0] =	ssyncset.done $0x0  }
0x3b6: {  	[sflag:s0] =	ssyncadd.s32 $0xFFFFF800  }
0x3b7: {  	_ =	swait.ge [sflag:s0], $0x800  }
0x3b8: {  	[sflag:s0] =	ssyncset.done $0x0  }
0x3b9: {  	[sflag:s0] =	ssyncadd.s32 $0xFFFFF800  }
0x3ba: {  	_ =	swait.ge [sflag:s0], $0x800  }
0x3bb: {  	[sflag:s0] =	ssyncset.done $0x0  }
0x3bc: {  	[sflag:s0] =	ssyncadd.s32 $0xFFFFF800  }
0x3bd: {  	_ =	swait.ge [sflag:s0], $0x800  }
0x3be: {  	[sflag:s0] =	ssyncset.done $0x0  }
0x3bf: {  	[sflag:s0] =	ssyncadd.s32 $0xFFFFF800  }
0x3c0: {  	_ =	swait.ge [sflag:s0], $0x800  }
0x3c1: {  	[sflag:s0] =	ssyncset.done $0x0  }
0x3c2: {  	[sflag:s0] =	ssyncadd.s32 $0xFFFFF800  }
0x3c3: {  	_ =	swait.ge [sflag:s0], $0x800  }
0x3c4: {  	s9 =	rddreg [dreg:$0x5]  }
0x3c5: {  	s22 =	rddreg [dreg:$0x4];
	s9 =	sadd.s32 $0x1, s9  }
0x3c6: {  	p0 =	sne.s32 s9, s22  }
.Ltmp3:
0x3c7: {  	_ = 	snop;
	(pc) =	sbr.rel @p0 .LBB2_1-.Ltmp3, $3  }
0x3c8: {  	_ =	sdelay $0x1  }
0x3c9: {  	[sflag:s0] =	ssyncset.done $0x0  }
0x3ca: {  	[sflag:s0] =	ssyncadd.s32 $0xFFFFF800  }
0x3cb: {  	_ =	sfence.sel $0x180000  }
0x3cc: {  	[bflag:$0x0] =	sbarrier.arrive $0xFFFF  }
0x3cd: {  	_ =	strace $0x90000047  }
0x3ce: {  	s0 =	stileid.u32;
	[bflag:$0x2] =	sbarrier.arrive $0xFFFF  }
0x3cf: {  	p0 =	sne.s32 s0, $0x0;
	s0 =	rddreg [dreg:$0x2]  }
0x3d0: {  	s0 =	sadd.s32 @!p0 $0x100000, s0  }
0x3d1: {  	[sflag:s0] =	ssyncadd.tile.s32 @!p0 $0x1;
	_ =	shalt  }
.Lfunc_end2:
_tile_overlayer_lowered:
.L_overlay_start_2:
0x3d2: {  	(tag) =	ssettag $0x2  }
0x3d3: {  	s0 =	rddreg [dreg:$0x0];
	s2 =	stileid.u32  }
0x3d4: {  	s1 =	rddreg [dreg:$0x1];
	p0 =	sne.s32 s2, $0x0  }
0x3d5: {  	s3 =	rddreg [dreg:$0x2];
	[bflag:$0x3] =	sbarrier.arrive $0xFFFF;
	s2 =	simm.s32 @!p0 $0x1C05  }
0x3d6: {  	[timem:s3], [sflag:s2] =	dma.local @!p0 [hbm:s0], s1  }
0x3d7: {  	s0 =	simm.s32 @!p0 $0x5  }
0x3d8: {  	_ =	swait.ge @!p0 [sflag:s0], s1  }
0x3d9: {  	s1 =	ssub.s32 @!p0 $0x0, s1;
	[sflag:s0] =	ssyncset.done @!p0 $0x0  }
0x3da: {  	[sflag:s0] =	ssyncadd.s32 @!p0 s1  }
0x3db: {  	[bflag:$0x3] =	sbarrier.arrive $0xFFFF  }
0x3dc: {  	_ =	shalt  }

</sc_bundles>
